<compile_context>
chip_gen: v7x
topology: tpu7x:2x2x1
jax: 0.10.2.dev20260603
libtpu: 0.0.44.dev20260713+nightly
codegen_flags: <defaults>
</compile_context>

<pallas_src>
import functools
import math

import jax
import jax.numpy as jnp
from jax import lax
from jax.experimental import pallas as pl
from jax.experimental.pallas import tpu as pltpu
from jax.experimental.pallas import tpu_sc as plsc

D = 32
SCALE = math.sqrt(D)
NC, NS = 2, 16
NW = NC * NS
W = 50
S = 16384
SH = S // 128
SPW = S // NW
JJ = SPW // 128
RSTR = D


@functools.cache
def _emb():
    mesh = plsc.VectorSubcoreMesh(core_axis_name="c", subcore_axis_name="s")

    @functools.partial(
        pl.kernel, mesh=mesh,
        out_type=jax.ShapeDtypeStruct((W, D // 8, SH, 8, 128), jnp.float32),
        scratch_types=[
            pltpu.VMEM((2, JJ, 128), jnp.int32),
            pltpu.VMEM((2, SPW, RSTR), jnp.float32),
            pltpu.VMEM((2, D // 8, JJ + 1, 8, 129), jnp.float32),
            pltpu.SemaphoreType.DMA,
            pltpu.SemaphoreType.DMA,
            pltpu.SemaphoreType.DMA,
            pltpu.SemaphoreType.DMA,
            pltpu.SemaphoreType.DMA,
            pltpu.SemaphoreType.DMA,
        ],
        compiler_params=pltpu.CompilerParams(use_tc_tiling_on_sc=False,
                                             needs_layout_passes=False),
    )
    def emb(table_hbm, idx3_hbm, out_hbm, idx_v, rows_v, stage_v,
            g0, g1, ws0, ws1, is0, is1):
        wid = lax.axis_index("s") * NC + lax.axis_index("c")
        gsem = (g0, g1)
        wsem = (ws0, ws1)
        isem = (is0, is1)
        iota16 = lax.iota(jnp.int32, 16)

        def fire_idx(w, b):
            pltpu.async_copy(idx3_hbm.at[w, pl.ds(wid * JJ, JJ)],
                             idx_v.at[b], isem[b])

        def wait_idx(w, b):
            pltpu.make_async_copy(idx3_hbm.at[w, pl.ds(wid * JJ, JJ)],
                                  idx_v.at[b], isem[b]).wait()

        def fire_gather(b):
            for j in range(JJ):
                pltpu.async_copy(table_hbm.at[idx_v.at[b, j]],
                                 rows_v.at[b, pl.ds(j * 128, 128)], gsem[b])

        def drain_gather(b):
            for j in range(JJ):
                pltpu.make_async_copy(table_hbm.at[idx_v.at[b, j]],
                                      rows_v.at[b, pl.ds(j * 128, 128)],
                                      gsem[b]).wait()

        ehi_lo = lax.shift_right_logical(iota16, 3)
        ehi_hi = ehi_lo + 2
        elo = lax.bitwise_and(iota16, 7)

        def transpose_scale(b):
            stg = stage_v.at[b]
            UNR = 8

            def body(i, carry):
                t0 = i * UNR
                shl = jnp.full((16,), lax.shift_right_logical(t0, 7),
                               jnp.int32)
                slo0 = jnp.full((16,), lax.bitwise_and(t0, 127), jnp.int32)
                for r in range(UNR):
                    t = t0 + r
                    slo = slo0 + r
                    v1 = rows_v[b, t, pl.ds(0, 16)] * SCALE
                    v2 = rows_v[b, t, pl.ds(16, 16)] * SCALE
                    plsc.store_scatter(stg, [ehi_lo, shl, elo, slo], v1)
                    plsc.store_scatter(stg, [ehi_hi, shl, elo, slo], v2)
                return carry

            lax.fori_loop(0, SPW // UNR, body, 0)

        def fire_write(w, b):
            for e_hi in range(D // 8):
                for sl in range(JJ):
                    pltpu.async_copy(
                        stage_v.at[b, e_hi, sl, pl.ds(0, 8), pl.ds(0, 128)],
                        out_hbm.at[w, e_hi, wid * JJ + sl], wsem[b])

        def drain_write(w, b):
            for e_hi in range(D // 8):
                for sl in range(JJ):
                    pltpu.make_async_copy(
                        stage_v.at[b, e_hi, sl, pl.ds(0, 8), pl.ds(0, 128)],
                        out_hbm.at[w, e_hi, wid * JJ + sl], wsem[b]).wait()

        fire_idx(0, 0)
        wait_idx(0, 0)
        fire_gather(0)
        fire_idx(1, 1)

        def outer(k, carry):
            for b in (0, 1):
                w = 2 * k + b
                drain_gather(b)
                if b == 0:
                    wait_idx(w + 1, 1)
                    fire_gather(1)
                else:
                    @pl.when(k < W // 2 - 1)
                    def _():
                        wait_idx(w + 1, 0)
                        fire_gather(0)

                @pl.when(k < W // 2 - 1)
                def _():
                    fire_idx(w + 2, b)

                @pl.when(k > 0)
                def _():
                    drain_write(w, b)

                transpose_scale(b)
                fire_write(w, b)
            return carry

        lax.fori_loop(0, W // 2, outer, 0)
        drain_write(W - 2, 0)
        drain_write(W - 1, 1)

    return emb


def kernel(input, table):
    idx3 = input.T.reshape(W, SH, 128)
    out5 = _emb()(table, idx3)
    return out5.transpose(2, 4, 0, 1, 3).reshape(S, W, D)

# --- scband reference (transcript-rebuilt; emitter-appended) ---
"""Pipeline reference for scband-embedding-35485019800183 (READ-ONLY COPY).

The authoritative reference and input builder live on the scoring server;
editing this copy changes nothing except your own understanding.
"""

import math
import jax, jax.numpy as jnp
import numpy as np

VOCAB = 1000000
EMBED_DIM = 32
PAD_ID = 0
SCALE = math.sqrt(EMBED_DIM)


def setup_inputs(seed: int = 0) -> dict:
    key = jax.random.key(seed)
    k_idx, k_tab = jax.random.split(key)
    input_ids = jax.random.randint(k_idx, (16384, 50), 0, VOCAB, dtype=jnp.int64 if jax.config.jax_enable_x64 else jnp.int32).astype(jnp.int32)
    # table initialized as in _reset_parameters: normal(0, dim**-0.5), pad row zeroed
    table = jax.random.normal(k_tab, (VOCAB, EMBED_DIM), dtype=jnp.float32) * (EMBED_DIM ** -0.5)
    table = table.at[PAD_ID].set(0.0)
    return {"input": input_ids, "table": table}


def reference(input, table):
    # nn.Embedding lookup with padding_idx (pad row is zero) followed by scale
    t = table.at[PAD_ID].set(0.0)
    emb = jnp.take(t, input, axis=0)
    return emb * SCALE

if __name__ == "__main__":
    import jax
    _d = setup_inputs()
    print(jax.jit(kernel)(*tuple(_d.values())))

</pallas_src>

<mosaic_0001>
#map = affine_map<(d0, d1) -> (0, 0)>
#map1 = affine_map<(d0, d1) -> (0, 0, 0)>
#map2 = affine_map<(d0, d1) -> (0, 0, 0, 0, 0)>
module attributes {stable_mosaic.version = 14 : i64} {
  func.func @emb(%arg0: i32, %arg1: i32, %arg2: memref<1000000x32xf32, #tpu.memory_space<hbm>>, %arg3: memref<50x128x128xi32, #tpu.memory_space<hbm>>, %arg4: memref<50x4x128x8x128xf32, #tpu.memory_space<hbm>>, %arg5: memref<2x4x128xi32, #tpu.memory_space<vmem>>, %arg6: memref<2x512x32xf32, #tpu.memory_space<vmem>>, %arg7: memref<2x4x5x8x129xf32, #tpu.memory_space<vmem>>, %arg8: memref<!tpu.dma_semaphore, #tpu.memory_space<semaphore_mem>>, %arg9: memref<!tpu.dma_semaphore, #tpu.memory_space<semaphore_mem>>, %arg10: memref<!tpu.dma_semaphore, #tpu.memory_space<semaphore_mem>>, %arg11: memref<!tpu.dma_semaphore, #tpu.memory_space<semaphore_mem>>, %arg12: memref<!tpu.dma_semaphore, #tpu.memory_space<semaphore_mem>>, %arg13: memref<!tpu.dma_semaphore, #tpu.memory_space<semaphore_mem>>) attributes {dimension_semantics = [#tpu.dimension_semantics<core_parallel>, #tpu.dimension_semantics<subcore_parallel>], iteration_bounds = array<i64: 2, 16>, scalar_prefetch = 0 : i64, scratch_operands = 9 : i64, tpu.core_type = #tpu.core_type<sc_vector_subcore>, window_params = [{transform_indices = #map}, {transform_indices = #map1}, {transform_indices = #map2}]} {
    %mul3A = arith.constant 2 : i32
    %mul3A_0 = arith.muli %arg1, %mul3A : i32
    %add3A = arith.addi %mul3A_0, %arg0 : i32
    %iota3A = tpu.iota {dimensions = array<i32: 0>} : vector<16xi32>
    %shift_right_logical3A = arith.constant 3 : i32
    %shift_right_logical3A_1 = vector.broadcast %shift_right_logical3A : i32 to vector<16xi32>
    %shift_right_logical3A_2 = arith.shrui %iota3A, %shift_right_logical3A_1 : vector<16xi32>
    %add3A_3 = arith.constant 2 : i32
    %add3A_4 = vector.broadcast %add3A_3 : i32 to vector<16xi32>
    %add3A_5 = arith.addi %shift_right_logical3A_2, %add3A_4 : vector<16xi32>
    %and3A = arith.constant 7 : i32
    %and3A_6 = vector.broadcast %and3A : i32 to vector<16xi32>
    %and3A_7 = arith.andi %iota3A, %and3A_6 : vector<16xi32>
    %mul3A_8 = arith.constant 4 : i32
    %mul3A_9 = arith.muli %add3A, %mul3A_8 : i32
    %dma_start3A = arith.constant 0 : i32
    %dma_start3A_10 = arith.constant 0 : i32
    %dma_start3A_11 = arith.constant 0 : i32
    %dma_start3A_12 = arith.constant 0 : i32
    %dma_start3A_13 = tpu.memref_slice %arg5[%dma_start3A_10, %dma_start3A_11, %dma_start3A_12] : memref<2x4x128xi32, #tpu.memory_space<vmem>> -> memref<1x4x128xi32, #tpu.memory_space<vmem>>
    %dma_start3A_14 = tpu.memref_squeeze %dma_start3A_13 : memref<1x4x128xi32, #tpu.memory_space<vmem>> -> memref<4x128xi32, #tpu.memory_space<vmem>>
    %dma_start3A_15 = arith.constant 0 : i32
    %dma_start3A_16 = tpu.memref_slice %arg3[%dma_start3A, %mul3A_9, %dma_start3A_15] : memref<50x128x128xi32, #tpu.memory_space<hbm>> -> memref<1x4x128xi32, #tpu.memory_space<hbm>>
    %dma_start3A_17 = tpu.memref_squeeze %dma_start3A_16 : memref<1x4x128xi32, #tpu.memory_space<hbm>> -> memref<4x128xi32, #tpu.memory_space<hbm>>
    %dma_start3A_18 = arith.constant 0 : i32
    %dma_start3A_19 = arith.constant 0 : i32
    %dma_start3A_20 = tpu.memref_slice %arg5[%dma_start3A_10, %dma_start3A_18, %dma_start3A_19] : memref<2x4x128xi32, #tpu.memory_space<vmem>> -> memref<1x4x128xi32, #tpu.memory_space<vmem>>
    %dma_start3A_21 = tpu.memref_squeeze %dma_start3A_20 : memref<1x4x128xi32, #tpu.memory_space<vmem>> -> memref<4x128xi32, #tpu.memory_space<vmem>>
    %dma_start3A_22 = arith.constant 0 : i32
    %dma_start3A_23 = tpu.memref_slice %arg3[%dma_start3A, %mul3A_9, %dma_start3A_22] : memref<50x128x128xi32, #tpu.memory_space<hbm>> -> memref<1x4x128xi32, #tpu.memory_space<hbm>>
    %dma_start3A_24 = tpu.memref_squeeze %dma_start3A_23 : memref<1x4x128xi32, #tpu.memory_space<hbm>> -> memref<4x128xi32, #tpu.memory_space<hbm>>
    tpu.enqueue_dma source(%dma_start3A_24 : memref<4x128xi32, #tpu.memory_space<hbm>>) target(%dma_start3A_21 : memref<4x128xi32, #tpu.memory_space<vmem>>) target_semaphore(%arg12 : memref<!tpu.dma_semaphore, #tpu.memory_space<semaphore_mem>>)
    %mul3A_25 = arith.constant 4 : i32
    %mul3A_26 = arith.muli %add3A, %mul3A_25 : i32
    %dma_wait3A = arith.constant 0 : i32
    %dma_wait3A_27 = arith.constant 0 : i32
    %dma_wait3A_28 = arith.constant 0 : i32
    %dma_wait3A_29 = arith.constant 0 : i32
    %dma_wait3A_30 = tpu.memref_slice %arg5[%dma_wait3A_27, %dma_wait3A_28, %dma_wait3A_29] : memref<2x4x128xi32, #tpu.memory_space<vmem>> -> memref<1x4x128xi32, #tpu.memory_space<vmem>>
    %dma_wait3A_31 = tpu.memref_squeeze %dma_wait3A_30 : memref<1x4x128xi32, #tpu.memory_space<vmem>> -> memref<4x128xi32, #tpu.memory_space<vmem>>
    %dma_wait3A_32 = arith.constant 0 : i32
    %dma_wait3A_33 = tpu.memref_slice %arg3[%dma_wait3A, %mul3A_26, %dma_wait3A_32] : memref<50x128x128xi32, #tpu.memory_space<hbm>> -> memref<1x4x128xi32, #tpu.memory_space<hbm>>
    %dma_wait3A_34 = tpu.memref_squeeze %dma_wait3A_33 : memref<1x4x128xi32, #tpu.memory_space<hbm>> -> memref<4x128xi32, #tpu.memory_space<hbm>>
    %dma_wait3A_35 = arith.constant 0 : i32
    %dma_wait3A_36 = arith.constant 0 : i32
    %dma_wait3A_37 = tpu.memref_slice %arg5[%dma_wait3A_27, %dma_wait3A_35, %dma_wait3A_36] : memref<2x4x128xi32, #tpu.memory_space<vmem>> -> memref<1x4x128xi32, #tpu.memory_space<vmem>>
    %dma_wait3A_38 = tpu.memref_squeeze %dma_wait3A_37 : memref<1x4x128xi32, #tpu.memory_space<vmem>> -> memref<4x128xi32, #tpu.memory_space<vmem>>
    %dma_wait3A_39 = arith.constant 0 : i32
    %dma_wait3A_40 = tpu.memref_slice %arg3[%dma_wait3A, %mul3A_26, %dma_wait3A_39] : memref<50x128x128xi32, #tpu.memory_space<hbm>> -> memref<1x4x128xi32, #tpu.memory_space<hbm>>
    %dma_wait3A_41 = tpu.memref_squeeze %dma_wait3A_40 : memref<1x4x128xi32, #tpu.memory_space<hbm>> -> memref<4x128xi32, #tpu.memory_space<hbm>>
    tpu.wait_dma2 semaphore(%arg12 : memref<!tpu.dma_semaphore, #tpu.memory_space<semaphore_mem>>) src(%dma_wait3A_41 : memref<4x128xi32, #tpu.memory_space<hbm>>) dst(%dma_wait3A_38 : memref<4x128xi32, #tpu.memory_space<vmem>>)
    %dma_start3A_42 = arith.constant 0 : i32
    %dma_start3A_43 = arith.constant 0 : i32
    %dma_start3A_44 = arith.constant 0 : i32
    %dma_start3A_45 = arith.constant 0 : i32
    %dma_start3A_46 = arith.constant 0 : i32
    %dma_start3A_47 = tpu.memref_slice %arg6[%dma_start3A_44, %dma_start3A_45, %dma_start3A_46] : memref<2x512x32xf32, #tpu.memory_space<vmem>> -> memref<1x128x32xf32, #tpu.memory_space<vmem>>
    %dma_start3A_48 = tpu.memref_squeeze %dma_start3A_47 : memref<1x128x32xf32, #tpu.memory_space<vmem>> -> memref<128x32xf32, #tpu.memory_space<vmem>>
    %dma_start3A_49 = arith.constant 0 : i32
    %dma_start3A_50 = tpu.memref_slice %arg5[%dma_start3A_42, %dma_start3A_43, %dma_start3A_49] : memref<2x4x128xi32, #tpu.memory_space<vmem>> -> memref<1x1x128xi32, #tpu.memory_space<vmem>>
    %dma_start3A_51 = tpu.memref_squeeze %dma_start3A_50 : memref<1x1x128xi32, #tpu.memory_space<vmem>> -> memref<128xi32, #tpu.memory_space<vmem>>
    %dma_start3A_52 = arith.constant 0 : i32
    %dma_start3A_53 = arith.constant 0 : i32
    %dma_start3A_54 = tpu.memref_slice %arg2[%dma_start3A_52, %dma_start3A_53] : memref<1000000x32xf32, #tpu.memory_space<hbm>> -> memref<1000000x32xf32, #tpu.memory_space<hbm>>
    tpu.enqueue_indirect_dma source(%dma_start3A_54 : memref<1000000x32xf32, #tpu.memory_space<hbm>>) target(%dma_start3A_48 : memref<128x32xf32, #tpu.memory_space<vmem>>) offsets(%dma_start3A_51 : memref<128xi32, #tpu.memory_space<vmem>>) semaphore(%arg8 : memref<!tpu.dma_semaphore, #tpu.memory_space<semaphore_mem>>)
    %dma_start3A_55 = arith.constant 0 : i32
    %dma_start3A_56 = arith.constant 1 : i32
    %dma_start3A_57 = arith.constant 0 : i32
    %dma_start3A_58 = arith.constant 128 : i32
    %dma_start3A_59 = arith.constant 0 : i32
    %dma_start3A_60 = tpu.memref_slice %arg6[%dma_start3A_57, %dma_start3A_58, %dma_start3A_59] : memref<2x512x32xf32, #tpu.memory_space<vmem>> -> memref<1x128x32xf32, #tpu.memory_space<vmem>>
    %dma_start3A_61 = tpu.memref_squeeze %dma_start3A_60 : memref<1x128x32xf32, #tpu.memory_space<vmem>> -> memref<128x32xf32, #tpu.memory_space<vmem>>
    %dma_start3A_62 = arith.constant 0 : i32
    %dma_start3A_63 = tpu.memref_slice %arg5[%dma_start3A_55, %dma_start3A_56, %dma_start3A_62] : memref<2x4x128xi32, #tpu.memory_space<vmem>> -> memref<1x1x128xi32, #tpu.memory_space<vmem>>
    %dma_start3A_64 = tpu.memref_squeeze %dma_start3A_63 : memref<1x1x128xi32, #tpu.memory_space<vmem>> -> memref<128xi32, #tpu.memory_space<vmem>>
    %dma_start3A_65 = arith.constant 0 : i32
    %dma_start3A_66 = arith.constant 0 : i32
    %dma_start3A_67 = tpu.memref_slice %arg2[%dma_start3A_65, %dma_start3A_66] : memref<1000000x32xf32, #tpu.memory_space<hbm>> -> memref<1000000x32xf32, #tpu.memory_space<hbm>>
    tpu.enqueue_indirect_dma source(%dma_start3A_67 : memref<1000000x32xf32, #tpu.memory_space<hbm>>) target(%dma_start3A_61 : memref<128x32xf32, #tpu.memory_space<vmem>>) offsets(%dma_start3A_64 : memref<128xi32, #tpu.memory_space<vmem>>) semaphore(%arg8 : memref<!tpu.dma_semaphore, #tpu.memory_space<semaphore_mem>>)
    %dma_start3A_68 = arith.constant 0 : i32
    %dma_start3A_69 = arith.constant 2 : i32
    %dma_start3A_70 = arith.constant 0 : i32
    %dma_start3A_71 = arith.constant 256 : i32
    %dma_start3A_72 = arith.constant 0 : i32
    %dma_start3A_73 = tpu.memref_slice %arg6[%dma_start3A_70, %dma_start3A_71, %dma_start3A_72] : memref<2x512x32xf32, #tpu.memory_space<vmem>> -> memref<1x128x32xf32, #tpu.memory_space<vmem>>
    %dma_start3A_74 = tpu.memref_squeeze %dma_start3A_73 : memref<1x128x32xf32, #tpu.memory_space<vmem>> -> memref<128x32xf32, #tpu.memory_space<vmem>>
    %dma_start3A_75 = arith.constant 0 : i32
    %dma_start3A_76 = tpu.memref_slice %arg5[%dma_start3A_68, %dma_start3A_69, %dma_start3A_75] : memref<2x4x128xi32, #tpu.memory_space<vmem>> -> memref<1x1x128xi32, #tpu.memory_space<vmem>>
    %dma_start3A_77 = tpu.memref_squeeze %dma_start3A_76 : memref<1x1x128xi32, #tpu.memory_space<vmem>> -> memref<128xi32, #tpu.memory_space<vmem>>
    %dma_start3A_78 = arith.constant 0 : i32
    %dma_start3A_79 = arith.constant 0 : i32
    %dma_start3A_80 = tpu.memref_slice %arg2[%dma_start3A_78, %dma_start3A_79] : memref<1000000x32xf32, #tpu.memory_space<hbm>> -> memref<1000000x32xf32, #tpu.memory_space<hbm>>
    tpu.enqueue_indirect_dma source(%dma_start3A_80 : memref<1000000x32xf32, #tpu.memory_space<hbm>>) target(%dma_start3A_74 : memref<128x32xf32, #tpu.memory_space<vmem>>) offsets(%dma_start3A_77 : memref<128xi32, #tpu.memory_space<vmem>>) semaphore(%arg8 : memref<!tpu.dma_semaphore, #tpu.memory_space<semaphore_mem>>)
    %dma_start3A_81 = arith.constant 0 : i32
    %dma_start3A_82 = arith.constant 3 : i32
    %dma_start3A_83 = arith.constant 0 : i32
    %dma_start3A_84 = arith.constant 384 : i32
    %dma_start3A_85 = arith.constant 0 : i32
    %dma_start3A_86 = tpu.memref_slice %arg6[%dma_start3A_83, %dma_start3A_84, %dma_start3A_85] : memref<2x512x32xf32, #tpu.memory_space<vmem>> -> memref<1x128x32xf32, #tpu.memory_space<vmem>>
    %dma_start3A_87 = tpu.memref_squeeze %dma_start3A_86 : memref<1x128x32xf32, #tpu.memory_space<vmem>> -> memref<128x32xf32, #tpu.memory_space<vmem>>
    %dma_start3A_88 = arith.constant 0 : i32
    %dma_start3A_89 = tpu.memref_slice %arg5[%dma_start3A_81, %dma_start3A_82, %dma_start3A_88] : memref<2x4x128xi32, #tpu.memory_space<vmem>> -> memref<1x1x128xi32, #tpu.memory_space<vmem>>
    %dma_start3A_90 = tpu.memref_squeeze %dma_start3A_89 : memref<1x1x128xi32, #tpu.memory_space<vmem>> -> memref<128xi32, #tpu.memory_space<vmem>>
    %dma_start3A_91 = arith.constant 0 : i32
    %dma_start3A_92 = arith.constant 0 : i32
    %dma_start3A_93 = tpu.memref_slice %arg2[%dma_start3A_91, %dma_start3A_92] : memref<1000000x32xf32, #tpu.memory_space<hbm>> -> memref<1000000x32xf32, #tpu.memory_space<hbm>>
    tpu.enqueue_indirect_dma source(%dma_start3A_93 : memref<1000000x32xf32, #tpu.memory_space<hbm>>) target(%dma_start3A_87 : memref<128x32xf32, #tpu.memory_space<vmem>>) offsets(%dma_start3A_90 : memref<128xi32, #tpu.memory_space<vmem>>) semaphore(%arg8 : memref<!tpu.dma_semaphore, #tpu.memory_space<semaphore_mem>>)
    %mul3A_94 = arith.constant 4 : i32
    %mul3A_95 = arith.muli %add3A, %mul3A_94 : i32
    %dma_start3A_96 = arith.constant 1 : i32
    %dma_start3A_97 = arith.constant 1 : i32
    %dma_start3A_98 = arith.constant 0 : i32
    %dma_start3A_99 = arith.constant 0 : i32
    %dma_start3A_100 = tpu.memref_slice %arg5[%dma_start3A_97, %dma_start3A_98, %dma_start3A_99] : memref<2x4x128xi32, #tpu.memory_space<vmem>> -> memref<1x4x128xi32, #tpu.memory_space<vmem>>
    %dma_start3A_101 = tpu.memref_squeeze %dma_start3A_100 : memref<1x4x128xi32, #tpu.memory_space<vmem>> -> memref<4x128xi32, #tpu.memory_space<vmem>>
    %dma_start3A_102 = arith.constant 0 : i32
    %dma_start3A_103 = tpu.memref_slice %arg3[%dma_start3A_96, %mul3A_95, %dma_start3A_102] : memref<50x128x128xi32, #tpu.memory_space<hbm>> -> memref<1x4x128xi32, #tpu.memory_space<hbm>>
    %dma_start3A_104 = tpu.memref_squeeze %dma_start3A_103 : memref<1x4x128xi32, #tpu.memory_space<hbm>> -> memref<4x128xi32, #tpu.memory_space<hbm>>
    %dma_start3A_105 = arith.constant 0 : i32
    %dma_start3A_106 = arith.constant 0 : i32
    %dma_start3A_107 = tpu.memref_slice %arg5[%dma_start3A_97, %dma_start3A_105, %dma_start3A_106] : memref<2x4x128xi32, #tpu.memory_space<vmem>> -> memref<1x4x128xi32, #tpu.memory_space<vmem>>
    %dma_start3A_108 = tpu.memref_squeeze %dma_start3A_107 : memref<1x4x128xi32, #tpu.memory_space<vmem>> -> memref<4x128xi32, #tpu.memory_space<vmem>>
    %dma_start3A_109 = arith.constant 0 : i32
    %dma_start3A_110 = tpu.memref_slice %arg3[%dma_start3A_96, %mul3A_95, %dma_start3A_109] : memref<50x128x128xi32, #tpu.memory_space<hbm>> -> memref<1x4x128xi32, #tpu.memory_space<hbm>>
    %dma_start3A_111 = tpu.memref_squeeze %dma_start3A_110 : memref<1x4x128xi32, #tpu.memory_space<hbm>> -> memref<4x128xi32, #tpu.memory_space<hbm>>
    tpu.enqueue_dma source(%dma_start3A_111 : memref<4x128xi32, #tpu.memory_space<hbm>>) target(%dma_start3A_108 : memref<4x128xi32, #tpu.memory_space<vmem>>) target_semaphore(%arg13 : memref<!tpu.dma_semaphore, #tpu.memory_space<semaphore_mem>>)
    %scan3A = arith.constant 0 : i32
    %scan3A_112 = arith.constant 0 : i32
    %scan3A_113 = arith.constant 25 : i32
    %scan3A_114 = arith.addi %scan3A_112, %scan3A_113 : i32
    %scan3A_115 = arith.constant 1 : i32
    scf.for %scan3A_917 = %scan3A_112 to %scan3A_114 step %scan3A_115  : i32 {
      %mul3A_918 = arith.constant 2 : i32
      %mul3A_919 = arith.muli %mul3A_918, %scan3A_917 : i32
      %add3A_920 = arith.constant 0 : i32
      %add3A_921 = arith.addi %mul3A_919, %add3A_920 : i32
      %dma_wait3A_922 = arith.constant 0 : i32
      %dma_wait3A_923 = arith.constant 0 : i32
      %dma_wait3A_924 = arith.constant 0 : i32
      %dma_wait3A_925 = arith.constant 0 : i32
      %dma_wait3A_926 = arith.constant 0 : i32
      %dma_wait3A_927 = tpu.memref_slice %arg6[%dma_wait3A_924, %dma_wait3A_925, %dma_wait3A_926] : memref<2x512x32xf32, #tpu.memory_space<vmem>> -> memref<1x128x32xf32, #tpu.memory_space<vmem>>
      %dma_wait3A_928 = tpu.memref_squeeze %dma_wait3A_927 : memref<1x128x32xf32, #tpu.memory_space<vmem>> -> memref<128x32xf32, #tpu.memory_space<vmem>>
      %dma_wait3A_929 = arith.constant 0 : i32
      %dma_wait3A_930 = tpu.memref_slice %arg5[%dma_wait3A_922, %dma_wait3A_923, %dma_wait3A_929] : memref<2x4x128xi32, #tpu.memory_space<vmem>> -> memref<1x1x128xi32, #tpu.memory_space<vmem>>
      %dma_wait3A_931 = tpu.memref_squeeze %dma_wait3A_930 : memref<1x1x128xi32, #tpu.memory_space<vmem>> -> memref<128xi32, #tpu.memory_space<vmem>>
      %dma_wait3A_932 = arith.constant 0 : i32
      %dma_wait3A_933 = arith.constant 0 : i32
      %dma_wait3A_934 = tpu.memref_slice %arg2[%dma_wait3A_932, %dma_wait3A_933] : memref<1000000x32xf32, #tpu.memory_space<hbm>> -> memref<1000000x32xf32, #tpu.memory_space<hbm>>
      tpu.wait_indirect_dma semaphore(%arg8 : memref<!tpu.dma_semaphore, #tpu.memory_space<semaphore_mem>>) src(%dma_wait3A_934 : memref<1000000x32xf32, #tpu.memory_space<hbm>>) dst(%dma_wait3A_928 : memref<128x32xf32, #tpu.memory_space<vmem>>)
      %dma_wait3A_935 = arith.constant 0 : i32
      %dma_wait3A_936 = arith.constant 1 : i32
      %dma_wait3A_937 = arith.constant 0 : i32
      %dma_wait3A_938 = arith.constant 128 : i32
      %dma_wait3A_939 = arith.constant 0 : i32
      %dma_wait3A_940 = tpu.memref_slice %arg6[%dma_wait3A_937, %dma_wait3A_938, %dma_wait3A_939] : memref<2x512x32xf32, #tpu.memory_space<vmem>> -> memref<1x128x32xf32, #tpu.memory_space<vmem>>
      %dma_wait3A_941 = tpu.memref_squeeze %dma_wait3A_940 : memref<1x128x32xf32, #tpu.memory_space<vmem>> -> memref<128x32xf32, #tpu.memory_space<vmem>>
      %dma_wait3A_942 = arith.constant 0 : i32
      %dma_wait3A_943 = tpu.memref_slice %arg5[%dma_wait3A_935, %dma_wait3A_936, %dma_wait3A_942] : memref<2x4x128xi32, #tpu.memory_space<vmem>> -> memref<1x1x128xi32, #tpu.memory_space<vmem>>
      %dma_wait3A_944 = tpu.memref_squeeze %dma_wait3A_943 : memref<1x1x128xi32, #tpu.memory_space<vmem>> -> memref<128xi32, #tpu.memory_space<vmem>>
      %dma_wait3A_945 = arith.constant 0 : i32
      %dma_wait3A_946 = arith.constant 0 : i32
      %dma_wait3A_947 = tpu.memref_slice %arg2[%dma_wait3A_945, %dma_wait3A_946] : memref<1000000x32xf32, #tpu.memory_space<hbm>> -> memref<1000000x32xf32, #tpu.memory_space<hbm>>
      tpu.wait_indirect_dma semaphore(%arg8 : memref<!tpu.dma_semaphore, #tpu.memory_space<semaphore_mem>>) src(%dma_wait3A_947 : memref<1000000x32xf32, #tpu.memory_space<hbm>>) dst(%dma_wait3A_941 : memref<128x32xf32, #tpu.memory_space<vmem>>)
      %dma_wait3A_948 = arith.constant 0 : i32
      %dma_wait3A_949 = arith.constant 2 : i32
      %dma_wait3A_950 = arith.constant 0 : i32
      %dma_wait3A_951 = arith.constant 256 : i32
      %dma_wait3A_952 = arith.constant 0 : i32
      %dma_wait3A_953 = tpu.memref_slice %arg6[%dma_wait3A_950, %dma_wait3A_951, %dma_wait3A_952] : memref<2x512x32xf32, #tpu.memory_space<vmem>> -> memref<1x128x32xf32, #tpu.memory_space<vmem>>
      %dma_wait3A_954 = tpu.memref_squeeze %dma_wait3A_953 : memref<1x128x32xf32, #tpu.memory_space<vmem>> -> memref<128x32xf32, #tpu.memory_space<vmem>>
      %dma_wait3A_955 = arith.constant 0 : i32
      %dma_wait3A_956 = tpu.memref_slice %arg5[%dma_wait3A_948, %dma_wait3A_949, %dma_wait3A_955] : memref<2x4x128xi32, #tpu.memory_space<vmem>> -> memref<1x1x128xi32, #tpu.memory_space<vmem>>
      %dma_wait3A_957 = tpu.memref_squeeze %dma_wait3A_956 : memref<1x1x128xi32, #tpu.memory_space<vmem>> -> memref<128xi32, #tpu.memory_space<vmem>>
      %dma_wait3A_958 = arith.constant 0 : i32
      %dma_wait3A_959 = arith.constant 0 : i32
      %dma_wait3A_960 = tpu.memref_slice %arg2[%dma_wait3A_958, %dma_wait3A_959] : memref<1000000x32xf32, #tpu.memory_space<hbm>> -> memref<1000000x32xf32, #tpu.memory_space<hbm>>
      tpu.wait_indirect_dma semaphore(%arg8 : memref<!tpu.dma_semaphore, #tpu.memory_space<semaphore_mem>>) src(%dma_wait3A_960 : memref<1000000x32xf32, #tpu.memory_space<hbm>>) dst(%dma_wait3A_954 : memref<128x32xf32, #tpu.memory_space<vmem>>)
      %dma_wait3A_961 = arith.constant 0 : i32
      %dma_wait3A_962 = arith.constant 3 : i32
      %dma_wait3A_963 = arith.constant 0 : i32
      %dma_wait3A_964 = arith.constant 384 : i32
      %dma_wait3A_965 = arith.constant 0 : i32
      %dma_wait3A_966 = tpu.memref_slice %arg6[%dma_wait3A_963, %dma_wait3A_964, %dma_wait3A_965] : memref<2x512x32xf32, #tpu.memory_space<vmem>> -> memref<1x128x32xf32, #tpu.memory_space<vmem>>
      %dma_wait3A_967 = tpu.memref_squeeze %dma_wait3A_966 : memref<1x128x32xf32, #tpu.memory_space<vmem>> -> memref<128x32xf32, #tpu.memory_space<vmem>>
      %dma_wait3A_968 = arith.constant 0 : i32
      %dma_wait3A_969 = tpu.memref_slice %arg5[%dma_wait3A_961, %dma_wait3A_962, %dma_wait3A_968] : memref<2x4x128xi32, #tpu.memory_space<vmem>> -> memref<1x1x128xi32, #tpu.memory_space<vmem>>
      %dma_wait3A_970 = tpu.memref_squeeze %dma_wait3A_969 : memref<1x1x128xi32, #tpu.memory_space<vmem>> -> memref<128xi32, #tpu.memory_space<vmem>>
      %dma_wait3A_971 = arith.constant 0 : i32
      %dma_wait3A_972 = arith.constant 0 : i32
      %dma_wait3A_973 = tpu.memref_slice %arg2[%dma_wait3A_971, %dma_wait3A_972] : memref<1000000x32xf32, #tpu.memory_space<hbm>> -> memref<1000000x32xf32, #tpu.memory_space<hbm>>
      tpu.wait_indirect_dma semaphore(%arg8 : memref<!tpu.dma_semaphore, #tpu.memory_space<semaphore_mem>>) src(%dma_wait3A_973 : memref<1000000x32xf32, #tpu.memory_space<hbm>>) dst(%dma_wait3A_967 : memref<128x32xf32, #tpu.memory_space<vmem>>)
      %add3A_974 = arith.constant 1 : i32
      %add3A_975 = arith.addi %add3A_921, %add3A_974 : i32
      %mul3A_976 = arith.constant 4 : i32
      %mul3A_977 = arith.muli %add3A, %mul3A_976 : i32
      %dma_wait3A_978 = arith.constant 1 : i32
      %dma_wait3A_979 = arith.constant 0 : i32
      %dma_wait3A_980 = arith.constant 0 : i32
      %dma_wait3A_981 = tpu.memref_slice %arg5[%dma_wait3A_978, %dma_wait3A_979, %dma_wait3A_980] : memref<2x4x128xi32, #tpu.memory_space<vmem>> -> memref<1x4x128xi32, #tpu.memory_space<vmem>>
      %dma_wait3A_982 = tpu.memref_squeeze %dma_wait3A_981 : memref<1x4x128xi32, #tpu.memory_space<vmem>> -> memref<4x128xi32, #tpu.memory_space<vmem>>
      %dma_wait3A_983 = arith.constant 0 : i32
      %dma_wait3A_984 = tpu.memref_slice %arg3[%add3A_975, %mul3A_977, %dma_wait3A_983] : memref<50x128x128xi32, #tpu.memory_space<hbm>> -> memref<1x4x128xi32, #tpu.memory_space<hbm>>
      %dma_wait3A_985 = tpu.memref_squeeze %dma_wait3A_984 : memref<1x4x128xi32, #tpu.memory_space<hbm>> -> memref<4x128xi32, #tpu.memory_space<hbm>>
      %dma_wait3A_986 = arith.constant 0 : i32
      %dma_wait3A_987 = arith.constant 0 : i32
      %dma_wait3A_988 = tpu.memref_slice %arg5[%dma_wait3A_978, %dma_wait3A_986, %dma_wait3A_987] : memref<2x4x128xi32, #tpu.memory_space<vmem>> -> memref<1x4x128xi32, #tpu.memory_space<vmem>>
      %dma_wait3A_989 = tpu.memref_squeeze %dma_wait3A_988 : memref<1x4x128xi32, #tpu.memory_space<vmem>> -> memref<4x128xi32, #tpu.memory_space<vmem>>
      %dma_wait3A_990 = arith.constant 0 : i32
      %dma_wait3A_991 = tpu.memref_slice %arg3[%add3A_975, %mul3A_977, %dma_wait3A_990] : memref<50x128x128xi32, #tpu.memory_space<hbm>> -> memref<1x4x128xi32, #tpu.memory_space<hbm>>
      %dma_wait3A_992 = tpu.memref_squeeze %dma_wait3A_991 : memref<1x4x128xi32, #tpu.memory_space<hbm>> -> memref<4x128xi32, #tpu.memory_space<hbm>>
      tpu.wait_dma2 semaphore(%arg13 : memref<!tpu.dma_semaphore, #tpu.memory_space<semaphore_mem>>) src(%dma_wait3A_992 : memref<4x128xi32, #tpu.memory_space<hbm>>) dst(%dma_wait3A_989 : memref<4x128xi32, #tpu.memory_space<vmem>>)
      %dma_start3A_993 = arith.constant 1 : i32
      %dma_start3A_994 = arith.constant 0 : i32
      %dma_start3A_995 = arith.constant 1 : i32
      %dma_start3A_996 = arith.constant 0 : i32
      %dma_start3A_997 = arith.constant 0 : i32
      %dma_start3A_998 = tpu.memref_slice %arg6[%dma_start3A_995, %dma_start3A_996, %dma_start3A_997] : memref<2x512x32xf32, #tpu.memory_space<vmem>> -> memref<1x128x32xf32, #tpu.memory_space<vmem>>
      %dma_start3A_999 = tpu.memref_squeeze %dma_start3A_998 : memref<1x128x32xf32, #tpu.memory_space<vmem>> -> memref<128x32xf32, #tpu.memory_space<vmem>>
      %dma_start3A_1000 = arith.constant 0 : i32
      %dma_start3A_1001 = tpu.memref_slice %arg5[%dma_start3A_993, %dma_start3A_994, %dma_start3A_1000] : memref<2x4x128xi32, #tpu.memory_space<vmem>> -> memref<1x1x128xi32, #tpu.memory_space<vmem>>
      %dma_start3A_1002 = tpu.memref_squeeze %dma_start3A_1001 : memref<1x1x128xi32, #tpu.memory_space<vmem>> -> memref<128xi32, #tpu.memory_space<vmem>>
      %dma_start3A_1003 = arith.constant 0 : i32
      %dma_start3A_1004 = arith.constant 0 : i32
      %dma_start3A_1005 = tpu.memref_slice %arg2[%dma_start3A_1003, %dma_start3A_1004] : memref<1000000x32xf32, #tpu.memory_space<hbm>> -> memref<1000000x32xf32, #tpu.memory_space<hbm>>
      tpu.enqueue_indirect_dma source(%dma_start3A_1005 : memref<1000000x32xf32, #tpu.memory_space<hbm>>) target(%dma_start3A_999 : memref<128x32xf32, #tpu.memory_space<vmem>>) offsets(%dma_start3A_1002 : memref<128xi32, #tpu.memory_space<vmem>>) semaphore(%arg9 : memref<!tpu.dma_semaphore, #tpu.memory_space<semaphore_mem>>)
      %dma_start3A_1006 = arith.constant 1 : i32
      %dma_start3A_1007 = arith.constant 1 : i32
      %dma_start3A_1008 = arith.constant 1 : i32
      %dma_start3A_1009 = arith.constant 128 : i32
      %dma_start3A_1010 = arith.constant 0 : i32
      %dma_start3A_1011 = tpu.memref_slice %arg6[%dma_start3A_1008, %dma_start3A_1009, %dma_start3A_1010] : memref<2x512x32xf32, #tpu.memory_space<vmem>> -> memref<1x128x32xf32, #tpu.memory_space<vmem>>
      %dma_start3A_1012 = tpu.memref_squeeze %dma_start3A_1011 : memref<1x128x32xf32, #tpu.memory_space<vmem>> -> memref<128x32xf32, #tpu.memory_space<vmem>>
      %dma_start3A_1013 = arith.constant 0 : i32
      %dma_start3A_1014 = tpu.memref_slice %arg5[%dma_start3A_1006, %dma_start3A_1007, %dma_start3A_1013] : memref<2x4x128xi32, #tpu.memory_space<vmem>> -> memref<1x1x128xi32, #tpu.memory_space<vmem>>
      %dma_start3A_1015 = tpu.memref_squeeze %dma_start3A_1014 : memref<1x1x128xi32, #tpu.memory_space<vmem>> -> memref<128xi32, #tpu.memory_space<vmem>>
      %dma_start3A_1016 = arith.constant 0 : i32
      %dma_start3A_1017 = arith.constant 0 : i32
      %dma_start3A_1018 = tpu.memref_slice %arg2[%dma_start3A_1016, %dma_start3A_1017] : memref<1000000x32xf32, #tpu.memory_space<hbm>> -> memref<1000000x32xf32, #tpu.memory_space<hbm>>
      tpu.enqueue_indirect_dma source(%dma_start3A_1018 : memref<1000000x32xf32, #tpu.memory_space<hbm>>) target(%dma_start3A_1012 : memref<128x32xf32, #tpu.memory_space<vmem>>) offsets(%dma_start3A_1015 : memref<128xi32, #tpu.memory_space<vmem>>) semaphore(%arg9 : memref<!tpu.dma_semaphore, #tpu.memory_space<semaphore_mem>>)
      %dma_start3A_1019 = arith.constant 1 : i32
      %dma_start3A_1020 = arith.constant 2 : i32
      %dma_start3A_1021 = arith.constant 1 : i32
      %dma_start3A_1022 = arith.constant 256 : i32
      %dma_start3A_1023 = arith.constant 0 : i32
      %dma_start3A_1024 = tpu.memref_slice %arg6[%dma_start3A_1021, %dma_start3A_1022, %dma_start3A_1023] : memref<2x512x32xf32, #tpu.memory_space<vmem>> -> memref<1x128x32xf32, #tpu.memory_space<vmem>>
      %dma_start3A_1025 = tpu.memref_squeeze %dma_start3A_1024 : memref<1x128x32xf32, #tpu.memory_space<vmem>> -> memref<128x32xf32, #tpu.memory_space<vmem>>
      %dma_start3A_1026 = arith.constant 0 : i32
      %dma_start3A_1027 = tpu.memref_slice %arg5[%dma_start3A_1019, %dma_start3A_1020, %dma_start3A_1026] : memref<2x4x128xi32, #tpu.memory_space<vmem>> -> memref<1x1x128xi32, #tpu.memory_space<vmem>>
      %dma_start3A_1028 = tpu.memref_squeeze %dma_start3A_1027 : memref<1x1x128xi32, #tpu.memory_space<vmem>> -> memref<128xi32, #tpu.memory_space<vmem>>
      %dma_start3A_1029 = arith.constant 0 : i32
      %dma_start3A_1030 = arith.constant 0 : i32
      %dma_start3A_1031 = tpu.memref_slice %arg2[%dma_start3A_1029, %dma_start3A_1030] : memref<1000000x32xf32, #tpu.memory_space<hbm>> -> memref<1000000x32xf32, #tpu.memory_space<hbm>>
      tpu.enqueue_indirect_dma source(%dma_start3A_1031 : memref<1000000x32xf32, #tpu.memory_space<hbm>>) target(%dma_start3A_1025 : memref<128x32xf32, #tpu.memory_space<vmem>>) offsets(%dma_start3A_1028 : memref<128xi32, #tpu.memory_space<vmem>>) semaphore(%arg9 : memref<!tpu.dma_semaphore, #tpu.memory_space<semaphore_mem>>)
      %dma_start3A_1032 = arith.constant 1 : i32
      %dma_start3A_1033 = arith.constant 3 : i32
      %dma_start3A_1034 = arith.constant 1 : i32
      %dma_start3A_1035 = arith.constant 384 : i32
      %dma_start3A_1036 = arith.constant 0 : i32
      %dma_start3A_1037 = tpu.memref_slice %arg6[%dma_start3A_1034, %dma_start3A_1035, %dma_start3A_1036] : memref<2x512x32xf32, #tpu.memory_space<vmem>> -> memref<1x128x32xf32, #tpu.memory_space<vmem>>
      %dma_start3A_1038 = tpu.memref_squeeze %dma_start3A_1037 : memref<1x128x32xf32, #tpu.memory_space<vmem>> -> memref<128x32xf32, #tpu.memory_space<vmem>>
      %dma_start3A_1039 = arith.constant 0 : i32
      %dma_start3A_1040 = tpu.memref_slice %arg5[%dma_start3A_1032, %dma_start3A_1033, %dma_start3A_1039] : memref<2x4x128xi32, #tpu.memory_space<vmem>> -> memref<1x1x128xi32, #tpu.memory_space<vmem>>
      %dma_start3A_1041 = tpu.memref_squeeze %dma_start3A_1040 : memref<1x1x128xi32, #tpu.memory_space<vmem>> -> memref<128xi32, #tpu.memory_space<vmem>>
      %dma_start3A_1042 = arith.constant 0 : i32
      %dma_start3A_1043 = arith.constant 0 : i32
      %dma_start3A_1044 = tpu.memref_slice %arg2[%dma_start3A_1042, %dma_start3A_1043] : memref<1000000x32xf32, #tpu.memory_space<hbm>> -> memref<1000000x32xf32, #tpu.memory_space<hbm>>
      tpu.enqueue_indirect_dma source(%dma_start3A_1044 : memref<1000000x32xf32, #tpu.memory_space<hbm>>) target(%dma_start3A_1038 : memref<128x32xf32, #tpu.memory_space<vmem>>) offsets(%dma_start3A_1041 : memref<128xi32, #tpu.memory_space<vmem>>) semaphore(%arg9 : memref<!tpu.dma_semaphore, #tpu.memory_space<semaphore_mem>>)
      %lt3A = arith.constant 24 : i32
      %lt3A_1045 = arith.cmpi slt, %scan3A_917, %lt3A : i32
      %convert_element_type3A = arith.extui %lt3A_1045 : i1 to i32
      %cond3A = arith.constant 0 : i32
      %cond3A_1046 = arith.cmpi ne, %convert_element_type3A, %cond3A : i32
      scf.if %cond3A_1046 {
        %add3A_1904 = arith.constant 2 : i32
        %add3A_1905 = arith.addi %add3A_921, %add3A_1904 : i32
        %mul3A_1906 = arith.constant 4 : i32
        %mul3A_1907 = arith.muli %add3A, %mul3A_1906 : i32
        %dma_start3A_1908 = arith.constant 0 : i32
        %dma_start3A_1909 = arith.constant 0 : i32
        %dma_start3A_1910 = arith.constant 0 : i32
        %dma_start3A_1911 = tpu.memref_slice %arg5[%dma_start3A_1908, %dma_start3A_1909, %dma_start3A_1910] : memref<2x4x128xi32, #tpu.memory_space<vmem>> -> memref<1x4x128xi32, #tpu.memory_space<vmem>>
        %dma_start3A_1912 = tpu.memref_squeeze %dma_start3A_1911 : memref<1x4x128xi32, #tpu.memory_space<vmem>> -> memref<4x128xi32, #tpu.memory_space<vmem>>
        %dma_start3A_1913 = arith.constant 0 : i32
        %dma_start3A_1914 = tpu.memref_slice %arg3[%add3A_1905, %mul3A_1907, %dma_start3A_1913] : memref<50x128x128xi32, #tpu.memory_space<hbm>> -> memref<1x4x128xi32, #tpu.memory_space<hbm>>
        %dma_start3A_1915 = tpu.memref_squeeze %dma_start3A_1914 : memref<1x4x128xi32, #tpu.memory_space<hbm>> -> memref<4x128xi32, #tpu.memory_space<hbm>>
        %dma_start3A_1916 = arith.constant 0 : i32
        %dma_start3A_1917 = arith.constant 0 : i32
        %dma_start3A_1918 = tpu.memref_slice %arg5[%dma_start3A_1908, %dma_start3A_1916, %dma_start3A_1917] : memref<2x4x128xi32, #tpu.memory_space<vmem>> -> memref<1x4x128xi32, #tpu.memory_space<vmem>>
        %dma_start3A_1919 = tpu.memref_squeeze %dma_start3A_1918 : memref<1x4x128xi32, #tpu.memory_space<vmem>> -> memref<4x128xi32, #tpu.memory_space<vmem>>
        %dma_start3A_1920 = arith.constant 0 : i32
        %dma_start3A_1921 = tpu.memref_slice %arg3[%add3A_1905, %mul3A_1907, %dma_start3A_1920] : memref<50x128x128xi32, #tpu.memory_space<hbm>> -> memref<1x4x128xi32, #tpu.memory_space<hbm>>
        %dma_start3A_1922 = tpu.memref_squeeze %dma_start3A_1921 : memref<1x4x128xi32, #tpu.memory_space<hbm>> -> memref<4x128xi32, #tpu.memory_space<hbm>>
        tpu.enqueue_dma source(%dma_start3A_1922 : memref<4x128xi32, #tpu.memory_space<hbm>>) target(%dma_start3A_1919 : memref<4x128xi32, #tpu.memory_space<vmem>>) target_semaphore(%arg12 : memref<!tpu.dma_semaphore, #tpu.memory_space<semaphore_mem>>)
      } else {
      }
      %gt3A = arith.constant 0 : i32
      %gt3A_1047 = arith.cmpi sgt, %scan3A_917, %gt3A : i32
      %convert_element_type3A_1048 = arith.extui %gt3A_1047 : i1 to i32
      %cond3A_1049 = arith.constant 0 : i32
      %cond3A_1050 = arith.cmpi ne, %convert_element_type3A_1048, %cond3A_1049 : i32
      scf.if %cond3A_1050 {
        %mul3A_1904 = arith.constant 4 : i32
        %mul3A_1905 = arith.muli %add3A, %mul3A_1904 : i32
        %add3A_1906 = arith.constant 0 : i32
        %add3A_1907 = arith.addi %mul3A_1905, %add3A_1906 : i32
        %dma_wait3A_1908 = arith.constant 0 : i32
        %dma_wait3A_1909 = arith.constant 0 : i32
        %dma_wait3A_1910 = arith.constant 0 : i32
        %dma_wait3A_1911 = arith.constant 0 : i32
        %dma_wait3A_1912 = arith.constant 0 : i32
        %dma_wait3A_1913 = arith.constant 0 : i32
        %dma_wait3A_1914 = tpu.memref_slice %arg7[%dma_wait3A_1908, %dma_wait3A_1909, %dma_wait3A_1910, %dma_wait3A_1912, %dma_wait3A_1913] : memref<2x4x5x8x129xf32, #tpu.memory_space<vmem>> -> memref<1x1x1x8x128xf32, #tpu.memory_space<vmem>>
        %dma_wait3A_1915 = tpu.memref_squeeze %dma_wait3A_1914 : memref<1x1x1x8x128xf32, #tpu.memory_space<vmem>> -> memref<8x128xf32, #tpu.memory_space<vmem>>
        %dma_wait3A_1916 = arith.constant 0 : i32
        %dma_wait3A_1917 = arith.constant 0 : i32
        %dma_wait3A_1918 = tpu.memref_slice %arg4[%add3A_921, %dma_wait3A_1911, %add3A_1907, %dma_wait3A_1916, %dma_wait3A_1917] : memref<50x4x128x8x128xf32, #tpu.memory_space<hbm>> -> memref<1x1x1x8x128xf32, #tpu.memory_space<hbm>>
        %dma_wait3A_1919 = tpu.memref_squeeze %dma_wait3A_1918 : memref<1x1x1x8x128xf32, #tpu.memory_space<hbm>> -> memref<8x128xf32, #tpu.memory_space<hbm>>
        %dma_wait3A_1920 = arith.constant 0 : i32
        %dma_wait3A_1921 = arith.constant 0 : i32
        %dma_wait3A_1922 = tpu.memref_slice %arg4[%add3A_921, %dma_wait3A_1911, %add3A_1907, %dma_wait3A_1920, %dma_wait3A_1921] : memref<50x4x128x8x128xf32, #tpu.memory_space<hbm>> -> memref<1x1x1x8x128xf32, #tpu.memory_space<hbm>>
        %dma_wait3A_1923 = tpu.memref_squeeze %dma_wait3A_1922 : memref<1x1x1x8x128xf32, #tpu.memory_space<hbm>> -> memref<8x128xf32, #tpu.memory_space<hbm>>
        %dma_wait3A_1924 = arith.constant 0 : i32
        %dma_wait3A_1925 = arith.constant 0 : i32
        %dma_wait3A_1926 = tpu.memref_slice %arg7[%dma_wait3A_1908, %dma_wait3A_1909, %dma_wait3A_1910, %dma_wait3A_1924, %dma_wait3A_1925] : memref<2x4x5x8x129xf32, #tpu.memory_space<vmem>> -> memref<1x1x1x8x128xf32, #tpu.memory_space<vmem>>
        %dma_wait3A_1927 = tpu.memref_squeeze %dma_wait3A_1926 : memref<1x1x1x8x128xf32, #tpu.memory_space<vmem>> -> memref<8x128xf32, #tpu.memory_space<vmem>>
        tpu.wait_dma2 semaphore(%arg10 : memref<!tpu.dma_semaphore, #tpu.memory_space<semaphore_mem>>) src(%dma_wait3A_1927 : memref<8x128xf32, #tpu.memory_space<vmem>>) dst(%dma_wait3A_1923 : memref<8x128xf32, #tpu.memory_space<hbm>>)
        %mul3A_1928 = arith.constant 4 : i32
        %mul3A_1929 = arith.muli %add3A, %mul3A_1928 : i32
        %add3A_1930 = arith.constant 1 : i32
        %add3A_1931 = arith.addi %mul3A_1929, %add3A_1930 : i32
        %dma_wait3A_1932 = arith.constant 0 : i32
        %dma_wait3A_1933 = arith.constant 0 : i32
        %dma_wait3A_1934 = arith.constant 1 : i32
        %dma_wait3A_1935 = arith.constant 0 : i32
        %dma_wait3A_1936 = arith.constant 0 : i32
        %dma_wait3A_1937 = arith.constant 0 : i32
        %dma_wait3A_1938 = tpu.memref_slice %arg7[%dma_wait3A_1932, %dma_wait3A_1933, %dma_wait3A_1934, %dma_wait3A_1936, %dma_wait3A_1937] : memref<2x4x5x8x129xf32, #tpu.memory_space<vmem>> -> memref<1x1x1x8x128xf32, #tpu.memory_space<vmem>>
        %dma_wait3A_1939 = tpu.memref_squeeze %dma_wait3A_1938 : memref<1x1x1x8x128xf32, #tpu.memory_space<vmem>> -> memref<8x128xf32, #tpu.memory_space<vmem>>
        %dma_wait3A_1940 = arith.constant 0 : i32
        %dma_wait3A_1941 = arith.constant 0 : i32
        %dma_wait3A_1942 = tpu.memref_slice %arg4[%add3A_921, %dma_wait3A_1935, %add3A_1931, %dma_wait3A_1940, %dma_wait3A_1941] : memref<50x4x128x8x128xf32, #tpu.memory_space<hbm>> -> memref<1x1x1x8x128xf32, #tpu.memory_space<hbm>>
        %dma_wait3A_1943 = tpu.memref_squeeze %dma_wait3A_1942 : memref<1x1x1x8x128xf32, #tpu.memory_space<hbm>> -> memref<8x128xf32, #tpu.memory_space<hbm>>
        %dma_wait3A_1944 = arith.constant 0 : i32
        %dma_wait3A_1945 = arith.constant 0 : i32
        %dma_wait3A_1946 = tpu.memref_slice %arg4[%add3A_921, %dma_wait3A_1935, %add3A_1931, %dma_wait3A_1944, %dma_wait3A_1945] : memref<50x4x128x8x128xf32, #tpu.memory_space<hbm>> -> memref<1x1x1x8x128xf32, #tpu.memory_space<hbm>>
        %dma_wait3A_1947 = tpu.memref_squeeze %dma_wait3A_1946 : memref<1x1x1x8x128xf32, #tpu.memory_space<hbm>> -> memref<8x128xf32, #tpu.memory_space<hbm>>
        %dma_wait3A_1948 = arith.constant 0 : i32
        %dma_wait3A_1949 = arith.constant 0 : i32
        %dma_wait3A_1950 = tpu.memref_slice %arg7[%dma_wait3A_1932, %dma_wait3A_1933, %dma_wait3A_1934, %dma_wait3A_1948, %dma_wait3A_1949] : memref<2x4x5x8x129xf32, #tpu.memory_space<vmem>> -> memref<1x1x1x8x128xf32, #tpu.memory_space<vmem>>
        %dma_wait3A_1951 = tpu.memref_squeeze %dma_wait3A_1950 : memref<1x1x1x8x128xf32, #tpu.memory_space<vmem>> -> memref<8x128xf32, #tpu.memory_space<vmem>>
        tpu.wait_dma2 semaphore(%arg10 : memref<!tpu.dma_semaphore, #tpu.memory_space<semaphore_mem>>) src(%dma_wait3A_1951 : memref<8x128xf32, #tpu.memory_space<vmem>>) dst(%dma_wait3A_1947 : memref<8x128xf32, #tpu.memory_space<hbm>>)
        %mul3A_1952 = arith.constant 4 : i32
        %mul3A_1953 = arith.muli %add3A, %mul3A_1952 : i32
        %add3A_1954 = arith.constant 2 : i32
        %add3A_1955 = arith.addi %mul3A_1953, %add3A_1954 : i32
        %dma_wait3A_1956 = arith.constant 0 : i32
        %dma_wait3A_1957 = arith.constant 0 : i32
        %dma_wait3A_1958 = arith.constant 2 : i32
        %dma_wait3A_1959 = arith.constant 0 : i32
        %dma_wait3A_1960 = arith.constant 0 : i32
        %dma_wait3A_1961 = arith.constant 0 : i32
        %dma_wait3A_1962 = tpu.memref_slice %arg7[%dma_wait3A_1956, %dma_wait3A_1957, %dma_wait3A_1958, %dma_wait3A_1960, %dma_wait3A_1961] : memref<2x4x5x8x129xf32, #tpu.memory_space<vmem>> -> memref<1x1x1x8x128xf32, #tpu.memory_space<vmem>>
        %dma_wait3A_1963 = tpu.memref_squeeze %dma_wait3A_1962 : memref<1x1x1x8x128xf32, #tpu.memory_space<vmem>> -> memref<8x128xf32, #tpu.memory_space<vmem>>
        %dma_wait3A_1964 = arith.constant 0 : i32
        %dma_wait3A_1965 = arith.constant 0 : i32
        %dma_wait3A_1966 = tpu.memref_slice %arg4[%add3A_921, %dma_wait3A_1959, %add3A_1955, %dma_wait3A_1964, %dma_wait3A_1965] : memref<50x4x128x8x128xf32, #tpu.memory_space<hbm>> -> memref<1x1x1x8x128xf32, #tpu.memory_space<hbm>>
        %dma_wait3A_1967 = tpu.memref_squeeze %dma_wait3A_1966 : memref<1x1x1x8x128xf32, #tpu.memory_space<hbm>> -> memref<8x128xf32, #tpu.memory_space<hbm>>
        %dma_wait3A_1968 = arith.constant 0 : i32
        %dma_wait3A_1969 = arith.constant 0 : i32
        %dma_wait3A_1970 = tpu.memref_slice %arg4[%add3A_921, %dma_wait3A_1959, %add3A_1955, %dma_wait3A_1968, %dma_wait3A_1969] : memref<50x4x128x8x128xf32, #tpu.memory_space<hbm>> -> memref<1x1x1x8x128xf32, #tpu.memory_space<hbm>>
        %dma_wait3A_1971 = tpu.memref_squeeze %dma_wait3A_1970 : memref<1x1x1x8x128xf32, #tpu.memory_space<hbm>> -> memref<8x128xf32, #tpu.memory_space<hbm>>
        %dma_wait3A_1972 = arith.constant 0 : i32
        %dma_wait3A_1973 = arith.constant 0 : i32
        %dma_wait3A_1974 = tpu.memref_slice %arg7[%dma_wait3A_1956, %dma_wait3A_1957, %dma_wait3A_1958, %dma_wait3A_1972, %dma_wait3A_1973] : memref<2x4x5x8x129xf32, #tpu.memory_space<vmem>> -> memref<1x1x1x8x128xf32, #tpu.memory_space<vmem>>
        %dma_wait3A_1975 = tpu.memref_squeeze %dma_wait3A_1974 : memref<1x1x1x8x128xf32, #tpu.memory_space<vmem>> -> memref<8x128xf32, #tpu.memory_space<vmem>>
        tpu.wait_dma2 semaphore(%arg10 : memref<!tpu.dma_semaphore, #tpu.memory_space<semaphore_mem>>) src(%dma_wait3A_1975 : memref<8x128xf32, #tpu.memory_space<vmem>>) dst(%dma_wait3A_1971 : memref<8x128xf32, #tpu.memory_space<hbm>>)
        %mul3A_1976 = arith.constant 4 : i32
        %mul3A_1977 = arith.muli %add3A, %mul3A_1976 : i32
        %add3A_1978 = arith.constant 3 : i32
        %add3A_1979 = arith.addi %mul3A_1977, %add3A_1978 : i32
        %dma_wait3A_1980 = arith.constant 0 : i32
        %dma_wait3A_1981 = arith.constant 0 : i32
        %dma_wait3A_1982 = arith.constant 3 : i32
        %dma_wait3A_1983 = arith.constant 0 : i32
        %dma_wait3A_1984 = arith.constant 0 : i32
        %dma_wait3A_1985 = arith.constant 0 : i32
        %dma_wait3A_1986 = tpu.memref_slice %arg7[%dma_wait3A_1980, %dma_wait3A_1981, %dma_wait3A_1982, %dma_wait3A_1984, %dma_wait3A_1985] : memref<2x4x5x8x129xf32, #tpu.memory_space<vmem>> -> memref<1x1x1x8x128xf32, #tpu.memory_space<vmem>>
        %dma_wait3A_1987 = tpu.memref_squeeze %dma_wait3A_1986 : memref<1x1x1x8x128xf32, #tpu.memory_space<vmem>> -> memref<8x128xf32, #tpu.memory_space<vmem>>
        %dma_wait3A_1988 = arith.constant 0 : i32
        %dma_wait3A_1989 = arith.constant 0 : i32
        %dma_wait3A_1990 = tpu.memref_slice %arg4[%add3A_921, %dma_wait3A_1983, %add3A_1979, %dma_wait3A_1988, %dma_wait3A_1989] : memref<50x4x128x8x128xf32, #tpu.memory_space<hbm>> -> memref<1x1x1x8x128xf32, #tpu.memory_space<hbm>>
        %dma_wait3A_1991 = tpu.memref_squeeze %dma_wait3A_1990 : memref<1x1x1x8x128xf32, #tpu.memory_space<hbm>> -> memref<8x128xf32, #tpu.memory_space<hbm>>
        %dma_wait3A_1992 = arith.constant 0 : i32
        %dma_wait3A_1993 = arith.constant 0 : i32
        %dma_wait3A_1994 = tpu.memref_slice %arg4[%add3A_921, %dma_wait3A_1983, %add3A_1979, %dma_wait3A_1992, %dma_wait3A_1993] : memref<50x4x128x8x128xf32, #tpu.memory_space<hbm>> -> memref<1x1x1x8x128xf32, #tpu.memory_space<hbm>>
        %dma_wait3A_1995 = tpu.memref_squeeze %dma_wait3A_1994 : memref<1x1x1x8x128xf32, #tpu.memory_space<hbm>> -> memref<8x128xf32, #tpu.memory_space<hbm>>
        %dma_wait3A_1996 = arith.constant 0 : i32
        %dma_wait3A_1997 = arith.constant 0 : i32
        %dma_wait3A_1998 = tpu.memref_slice %arg7[%dma_wait3A_1980, %dma_wait3A_1981, %dma_wait3A_1982, %dma_wait3A_1996, %dma_wait3A_1997] : memref<2x4x5x8x129xf32, #tpu.memory_space<vmem>> -> memref<1x1x1x8x128xf32, #tpu.memory_space<vmem>>
        %dma_wait3A_1999 = tpu.memref_squeeze %dma_wait3A_1998 : memref<1x1x1x8x128xf32, #tpu.memory_space<vmem>> -> memref<8x128xf32, #tpu.memory_space<vmem>>
        tpu.wait_dma2 semaphore(%arg10 : memref<!tpu.dma_semaphore, #tpu.memory_space<semaphore_mem>>) src(%dma_wait3A_1999 : memref<8x128xf32, #tpu.memory_space<vmem>>) dst(%dma_wait3A_1995 : memref<8x128xf32, #tpu.memory_space<hbm>>)
        %mul3A_2000 = arith.constant 4 : i32
        %mul3A_2001 = arith.muli %add3A, %mul3A_2000 : i32
        %add3A_2002 = arith.constant 0 : i32
        %add3A_2003 = arith.addi %mul3A_2001, %add3A_2002 : i32
        %dma_wait3A_2004 = arith.constant 0 : i32
        %dma_wait3A_2005 = arith.constant 1 : i32
        %dma_wait3A_2006 = arith.constant 0 : i32
        %dma_wait3A_2007 = arith.constant 1 : i32
        %dma_wait3A_2008 = arith.constant 0 : i32
        %dma_wait3A_2009 = arith.constant 0 : i32
        %dma_wait3A_2010 = tpu.memref_slice %arg7[%dma_wait3A_2004, %dma_wait3A_2005, %dma_wait3A_2006, %dma_wait3A_2008, %dma_wait3A_2009] : memref<2x4x5x8x129xf32, #tpu.memory_space<vmem>> -> memref<1x1x1x8x128xf32, #tpu.memory_space<vmem>>
        %dma_wait3A_2011 = tpu.memref_squeeze %dma_wait3A_2010 : memref<1x1x1x8x128xf32, #tpu.memory_space<vmem>> -> memref<8x128xf32, #tpu.memory_space<vmem>>
        %dma_wait3A_2012 = arith.constant 0 : i32
        %dma_wait3A_2013 = arith.constant 0 : i32
        %dma_wait3A_2014 = tpu.memref_slice %arg4[%add3A_921, %dma_wait3A_2007, %add3A_2003, %dma_wait3A_2012, %dma_wait3A_2013] : memref<50x4x128x8x128xf32, #tpu.memory_space<hbm>> -> memref<1x1x1x8x128xf32, #tpu.memory_space<hbm>>
        %dma_wait3A_2015 = tpu.memref_squeeze %dma_wait3A_2014 : memref<1x1x1x8x128xf32, #tpu.memory_space<hbm>> -> memref<8x128xf32, #tpu.memory_space<hbm>>
        %dma_wait3A_2016 = arith.constant 0 : i32
        %dma_wait3A_2017 = arith.constant 0 : i32
        %dma_wait3A_2018 = tpu.memref_slice %arg4[%add3A_921, %dma_wait3A_2007, %add3A_2003, %dma_wait3A_2016, %dma_wait3A_2017] : memref<50x4x128x8x128xf32, #tpu.memory_space<hbm>> -> memref<1x1x1x8x128xf32, #tpu.memory_space<hbm>>
        %dma_wait3A_2019 = tpu.memref_squeeze %dma_wait3A_2018 : memref<1x1x1x8x128xf32, #tpu.memory_space<hbm>> -> memref<8x128xf32, #tpu.memory_space<hbm>>
        %dma_wait3A_2020 = arith.constant 0 : i32
        %dma_wait3A_2021 = arith.constant 0 : i32
        %dma_wait3A_2022 = tpu.memref_slice %arg7[%dma_wait3A_2004, %dma_wait3A_2005, %dma_wait3A_2006, %dma_wait3A_2020, %dma_wait3A_2021] : memref<2x4x5x8x129xf32, #tpu.memory_space<vmem>> -> memref<1x1x1x8x128xf32, #tpu.memory_space<vmem>>
        %dma_wait3A_2023 = tpu.memref_squeeze %dma_wait3A_2022 : memref<1x1x1x8x128xf32, #tpu.memory_space<vmem>> -> memref<8x128xf32, #tpu.memory_space<vmem>>
        tpu.wait_dma2 semaphore(%arg10 : memref<!tpu.dma_semaphore, #tpu.memory_space<semaphore_mem>>) src(%dma_wait3A_2023 : memref<8x128xf32, #tpu.memory_space<vmem>>) dst(%dma_wait3A_2019 : memref<8x128xf32, #tpu.memory_space<hbm>>)
        %mul3A_2024 = arith.constant 4 : i32
        %mul3A_2025 = arith.muli %add3A, %mul3A_2024 : i32
        %add3A_2026 = arith.constant 1 : i32
        %add3A_2027 = arith.addi %mul3A_2025, %add3A_2026 : i32
        %dma_wait3A_2028 = arith.constant 0 : i32
        %dma_wait3A_2029 = arith.constant 1 : i32
        %dma_wait3A_2030 = arith.constant 1 : i32
        %dma_wait3A_2031 = arith.constant 1 : i32
        %dma_wait3A_2032 = arith.constant 0 : i32
        %dma_wait3A_2033 = arith.constant 0 : i32
        %dma_wait3A_2034 = tpu.memref_slice %arg7[%dma_wait3A_2028, %dma_wait3A_2029, %dma_wait3A_2030, %dma_wait3A_2032, %dma_wait3A_2033] : memref<2x4x5x8x129xf32, #tpu.memory_space<vmem>> -> memref<1x1x1x8x128xf32, #tpu.memory_space<vmem>>
        %dma_wait3A_2035 = tpu.memref_squeeze %dma_wait3A_2034 : memref<1x1x1x8x128xf32, #tpu.memory_space<vmem>> -> memref<8x128xf32, #tpu.memory_space<vmem>>
        %dma_wait3A_2036 = arith.constant 0 : i32
        %dma_wait3A_2037 = arith.constant 0 : i32
        %dma_wait3A_2038 = tpu.memref_slice %arg4[%add3A_921, %dma_wait3A_2031, %add3A_2027, %dma_wait3A_2036, %dma_wait3A_2037] : memref<50x4x128x8x128xf32, #tpu.memory_space<hbm>> -> memref<1x1x1x8x128xf32, #tpu.memory_space<hbm>>
        %dma_wait3A_2039 = tpu.memref_squeeze %dma_wait3A_2038 : memref<1x1x1x8x128xf32, #tpu.memory_space<hbm>> -> memref<8x128xf32, #tpu.memory_space<hbm>>
        %dma_wait3A_2040 = arith.constant 0 : i32
        %dma_wait3A_2041 = arith.constant 0 : i32
        %dma_wait3A_2042 = tpu.memref_slice %arg4[%add3A_921, %dma_wait3A_2031, %add3A_2027, %dma_wait3A_2040, %dma_wait3A_2041] : memref<50x4x128x8x128xf32, #tpu.memory_space<hbm>> -> memref<1x1x1x8x128xf32, #tpu.memory_space<hbm>>
        %dma_wait3A_2043 = tpu.memref_squeeze %dma_wait3A_2042 : memref<1x1x1x8x128xf32, #tpu.memory_space<hbm>> -> memref<8x128xf32, #tpu.memory_space<hbm>>
        %dma_wait3A_2044 = arith.constant 0 : i32
        %dma_wait3A_2045 = arith.constant 0 : i32
        %dma_wait3A_2046 = tpu.memref_slice %arg7[%dma_wait3A_2028, %dma_wait3A_2029, %dma_wait3A_2030, %dma_wait3A_2044, %dma_wait3A_2045] : memref<2x4x5x8x129xf32, #tpu.memory_space<vmem>> -> memref<1x1x1x8x128xf32, #tpu.memory_space<vmem>>
        %dma_wait3A_2047 = tpu.memref_squeeze %dma_wait3A_2046 : memref<1x1x1x8x128xf32, #tpu.memory_space<vmem>> -> memref<8x128xf32, #tpu.memory_space<vmem>>
        tpu.wait_dma2 semaphore(%arg10 : memref<!tpu.dma_semaphore, #tpu.memory_space<semaphore_mem>>) src(%dma_wait3A_2047 : memref<8x128xf32, #tpu.memory_space<vmem>>) dst(%dma_wait3A_2043 : memref<8x128xf32, #tpu.memory_space<hbm>>)
        %mul3A_2048 = arith.constant 4 : i32
        %mul3A_2049 = arith.muli %add3A, %mul3A_2048 : i32
        %add3A_2050 = arith.constant 2 : i32
        %add3A_2051 = arith.addi %mul3A_2049, %add3A_2050 : i32
        %dma_wait3A_2052 = arith.constant 0 : i32
        %dma_wait3A_2053 = arith.constant 1 : i32
        %dma_wait3A_2054 = arith.constant 2 : i32
        %dma_wait3A_2055 = arith.constant 1 : i32
        %dma_wait3A_2056 = arith.constant 0 : i32
        %dma_wait3A_2057 = arith.constant 0 : i32
        %dma_wait3A_2058 = tpu.memref_slice %arg7[%dma_wait3A_2052, %dma_wait3A_2053, %dma_wait3A_2054, %dma_wait3A_2056, %dma_wait3A_2057] : memref<2x4x5x8x129xf32, #tpu.memory_space<vmem>> -> memref<1x1x1x8x128xf32, #tpu.memory_space<vmem>>
        %dma_wait3A_2059 = tpu.memref_squeeze %dma_wait3A_2058 : memref<1x1x1x8x128xf32, #tpu.memory_space<vmem>> -> memref<8x128xf32, #tpu.memory_space<vmem>>
        %dma_wait3A_2060 = arith.constant 0 : i32
        %dma_wait3A_2061 = arith.constant 0 : i32
        %dma_wait3A_2062 = tpu.memref_slice %arg4[%add3A_921, %dma_wait3A_2055, %add3A_2051, %dma_wait3A_2060, %dma_wait3A_2061] : memref<50x4x128x8x128xf32, #tpu.memory_space<hbm>> -> memref<1x1x1x8x128xf32, #tpu.memory_space<hbm>>
        %dma_wait3A_2063 = tpu.memref_squeeze %dma_wait3A_2062 : memref<1x1x1x8x128xf32, #tpu.memory_space<hbm>> -> memref<8x128xf32, #tpu.memory_space<hbm>>
        %dma_wait3A_2064 = arith.constant 0 : i32
        %dma_wait3A_2065 = arith.constant 0 : i32
        %dma_wait3A_2066 = tpu.memref_slice %arg4[%add3A_921, %dma_wait3A_2055, %add3A_2051, %dma_wait3A_2064, %dma_wait3A_2065] : memref<50x4x128x8x128xf32, #tpu.memory_space<hbm>> -> memref<1x1x1x8x128xf32, #tpu.memory_space<hbm>>
        %dma_wait3A_2067 = tpu.memref_squeeze %dma_wait3A_2066 : memref<1x1x1x8x128xf32, #tpu.memory_space<hbm>> -> memref<8x128xf32, #tpu.memory_space<hbm>>
        %dma_wait3A_2068 = arith.constant 0 : i32
        %dma_wait3A_2069 = arith.constant 0 : i32
        %dma_wait3A_2070 = tpu.memref_slice %arg7[%dma_wait3A_2052, %dma_wait3A_2053, %dma_wait3A_2054, %dma_wait3A_2068, %dma_wait3A_2069] : memref<2x4x5x8x129xf32, #tpu.memory_space<vmem>> -> memref<1x1x1x8x128xf32, #tpu.memory_space<vmem>>
        %dma_wait3A_2071 = tpu.memref_squeeze %dma_wait3A_2070 : memref<1x1x1x8x128xf32, #tpu.memory_space<vmem>> -> memref<8x128xf32, #tpu.memory_space<vmem>>
        tpu.wait_dma2 semaphore(%arg10 : memref<!tpu.dma_semaphore, #tpu.memory_space<semaphore_mem>>) src(%dma_wait3A_2071 : memref<8x128xf32, #tpu.memory_space<vmem>>) dst(%dma_wait3A_2067 : memref<8x128xf32, #tpu.memory_space<hbm>>)
        %mul3A_2072 = arith.constant 4 : i32
        %mul3A_2073 = arith.muli %add3A, %mul3A_2072 : i32
        %add3A_2074 = arith.constant 3 : i32
        %add3A_2075 = arith.addi %mul3A_2073, %add3A_2074 : i32
        %dma_wait3A_2076 = arith.constant 0 : i32
        %dma_wait3A_2077 = arith.constant 1 : i32
        %dma_wait3A_2078 = arith.constant 3 : i32
        %dma_wait3A_2079 = arith.constant 1 : i32
        %dma_wait3A_2080 = arith.constant 0 : i32
        %dma_wait3A_2081 = arith.constant 0 : i32
        %dma_wait3A_2082 = tpu.memref_slice %arg7[%dma_wait3A_2076, %dma_wait3A_2077, %dma_wait3A_2078, %dma_wait3A_2080, %dma_wait3A_2081] : memref<2x4x5x8x129xf32, #tpu.memory_space<vmem>> -> memref<1x1x1x8x128xf32, #tpu.memory_space<vmem>>
        %dma_wait3A_2083 = tpu.memref_squeeze %dma_wait3A_2082 : memref<1x1x1x8x128xf32, #tpu.memory_space<vmem>> -> memref<8x128xf32, #tpu.memory_space<vmem>>
        %dma_wait3A_2084 = arith.constant 0 : i32
        %dma_wait3A_2085 = arith.constant 0 : i32
        %dma_wait3A_2086 = tpu.memref_slice %arg4[%add3A_921, %dma_wait3A_2079, %add3A_2075, %dma_wait3A_2084, %dma_wait3A_2085] : memref<50x4x128x8x128xf32, #tpu.memory_space<hbm>> -> memref<1x1x1x8x128xf32, #tpu.memory_space<hbm>>
        %dma_wait3A_2087 = tpu.memref_squeeze %dma_wait3A_2086 : memref<1x1x1x8x128xf32, #tpu.memory_space<hbm>> -> memref<8x128xf32, #tpu.memory_space<hbm>>
        %dma_wait3A_2088 = arith.constant 0 : i32
        %dma_wait3A_2089 = arith.constant 0 : i32
        %dma_wait3A_2090 = tpu.memref_slice %arg4[%add3A_921, %dma_wait3A_2079, %add3A_2075, %dma_wait3A_2088, %dma_wait3A_2089] : memref<50x4x128x8x128xf32, #tpu.memory_space<hbm>> -> memref<1x1x1x8x128xf32, #tpu.memory_space<hbm>>
        %dma_wait3A_2091 = tpu.memref_squeeze %dma_wait3A_2090 : memref<1x1x1x8x128xf32, #tpu.memory_space<hbm>> -> memref<8x128xf32, #tpu.memory_space<hbm>>
        %dma_wait3A_2092 = arith.constant 0 : i32
        %dma_wait3A_2093 = arith.constant 0 : i32
        %dma_wait3A_2094 = tpu.memref_slice %arg7[%dma_wait3A_2076, %dma_wait3A_2077, %dma_wait3A_2078, %dma_wait3A_2092, %dma_wait3A_2093] : memref<2x4x5x8x129xf32, #tpu.memory_space<vmem>> -> memref<1x1x1x8x128xf32, #tpu.memory_space<vmem>>
        %dma_wait3A_2095 = tpu.memref_squeeze %dma_wait3A_2094 : memref<1x1x1x8x128xf32, #tpu.memory_space<vmem>> -> memref<8x128xf32, #tpu.memory_space<vmem>>
        tpu.wait_dma2 semaphore(%arg10 : memref<!tpu.dma_semaphore, #tpu.memory_space<semaphore_mem>>) src(%dma_wait3A_2095 : memref<8x128xf32, #tpu.memory_space<vmem>>) dst(%dma_wait3A_2091 : memref<8x128xf32, #tpu.memory_space<hbm>>)
        %mul3A_2096 = arith.constant 4 : i32
        %mul3A_2097 = arith.muli %add3A, %mul3A_2096 : i32
        %add3A_2098 = arith.constant 0 : i32
        %add3A_2099 = arith.addi %mul3A_2097, %add3A_2098 : i32
        %dma_wait3A_2100 = arith.constant 0 : i32
        %dma_wait3A_2101 = arith.constant 2 : i32
        %dma_wait3A_2102 = arith.constant 0 : i32
        %dma_wait3A_2103 = arith.constant 2 : i32
        %dma_wait3A_2104 = arith.constant 0 : i32
        %dma_wait3A_2105 = arith.constant 0 : i32
        %dma_wait3A_2106 = tpu.memref_slice %arg7[%dma_wait3A_2100, %dma_wait3A_2101, %dma_wait3A_2102, %dma_wait3A_2104, %dma_wait3A_2105] : memref<2x4x5x8x129xf32, #tpu.memory_space<vmem>> -> memref<1x1x1x8x128xf32, #tpu.memory_space<vmem>>
        %dma_wait3A_2107 = tpu.memref_squeeze %dma_wait3A_2106 : memref<1x1x1x8x128xf32, #tpu.memory_space<vmem>> -> memref<8x128xf32, #tpu.memory_space<vmem>>
        %dma_wait3A_2108 = arith.constant 0 : i32
        %dma_wait3A_2109 = arith.constant 0 : i32
        %dma_wait3A_2110 = tpu.memref_slice %arg4[%add3A_921, %dma_wait3A_2103, %add3A_2099, %dma_wait3A_2108, %dma_wait3A_2109] : memref<50x4x128x8x128xf32, #tpu.memory_space<hbm>> -> memref<1x1x1x8x128xf32, #tpu.memory_space<hbm>>
        %dma_wait3A_2111 = tpu.memref_squeeze %dma_wait3A_2110 : memref<1x1x1x8x128xf32, #tpu.memory_space<hbm>> -> memref<8x128xf32, #tpu.memory_space<hbm>>
        %dma_wait3A_2112 = arith.constant 0 : i32
        %dma_wait3A_2113 = arith.constant 0 : i32
        %dma_wait3A_2114 = tpu.memref_slice %arg4[%add3A_921, %dma_wait3A_2103, %add3A_2099, %dma_wait3A_2112, %dma_wait3A_2113] : memref<50x4x128x8x128xf32, #tpu.memory_space<hbm>> -> memref<1x1x1x8x128xf32, #tpu.memory_space<hbm>>
        %dma_wait3A_2115 = tpu.memref_squeeze %dma_wait3A_2114 : memref<1x1x1x8x128xf32, #tpu.memory_space<hbm>> -> memref<8x128xf32, #tpu.memory_space<hbm>>
        %dma_wait3A_2116 = arith.constant 0 : i32
        %dma_wait3A_2117 = arith.constant 0 : i32
        %dma_wait3A_2118 = tpu.memref_slice %arg7[%dma_wait3A_2100, %dma_wait3A_2101, %dma_wait3A_2102, %dma_wait3A_2116, %dma_wait3A_2117] : memref<2x4x5x8x129xf32, #tpu.memory_space<vmem>> -> memref<1x1x1x8x128xf32, #tpu.memory_space<vmem>>
        %dma_wait3A_2119 = tpu.memref_squeeze %dma_wait3A_2118 : memref<1x1x1x8x128xf32, #tpu.memory_space<vmem>> -> memref<8x128xf32, #tpu.memory_space<vmem>>
        tpu.wait_dma2 semaphore(%arg10 : memref<!tpu.dma_semaphore, #tpu.memory_space<semaphore_mem>>) src(%dma_wait3A_2119 : memref<8x128xf32, #tpu.memory_space<vmem>>) dst(%dma_wait3A_2115 : memref<8x128xf32, #tpu.memory_space<hbm>>)
        %mul3A_2120 = arith.constant 4 : i32
        %mul3A_2121 = arith.muli %add3A, %mul3A_2120 : i32
        %add3A_2122 = arith.constant 1 : i32
        %add3A_2123 = arith.addi %mul3A_2121, %add3A_2122 : i32
        %dma_wait3A_2124 = arith.constant 0 : i32
        %dma_wait3A_2125 = arith.constant 2 : i32
        %dma_wait3A_2126 = arith.constant 1 : i32
        %dma_wait3A_2127 = arith.constant 2 : i32
        %dma_wait3A_2128 = arith.constant 0 : i32
        %dma_wait3A_2129 = arith.constant 0 : i32
        %dma_wait3A_2130 = tpu.memref_slice %arg7[%dma_wait3A_2124, %dma_wait3A_2125, %dma_wait3A_2126, %dma_wait3A_2128, %dma_wait3A_2129] : memref<2x4x5x8x129xf32, #tpu.memory_space<vmem>> -> memref<1x1x1x8x128xf32, #tpu.memory_space<vmem>>
        %dma_wait3A_2131 = tpu.memref_squeeze %dma_wait3A_2130 : memref<1x1x1x8x128xf32, #tpu.memory_space<vmem>> -> memref<8x128xf32, #tpu.memory_space<vmem>>
        %dma_wait3A_2132 = arith.constant 0 : i32
        %dma_wait3A_2133 = arith.constant 0 : i32
        %dma_wait3A_2134 = tpu.memref_slice %arg4[%add3A_921, %dma_wait3A_2127, %add3A_2123, %dma_wait3A_2132, %dma_wait3A_2133] : memref<50x4x128x8x128xf32, #tpu.memory_space<hbm>> -> memref<1x1x1x8x128xf32, #tpu.memory_space<hbm>>
        %dma_wait3A_2135 = tpu.memref_squeeze %dma_wait3A_2134 : memref<1x1x1x8x128xf32, #tpu.memory_space<hbm>> -> memref<8x128xf32, #tpu.memory_space<hbm>>
        %dma_wait3A_2136 = arith.constant 0 : i32
        %dma_wait3A_2137 = arith.constant 0 : i32
        %dma_wait3A_2138 = tpu.memref_slice %arg4[%add3A_921, %dma_wait3A_2127, %add3A_2123, %dma_wait3A_2136, %dma_wait3A_2137] : memref<50x4x128x8x128xf32, #tpu.memory_space<hbm>> -> memref<1x1x1x8x128xf32, #tpu.memory_space<hbm>>
        %dma_wait3A_2139 = tpu.memref_squeeze %dma_wait3A_2138 : memref<1x1x1x8x128xf32, #tpu.memory_space<hbm>> -> memref<8x128xf32, #tpu.memory_space<hbm>>
        %dma_wait3A_2140 = arith.constant 0 : i32
        %dma_wait3A_2141 = arith.constant 0 : i32
        %dma_wait3A_2142 = tpu.memref_slice %arg7[%dma_wait3A_2124, %dma_wait3A_2125, %dma_wait3A_2126, %dma_wait3A_2140, %dma_wait3A_2141] : memref<2x4x5x8x129xf32, #tpu.memory_space<vmem>> -> memref<1x1x1x8x128xf32, #tpu.memory_space<vmem>>
        %dma_wait3A_2143 = tpu.memref_squeeze %dma_wait3A_2142 : memref<1x1x1x8x128xf32, #tpu.memory_space<vmem>> -> memref<8x128xf32, #tpu.memory_space<vmem>>
        tpu.wait_dma2 semaphore(%arg10 : memref<!tpu.dma_semaphore, #tpu.memory_space<semaphore_mem>>) src(%dma_wait3A_2143 : memref<8x128xf32, #tpu.memory_space<vmem>>) dst(%dma_wait3A_2139 : memref<8x128xf32, #tpu.memory_space<hbm>>)
        %mul3A_2144 = arith.constant 4 : i32
        %mul3A_2145 = arith.muli %add3A, %mul3A_2144 : i32
        %add3A_2146 = arith.constant 2 : i32
        %add3A_2147 = arith.addi %mul3A_2145, %add3A_2146 : i32
        %dma_wait3A_2148 = arith.constant 0 : i32
        %dma_wait3A_2149 = arith.constant 2 : i32
        %dma_wait3A_2150 = arith.constant 2 : i32
        %dma_wait3A_2151 = arith.constant 2 : i32
        %dma_wait3A_2152 = arith.constant 0 : i32
        %dma_wait3A_2153 = arith.constant 0 : i32
        %dma_wait3A_2154 = tpu.memref_slice %arg7[%dma_wait3A_2148, %dma_wait3A_2149, %dma_wait3A_2150, %dma_wait3A_2152, %dma_wait3A_2153] : memref<2x4x5x8x129xf32, #tpu.memory_space<vmem>> -> memref<1x1x1x8x128xf32, #tpu.memory_space<vmem>>
        %dma_wait3A_2155 = tpu.memref_squeeze %dma_wait3A_2154 : memref<1x1x1x8x128xf32, #tpu.memory_space<vmem>> -> memref<8x128xf32, #tpu.memory_space<vmem>>
        %dma_wait3A_2156 = arith.constant 0 : i32
        %dma_wait3A_2157 = arith.constant 0 : i32
        %dma_wait3A_2158 = tpu.memref_slice %arg4[%add3A_921, %dma_wait3A_2151, %add3A_2147, %dma_wait3A_2156, %dma_wait3A_2157] : memref<50x4x128x8x128xf32, #tpu.memory_space<hbm>> -> memref<1x1x1x8x128xf32, #tpu.memory_space<hbm>>
        %dma_wait3A_2159 = tpu.memref_squeeze %dma_wait3A_2158 : memref<1x1x1x8x128xf32, #tpu.memory_space<hbm>> -> memref<8x128xf32, #tpu.memory_space<hbm>>
        %dma_wait3A_2160 = arith.constant 0 : i32
        %dma_wait3A_2161 = arith.constant 0 : i32
        %dma_wait3A_2162 = tpu.memref_slice %arg4[%add3A_921, %dma_wait3A_2151, %add3A_2147, %dma_wait3A_2160, %dma_wait3A_2161] : memref<50x4x128x8x128xf32, #tpu.memory_space<hbm>> -> memref<1x1x1x8x128xf32, #tpu.memory_space<hbm>>
        %dma_wait3A_2163 = tpu.memref_squeeze %dma_wait3A_2162 : memref<1x1x1x8x128xf32, #tpu.memory_space<hbm>> -> memref<8x128xf32, #tpu.memory_space<hbm>>
        %dma_wait3A_2164 = arith.constant 0 : i32
        %dma_wait3A_2165 = arith.constant 0 : i32
        %dma_wait3A_2166 = tpu.memref_slice %arg7[%dma_wait3A_2148, %dma_wait3A_2149, %dma_wait3A_2150, %dma_wait3A_2164, %dma_wait3A_2165] : memref<2x4x5x8x129xf32, #tpu.memory_space<vmem>> -> memref<1x1x1x8x128xf32, #tpu.memory_space<vmem>>
        %dma_wait3A_2167 = tpu.memref_squeeze %dma_wait3A_2166 : memref<1x1x1x8x128xf32, #tpu.memory_space<vmem>> -> memref<8x128xf32, #tpu.memory_space<vmem>>
        tpu.wait_dma2 semaphore(%arg10 : memref<!tpu.dma_semaphore, #tpu.memory_space<semaphore_mem>>) src(%dma_wait3A_2167 : memref<8x128xf32, #tpu.memory_space<vmem>>) dst(%dma_wait3A_2163 : memref<8x128xf32, #tpu.memory_space<hbm>>)
        %mul3A_2168 = arith.constant 4 : i32
        %mul3A_2169 = arith.muli %add3A, %mul3A_2168 : i32
        %add3A_2170 = arith.constant 3 : i32
        %add3A_2171 = arith.addi %mul3A_2169, %add3A_2170 : i32
        %dma_wait3A_2172 = arith.constant 0 : i32
        %dma_wait3A_2173 = arith.constant 2 : i32
        %dma_wait3A_2174 = arith.constant 3 : i32
        %dma_wait3A_2175 = arith.constant 2 : i32
        %dma_wait3A_2176 = arith.constant 0 : i32
        %dma_wait3A_2177 = arith.constant 0 : i32
        %dma_wait3A_2178 = tpu.memref_slice %arg7[%dma_wait3A_2172, %dma_wait3A_2173, %dma_wait3A_2174, %dma_wait3A_2176, %dma_wait3A_2177] : memref<2x4x5x8x129xf32, #tpu.memory_space<vmem>> -> memref<1x1x1x8x128xf32, #tpu.memory_space<vmem>>
        %dma_wait3A_2179 = tpu.memref_squeeze %dma_wait3A_2178 : memref<1x1x1x8x128xf32, #tpu.memory_space<vmem>> -> memref<8x128xf32, #tpu.memory_space<vmem>>
        %dma_wait3A_2180 = arith.constant 0 : i32
        %dma_wait3A_2181 = arith.constant 0 : i32
        %dma_wait3A_2182 = tpu.memref_slice %arg4[%add3A_921, %dma_wait3A_2175, %add3A_2171, %dma_wait3A_2180, %dma_wait3A_2181] : memref<50x4x128x8x128xf32, #tpu.memory_space<hbm>> -> memref<1x1x1x8x128xf32, #tpu.memory_space<hbm>>
        %dma_wait3A_2183 = tpu.memref_squeeze %dma_wait3A_2182 : memref<1x1x1x8x128xf32, #tpu.memory_space<hbm>> -> memref<8x128xf32, #tpu.memory_space<hbm>>
        %dma_wait3A_2184 = arith.constant 0 : i32
        %dma_wait3A_2185 = arith.constant 0 : i32
        %dma_wait3A_2186 = tpu.memref_slice %arg4[%add3A_921, %dma_wait3A_2175, %add3A_2171, %dma_wait3A_2184, %dma_wait3A_2185] : memref<50x4x128x8x128xf32, #tpu.memory_space<hbm>> -> memref<1x1x1x8x128xf32, #tpu.memory_space<hbm>>
        %dma_wait3A_2187 = tpu.memref_squeeze %dma_wait3A_2186 : memref<1x1x1x8x128xf32, #tpu.memory_space<hbm>> -> memref<8x128xf32, #tpu.memory_space<hbm>>
        %dma_wait3A_2188 = arith.constant 0 : i32
        %dma_wait3A_2189 = arith.constant 0 : i32
        %dma_wait3A_2190 = tpu.memref_slice %arg7[%dma_wait3A_2172, %dma_wait3A_2173, %dma_wait3A_2174, %dma_wait3A_2188, %dma_wait3A_2189] : memref<2x4x5x8x129xf32, #tpu.memory_space<vmem>> -> memref<1x1x1x8x128xf32, #tpu.memory_space<vmem>>
        %dma_wait3A_2191 = tpu.memref_squeeze %dma_wait3A_2190 : memref<1x1x1x8x128xf32, #tpu.memory_space<vmem>> -> memref<8x128xf32, #tpu.memory_space<vmem>>
        tpu.wait_dma2 semaphore(%arg10 : memref<!tpu.dma_semaphore, #tpu.memory_space<semaphore_mem>>) src(%dma_wait3A_2191 : memref<8x128xf32, #tpu.memory_space<vmem>>) dst(%dma_wait3A_2187 : memref<8x128xf32, #tpu.memory_space<hbm>>)
        %mul3A_2192 = arith.constant 4 : i32
        %mul3A_2193 = arith.muli %add3A, %mul3A_2192 : i32
        %add3A_2194 = arith.constant 0 : i32
        %add3A_2195 = arith.addi %mul3A_2193, %add3A_2194 : i32
        %dma_wait3A_2196 = arith.constant 0 : i32
        %dma_wait3A_2197 = arith.constant 3 : i32
        %dma_wait3A_2198 = arith.constant 0 : i32
        %dma_wait3A_2199 = arith.constant 3 : i32
        %dma_wait3A_2200 = arith.constant 0 : i32
        %dma_wait3A_2201 = arith.constant 0 : i32
        %dma_wait3A_2202 = tpu.memref_slice %arg7[%dma_wait3A_2196, %dma_wait3A_2197, %dma_wait3A_2198, %dma_wait3A_2200, %dma_wait3A_2201] : memref<2x4x5x8x129xf32, #tpu.memory_space<vmem>> -> memref<1x1x1x8x128xf32, #tpu.memory_space<vmem>>
        %dma_wait3A_2203 = tpu.memref_squeeze %dma_wait3A_2202 : memref<1x1x1x8x128xf32, #tpu.memory_space<vmem>> -> memref<8x128xf32, #tpu.memory_space<vmem>>
        %dma_wait3A_2204 = arith.constant 0 : i32
        %dma_wait3A_2205 = arith.constant 0 : i32
        %dma_wait3A_2206 = tpu.memref_slice %arg4[%add3A_921, %dma_wait3A_2199, %add3A_2195, %dma_wait3A_2204, %dma_wait3A_2205] : memref<50x4x128x8x128xf32, #tpu.memory_space<hbm>> -> memref<1x1x1x8x128xf32, #tpu.memory_space<hbm>>
        %dma_wait3A_2207 = tpu.memref_squeeze %dma_wait3A_2206 : memref<1x1x1x8x128xf32, #tpu.memory_space<hbm>> -> memref<8x128xf32, #tpu.memory_space<hbm>>
        %dma_wait3A_2208 = arith.constant 0 : i32
        %dma_wait3A_2209 = arith.constant 0 : i32
        %dma_wait3A_2210 = tpu.memref_slice %arg4[%add3A_921, %dma_wait3A_2199, %add3A_2195, %dma_wait3A_2208, %dma_wait3A_2209] : memref<50x4x128x8x128xf32, #tpu.memory_space<hbm>> -> memref<1x1x1x8x128xf32, #tpu.memory_space<hbm>>
        %dma_wait3A_2211 = tpu.memref_squeeze %dma_wait3A_2210 : memref<1x1x1x8x128xf32, #tpu.memory_space<hbm>> -> memref<8x128xf32, #tpu.memory_space<hbm>>
        %dma_wait3A_2212 = arith.constant 0 : i32
        %dma_wait3A_2213 = arith.constant 0 : i32
        %dma_wait3A_2214 = tpu.memref_slice %arg7[%dma_wait3A_2196, %dma_wait3A_2197, %dma_wait3A_2198, %dma_wait3A_2212, %dma_wait3A_2213] : memref<2x4x5x8x129xf32, #tpu.memory_space<vmem>> -> memref<1x1x1x8x128xf32, #tpu.memory_space<vmem>>
        %dma_wait3A_2215 = tpu.memref_squeeze %dma_wait3A_2214 : memref<1x1x1x8x128xf32, #tpu.memory_space<vmem>> -> memref<8x128xf32, #tpu.memory_space<vmem>>
        tpu.wait_dma2 semaphore(%arg10 : memref<!tpu.dma_semaphore, #tpu.memory_space<semaphore_mem>>) src(%dma_wait3A_2215 : memref<8x128xf32, #tpu.memory_space<vmem>>) dst(%dma_wait3A_2211 : memref<8x128xf32, #tpu.memory_space<hbm>>)
        %mul3A_2216 = arith.constant 4 : i32
        %mul3A_2217 = arith.muli %add3A, %mul3A_2216 : i32
        %add3A_2218 = arith.constant 1 : i32
        %add3A_2219 = arith.addi %mul3A_2217, %add3A_2218 : i32
        %dma_wait3A_2220 = arith.constant 0 : i32
        %dma_wait3A_2221 = arith.constant 3 : i32
        %dma_wait3A_2222 = arith.constant 1 : i32
        %dma_wait3A_2223 = arith.constant 3 : i32
        %dma_wait3A_2224 = arith.constant 0 : i32
        %dma_wait3A_2225 = arith.constant 0 : i32
        %dma_wait3A_2226 = tpu.memref_slice %arg7[%dma_wait3A_2220, %dma_wait3A_2221, %dma_wait3A_2222, %dma_wait3A_2224, %dma_wait3A_2225] : memref<2x4x5x8x129xf32, #tpu.memory_space<vmem>> -> memref<1x1x1x8x128xf32, #tpu.memory_space<vmem>>
        %dma_wait3A_2227 = tpu.memref_squeeze %dma_wait3A_2226 : memref<1x1x1x8x128xf32, #tpu.memory_space<vmem>> -> memref<8x128xf32, #tpu.memory_space<vmem>>
        %dma_wait3A_2228 = arith.constant 0 : i32
        %dma_wait3A_2229 = arith.constant 0 : i32
        %dma_wait3A_2230 = tpu.memref_slice %arg4[%add3A_921, %dma_wait3A_2223, %add3A_2219, %dma_wait3A_2228, %dma_wait3A_2229] : memref<50x4x128x8x128xf32, #tpu.memory_space<hbm>> -> memref<1x1x1x8x128xf32, #tpu.memory_space<hbm>>
        %dma_wait3A_2231 = tpu.memref_squeeze %dma_wait3A_2230 : memref<1x1x1x8x128xf32, #tpu.memory_space<hbm>> -> memref<8x128xf32, #tpu.memory_space<hbm>>
        %dma_wait3A_2232 = arith.constant 0 : i32
        %dma_wait3A_2233 = arith.constant 0 : i32
        %dma_wait3A_2234 = tpu.memref_slice %arg4[%add3A_921, %dma_wait3A_2223, %add3A_2219, %dma_wait3A_2232, %dma_wait3A_2233] : memref<50x4x128x8x128xf32, #tpu.memory_space<hbm>> -> memref<1x1x1x8x128xf32, #tpu.memory_space<hbm>>
        %dma_wait3A_2235 = tpu.memref_squeeze %dma_wait3A_2234 : memref<1x1x1x8x128xf32, #tpu.memory_space<hbm>> -> memref<8x128xf32, #tpu.memory_space<hbm>>
        %dma_wait3A_2236 = arith.constant 0 : i32
        %dma_wait3A_2237 = arith.constant 0 : i32
        %dma_wait3A_2238 = tpu.memref_slice %arg7[%dma_wait3A_2220, %dma_wait3A_2221, %dma_wait3A_2222, %dma_wait3A_2236, %dma_wait3A_2237] : memref<2x4x5x8x129xf32, #tpu.memory_space<vmem>> -> memref<1x1x1x8x128xf32, #tpu.memory_space<vmem>>
        %dma_wait3A_2239 = tpu.memref_squeeze %dma_wait3A_2238 : memref<1x1x1x8x128xf32, #tpu.memory_space<vmem>> -> memref<8x128xf32, #tpu.memory_space<vmem>>
        tpu.wait_dma2 semaphore(%arg10 : memref<!tpu.dma_semaphore, #tpu.memory_space<semaphore_mem>>) src(%dma_wait3A_2239 : memref<8x128xf32, #tpu.memory_space<vmem>>) dst(%dma_wait3A_2235 : memref<8x128xf32, #tpu.memory_space<hbm>>)
        %mul3A_2240 = arith.constant 4 : i32
        %mul3A_2241 = arith.muli %add3A, %mul3A_2240 : i32
        %add3A_2242 = arith.constant 2 : i32
        %add3A_2243 = arith.addi %mul3A_2241, %add3A_2242 : i32
        %dma_wait3A_2244 = arith.constant 0 : i32
        %dma_wait3A_2245 = arith.constant 3 : i32
        %dma_wait3A_2246 = arith.constant 2 : i32
        %dma_wait3A_2247 = arith.constant 3 : i32
        %dma_wait3A_2248 = arith.constant 0 : i32
        %dma_wait3A_2249 = arith.constant 0 : i32
        %dma_wait3A_2250 = tpu.memref_slice %arg7[%dma_wait3A_2244, %dma_wait3A_2245, %dma_wait3A_2246, %dma_wait3A_2248, %dma_wait3A_2249] : memref<2x4x5x8x129xf32, #tpu.memory_space<vmem>> -> memref<1x1x1x8x128xf32, #tpu.memory_space<vmem>>
        %dma_wait3A_2251 = tpu.memref_squeeze %dma_wait3A_2250 : memref<1x1x1x8x128xf32, #tpu.memory_space<vmem>> -> memref<8x128xf32, #tpu.memory_space<vmem>>
        %dma_wait3A_2252 = arith.constant 0 : i32
        %dma_wait3A_2253 = arith.constant 0 : i32
        %dma_wait3A_2254 = tpu.memref_slice %arg4[%add3A_921, %dma_wait3A_2247, %add3A_2243, %dma_wait3A_2252, %dma_wait3A_2253] : memref<50x4x128x8x128xf32, #tpu.memory_space<hbm>> -> memref<1x1x1x8x128xf32, #tpu.memory_space<hbm>>
        %dma_wait3A_2255 = tpu.memref_squeeze %dma_wait3A_2254 : memref<1x1x1x8x128xf32, #tpu.memory_space<hbm>> -> memref<8x128xf32, #tpu.memory_space<hbm>>
        %dma_wait3A_2256 = arith.constant 0 : i32
        %dma_wait3A_2257 = arith.constant 0 : i32
        %dma_wait3A_2258 = tpu.memref_slice %arg4[%add3A_921, %dma_wait3A_2247, %add3A_2243, %dma_wait3A_2256, %dma_wait3A_2257] : memref<50x4x128x8x128xf32, #tpu.memory_space<hbm>> -> memref<1x1x1x8x128xf32, #tpu.memory_space<hbm>>
        %dma_wait3A_2259 = tpu.memref_squeeze %dma_wait3A_2258 : memref<1x1x1x8x128xf32, #tpu.memory_space<hbm>> -> memref<8x128xf32, #tpu.memory_space<hbm>>
        %dma_wait3A_2260 = arith.constant 0 : i32
        %dma_wait3A_2261 = arith.constant 0 : i32
        %dma_wait3A_2262 = tpu.memref_slice %arg7[%dma_wait3A_2244, %dma_wait3A_2245, %dma_wait3A_2246, %dma_wait3A_2260, %dma_wait3A_2261] : memref<2x4x5x8x129xf32, #tpu.memory_space<vmem>> -> memref<1x1x1x8x128xf32, #tpu.memory_space<vmem>>
        %dma_wait3A_2263 = tpu.memref_squeeze %dma_wait3A_2262 : memref<1x1x1x8x128xf32, #tpu.memory_space<vmem>> -> memref<8x128xf32, #tpu.memory_space<vmem>>
        tpu.wait_dma2 semaphore(%arg10 : memref<!tpu.dma_semaphore, #tpu.memory_space<semaphore_mem>>) src(%dma_wait3A_2263 : memref<8x128xf32, #tpu.memory_space<vmem>>) dst(%dma_wait3A_2259 : memref<8x128xf32, #tpu.memory_space<hbm>>)
        %mul3A_2264 = arith.constant 4 : i32
        %mul3A_2265 = arith.muli %add3A, %mul3A_2264 : i32
        %add3A_2266 = arith.constant 3 : i32
        %add3A_2267 = arith.addi %mul3A_2265, %add3A_2266 : i32
        %dma_wait3A_2268 = arith.constant 0 : i32
        %dma_wait3A_2269 = arith.constant 3 : i32
        %dma_wait3A_2270 = arith.constant 3 : i32
        %dma_wait3A_2271 = arith.constant 3 : i32
        %dma_wait3A_2272 = arith.constant 0 : i32
        %dma_wait3A_2273 = arith.constant 0 : i32
        %dma_wait3A_2274 = tpu.memref_slice %arg7[%dma_wait3A_2268, %dma_wait3A_2269, %dma_wait3A_2270, %dma_wait3A_2272, %dma_wait3A_2273] : memref<2x4x5x8x129xf32, #tpu.memory_space<vmem>> -> memref<1x1x1x8x128xf32, #tpu.memory_space<vmem>>
        %dma_wait3A_2275 = tpu.memref_squeeze %dma_wait3A_2274 : memref<1x1x1x8x128xf32, #tpu.memory_space<vmem>> -> memref<8x128xf32, #tpu.memory_space<vmem>>
        %dma_wait3A_2276 = arith.constant 0 : i32
        %dma_wait3A_2277 = arith.constant 0 : i32
        %dma_wait3A_2278 = tpu.memref_slice %arg4[%add3A_921, %dma_wait3A_2271, %add3A_2267, %dma_wait3A_2276, %dma_wait3A_2277] : memref<50x4x128x8x128xf32, #tpu.memory_space<hbm>> -> memref<1x1x1x8x128xf32, #tpu.memory_space<hbm>>
        %dma_wait3A_2279 = tpu.memref_squeeze %dma_wait3A_2278 : memref<1x1x1x8x128xf32, #tpu.memory_space<hbm>> -> memref<8x128xf32, #tpu.memory_space<hbm>>
        %dma_wait3A_2280 = arith.constant 0 : i32
        %dma_wait3A_2281 = arith.constant 0 : i32
        %dma_wait3A_2282 = tpu.memref_slice %arg4[%add3A_921, %dma_wait3A_2271, %add3A_2267, %dma_wait3A_2280, %dma_wait3A_2281] : memref<50x4x128x8x128xf32, #tpu.memory_space<hbm>> -> memref<1x1x1x8x128xf32, #tpu.memory_space<hbm>>
        %dma_wait3A_2283 = tpu.memref_squeeze %dma_wait3A_2282 : memref<1x1x1x8x128xf32, #tpu.memory_space<hbm>> -> memref<8x128xf32, #tpu.memory_space<hbm>>
        %dma_wait3A_2284 = arith.constant 0 : i32
        %dma_wait3A_2285 = arith.constant 0 : i32
        %dma_wait3A_2286 = tpu.memref_slice %arg7[%dma_wait3A_2268, %dma_wait3A_2269, %dma_wait3A_2270, %dma_wait3A_2284, %dma_wait3A_2285] : memref<2x4x5x8x129xf32, #tpu.memory_space<vmem>> -> memref<1x1x1x8x128xf32, #tpu.memory_space<vmem>>
        %dma_wait3A_2287 = tpu.memref_squeeze %dma_wait3A_2286 : memref<1x1x1x8x128xf32, #tpu.memory_space<vmem>> -> memref<8x128xf32, #tpu.memory_space<vmem>>
        tpu.wait_dma2 semaphore(%arg10 : memref<!tpu.dma_semaphore, #tpu.memory_space<semaphore_mem>>) src(%dma_wait3A_2287 : memref<8x128xf32, #tpu.memory_space<vmem>>) dst(%dma_wait3A_2283 : memref<8x128xf32, #tpu.memory_space<hbm>>)
      } else {
      }
      %scan3A_1051 = arith.constant 0 : i32
      %scan3A_1052 = arith.constant 0 : i32
      %scan3A_1053 = arith.constant 0 : i32
      %scan3A_1054 = arith.constant 64 : i32
      %scan3A_1055 = arith.addi %scan3A_1053, %scan3A_1054 : i32
      %scan3A_1056 = arith.constant 1 : i32
      scf.for %scan3A_1904 = %scan3A_1053 to %scan3A_1055 step %scan3A_1056  : i32 {
        %mul3A_1905 = arith.constant 8 : i32
        %mul3A_1906 = arith.muli %scan3A_1904, %mul3A_1905 : i32
        %shift_right_logical3A_1907 = arith.constant 7 : i32
        %shift_right_logical3A_1908 = arith.shrui %mul3A_1906, %shift_right_logical3A_1907 : i32
        %broadcast_in_dim3A = vector.broadcast %shift_right_logical3A_1908 : i32 to vector<16xi32>
        %and3A_1909 = arith.constant 127 : i32
        %and3A_1910 = arith.andi %mul3A_1906, %and3A_1909 : i32
        %broadcast_in_dim3A_1911 = vector.broadcast %and3A_1910 : i32 to vector<16xi32>
        %add3A_1912 = arith.constant 0 : i32
        %add3A_1913 = arith.addi %mul3A_1906, %add3A_1912 : i32
        %add3A_1914 = arith.constant 0 : i32
        %add3A_1915 = vector.broadcast %add3A_1914 : i32 to vector<16xi32>
        %add3A_1916 = arith.addi %broadcast_in_dim3A_1911, %add3A_1915 : vector<16xi32>
        %get3A = arith.constant 0 : i32
        %get3A_1917 = arith.index_cast %get3A : i32 to index
        %get3A_1918 = arith.index_cast %add3A_1913 : i32 to index
        %get3A_1919 = arith.constant 0 : index
        %get3A_1920 = tpu.vector_load %arg6[%get3A_1917, %get3A_1918, %get3A_1919] {strides = array<i32>} : memref<2x512x32xf32, #tpu.memory_space<vmem>>, vector<16xf32>,
        %mul3A_1921 = arith.constant 5.65685415 : f32
        %mul3A_1922 = vector.broadcast %mul3A_1921 : f32 to vector<16xf32>
        %mul3A_1923 = arith.mulf %get3A_1920, %mul3A_1922 : vector<16xf32>
        %get3A_1924 = arith.constant 0 : i32
        %get3A_1925 = arith.index_cast %get3A_1924 : i32 to index
        %get3A_1926 = arith.index_cast %add3A_1913 : i32 to index
        %get3A_1927 = arith.constant 16 : index
        %get3A_1928 = tpu.vector_load %arg6[%get3A_1925, %get3A_1926, %get3A_1927] {strides = array<i32>} : memref<2x512x32xf32, #tpu.memory_space<vmem>>, vector<16xf32>,
        %mul3A_1929 = arith.constant 5.65685415 : f32
        %mul3A_1930 = vector.broadcast %mul3A_1929 : f32 to vector<16xf32>
        %mul3A_1931 = arith.mulf %get3A_1928, %mul3A_1930 : vector<16xf32>
        %scatter3A = arith.constant 0 : i32
        %scatter3A_1932 = arith.constant 0 : i32
        %scatter3A_1933 = arith.constant 0 : i32
        %scatter3A_1934 = arith.constant 0 : i32
        %scatter3A_1935 = tpu.memref_slice %arg7[%scan3A_1052, %scatter3A, %scatter3A_1932, %scatter3A_1933, %scatter3A_1934] : memref<2x4x5x8x129xf32, #tpu.memory_space<vmem>> -> memref<1x4x5x8x129xf32, #tpu.memory_space<vmem>>
        %scatter3A_1936 = tpu.memref_squeeze %scatter3A_1935 : memref<1x4x5x8x129xf32, #tpu.memory_space<vmem>> -> memref<4x5x8x129xf32, #tpu.memory_space<vmem>>
        tpu.vector_store_idx %scatter3A_1936[%shift_right_logical3A_2, %broadcast_in_dim3A, %and3A_7, %add3A_1916], %mul3A_1923 : memref<4x5x8x129xf32, #tpu.memory_space<vmem>>[vector<16xi32>, vector<16xi32>, vector<16xi32>, vector<16xi32>], vector<16xf32>,
        %scatter3A_1937 = arith.constant 0 : i32
        %scatter3A_1938 = arith.constant 0 : i32
        %scatter3A_1939 = arith.constant 0 : i32
        %scatter3A_1940 = arith.constant 0 : i32
        %scatter3A_1941 = tpu.memref_slice %arg7[%scan3A_1052, %scatter3A_1937, %scatter3A_1938, %scatter3A_1939, %scatter3A_1940] : memref<2x4x5x8x129xf32, #tpu.memory_space<vmem>> -> memref<1x4x5x8x129xf32, #tpu.memory_space<vmem>>
        %scatter3A_1942 = tpu.memref_squeeze %scatter3A_1941 : memref<1x4x5x8x129xf32, #tpu.memory_space<vmem>> -> memref<4x5x8x129xf32, #tpu.memory_space<vmem>>
        tpu.vector_store_idx %scatter3A_1942[%add3A_5, %broadcast_in_dim3A, %and3A_7, %add3A_1916], %mul3A_1931 : memref<4x5x8x129xf32, #tpu.memory_space<vmem>>[vector<16xi32>, vector<16xi32>, vector<16xi32>, vector<16xi32>], vector<16xf32>,
        %add3A_1943 = arith.constant 1 : i32
        %add3A_1944 = arith.addi %mul3A_1906, %add3A_1943 : i32
        %add3A_1945 = arith.constant 1 : i32
        %add3A_1946 = vector.broadcast %add3A_1945 : i32 to vector<16xi32>
        %add3A_1947 = arith.addi %broadcast_in_dim3A_1911, %add3A_1946 : vector<16xi32>
        %get3A_1948 = arith.constant 0 : i32
        %get3A_1949 = arith.index_cast %get3A_1948 : i32 to index
        %get3A_1950 = arith.index_cast %add3A_1944 : i32 to index
        %get3A_1951 = arith.constant 0 : index
        %get3A_1952 = tpu.vector_load %arg6[%get3A_1949, %get3A_1950, %get3A_1951] {strides = array<i32>} : memref<2x512x32xf32, #tpu.memory_space<vmem>>, vector<16xf32>,
        %mul3A_1953 = arith.constant 5.65685415 : f32
        %mul3A_1954 = vector.broadcast %mul3A_1953 : f32 to vector<16xf32>
        %mul3A_1955 = arith.mulf %get3A_1952, %mul3A_1954 : vector<16xf32>
        %get3A_1956 = arith.constant 0 : i32
        %get3A_1957 = arith.index_cast %get3A_1956 : i32 to index
        %get3A_1958 = arith.index_cast %add3A_1944 : i32 to index
        %get3A_1959 = arith.constant 16 : index
        %get3A_1960 = tpu.vector_load %arg6[%get3A_1957, %get3A_1958, %get3A_1959] {strides = array<i32>} : memref<2x512x32xf32, #tpu.memory_space<vmem>>, vector<16xf32>,
        %mul3A_1961 = arith.constant 5.65685415 : f32
        %mul3A_1962 = vector.broadcast %mul3A_1961 : f32 to vector<16xf32>
        %mul3A_1963 = arith.mulf %get3A_1960, %mul3A_1962 : vector<16xf32>
        %scatter3A_1964 = arith.constant 0 : i32
        %scatter3A_1965 = arith.constant 0 : i32
        %scatter3A_1966 = arith.constant 0 : i32
        %scatter3A_1967 = arith.constant 0 : i32
        %scatter3A_1968 = tpu.memref_slice %arg7[%scan3A_1052, %scatter3A_1964, %scatter3A_1965, %scatter3A_1966, %scatter3A_1967] : memref<2x4x5x8x129xf32, #tpu.memory_space<vmem>> -> memref<1x4x5x8x129xf32, #tpu.memory_space<vmem>>
        %scatter3A_1969 = tpu.memref_squeeze %scatter3A_1968 : memref<1x4x5x8x129xf32, #tpu.memory_space<vmem>> -> memref<4x5x8x129xf32, #tpu.memory_space<vmem>>
        tpu.vector_store_idx %scatter3A_1969[%shift_right_logical3A_2, %broadcast_in_dim3A, %and3A_7, %add3A_1947], %mul3A_1955 : memref<4x5x8x129xf32, #tpu.memory_space<vmem>>[vector<16xi32>, vector<16xi32>, vector<16xi32>, vector<16xi32>], vector<16xf32>,
        %scatter3A_1970 = arith.constant 0 : i32
        %scatter3A_1971 = arith.constant 0 : i32
        %scatter3A_1972 = arith.constant 0 : i32
        %scatter3A_1973 = arith.constant 0 : i32
        %scatter3A_1974 = tpu.memref_slice %arg7[%scan3A_1052, %scatter3A_1970, %scatter3A_1971, %scatter3A_1972, %scatter3A_1973] : memref<2x4x5x8x129xf32, #tpu.memory_space<vmem>> -> memref<1x4x5x8x129xf32, #tpu.memory_space<vmem>>
        %scatter3A_1975 = tpu.memref_squeeze %scatter3A_1974 : memref<1x4x5x8x129xf32, #tpu.memory_space<vmem>> -> memref<4x5x8x129xf32, #tpu.memory_space<vmem>>
        tpu.vector_store_idx %scatter3A_1975[%add3A_5, %broadcast_in_dim3A, %and3A_7, %add3A_1947], %mul3A_1963 : memref<4x5x8x129xf32, #tpu.memory_space<vmem>>[vector<16xi32>, vector<16xi32>, vector<16xi32>, vector<16xi32>], vector<16xf32>,
        %add3A_1976 = arith.constant 2 : i32
        %add3A_1977 = arith.addi %mul3A_1906, %add3A_1976 : i32
        %add3A_1978 = arith.constant 2 : i32
        %add3A_1979 = vector.broadcast %add3A_1978 : i32 to vector<16xi32>
        %add3A_1980 = arith.addi %broadcast_in_dim3A_1911, %add3A_1979 : vector<16xi32>
        %get3A_1981 = arith.constant 0 : i32
        %get3A_1982 = arith.index_cast %get3A_1981 : i32 to index
        %get3A_1983 = arith.index_cast %add3A_1977 : i32 to index
        %get3A_1984 = arith.constant 0 : index
        %get3A_1985 = tpu.vector_load %arg6[%get3A_1982, %get3A_1983, %get3A_1984] {strides = array<i32>} : memref<2x512x32xf32, #tpu.memory_space<vmem>>, vector<16xf32>,
        %mul3A_1986 = arith.constant 5.65685415 : f32
        %mul3A_1987 = vector.broadcast %mul3A_1986 : f32 to vector<16xf32>
        %mul3A_1988 = arith.mulf %get3A_1985, %mul3A_1987 : vector<16xf32>
        %get3A_1989 = arith.constant 0 : i32
        %get3A_1990 = arith.index_cast %get3A_1989 : i32 to index
        %get3A_1991 = arith.index_cast %add3A_1977 : i32 to index
        %get3A_1992 = arith.constant 16 : index
        %get3A_1993 = tpu.vector_load %arg6[%get3A_1990, %get3A_1991, %get3A_1992] {strides = array<i32>} : memref<2x512x32xf32, #tpu.memory_space<vmem>>, vector<16xf32>,
        %mul3A_1994 = arith.constant 5.65685415 : f32
        %mul3A_1995 = vector.broadcast %mul3A_1994 : f32 to vector<16xf32>
        %mul3A_1996 = arith.mulf %get3A_1993, %mul3A_1995 : vector<16xf32>
        %scatter3A_1997 = arith.constant 0 : i32
        %scatter3A_1998 = arith.constant 0 : i32
        %scatter3A_1999 = arith.constant 0 : i32
        %scatter3A_2000 = arith.constant 0 : i32
        %scatter3A_2001 = tpu.memref_slice %arg7[%scan3A_1052, %scatter3A_1997, %scatter3A_1998, %scatter3A_1999, %scatter3A_2000] : memref<2x4x5x8x129xf32, #tpu.memory_space<vmem>> -> memref<1x4x5x8x129xf32, #tpu.memory_space<vmem>>
        %scatter3A_2002 = tpu.memref_squeeze %scatter3A_2001 : memref<1x4x5x8x129xf32, #tpu.memory_space<vmem>> -> memref<4x5x8x129xf32, #tpu.memory_space<vmem>>
        tpu.vector_store_idx %scatter3A_2002[%shift_right_logical3A_2, %broadcast_in_dim3A, %and3A_7, %add3A_1980], %mul3A_1988 : memref<4x5x8x129xf32, #tpu.memory_space<vmem>>[vector<16xi32>, vector<16xi32>, vector<16xi32>, vector<16xi32>], vector<16xf32>,
        %scatter3A_2003 = arith.constant 0 : i32
        %scatter3A_2004 = arith.constant 0 : i32
        %scatter3A_2005 = arith.constant 0 : i32
        %scatter3A_2006 = arith.constant 0 : i32
        %scatter3A_2007 = tpu.memref_slice %arg7[%scan3A_1052, %scatter3A_2003, %scatter3A_2004, %scatter3A_2005, %scatter3A_2006] : memref<2x4x5x8x129xf32, #tpu.memory_space<vmem>> -> memref<1x4x5x8x129xf32, #tpu.memory_space<vmem>>
        %scatter3A_2008 = tpu.memref_squeeze %scatter3A_2007 : memref<1x4x5x8x129xf32, #tpu.memory_space<vmem>> -> memref<4x5x8x129xf32, #tpu.memory_space<vmem>>
        tpu.vector_store_idx %scatter3A_2008[%add3A_5, %broadcast_in_dim3A, %and3A_7, %add3A_1980], %mul3A_1996 : memref<4x5x8x129xf32, #tpu.memory_space<vmem>>[vector<16xi32>, vector<16xi32>, vector<16xi32>, vector<16xi32>], vector<16xf32>,
        %add3A_2009 = arith.constant 3 : i32
        %add3A_2010 = arith.addi %mul3A_1906, %add3A_2009 : i32
        %add3A_2011 = arith.constant 3 : i32
        %add3A_2012 = vector.broadcast %add3A_2011 : i32 to vector<16xi32>
        %add3A_2013 = arith.addi %broadcast_in_dim3A_1911, %add3A_2012 : vector<16xi32>
        %get3A_2014 = arith.constant 0 : i32
        %get3A_2015 = arith.index_cast %get3A_2014 : i32 to index
        %get3A_2016 = arith.index_cast %add3A_2010 : i32 to index
        %get3A_2017 = arith.constant 0 : index
        %get3A_2018 = tpu.vector_load %arg6[%get3A_2015, %get3A_2016, %get3A_2017] {strides = array<i32>} : memref<2x512x32xf32, #tpu.memory_space<vmem>>, vector<16xf32>,
        %mul3A_2019 = arith.constant 5.65685415 : f32
        %mul3A_2020 = vector.broadcast %mul3A_2019 : f32 to vector<16xf32>
        %mul3A_2021 = arith.mulf %get3A_2018, %mul3A_2020 : vector<16xf32>
        %get3A_2022 = arith.constant 0 : i32
        %get3A_2023 = arith.index_cast %get3A_2022 : i32 to index
        %get3A_2024 = arith.index_cast %add3A_2010 : i32 to index
        %get3A_2025 = arith.constant 16 : index
        %get3A_2026 = tpu.vector_load %arg6[%get3A_2023, %get3A_2024, %get3A_2025] {strides = array<i32>} : memref<2x512x32xf32, #tpu.memory_space<vmem>>, vector<16xf32>,
        %mul3A_2027 = arith.constant 5.65685415 : f32
        %mul3A_2028 = vector.broadcast %mul3A_2027 : f32 to vector<16xf32>
        %mul3A_2029 = arith.mulf %get3A_2026, %mul3A_2028 : vector<16xf32>
        %scatter3A_2030 = arith.constant 0 : i32
        %scatter3A_2031 = arith.constant 0 : i32
        %scatter3A_2032 = arith.constant 0 : i32
        %scatter3A_2033 = arith.constant 0 : i32
        %scatter3A_2034 = tpu.memref_slice %arg7[%scan3A_1052, %scatter3A_2030, %scatter3A_2031, %scatter3A_2032, %scatter3A_2033] : memref<2x4x5x8x129xf32, #tpu.memory_space<vmem>> -> memref<1x4x5x8x129xf32, #tpu.memory_space<vmem>>
        %scatter3A_2035 = tpu.memref_squeeze %scatter3A_2034 : memref<1x4x5x8x129xf32, #tpu.memory_space<vmem>> -> memref<4x5x8x129xf32, #tpu.memory_space<vmem>>
        tpu.vector_store_idx %scatter3A_2035[%shift_right_logical3A_2, %broadcast_in_dim3A, %and3A_7, %add3A_2013], %mul3A_2021 : memref<4x5x8x129xf32, #tpu.memory_space<vmem>>[vector<16xi32>, vector<16xi32>, vector<16xi32>, vector<16xi32>], vector<16xf32>,
        %scatter3A_2036 = arith.constant 0 : i32
        %scatter3A_2037 = arith.constant 0 : i32
        %scatter3A_2038 = arith.constant 0 : i32
        %scatter3A_2039 = arith.constant 0 : i32
        %scatter3A_2040 = tpu.memref_slice %arg7[%scan3A_1052, %scatter3A_2036, %scatter3A_2037, %scatter3A_2038, %scatter3A_2039] : memref<2x4x5x8x129xf32, #tpu.memory_space<vmem>> -> memref<1x4x5x8x129xf32, #tpu.memory_space<vmem>>
        %scatter3A_2041 = tpu.memref_squeeze %scatter3A_2040 : memref<1x4x5x8x129xf32, #tpu.memory_space<vmem>> -> memref<4x5x8x129xf32, #tpu.memory_space<vmem>>
        tpu.vector_store_idx %scatter3A_2041[%add3A_5, %broadcast_in_dim3A, %and3A_7, %add3A_2013], %mul3A_2029 : memref<4x5x8x129xf32, #tpu.memory_space<vmem>>[vector<16xi32>, vector<16xi32>, vector<16xi32>, vector<16xi32>], vector<16xf32>,
        %add3A_2042 = arith.constant 4 : i32
        %add3A_2043 = arith.addi %mul3A_1906, %add3A_2042 : i32
        %add3A_2044 = arith.constant 4 : i32
        %add3A_2045 = vector.broadcast %add3A_2044 : i32 to vector<16xi32>
        %add3A_2046 = arith.addi %broadcast_in_dim3A_1911, %add3A_2045 : vector<16xi32>
        %get3A_2047 = arith.constant 0 : i32
        %get3A_2048 = arith.index_cast %get3A_2047 : i32 to index
        %get3A_2049 = arith.index_cast %add3A_2043 : i32 to index
        %get3A_2050 = arith.constant 0 : index
        %get3A_2051 = tpu.vector_load %arg6[%get3A_2048, %get3A_2049, %get3A_2050] {strides = array<i32>} : memref<2x512x32xf32, #tpu.memory_space<vmem>>, vector<16xf32>,
        %mul3A_2052 = arith.constant 5.65685415 : f32
        %mul3A_2053 = vector.broadcast %mul3A_2052 : f32 to vector<16xf32>
        %mul3A_2054 = arith.mulf %get3A_2051, %mul3A_2053 : vector<16xf32>
        %get3A_2055 = arith.constant 0 : i32
        %get3A_2056 = arith.index_cast %get3A_2055 : i32 to index
        %get3A_2057 = arith.index_cast %add3A_2043 : i32 to index
        %get3A_2058 = arith.constant 16 : index
        %get3A_2059 = tpu.vector_load %arg6[%get3A_2056, %get3A_2057, %get3A_2058] {strides = array<i32>} : memref<2x512x32xf32, #tpu.memory_space<vmem>>, vector<16xf32>,
        %mul3A_2060 = arith.constant 5.65685415 : f32
        %mul3A_2061 = vector.broadcast %mul3A_2060 : f32 to vector<16xf32>
        %mul3A_2062 = arith.mulf %get3A_2059, %mul3A_2061 : vector<16xf32>
        %scatter3A_2063 = arith.constant 0 : i32
        %scatter3A_2064 = arith.constant 0 : i32
        %scatter3A_2065 = arith.constant 0 : i32
        %scatter3A_2066 = arith.constant 0 : i32
        %scatter3A_2067 = tpu.memref_slice %arg7[%scan3A_1052, %scatter3A_2063, %scatter3A_2064, %scatter3A_2065, %scatter3A_2066] : memref<2x4x5x8x129xf32, #tpu.memory_space<vmem>> -> memref<1x4x5x8x129xf32, #tpu.memory_space<vmem>>
        %scatter3A_2068 = tpu.memref_squeeze %scatter3A_2067 : memref<1x4x5x8x129xf32, #tpu.memory_space<vmem>> -> memref<4x5x8x129xf32, #tpu.memory_space<vmem>>
        tpu.vector_store_idx %scatter3A_2068[%shift_right_logical3A_2, %broadcast_in_dim3A, %and3A_7, %add3A_2046], %mul3A_2054 : memref<4x5x8x129xf32, #tpu.memory_space<vmem>>[vector<16xi32>, vector<16xi32>, vector<16xi32>, vector<16xi32>], vector<16xf32>,
        %scatter3A_2069 = arith.constant 0 : i32
        %scatter3A_2070 = arith.constant 0 : i32
        %scatter3A_2071 = arith.constant 0 : i32
        %scatter3A_2072 = arith.constant 0 : i32
        %scatter3A_2073 = tpu.memref_slice %arg7[%scan3A_1052, %scatter3A_2069, %scatter3A_2070, %scatter3A_2071, %scatter3A_2072] : memref<2x4x5x8x129xf32, #tpu.memory_space<vmem>> -> memref<1x4x5x8x129xf32, #tpu.memory_space<vmem>>
        %scatter3A_2074 = tpu.memref_squeeze %scatter3A_2073 : memref<1x4x5x8x129xf32, #tpu.memory_space<vmem>> -> memref<4x5x8x129xf32, #tpu.memory_space<vmem>>
        tpu.vector_store_idx %scatter3A_2074[%add3A_5, %broadcast_in_dim3A, %and3A_7, %add3A_2046], %mul3A_2062 : memref<4x5x8x129xf32, #tpu.memory_space<vmem>>[vector<16xi32>, vector<16xi32>, vector<16xi32>, vector<16xi32>], vector<16xf32>,
        %add3A_2075 = arith.constant 5 : i32
        %add3A_2076 = arith.addi %mul3A_1906, %add3A_2075 : i32
        %add3A_2077 = arith.constant 5 : i32
        %add3A_2078 = vector.broadcast %add3A_2077 : i32 to vector<16xi32>
        %add3A_2079 = arith.addi %broadcast_in_dim3A_1911, %add3A_2078 : vector<16xi32>
        %get3A_2080 = arith.constant 0 : i32
        %get3A_2081 = arith.index_cast %get3A_2080 : i32 to index
        %get3A_2082 = arith.index_cast %add3A_2076 : i32 to index
        %get3A_2083 = arith.constant 0 : index
        %get3A_2084 = tpu.vector_load %arg6[%get3A_2081, %get3A_2082, %get3A_2083] {strides = array<i32>} : memref<2x512x32xf32, #tpu.memory_space<vmem>>, vector<16xf32>,
        %mul3A_2085 = arith.constant 5.65685415 : f32
        %mul3A_2086 = vector.broadcast %mul3A_2085 : f32 to vector<16xf32>
        %mul3A_2087 = arith.mulf %get3A_2084, %mul3A_2086 : vector<16xf32>
        %get3A_2088 = arith.constant 0 : i32
        %get3A_2089 = arith.index_cast %get3A_2088 : i32 to index
        %get3A_2090 = arith.index_cast %add3A_2076 : i32 to index
        %get3A_2091 = arith.constant 16 : index
        %get3A_2092 = tpu.vector_load %arg6[%get3A_2089, %get3A_2090, %get3A_2091] {strides = array<i32>} : memref<2x512x32xf32, #tpu.memory_space<vmem>>, vector<16xf32>,
        %mul3A_2093 = arith.constant 5.65685415 : f32
        %mul3A_2094 = vector.broadcast %mul3A_2093 : f32 to vector<16xf32>
        %mul3A_2095 = arith.mulf %get3A_2092, %mul3A_2094 : vector<16xf32>
        %scatter3A_2096 = arith.constant 0 : i32
        %scatter3A_2097 = arith.constant 0 : i32
        %scatter3A_2098 = arith.constant 0 : i32
        %scatter3A_2099 = arith.constant 0 : i32
        %scatter3A_2100 = tpu.memref_slice %arg7[%scan3A_1052, %scatter3A_2096, %scatter3A_2097, %scatter3A_2098, %scatter3A_2099] : memref<2x4x5x8x129xf32, #tpu.memory_space<vmem>> -> memref<1x4x5x8x129xf32, #tpu.memory_space<vmem>>
        %scatter3A_2101 = tpu.memref_squeeze %scatter3A_2100 : memref<1x4x5x8x129xf32, #tpu.memory_space<vmem>> -> memref<4x5x8x129xf32, #tpu.memory_space<vmem>>
        tpu.vector_store_idx %scatter3A_2101[%shift_right_logical3A_2, %broadcast_in_dim3A, %and3A_7, %add3A_2079], %mul3A_2087 : memref<4x5x8x129xf32, #tpu.memory_space<vmem>>[vector<16xi32>, vector<16xi32>, vector<16xi32>, vector<16xi32>], vector<16xf32>,
        %scatter3A_2102 = arith.constant 0 : i32
        %scatter3A_2103 = arith.constant 0 : i32
        %scatter3A_2104 = arith.constant 0 : i32
        %scatter3A_2105 = arith.constant 0 : i32
        %scatter3A_2106 = tpu.memref_slice %arg7[%scan3A_1052, %scatter3A_2102, %scatter3A_2103, %scatter3A_2104, %scatter3A_2105] : memref<2x4x5x8x129xf32, #tpu.memory_space<vmem>> -> memref<1x4x5x8x129xf32, #tpu.memory_space<vmem>>
        %scatter3A_2107 = tpu.memref_squeeze %scatter3A_2106 : memref<1x4x5x8x129xf32, #tpu.memory_space<vmem>> -> memref<4x5x8x129xf32, #tpu.memory_space<vmem>>
        tpu.vector_store_idx %scatter3A_2107[%add3A_5, %broadcast_in_dim3A, %and3A_7, %add3A_2079], %mul3A_2095 : memref<4x5x8x129xf32, #tpu.memory_space<vmem>>[vector<16xi32>, vector<16xi32>, vector<16xi32>, vector<16xi32>], vector<16xf32>,
        %add3A_2108 = arith.constant 6 : i32
        %add3A_2109 = arith.addi %mul3A_1906, %add3A_2108 : i32
        %add3A_2110 = arith.constant 6 : i32
        %add3A_2111 = vector.broadcast %add3A_2110 : i32 to vector<16xi32>
        %add3A_2112 = arith.addi %broadcast_in_dim3A_1911, %add3A_2111 : vector<16xi32>
        %get3A_2113 = arith.constant 0 : i32
        %get3A_2114 = arith.index_cast %get3A_2113 : i32 to index
        %get3A_2115 = arith.index_cast %add3A_2109 : i32 to index
        %get3A_2116 = arith.constant 0 : index
        %get3A_2117 = tpu.vector_load %arg6[%get3A_2114, %get3A_2115, %get3A_2116] {strides = array<i32>} : memref<2x512x32xf32, #tpu.memory_space<vmem>>, vector<16xf32>,
        %mul3A_2118 = arith.constant 5.65685415 : f32
        %mul3A_2119 = vector.broadcast %mul3A_2118 : f32 to vector<16xf32>
        %mul3A_2120 = arith.mulf %get3A_2117, %mul3A_2119 : vector<16xf32>
        %get3A_2121 = arith.constant 0 : i32
        %get3A_2122 = arith.index_cast %get3A_2121 : i32 to index
        %get3A_2123 = arith.index_cast %add3A_2109 : i32 to index
        %get3A_2124 = arith.constant 16 : index
        %get3A_2125 = tpu.vector_load %arg6[%get3A_2122, %get3A_2123, %get3A_2124] {strides = array<i32>} : memref<2x512x32xf32, #tpu.memory_space<vmem>>, vector<16xf32>,
        %mul3A_2126 = arith.constant 5.65685415 : f32
        %mul3A_2127 = vector.broadcast %mul3A_2126 : f32 to vector<16xf32>
        %mul3A_2128 = arith.mulf %get3A_2125, %mul3A_2127 : vector<16xf32>
        %scatter3A_2129 = arith.constant 0 : i32
        %scatter3A_2130 = arith.constant 0 : i32
        %scatter3A_2131 = arith.constant 0 : i32
        %scatter3A_2132 = arith.constant 0 : i32
        %scatter3A_2133 = tpu.memref_slice %arg7[%scan3A_1052, %scatter3A_2129, %scatter3A_2130, %scatter3A_2131, %scatter3A_2132] : memref<2x4x5x8x129xf32, #tpu.memory_space<vmem>> -> memref<1x4x5x8x129xf32, #tpu.memory_space<vmem>>
        %scatter3A_2134 = tpu.memref_squeeze %scatter3A_2133 : memref<1x4x5x8x129xf32, #tpu.memory_space<vmem>> -> memref<4x5x8x129xf32, #tpu.memory_space<vmem>>
        tpu.vector_store_idx %scatter3A_2134[%shift_right_logical3A_2, %broadcast_in_dim3A, %and3A_7, %add3A_2112], %mul3A_2120 : memref<4x5x8x129xf32, #tpu.memory_space<vmem>>[vector<16xi32>, vector<16xi32>, vector<16xi32>, vector<16xi32>], vector<16xf32>,
        %scatter3A_2135 = arith.constant 0 : i32
        %scatter3A_2136 = arith.constant 0 : i32
        %scatter3A_2137 = arith.constant 0 : i32
        %scatter3A_2138 = arith.constant 0 : i32
        %scatter3A_2139 = tpu.memref_slice %arg7[%scan3A_1052, %scatter3A_2135, %scatter3A_2136, %scatter3A_2137, %scatter3A_2138] : memref<2x4x5x8x129xf32, #tpu.memory_space<vmem>> -> memref<1x4x5x8x129xf32, #tpu.memory_space<vmem>>
        %scatter3A_2140 = tpu.memref_squeeze %scatter3A_2139 : memref<1x4x5x8x129xf32, #tpu.memory_space<vmem>> -> memref<4x5x8x129xf32, #tpu.memory_space<vmem>>
        tpu.vector_store_idx %scatter3A_2140[%add3A_5, %broadcast_in_dim3A, %and3A_7, %add3A_2112], %mul3A_2128 : memref<4x5x8x129xf32, #tpu.memory_space<vmem>>[vector<16xi32>, vector<16xi32>, vector<16xi32>, vector<16xi32>], vector<16xf32>,
        %add3A_2141 = arith.constant 7 : i32
        %add3A_2142 = arith.addi %mul3A_1906, %add3A_2141 : i32
        %add3A_2143 = arith.constant 7 : i32
        %add3A_2144 = vector.broadcast %add3A_2143 : i32 to vector<16xi32>
        %add3A_2145 = arith.addi %broadcast_in_dim3A_1911, %add3A_2144 : vector<16xi32>
        %get3A_2146 = arith.constant 0 : i32
        %get3A_2147 = arith.index_cast %get3A_2146 : i32 to index
        %get3A_2148 = arith.index_cast %add3A_2142 : i32 to index
        %get3A_2149 = arith.constant 0 : index
        %get3A_2150 = tpu.vector_load %arg6[%get3A_2147, %get3A_2148, %get3A_2149] {strides = array<i32>} : memref<2x512x32xf32, #tpu.memory_space<vmem>>, vector<16xf32>,
        %mul3A_2151 = arith.constant 5.65685415 : f32
        %mul3A_2152 = vector.broadcast %mul3A_2151 : f32 to vector<16xf32>
        %mul3A_2153 = arith.mulf %get3A_2150, %mul3A_2152 : vector<16xf32>
        %get3A_2154 = arith.constant 0 : i32
        %get3A_2155 = arith.index_cast %get3A_2154 : i32 to index
        %get3A_2156 = arith.index_cast %add3A_2142 : i32 to index
        %get3A_2157 = arith.constant 16 : index
        %get3A_2158 = tpu.vector_load %arg6[%get3A_2155, %get3A_2156, %get3A_2157] {strides = array<i32>} : memref<2x512x32xf32, #tpu.memory_space<vmem>>, vector<16xf32>,
        %mul3A_2159 = arith.constant 5.65685415 : f32
        %mul3A_2160 = vector.broadcast %mul3A_2159 : f32 to vector<16xf32>
        %mul3A_2161 = arith.mulf %get3A_2158, %mul3A_2160 : vector<16xf32>
        %scatter3A_2162 = arith.constant 0 : i32
        %scatter3A_2163 = arith.constant 0 : i32
        %scatter3A_2164 = arith.constant 0 : i32
        %scatter3A_2165 = arith.constant 0 : i32
        %scatter3A_2166 = tpu.memref_slice %arg7[%scan3A_1052, %scatter3A_2162, %scatter3A_2163, %scatter3A_2164, %scatter3A_2165] : memref<2x4x5x8x129xf32, #tpu.memory_space<vmem>> -> memref<1x4x5x8x129xf32, #tpu.memory_space<vmem>>
        %scatter3A_2167 = tpu.memref_squeeze %scatter3A_2166 : memref<1x4x5x8x129xf32, #tpu.memory_space<vmem>> -> memref<4x5x8x129xf32, #tpu.memory_space<vmem>>
        tpu.vector_store_idx %scatter3A_2167[%shift_right_logical3A_2, %broadcast_in_dim3A, %and3A_7, %add3A_2145], %mul3A_2153 : memref<4x5x8x129xf32, #tpu.memory_space<vmem>>[vector<16xi32>, vector<16xi32>, vector<16xi32>, vector<16xi32>], vector<16xf32>,
        %scatter3A_2168 = arith.constant 0 : i32
        %scatter3A_2169 = arith.constant 0 : i32
        %scatter3A_2170 = arith.constant 0 : i32
        %scatter3A_2171 = arith.constant 0 : i32
        %scatter3A_2172 = tpu.memref_slice %arg7[%scan3A_1052, %scatter3A_2168, %scatter3A_2169, %scatter3A_2170, %scatter3A_2171] : memref<2x4x5x8x129xf32, #tpu.memory_space<vmem>> -> memref<1x4x5x8x129xf32, #tpu.memory_space<vmem>>
        %scatter3A_2173 = tpu.memref_squeeze %scatter3A_2172 : memref<1x4x5x8x129xf32, #tpu.memory_space<vmem>> -> memref<4x5x8x129xf32, #tpu.memory_space<vmem>>
        tpu.vector_store_idx %scatter3A_2173[%add3A_5, %broadcast_in_dim3A, %and3A_7, %add3A_2145], %mul3A_2161 : memref<4x5x8x129xf32, #tpu.memory_space<vmem>>[vector<16xi32>, vector<16xi32>, vector<16xi32>, vector<16xi32>], vector<16xf32>,
      }
      %scan3A_1057 = arith.constant 64 : i32
      %mul3A_1058 = arith.constant 4 : i32
      %mul3A_1059 = arith.muli %add3A, %mul3A_1058 : i32
      %add3A_1060 = arith.constant 0 : i32
      %add3A_1061 = arith.addi %mul3A_1059, %add3A_1060 : i32
      %dma_start3A_1062 = arith.constant 0 : i32
      %dma_start3A_1063 = arith.constant 0 : i32
      %dma_start3A_1064 = arith.constant 0 : i32
      %dma_start3A_1065 = arith.constant 0 : i32
      %dma_start3A_1066 = arith.constant 0 : i32
      %dma_start3A_1067 = arith.constant 0 : i32
      %dma_start3A_1068 = tpu.memref_slice %arg7[%dma_start3A_1062, %dma_start3A_1063, %dma_start3A_1064, %dma_start3A_1066, %dma_start3A_1067] : memref<2x4x5x8x129xf32, #tpu.memory_space<vmem>> -> memref<1x1x1x8x128xf32, #tpu.memory_space<vmem>>
      %dma_start3A_1069 = tpu.memref_squeeze %dma_start3A_1068 : memref<1x1x1x8x128xf32, #tpu.memory_space<vmem>> -> memref<8x128xf32, #tpu.memory_space<vmem>>
      %dma_start3A_1070 = arith.constant 0 : i32
      %dma_start3A_1071 = arith.constant 0 : i32
      %dma_start3A_1072 = tpu.memref_slice %arg4[%add3A_921, %dma_start3A_1065, %add3A_1061, %dma_start3A_1070, %dma_start3A_1071] : memref<50x4x128x8x128xf32, #tpu.memory_space<hbm>> -> memref<1x1x1x8x128xf32, #tpu.memory_space<hbm>>
      %dma_start3A_1073 = tpu.memref_squeeze %dma_start3A_1072 : memref<1x1x1x8x128xf32, #tpu.memory_space<hbm>> -> memref<8x128xf32, #tpu.memory_space<hbm>>
      %dma_start3A_1074 = arith.constant 0 : i32
      %dma_start3A_1075 = arith.constant 0 : i32
      %dma_start3A_1076 = tpu.memref_slice %arg4[%add3A_921, %dma_start3A_1065, %add3A_1061, %dma_start3A_1074, %dma_start3A_1075] : memref<50x4x128x8x128xf32, #tpu.memory_space<hbm>> -> memref<1x1x1x8x128xf32, #tpu.memory_space<hbm>>
      %dma_start3A_1077 = tpu.memref_squeeze %dma_start3A_1076 : memref<1x1x1x8x128xf32, #tpu.memory_space<hbm>> -> memref<8x128xf32, #tpu.memory_space<hbm>>
      %dma_start3A_1078 = arith.constant 0 : i32
      %dma_start3A_1079 = arith.constant 0 : i32
      %dma_start3A_1080 = tpu.memref_slice %arg7[%dma_start3A_1062, %dma_start3A_1063, %dma_start3A_1064, %dma_start3A_1078, %dma_start3A_1079] : memref<2x4x5x8x129xf32, #tpu.memory_space<vmem>> -> memref<1x1x1x8x128xf32, #tpu.memory_space<vmem>>
      %dma_start3A_1081 = tpu.memref_squeeze %dma_start3A_1080 : memref<1x1x1x8x128xf32, #tpu.memory_space<vmem>> -> memref<8x128xf32, #tpu.memory_space<vmem>>
      tpu.enqueue_dma source(%dma_start3A_1081 : memref<8x128xf32, #tpu.memory_space<vmem>>) target(%dma_start3A_1077 : memref<8x128xf32, #tpu.memory_space<hbm>>) target_semaphore(%arg10 : memref<!tpu.dma_semaphore, #tpu.memory_space<semaphore_mem>>)
      %mul3A_1082 = arith.constant 4 : i32
      %mul3A_1083 = arith.muli %add3A, %mul3A_1082 : i32
      %add3A_1084 = arith.constant 1 : i32
      %add3A_1085 = arith.addi %mul3A_1083, %add3A_1084 : i32
      %dma_start3A_1086 = arith.constant 0 : i32
      %dma_start3A_1087 = arith.constant 0 : i32
      %dma_start3A_1088 = arith.constant 1 : i32
      %dma_start3A_1089 = arith.constant 0 : i32
      %dma_start3A_1090 = arith.constant 0 : i32
      %dma_start3A_1091 = arith.constant 0 : i32
      %dma_start3A_1092 = tpu.memref_slice %arg7[%dma_start3A_1086, %dma_start3A_1087, %dma_start3A_1088, %dma_start3A_1090, %dma_start3A_1091] : memref<2x4x5x8x129xf32, #tpu.memory_space<vmem>> -> memref<1x1x1x8x128xf32, #tpu.memory_space<vmem>>
      %dma_start3A_1093 = tpu.memref_squeeze %dma_start3A_1092 : memref<1x1x1x8x128xf32, #tpu.memory_space<vmem>> -> memref<8x128xf32, #tpu.memory_space<vmem>>
      %dma_start3A_1094 = arith.constant 0 : i32
      %dma_start3A_1095 = arith.constant 0 : i32
      %dma_start3A_1096 = tpu.memref_slice %arg4[%add3A_921, %dma_start3A_1089, %add3A_1085, %dma_start3A_1094, %dma_start3A_1095] : memref<50x4x128x8x128xf32, #tpu.memory_space<hbm>> -> memref<1x1x1x8x128xf32, #tpu.memory_space<hbm>>
      %dma_start3A_1097 = tpu.memref_squeeze %dma_start3A_1096 : memref<1x1x1x8x128xf32, #tpu.memory_space<hbm>> -> memref<8x128xf32, #tpu.memory_space<hbm>>
      %dma_start3A_1098 = arith.constant 0 : i32
      %dma_start3A_1099 = arith.constant 0 : i32
      %dma_start3A_1100 = tpu.memref_slice %arg4[%add3A_921, %dma_start3A_1089, %add3A_1085, %dma_start3A_1098, %dma_start3A_1099] : memref<50x4x128x8x128xf32, #tpu.memory_space<hbm>> -> memref<1x1x1x8x128xf32, #tpu.memory_space<hbm>>
      %dma_start3A_1101 = tpu.memref_squeeze %dma_start3A_1100 : memref<1x1x1x8x128xf32, #tpu.memory_space<hbm>> -> memref<8x128xf32, #tpu.memory_space<hbm>>
      %dma_start3A_1102 = arith.constant 0 : i32
      %dma_start3A_1103 = arith.constant 0 : i32
      %dma_start3A_1104 = tpu.memref_slice %arg7[%dma_start3A_1086, %dma_start3A_1087, %dma_start3A_1088, %dma_start3A_1102, %dma_start3A_1103] : memref<2x4x5x8x129xf32, #tpu.memory_space<vmem>> -> memref<1x1x1x8x128xf32, #tpu.memory_space<vmem>>
      %dma_start3A_1105 = tpu.memref_squeeze %dma_start3A_1104 : memref<1x1x1x8x128xf32, #tpu.memory_space<vmem>> -> memref<8x128xf32, #tpu.memory_space<vmem>>
      tpu.enqueue_dma source(%dma_start3A_1105 : memref<8x128xf32, #tpu.memory_space<vmem>>) target(%dma_start3A_1101 : memref<8x128xf32, #tpu.memory_space<hbm>>) target_semaphore(%arg10 : memref<!tpu.dma_semaphore, #tpu.memory_space<semaphore_mem>>)
      %mul3A_1106 = arith.constant 4 : i32
      %mul3A_1107 = arith.muli %add3A, %mul3A_1106 : i32
      %add3A_1108 = arith.constant 2 : i32
      %add3A_1109 = arith.addi %mul3A_1107, %add3A_1108 : i32
      %dma_start3A_1110 = arith.constant 0 : i32
      %dma_start3A_1111 = arith.constant 0 : i32
      %dma_start3A_1112 = arith.constant 2 : i32
      %dma_start3A_1113 = arith.constant 0 : i32
      %dma_start3A_1114 = arith.constant 0 : i32
      %dma_start3A_1115 = arith.constant 0 : i32
      %dma_start3A_1116 = tpu.memref_slice %arg7[%dma_start3A_1110, %dma_start3A_1111, %dma_start3A_1112, %dma_start3A_1114, %dma_start3A_1115] : memref<2x4x5x8x129xf32, #tpu.memory_space<vmem>> -> memref<1x1x1x8x128xf32, #tpu.memory_space<vmem>>
      %dma_start3A_1117 = tpu.memref_squeeze %dma_start3A_1116 : memref<1x1x1x8x128xf32, #tpu.memory_space<vmem>> -> memref<8x128xf32, #tpu.memory_space<vmem>>
      %dma_start3A_1118 = arith.constant 0 : i32
      %dma_start3A_1119 = arith.constant 0 : i32
      %dma_start3A_1120 = tpu.memref_slice %arg4[%add3A_921, %dma_start3A_1113, %add3A_1109, %dma_start3A_1118, %dma_start3A_1119] : memref<50x4x128x8x128xf32, #tpu.memory_space<hbm>> -> memref<1x1x1x8x128xf32, #tpu.memory_space<hbm>>
      %dma_start3A_1121 = tpu.memref_squeeze %dma_start3A_1120 : memref<1x1x1x8x128xf32, #tpu.memory_space<hbm>> -> memref<8x128xf32, #tpu.memory_space<hbm>>
      %dma_start3A_1122 = arith.constant 0 : i32
      %dma_start3A_1123 = arith.constant 0 : i32
      %dma_start3A_1124 = tpu.memref_slice %arg4[%add3A_921, %dma_start3A_1113, %add3A_1109, %dma_start3A_1122, %dma_start3A_1123] : memref<50x4x128x8x128xf32, #tpu.memory_space<hbm>> -> memref<1x1x1x8x128xf32, #tpu.memory_space<hbm>>
      %dma_start3A_1125 = tpu.memref_squeeze %dma_start3A_1124 : memref<1x1x1x8x128xf32, #tpu.memory_space<hbm>> -> memref<8x128xf32, #tpu.memory_space<hbm>>
      %dma_start3A_1126 = arith.constant 0 : i32
      %dma_start3A_1127 = arith.constant 0 : i32
      %dma_start3A_1128 = tpu.memref_slice %arg7[%dma_start3A_1110, %dma_start3A_1111, %dma_start3A_1112, %dma_start3A_1126, %dma_start3A_1127] : memref<2x4x5x8x129xf32, #tpu.memory_space<vmem>> -> memref<1x1x1x8x128xf32, #tpu.memory_space<vmem>>
      %dma_start3A_1129 = tpu.memref_squeeze %dma_start3A_1128 : memref<1x1x1x8x128xf32, #tpu.memory_space<vmem>> -> memref<8x128xf32, #tpu.memory_space<vmem>>
      tpu.enqueue_dma source(%dma_start3A_1129 : memref<8x128xf32, #tpu.memory_space<vmem>>) target(%dma_start3A_1125 : memref<8x128xf32, #tpu.memory_space<hbm>>) target_semaphore(%arg10 : memref<!tpu.dma_semaphore, #tpu.memory_space<semaphore_mem>>)
      %mul3A_1130 = arith.constant 4 : i32
      %mul3A_1131 = arith.muli %add3A, %mul3A_1130 : i32
      %add3A_1132 = arith.constant 3 : i32
      %add3A_1133 = arith.addi %mul3A_1131, %add3A_1132 : i32
      %dma_start3A_1134 = arith.constant 0 : i32
      %dma_start3A_1135 = arith.constant 0 : i32
      %dma_start3A_1136 = arith.constant 3 : i32
      %dma_start3A_1137 = arith.constant 0 : i32
      %dma_start3A_1138 = arith.constant 0 : i32
      %dma_start3A_1139 = arith.constant 0 : i32
      %dma_start3A_1140 = tpu.memref_slice %arg7[%dma_start3A_1134, %dma_start3A_1135, %dma_start3A_1136, %dma_start3A_1138, %dma_start3A_1139] : memref<2x4x5x8x129xf32, #tpu.memory_space<vmem>> -> memref<1x1x1x8x128xf32, #tpu.memory_space<vmem>>
      %dma_start3A_1141 = tpu.memref_squeeze %dma_start3A_1140 : memref<1x1x1x8x128xf32, #tpu.memory_space<vmem>> -> memref<8x128xf32, #tpu.memory_space<vmem>>
      %dma_start3A_1142 = arith.constant 0 : i32
      %dma_start3A_1143 = arith.constant 0 : i32
      %dma_start3A_1144 = tpu.memref_slice %arg4[%add3A_921, %dma_start3A_1137, %add3A_1133, %dma_start3A_1142, %dma_start3A_1143] : memref<50x4x128x8x128xf32, #tpu.memory_space<hbm>> -> memref<1x1x1x8x128xf32, #tpu.memory_space<hbm>>
      %dma_start3A_1145 = tpu.memref_squeeze %dma_start3A_1144 : memref<1x1x1x8x128xf32, #tpu.memory_space<hbm>> -> memref<8x128xf32, #tpu.memory_space<hbm>>
      %dma_start3A_1146 = arith.constant 0 : i32
      %dma_start3A_1147 = arith.constant 0 : i32
      %dma_start3A_1148 = tpu.memref_slice %arg4[%add3A_921, %dma_start3A_1137, %add3A_1133, %dma_start3A_1146, %dma_start3A_1147] : memref<50x4x128x8x128xf32, #tpu.memory_space<hbm>> -> memref<1x1x1x8x128xf32, #tpu.memory_space<hbm>>
      %dma_start3A_1149 = tpu.memref_squeeze %dma_start3A_1148 : memref<1x1x1x8x128xf32, #tpu.memory_space<hbm>> -> memref<8x128xf32, #tpu.memory_space<hbm>>
      %dma_start3A_1150 = arith.constant 0 : i32
      %dma_start3A_1151 = arith.constant 0 : i32
      %dma_start3A_1152 = tpu.memref_slice %arg7[%dma_start3A_1134, %dma_start3A_1135, %dma_start3A_1136, %dma_start3A_1150, %dma_start3A_1151] : memref<2x4x5x8x129xf32, #tpu.memory_space<vmem>> -> memref<1x1x1x8x128xf32, #tpu.memory_space<vmem>>
      %dma_start3A_1153 = tpu.memref_squeeze %dma_start3A_1152 : memref<1x1x1x8x128xf32, #tpu.memory_space<vmem>> -> memref<8x128xf32, #tpu.memory_space<vmem>>
      tpu.enqueue_dma source(%dma_start3A_1153 : memref<8x128xf32, #tpu.memory_space<vmem>>) target(%dma_start3A_1149 : memref<8x128xf32, #tpu.memory_space<hbm>>) target_semaphore(%arg10 : memref<!tpu.dma_semaphore, #tpu.memory_space<semaphore_mem>>)
      %mul3A_1154 = arith.constant 4 : i32
      %mul3A_1155 = arith.muli %add3A, %mul3A_1154 : i32
      %add3A_1156 = arith.constant 0 : i32
      %add3A_1157 = arith.addi %mul3A_1155, %add3A_1156 : i32
      %dma_start3A_1158 = arith.constant 0 : i32
      %dma_start3A_1159 = arith.constant 1 : i32
      %dma_start3A_1160 = arith.constant 0 : i32
      %dma_start3A_1161 = arith.constant 1 : i32
      %dma_start3A_1162 = arith.constant 0 : i32
      %dma_start3A_1163 = arith.constant 0 : i32
      %dma_start3A_1164 = tpu.memref_slice %arg7[%dma_start3A_1158, %dma_start3A_1159, %dma_start3A_1160, %dma_start3A_1162, %dma_start3A_1163] : memref<2x4x5x8x129xf32, #tpu.memory_space<vmem>> -> memref<1x1x1x8x128xf32, #tpu.memory_space<vmem>>
      %dma_start3A_1165 = tpu.memref_squeeze %dma_start3A_1164 : memref<1x1x1x8x128xf32, #tpu.memory_space<vmem>> -> memref<8x128xf32, #tpu.memory_space<vmem>>
      %dma_start3A_1166 = arith.constant 0 : i32
      %dma_start3A_1167 = arith.constant 0 : i32
      %dma_start3A_1168 = tpu.memref_slice %arg4[%add3A_921, %dma_start3A_1161, %add3A_1157, %dma_start3A_1166, %dma_start3A_1167] : memref<50x4x128x8x128xf32, #tpu.memory_space<hbm>> -> memref<1x1x1x8x128xf32, #tpu.memory_space<hbm>>
      %dma_start3A_1169 = tpu.memref_squeeze %dma_start3A_1168 : memref<1x1x1x8x128xf32, #tpu.memory_space<hbm>> -> memref<8x128xf32, #tpu.memory_space<hbm>>
      %dma_start3A_1170 = arith.constant 0 : i32
      %dma_start3A_1171 = arith.constant 0 : i32
      %dma_start3A_1172 = tpu.memref_slice %arg4[%add3A_921, %dma_start3A_1161, %add3A_1157, %dma_start3A_1170, %dma_start3A_1171] : memref<50x4x128x8x128xf32, #tpu.memory_space<hbm>> -> memref<1x1x1x8x128xf32, #tpu.memory_space<hbm>>
      %dma_start3A_1173 = tpu.memref_squeeze %dma_start3A_1172 : memref<1x1x1x8x128xf32, #tpu.memory_space<hbm>> -> memref<8x128xf32, #tpu.memory_space<hbm>>
      %dma_start3A_1174 = arith.constant 0 : i32
      %dma_start3A_1175 = arith.constant 0 : i32
      %dma_start3A_1176 = tpu.memref_slice %arg7[%dma_start3A_1158, %dma_start3A_1159, %dma_start3A_1160, %dma_start3A_1174, %dma_start3A_1175] : memref<2x4x5x8x129xf32, #tpu.memory_space<vmem>> -> memref<1x1x1x8x128xf32, #tpu.memory_space<vmem>>
      %dma_start3A_1177 = tpu.memref_squeeze %dma_start3A_1176 : memref<1x1x1x8x128xf32, #tpu.memory_space<vmem>> -> memref<8x128xf32, #tpu.memory_space<vmem>>
      tpu.enqueue_dma source(%dma_start3A_1177 : memref<8x128xf32, #tpu.memory_space<vmem>>) target(%dma_start3A_1173 : memref<8x128xf32, #tpu.memory_space<hbm>>) target_semaphore(%arg10 : memref<!tpu.dma_semaphore, #tpu.memory_space<semaphore_mem>>)
      %mul3A_1178 = arith.constant 4 : i32
      %mul3A_1179 = arith.muli %add3A, %mul3A_1178 : i32
      %add3A_1180 = arith.constant 1 : i32
      %add3A_1181 = arith.addi %mul3A_1179, %add3A_1180 : i32
      %dma_start3A_1182 = arith.constant 0 : i32
      %dma_start3A_1183 = arith.constant 1 : i32
      %dma_start3A_1184 = arith.constant 1 : i32
      %dma_start3A_1185 = arith.constant 1 : i32
      %dma_start3A_1186 = arith.constant 0 : i32
      %dma_start3A_1187 = arith.constant 0 : i32
      %dma_start3A_1188 = tpu.memref_slice %arg7[%dma_start3A_1182, %dma_start3A_1183, %dma_start3A_1184, %dma_start3A_1186, %dma_start3A_1187] : memref<2x4x5x8x129xf32, #tpu.memory_space<vmem>> -> memref<1x1x1x8x128xf32, #tpu.memory_space<vmem>>
      %dma_start3A_1189 = tpu.memref_squeeze %dma_start3A_1188 : memref<1x1x1x8x128xf32, #tpu.memory_space<vmem>> -> memref<8x128xf32, #tpu.memory_space<vmem>>
      %dma_start3A_1190 = arith.constant 0 : i32
      %dma_start3A_1191 = arith.constant 0 : i32
      %dma_start3A_1192 = tpu.memref_slice %arg4[%add3A_921, %dma_start3A_1185, %add3A_1181, %dma_start3A_1190, %dma_start3A_1191] : memref<50x4x128x8x128xf32, #tpu.memory_space<hbm>> -> memref<1x1x1x8x128xf32, #tpu.memory_space<hbm>>
      %dma_start3A_1193 = tpu.memref_squeeze %dma_start3A_1192 : memref<1x1x1x8x128xf32, #tpu.memory_space<hbm>> -> memref<8x128xf32, #tpu.memory_space<hbm>>
      %dma_start3A_1194 = arith.constant 0 : i32
      %dma_start3A_1195 = arith.constant 0 : i32
      %dma_start3A_1196 = tpu.memref_slice %arg4[%add3A_921, %dma_start3A_1185, %add3A_1181, %dma_start3A_1194, %dma_start3A_1195] : memref<50x4x128x8x128xf32, #tpu.memory_space<hbm>> -> memref<1x1x1x8x128xf32, #tpu.memory_space<hbm>>
      %dma_start3A_1197 = tpu.memref_squeeze %dma_start3A_1196 : memref<1x1x1x8x128xf32, #tpu.memory_space<hbm>> -> memref<8x128xf32, #tpu.memory_space<hbm>>
      %dma_start3A_1198 = arith.constant 0 : i32
      %dma_start3A_1199 = arith.constant 0 : i32
      %dma_start3A_1200 = tpu.memref_slice %arg7[%dma_start3A_1182, %dma_start3A_1183, %dma_start3A_1184, %dma_start3A_1198, %dma_start3A_1199] : memref<2x4x5x8x129xf32, #tpu.memory_space<vmem>> -> memref<1x1x1x8x128xf32, #tpu.memory_space<vmem>>
      %dma_start3A_1201 = tpu.memref_squeeze %dma_start3A_1200 : memref<1x1x1x8x128xf32, #tpu.memory_space<vmem>> -> memref<8x128xf32, #tpu.memory_space<vmem>>
      tpu.enqueue_dma source(%dma_start3A_1201 : memref<8x128xf32, #tpu.memory_space<vmem>>) target(%dma_start3A_1197 : memref<8x128xf32, #tpu.memory_space<hbm>>) target_semaphore(%arg10 : memref<!tpu.dma_semaphore, #tpu.memory_space<semaphore_mem>>)
      %mul3A_1202 = arith.constant 4 : i32
      %mul3A_1203 = arith.muli %add3A, %mul3A_1202 : i32
      %add3A_1204 = arith.constant 2 : i32
      %add3A_1205 = arith.addi %mul3A_1203, %add3A_1204 : i32
      %dma_start3A_1206 = arith.constant 0 : i32
      %dma_start3A_1207 = arith.constant 1 : i32
      %dma_start3A_1208 = arith.constant 2 : i32
      %dma_start3A_1209 = arith.constant 1 : i32
      %dma_start3A_1210 = arith.constant 0 : i32
      %dma_start3A_1211 = arith.constant 0 : i32
      %dma_start3A_1212 = tpu.memref_slice %arg7[%dma_start3A_1206, %dma_start3A_1207, %dma_start3A_1208, %dma_start3A_1210, %dma_start3A_1211] : memref<2x4x5x8x129xf32, #tpu.memory_space<vmem>> -> memref<1x1x1x8x128xf32, #tpu.memory_space<vmem>>
      %dma_start3A_1213 = tpu.memref_squeeze %dma_start3A_1212 : memref<1x1x1x8x128xf32, #tpu.memory_space<vmem>> -> memref<8x128xf32, #tpu.memory_space<vmem>>
      %dma_start3A_1214 = arith.constant 0 : i32
      %dma_start3A_1215 = arith.constant 0 : i32
      %dma_start3A_1216 = tpu.memref_slice %arg4[%add3A_921, %dma_start3A_1209, %add3A_1205, %dma_start3A_1214, %dma_start3A_1215] : memref<50x4x128x8x128xf32, #tpu.memory_space<hbm>> -> memref<1x1x1x8x128xf32, #tpu.memory_space<hbm>>
      %dma_start3A_1217 = tpu.memref_squeeze %dma_start3A_1216 : memref<1x1x1x8x128xf32, #tpu.memory_space<hbm>> -> memref<8x128xf32, #tpu.memory_space<hbm>>
      %dma_start3A_1218 = arith.constant 0 : i32
      %dma_start3A_1219 = arith.constant 0 : i32
      %dma_start3A_1220 = tpu.memref_slice %arg4[%add3A_921, %dma_start3A_1209, %add3A_1205, %dma_start3A_1218, %dma_start3A_1219] : memref<50x4x128x8x128xf32, #tpu.memory_space<hbm>> -> memref<1x1x1x8x128xf32, #tpu.memory_space<hbm>>
      %dma_start3A_1221 = tpu.memref_squeeze %dma_start3A_1220 : memref<1x1x1x8x128xf32, #tpu.memory_space<hbm>> -> memref<8x128xf32, #tpu.memory_space<hbm>>
      %dma_start3A_1222 = arith.constant 0 : i32
      %dma_start3A_1223 = arith.constant 0 : i32
      %dma_start3A_1224 = tpu.memref_slice %arg7[%dma_start3A_1206, %dma_start3A_1207, %dma_start3A_1208, %dma_start3A_1222, %dma_start3A_1223] : memref<2x4x5x8x129xf32, #tpu.memory_space<vmem>> -> memref<1x1x1x8x128xf32, #tpu.memory_space<vmem>>
      %dma_start3A_1225 = tpu.memref_squeeze %dma_start3A_1224 : memref<1x1x1x8x128xf32, #tpu.memory_space<vmem>> -> memref<8x128xf32, #tpu.memory_space<vmem>>
      tpu.enqueue_dma source(%dma_start3A_1225 : memref<8x128xf32, #tpu.memory_space<vmem>>) target(%dma_start3A_1221 : memref<8x128xf32, #tpu.memory_space<hbm>>) target_semaphore(%arg10 : memref<!tpu.dma_semaphore, #tpu.memory_space<semaphore_mem>>)
      %mul3A_1226 = arith.constant 4 : i32
      %mul3A_1227 = arith.muli %add3A, %mul3A_1226 : i32
      %add3A_1228 = arith.constant 3 : i32
      %add3A_1229 = arith.addi %mul3A_1227, %add3A_1228 : i32
      %dma_start3A_1230 = arith.constant 0 : i32
      %dma_start3A_1231 = arith.constant 1 : i32
      %dma_start3A_1232 = arith.constant 3 : i32
      %dma_start3A_1233 = arith.constant 1 : i32
      %dma_start3A_1234 = arith.constant 0 : i32
      %dma_start3A_1235 = arith.constant 0 : i32
      %dma_start3A_1236 = tpu.memref_slice %arg7[%dma_start3A_1230, %dma_start3A_1231, %dma_start3A_1232, %dma_start3A_1234, %dma_start3A_1235] : memref<2x4x5x8x129xf32, #tpu.memory_space<vmem>> -> memref<1x1x1x8x128xf32, #tpu.memory_space<vmem>>
      %dma_start3A_1237 = tpu.memref_squeeze %dma_start3A_1236 : memref<1x1x1x8x128xf32, #tpu.memory_space<vmem>> -> memref<8x128xf32, #tpu.memory_space<vmem>>
      %dma_start3A_1238 = arith.constant 0 : i32
      %dma_start3A_1239 = arith.constant 0 : i32
      %dma_start3A_1240 = tpu.memref_slice %arg4[%add3A_921, %dma_start3A_1233, %add3A_1229, %dma_start3A_1238, %dma_start3A_1239] : memref<50x4x128x8x128xf32, #tpu.memory_space<hbm>> -> memref<1x1x1x8x128xf32, #tpu.memory_space<hbm>>
      %dma_start3A_1241 = tpu.memref_squeeze %dma_start3A_1240 : memref<1x1x1x8x128xf32, #tpu.memory_space<hbm>> -> memref<8x128xf32, #tpu.memory_space<hbm>>
      %dma_start3A_1242 = arith.constant 0 : i32
      %dma_start3A_1243 = arith.constant 0 : i32
      %dma_start3A_1244 = tpu.memref_slice %arg4[%add3A_921, %dma_start3A_1233, %add3A_1229, %dma_start3A_1242, %dma_start3A_1243] : memref<50x4x128x8x128xf32, #tpu.memory_space<hbm>> -> memref<1x1x1x8x128xf32, #tpu.memory_space<hbm>>
      %dma_start3A_1245 = tpu.memref_squeeze %dma_start3A_1244 : memref<1x1x1x8x128xf32, #tpu.memory_space<hbm>> -> memref<8x128xf32, #tpu.memory_space<hbm>>
      %dma_start3A_1246 = arith.constant 0 : i32
      %dma_start3A_1247 = arith.constant 0 : i32
      %dma_start3A_1248 = tpu.memref_slice %arg7[%dma_start3A_1230, %dma_start3A_1231, %dma_start3A_1232, %dma_start3A_1246, %dma_start3A_1247] : memref<2x4x5x8x129xf32, #tpu.memory_space<vmem>> -> memref<1x1x1x8x128xf32, #tpu.memory_space<vmem>>
      %dma_start3A_1249 = tpu.memref_squeeze %dma_start3A_1248 : memref<1x1x1x8x128xf32, #tpu.memory_space<vmem>> -> memref<8x128xf32, #tpu.memory_space<vmem>>
      tpu.enqueue_dma source(%dma_start3A_1249 : memref<8x128xf32, #tpu.memory_space<vmem>>) target(%dma_start3A_1245 : memref<8x128xf32, #tpu.memory_space<hbm>>) target_semaphore(%arg10 : memref<!tpu.dma_semaphore, #tpu.memory_space<semaphore_mem>>)
      %mul3A_1250 = arith.constant 4 : i32
      %mul3A_1251 = arith.muli %add3A, %mul3A_1250 : i32
      %add3A_1252 = arith.constant 0 : i32
      %add3A_1253 = arith.addi %mul3A_1251, %add3A_1252 : i32
      %dma_start3A_1254 = arith.constant 0 : i32
      %dma_start3A_1255 = arith.constant 2 : i32
      %dma_start3A_1256 = arith.constant 0 : i32
      %dma_start3A_1257 = arith.constant 2 : i32
      %dma_start3A_1258 = arith.constant 0 : i32
      %dma_start3A_1259 = arith.constant 0 : i32
      %dma_start3A_1260 = tpu.memref_slice %arg7[%dma_start3A_1254, %dma_start3A_1255, %dma_start3A_1256, %dma_start3A_1258, %dma_start3A_1259] : memref<2x4x5x8x129xf32, #tpu.memory_space<vmem>> -> memref<1x1x1x8x128xf32, #tpu.memory_space<vmem>>
      %dma_start3A_1261 = tpu.memref_squeeze %dma_start3A_1260 : memref<1x1x1x8x128xf32, #tpu.memory_space<vmem>> -> memref<8x128xf32, #tpu.memory_space<vmem>>
      %dma_start3A_1262 = arith.constant 0 : i32
      %dma_start3A_1263 = arith.constant 0 : i32
      %dma_start3A_1264 = tpu.memref_slice %arg4[%add3A_921, %dma_start3A_1257, %add3A_1253, %dma_start3A_1262, %dma_start3A_1263] : memref<50x4x128x8x128xf32, #tpu.memory_space<hbm>> -> memref<1x1x1x8x128xf32, #tpu.memory_space<hbm>>
      %dma_start3A_1265 = tpu.memref_squeeze %dma_start3A_1264 : memref<1x1x1x8x128xf32, #tpu.memory_space<hbm>> -> memref<8x128xf32, #tpu.memory_space<hbm>>
      %dma_start3A_1266 = arith.constant 0 : i32
      %dma_start3A_1267 = arith.constant 0 : i32
      %dma_start3A_1268 = tpu.memref_slice %arg4[%add3A_921, %dma_start3A_1257, %add3A_1253, %dma_start3A_1266, %dma_start3A_1267] : memref<50x4x128x8x128xf32, #tpu.memory_space<hbm>> -> memref<1x1x1x8x128xf32, #tpu.memory_space<hbm>>
      %dma_start3A_1269 = tpu.memref_squeeze %dma_start3A_1268 : memref<1x1x1x8x128xf32, #tpu.memory_space<hbm>> -> memref<8x128xf32, #tpu.memory_space<hbm>>
      %dma_start3A_1270 = arith.constant 0 : i32
      %dma_start3A_1271 = arith.constant 0 : i32
      %dma_start3A_1272 = tpu.memref_slice %arg7[%dma_start3A_1254, %dma_start3A_1255, %dma_start3A_1256, %dma_start3A_1270, %dma_start3A_1271] : memref<2x4x5x8x129xf32, #tpu.memory_space<vmem>> -> memref<1x1x1x8x128xf32, #tpu.memory_space<vmem>>
      %dma_start3A_1273 = tpu.memref_squeeze %dma_start3A_1272 : memref<1x1x1x8x128xf32, #tpu.memory_space<vmem>> -> memref<8x128xf32, #tpu.memory_space<vmem>>
      tpu.enqueue_dma source(%dma_start3A_1273 : memref<8x128xf32, #tpu.memory_space<vmem>>) target(%dma_start3A_1269 : memref<8x128xf32, #tpu.memory_space<hbm>>) target_semaphore(%arg10 : memref<!tpu.dma_semaphore, #tpu.memory_space<semaphore_mem>>)
      %mul3A_1274 = arith.constant 4 : i32
      %mul3A_1275 = arith.muli %add3A, %mul3A_1274 : i32
      %add3A_1276 = arith.constant 1 : i32
      %add3A_1277 = arith.addi %mul3A_1275, %add3A_1276 : i32
      %dma_start3A_1278 = arith.constant 0 : i32
      %dma_start3A_1279 = arith.constant 2 : i32
      %dma_start3A_1280 = arith.constant 1 : i32
      %dma_start3A_1281 = arith.constant 2 : i32
      %dma_start3A_1282 = arith.constant 0 : i32
      %dma_start3A_1283 = arith.constant 0 : i32
      %dma_start3A_1284 = tpu.memref_slice %arg7[%dma_start3A_1278, %dma_start3A_1279, %dma_start3A_1280, %dma_start3A_1282, %dma_start3A_1283] : memref<2x4x5x8x129xf32, #tpu.memory_space<vmem>> -> memref<1x1x1x8x128xf32, #tpu.memory_space<vmem>>
      %dma_start3A_1285 = tpu.memref_squeeze %dma_start3A_1284 : memref<1x1x1x8x128xf32, #tpu.memory_space<vmem>> -> memref<8x128xf32, #tpu.memory_space<vmem>>
      %dma_start3A_1286 = arith.constant 0 : i32
      %dma_start3A_1287 = arith.constant 0 : i32
      %dma_start3A_1288 = tpu.memref_slice %arg4[%add3A_921, %dma_start3A_1281, %add3A_1277, %dma_start3A_1286, %dma_start3A_1287] : memref<50x4x128x8x128xf32, #tpu.memory_space<hbm>> -> memref<1x1x1x8x128xf32, #tpu.memory_space<hbm>>
      %dma_start3A_1289 = tpu.memref_squeeze %dma_start3A_1288 : memref<1x1x1x8x128xf32, #tpu.memory_space<hbm>> -> memref<8x128xf32, #tpu.memory_space<hbm>>
      %dma_start3A_1290 = arith.constant 0 : i32
      %dma_start3A_1291 = arith.constant 0 : i32
      %dma_start3A_1292 = tpu.memref_slice %arg4[%add3A_921, %dma_start3A_1281, %add3A_1277, %dma_start3A_1290, %dma_start3A_1291] : memref<50x4x128x8x128xf32, #tpu.memory_space<hbm>> -> memref<1x1x1x8x128xf32, #tpu.memory_space<hbm>>
      %dma_start3A_1293 = tpu.memref_squeeze %dma_start3A_1292 : memref<1x1x1x8x128xf32, #tpu.memory_space<hbm>> -> memref<8x128xf32, #tpu.memory_space<hbm>>
      %dma_start3A_1294 = arith.constant 0 : i32
      %dma_start3A_1295 = arith.constant 0 : i32
      %dma_start3A_1296 = tpu.memref_slice %arg7[%dma_start3A_1278, %dma_start3A_1279, %dma_start3A_1280, %dma_start3A_1294, %dma_start3A_1295] : memref<2x4x5x8x129xf32, #tpu.memory_space<vmem>> -> memref<1x1x1x8x128xf32, #tpu.memory_space<vmem>>
      %dma_start3A_1297 = tpu.memref_squeeze %dma_start3A_1296 : memref<1x1x1x8x128xf32, #tpu.memory_space<vmem>> -> memref<8x128xf32, #tpu.memory_space<vmem>>
      tpu.enqueue_dma source(%dma_start3A_1297 : memref<8x128xf32, #tpu.memory_space<vmem>>) target(%dma_start3A_1293 : memref<8x128xf32, #tpu.memory_space<hbm>>) target_semaphore(%arg10 : memref<!tpu.dma_semaphore, #tpu.memory_space<semaphore_mem>>)
      %mul3A_1298 = arith.constant 4 : i32
      %mul3A_1299 = arith.muli %add3A, %mul3A_1298 : i32
      %add3A_1300 = arith.constant 2 : i32
      %add3A_1301 = arith.addi %mul3A_1299, %add3A_1300 : i32
      %dma_start3A_1302 = arith.constant 0 : i32
      %dma_start3A_1303 = arith.constant 2 : i32
      %dma_start3A_1304 = arith.constant 2 : i32
      %dma_start3A_1305 = arith.constant 2 : i32
      %dma_start3A_1306 = arith.constant 0 : i32
      %dma_start3A_1307 = arith.constant 0 : i32
      %dma_start3A_1308 = tpu.memref_slice %arg7[%dma_start3A_1302, %dma_start3A_1303, %dma_start3A_1304, %dma_start3A_1306, %dma_start3A_1307] : memref<2x4x5x8x129xf32, #tpu.memory_space<vmem>> -> memref<1x1x1x8x128xf32, #tpu.memory_space<vmem>>
      %dma_start3A_1309 = tpu.memref_squeeze %dma_start3A_1308 : memref<1x1x1x8x128xf32, #tpu.memory_space<vmem>> -> memref<8x128xf32, #tpu.memory_space<vmem>>
      %dma_start3A_1310 = arith.constant 0 : i32
      %dma_start3A_1311 = arith.constant 0 : i32
      %dma_start3A_1312 = tpu.memref_slice %arg4[%add3A_921, %dma_start3A_1305, %add3A_1301, %dma_start3A_1310, %dma_start3A_1311] : memref<50x4x128x8x128xf32, #tpu.memory_space<hbm>> -> memref<1x1x1x8x128xf32, #tpu.memory_space<hbm>>
      %dma_start3A_1313 = tpu.memref_squeeze %dma_start3A_1312 : memref<1x1x1x8x128xf32, #tpu.memory_space<hbm>> -> memref<8x128xf32, #tpu.memory_space<hbm>>
      %dma_start3A_1314 = arith.constant 0 : i32
      %dma_start3A_1315 = arith.constant 0 : i32
      %dma_start3A_1316 = tpu.memref_slice %arg4[%add3A_921, %dma_start3A_1305, %add3A_1301, %dma_start3A_1314, %dma_start3A_1315] : memref<50x4x128x8x128xf32, #tpu.memory_space<hbm>> -> memref<1x1x1x8x128xf32, #tpu.memory_space<hbm>>
      %dma_start3A_1317 = tpu.memref_squeeze %dma_start3A_1316 : memref<1x1x1x8x128xf32, #tpu.memory_space<hbm>> -> memref<8x128xf32, #tpu.memory_space<hbm>>
      %dma_start3A_1318 = arith.constant 0 : i32
      %dma_start3A_1319 = arith.constant 0 : i32
      %dma_start3A_1320 = tpu.memref_slice %arg7[%dma_start3A_1302, %dma_start3A_1303, %dma_start3A_1304, %dma_start3A_1318, %dma_start3A_1319] : memref<2x4x5x8x129xf32, #tpu.memory_space<vmem>> -> memref<1x1x1x8x128xf32, #tpu.memory_space<vmem>>
      %dma_start3A_1321 = tpu.memref_squeeze %dma_start3A_1320 : memref<1x1x1x8x128xf32, #tpu.memory_space<vmem>> -> memref<8x128xf32, #tpu.memory_space<vmem>>
      tpu.enqueue_dma source(%dma_start3A_1321 : memref<8x128xf32, #tpu.memory_space<vmem>>) target(%dma_start3A_1317 : memref<8x128xf32, #tpu.memory_space<hbm>>) target_semaphore(%arg10 : memref<!tpu.dma_semaphore, #tpu.memory_space<semaphore_mem>>)
      %mul3A_1322 = arith.constant 4 : i32
      %mul3A_1323 = arith.muli %add3A, %mul3A_1322 : i32
      %add3A_1324 = arith.constant 3 : i32
      %add3A_1325 = arith.addi %mul3A_1323, %add3A_1324 : i32
      %dma_start3A_1326 = arith.constant 0 : i32
      %dma_start3A_1327 = arith.constant 2 : i32
      %dma_start3A_1328 = arith.constant 3 : i32
      %dma_start3A_1329 = arith.constant 2 : i32
      %dma_start3A_1330 = arith.constant 0 : i32
      %dma_start3A_1331 = arith.constant 0 : i32
      %dma_start3A_1332 = tpu.memref_slice %arg7[%dma_start3A_1326, %dma_start3A_1327, %dma_start3A_1328, %dma_start3A_1330, %dma_start3A_1331] : memref<2x4x5x8x129xf32, #tpu.memory_space<vmem>> -> memref<1x1x1x8x128xf32, #tpu.memory_space<vmem>>
      %dma_start3A_1333 = tpu.memref_squeeze %dma_start3A_1332 : memref<1x1x1x8x128xf32, #tpu.memory_space<vmem>> -> memref<8x128xf32, #tpu.memory_space<vmem>>
      %dma_start3A_1334 = arith.constant 0 : i32
      %dma_start3A_1335 = arith.constant 0 : i32
      %dma_start3A_1336 = tpu.memref_slice %arg4[%add3A_921, %dma_start3A_1329, %add3A_1325, %dma_start3A_1334, %dma_start3A_1335] : memref<50x4x128x8x128xf32, #tpu.memory_space<hbm>> -> memref<1x1x1x8x128xf32, #tpu.memory_space<hbm>>
      %dma_start3A_1337 = tpu.memref_squeeze %dma_start3A_1336 : memref<1x1x1x8x128xf32, #tpu.memory_space<hbm>> -> memref<8x128xf32, #tpu.memory_space<hbm>>
      %dma_start3A_1338 = arith.constant 0 : i32
      %dma_start3A_1339 = arith.constant 0 : i32
      %dma_start3A_1340 = tpu.memref_slice %arg4[%add3A_921, %dma_start3A_1329, %add3A_1325, %dma_start3A_1338, %dma_start3A_1339] : memref<50x4x128x8x128xf32, #tpu.memory_space<hbm>> -> memref<1x1x1x8x128xf32, #tpu.memory_space<hbm>>
      %dma_start3A_1341 = tpu.memref_squeeze %dma_start3A_1340 : memref<1x1x1x8x128xf32, #tpu.memory_space<hbm>> -> memref<8x128xf32, #tpu.memory_space<hbm>>
      %dma_start3A_1342 = arith.constant 0 : i32
      %dma_start3A_1343 = arith.constant 0 : i32
      %dma_start3A_1344 = tpu.memref_slice %arg7[%dma_start3A_1326, %dma_start3A_1327, %dma_start3A_1328, %dma_start3A_1342, %dma_start3A_1343] : memref<2x4x5x8x129xf32, #tpu.memory_space<vmem>> -> memref<1x1x1x8x128xf32, #tpu.memory_space<vmem>>
      %dma_start3A_1345 = tpu.memref_squeeze %dma_start3A_1344 : memref<1x1x1x8x128xf32, #tpu.memory_space<vmem>> -> memref<8x128xf32, #tpu.memory_space<vmem>>
      tpu.enqueue_dma source(%dma_start3A_1345 : memref<8x128xf32, #tpu.memory_space<vmem>>) target(%dma_start3A_1341 : memref<8x128xf32, #tpu.memory_space<hbm>>) target_semaphore(%arg10 : memref<!tpu.dma_semaphore, #tpu.memory_space<semaphore_mem>>)
      %mul3A_1346 = arith.constant 4 : i32
      %mul3A_1347 = arith.muli %add3A, %mul3A_1346 : i32
      %add3A_1348 = arith.constant 0 : i32
      %add3A_1349 = arith.addi %mul3A_1347, %add3A_1348 : i32
      %dma_start3A_1350 = arith.constant 0 : i32
      %dma_start3A_1351 = arith.constant 3 : i32
      %dma_start3A_1352 = arith.constant 0 : i32
      %dma_start3A_1353 = arith.constant 3 : i32
      %dma_start3A_1354 = arith.constant 0 : i32
      %dma_start3A_1355 = arith.constant 0 : i32
      %dma_start3A_1356 = tpu.memref_slice %arg7[%dma_start3A_1350, %dma_start3A_1351, %dma_start3A_1352, %dma_start3A_1354, %dma_start3A_1355] : memref<2x4x5x8x129xf32, #tpu.memory_space<vmem>> -> memref<1x1x1x8x128xf32, #tpu.memory_space<vmem>>
      %dma_start3A_1357 = tpu.memref_squeeze %dma_start3A_1356 : memref<1x1x1x8x128xf32, #tpu.memory_space<vmem>> -> memref<8x128xf32, #tpu.memory_space<vmem>>
      %dma_start3A_1358 = arith.constant 0 : i32
      %dma_start3A_1359 = arith.constant 0 : i32
      %dma_start3A_1360 = tpu.memref_slice %arg4[%add3A_921, %dma_start3A_1353, %add3A_1349, %dma_start3A_1358, %dma_start3A_1359] : memref<50x4x128x8x128xf32, #tpu.memory_space<hbm>> -> memref<1x1x1x8x128xf32, #tpu.memory_space<hbm>>
      %dma_start3A_1361 = tpu.memref_squeeze %dma_start3A_1360 : memref<1x1x1x8x128xf32, #tpu.memory_space<hbm>> -> memref<8x128xf32, #tpu.memory_space<hbm>>
      %dma_start3A_1362 = arith.constant 0 : i32
      %dma_start3A_1363 = arith.constant 0 : i32
      %dma_start3A_1364 = tpu.memref_slice %arg4[%add3A_921, %dma_start3A_1353, %add3A_1349, %dma_start3A_1362, %dma_start3A_1363] : memref<50x4x128x8x128xf32, #tpu.memory_space<hbm>> -> memref<1x1x1x8x128xf32, #tpu.memory_space<hbm>>
      %dma_start3A_1365 = tpu.memref_squeeze %dma_start3A_1364 : memref<1x1x1x8x128xf32, #tpu.memory_space<hbm>> -> memref<8x128xf32, #tpu.memory_space<hbm>>
      %dma_start3A_1366 = arith.constant 0 : i32
      %dma_start3A_1367 = arith.constant 0 : i32
      %dma_start3A_1368 = tpu.memref_slice %arg7[%dma_start3A_1350, %dma_start3A_1351, %dma_start3A_1352, %dma_start3A_1366, %dma_start3A_1367] : memref<2x4x5x8x129xf32, #tpu.memory_space<vmem>> -> memref<1x1x1x8x128xf32, #tpu.memory_space<vmem>>
      %dma_start3A_1369 = tpu.memref_squeeze %dma_start3A_1368 : memref<1x1x1x8x128xf32, #tpu.memory_space<vmem>> -> memref<8x128xf32, #tpu.memory_space<vmem>>
      tpu.enqueue_dma source(%dma_start3A_1369 : memref<8x128xf32, #tpu.memory_space<vmem>>) target(%dma_start3A_1365 : memref<8x128xf32, #tpu.memory_space<hbm>>) target_semaphore(%arg10 : memref<!tpu.dma_semaphore, #tpu.memory_space<semaphore_mem>>)
      %mul3A_1370 = arith.constant 4 : i32
      %mul3A_1371 = arith.muli %add3A, %mul3A_1370 : i32
      %add3A_1372 = arith.constant 1 : i32
      %add3A_1373 = arith.addi %mul3A_1371, %add3A_1372 : i32
      %dma_start3A_1374 = arith.constant 0 : i32
      %dma_start3A_1375 = arith.constant 3 : i32
      %dma_start3A_1376 = arith.constant 1 : i32
      %dma_start3A_1377 = arith.constant 3 : i32
      %dma_start3A_1378 = arith.constant 0 : i32
      %dma_start3A_1379 = arith.constant 0 : i32
      %dma_start3A_1380 = tpu.memref_slice %arg7[%dma_start3A_1374, %dma_start3A_1375, %dma_start3A_1376, %dma_start3A_1378, %dma_start3A_1379] : memref<2x4x5x8x129xf32, #tpu.memory_space<vmem>> -> memref<1x1x1x8x128xf32, #tpu.memory_space<vmem>>
      %dma_start3A_1381 = tpu.memref_squeeze %dma_start3A_1380 : memref<1x1x1x8x128xf32, #tpu.memory_space<vmem>> -> memref<8x128xf32, #tpu.memory_space<vmem>>
      %dma_start3A_1382 = arith.constant 0 : i32
      %dma_start3A_1383 = arith.constant 0 : i32
      %dma_start3A_1384 = tpu.memref_slice %arg4[%add3A_921, %dma_start3A_1377, %add3A_1373, %dma_start3A_1382, %dma_start3A_1383] : memref<50x4x128x8x128xf32, #tpu.memory_space<hbm>> -> memref<1x1x1x8x128xf32, #tpu.memory_space<hbm>>
      %dma_start3A_1385 = tpu.memref_squeeze %dma_start3A_1384 : memref<1x1x1x8x128xf32, #tpu.memory_space<hbm>> -> memref<8x128xf32, #tpu.memory_space<hbm>>
      %dma_start3A_1386 = arith.constant 0 : i32
      %dma_start3A_1387 = arith.constant 0 : i32
      %dma_start3A_1388 = tpu.memref_slice %arg4[%add3A_921, %dma_start3A_1377, %add3A_1373, %dma_start3A_1386, %dma_start3A_1387] : memref<50x4x128x8x128xf32, #tpu.memory_space<hbm>> -> memref<1x1x1x8x128xf32, #tpu.memory_space<hbm>>
      %dma_start3A_1389 = tpu.memref_squeeze %dma_start3A_1388 : memref<1x1x1x8x128xf32, #tpu.memory_space<hbm>> -> memref<8x128xf32, #tpu.memory_space<hbm>>
      %dma_start3A_1390 = arith.constant 0 : i32
      %dma_start3A_1391 = arith.constant 0 : i32
      %dma_start3A_1392 = tpu.memref_slice %arg7[%dma_start3A_1374, %dma_start3A_1375, %dma_start3A_1376, %dma_start3A_1390, %dma_start3A_1391] : memref<2x4x5x8x129xf32, #tpu.memory_space<vmem>> -> memref<1x1x1x8x128xf32, #tpu.memory_space<vmem>>
      %dma_start3A_1393 = tpu.memref_squeeze %dma_start3A_1392 : memref<1x1x1x8x128xf32, #tpu.memory_space<vmem>> -> memref<8x128xf32, #tpu.memory_space<vmem>>
      tpu.enqueue_dma source(%dma_start3A_1393 : memref<8x128xf32, #tpu.memory_space<vmem>>) target(%dma_start3A_1389 : memref<8x128xf32, #tpu.memory_space<hbm>>) target_semaphore(%arg10 : memref<!tpu.dma_semaphore, #tpu.memory_space<semaphore_mem>>)
      %mul3A_1394 = arith.constant 4 : i32
      %mul3A_1395 = arith.muli %add3A, %mul3A_1394 : i32
      %add3A_1396 = arith.constant 2 : i32
      %add3A_1397 = arith.addi %mul3A_1395, %add3A_1396 : i32
      %dma_start3A_1398 = arith.constant 0 : i32
      %dma_start3A_1399 = arith.constant 3 : i32
      %dma_start3A_1400 = arith.constant 2 : i32
      %dma_start3A_1401 = arith.constant 3 : i32
      %dma_start3A_1402 = arith.constant 0 : i32
      %dma_start3A_1403 = arith.constant 0 : i32
      %dma_start3A_1404 = tpu.memref_slice %arg7[%dma_start3A_1398, %dma_start3A_1399, %dma_start3A_1400, %dma_start3A_1402, %dma_start3A_1403] : memref<2x4x5x8x129xf32, #tpu.memory_space<vmem>> -> memref<1x1x1x8x128xf32, #tpu.memory_space<vmem>>
      %dma_start3A_1405 = tpu.memref_squeeze %dma_start3A_1404 : memref<1x1x1x8x128xf32, #tpu.memory_space<vmem>> -> memref<8x128xf32, #tpu.memory_space<vmem>>
      %dma_start3A_1406 = arith.constant 0 : i32
      %dma_start3A_1407 = arith.constant 0 : i32
      %dma_start3A_1408 = tpu.memref_slice %arg4[%add3A_921, %dma_start3A_1401, %add3A_1397, %dma_start3A_1406, %dma_start3A_1407] : memref<50x4x128x8x128xf32, #tpu.memory_space<hbm>> -> memref<1x1x1x8x128xf32, #tpu.memory_space<hbm>>
      %dma_start3A_1409 = tpu.memref_squeeze %dma_start3A_1408 : memref<1x1x1x8x128xf32, #tpu.memory_space<hbm>> -> memref<8x128xf32, #tpu.memory_space<hbm>>
      %dma_start3A_1410 = arith.constant 0 : i32
      %dma_start3A_1411 = arith.constant 0 : i32
      %dma_start3A_1412 = tpu.memref_slice %arg4[%add3A_921, %dma_start3A_1401, %add3A_1397, %dma_start3A_1410, %dma_start3A_1411] : memref<50x4x128x8x128xf32, #tpu.memory_space<hbm>> -> memref<1x1x1x8x128xf32, #tpu.memory_space<hbm>>
      %dma_start3A_1413 = tpu.memref_squeeze %dma_start3A_1412 : memref<1x1x1x8x128xf32, #tpu.memory_space<hbm>> -> memref<8x128xf32, #tpu.memory_space<hbm>>
      %dma_start3A_1414 = arith.constant 0 : i32
      %dma_start3A_1415 = arith.constant 0 : i32
      %dma_start3A_1416 = tpu.memref_slice %arg7[%dma_start3A_1398, %dma_start3A_1399, %dma_start3A_1400, %dma_start3A_1414, %dma_start3A_1415] : memref<2x4x5x8x129xf32, #tpu.memory_space<vmem>> -> memref<1x1x1x8x128xf32, #tpu.memory_space<vmem>>
      %dma_start3A_1417 = tpu.memref_squeeze %dma_start3A_1416 : memref<1x1x1x8x128xf32, #tpu.memory_space<vmem>> -> memref<8x128xf32, #tpu.memory_space<vmem>>
      tpu.enqueue_dma source(%dma_start3A_1417 : memref<8x128xf32, #tpu.memory_space<vmem>>) target(%dma_start3A_1413 : memref<8x128xf32, #tpu.memory_space<hbm>>) target_semaphore(%arg10 : memref<!tpu.dma_semaphore, #tpu.memory_space<semaphore_mem>>)
      %mul3A_1418 = arith.constant 4 : i32
      %mul3A_1419 = arith.muli %add3A, %mul3A_1418 : i32
      %add3A_1420 = arith.constant 3 : i32
      %add3A_1421 = arith.addi %mul3A_1419, %add3A_1420 : i32
      %dma_start3A_1422 = arith.constant 0 : i32
      %dma_start3A_1423 = arith.constant 3 : i32
      %dma_start3A_1424 = arith.constant 3 : i32
      %dma_start3A_1425 = arith.constant 3 : i32
      %dma_start3A_1426 = arith.constant 0 : i32
      %dma_start3A_1427 = arith.constant 0 : i32
      %dma_start3A_1428 = tpu.memref_slice %arg7[%dma_start3A_1422, %dma_start3A_1423, %dma_start3A_1424, %dma_start3A_1426, %dma_start3A_1427] : memref<2x4x5x8x129xf32, #tpu.memory_space<vmem>> -> memref<1x1x1x8x128xf32, #tpu.memory_space<vmem>>
      %dma_start3A_1429 = tpu.memref_squeeze %dma_start3A_1428 : memref<1x1x1x8x128xf32, #tpu.memory_space<vmem>> -> memref<8x128xf32, #tpu.memory_space<vmem>>
      %dma_start3A_1430 = arith.constant 0 : i32
      %dma_start3A_1431 = arith.constant 0 : i32
      %dma_start3A_1432 = tpu.memref_slice %arg4[%add3A_921, %dma_start3A_1425, %add3A_1421, %dma_start3A_1430, %dma_start3A_1431] : memref<50x4x128x8x128xf32, #tpu.memory_space<hbm>> -> memref<1x1x1x8x128xf32, #tpu.memory_space<hbm>>
      %dma_start3A_1433 = tpu.memref_squeeze %dma_start3A_1432 : memref<1x1x1x8x128xf32, #tpu.memory_space<hbm>> -> memref<8x128xf32, #tpu.memory_space<hbm>>
      %dma_start3A_1434 = arith.constant 0 : i32
      %dma_start3A_1435 = arith.constant 0 : i32
      %dma_start3A_1436 = tpu.memref_slice %arg4[%add3A_921, %dma_start3A_1425, %add3A_1421, %dma_start3A_1434, %dma_start3A_1435] : memref<50x4x128x8x128xf32, #tpu.memory_space<hbm>> -> memref<1x1x1x8x128xf32, #tpu.memory_space<hbm>>
      %dma_start3A_1437 = tpu.memref_squeeze %dma_start3A_1436 : memref<1x1x1x8x128xf32, #tpu.memory_space<hbm>> -> memref<8x128xf32, #tpu.memory_space<hbm>>
      %dma_start3A_1438 = arith.constant 0 : i32
      %dma_start3A_1439 = arith.constant 0 : i32
      %dma_start3A_1440 = tpu.memref_slice %arg7[%dma_start3A_1422, %dma_start3A_1423, %dma_start3A_1424, %dma_start3A_1438, %dma_start3A_1439] : memref<2x4x5x8x129xf32, #tpu.memory_space<vmem>> -> memref<1x1x1x8x128xf32, #tpu.memory_space<vmem>>
      %dma_start3A_1441 = tpu.memref_squeeze %dma_start3A_1440 : memref<1x1x1x8x128xf32, #tpu.memory_space<vmem>> -> memref<8x128xf32, #tpu.memory_space<vmem>>
      tpu.enqueue_dma source(%dma_start3A_1441 : memref<8x128xf32, #tpu.memory_space<vmem>>) target(%dma_start3A_1437 : memref<8x128xf32, #tpu.memory_space<hbm>>) target_semaphore(%arg10 : memref<!tpu.dma_semaphore, #tpu.memory_space<semaphore_mem>>)
      %mul3A_1442 = arith.constant 2 : i32
      %mul3A_1443 = arith.muli %mul3A_1442, %scan3A_917 : i32
      %add3A_1444 = arith.constant 1 : i32
      %add3A_1445 = arith.addi %mul3A_1443, %add3A_1444 : i32
      %dma_wait3A_1446 = arith.constant 1 : i32
      %dma_wait3A_1447 = arith.constant 0 : i32
      %dma_wait3A_1448 = arith.constant 1 : i32
      %dma_wait3A_1449 = arith.constant 0 : i32
      %dma_wait3A_1450 = arith.constant 0 : i32
      %dma_wait3A_1451 = tpu.memref_slice %arg6[%dma_wait3A_1448, %dma_wait3A_1449, %dma_wait3A_1450] : memref<2x512x32xf32, #tpu.memory_space<vmem>> -> memref<1x128x32xf32, #tpu.memory_space<vmem>>
      %dma_wait3A_1452 = tpu.memref_squeeze %dma_wait3A_1451 : memref<1x128x32xf32, #tpu.memory_space<vmem>> -> memref<128x32xf32, #tpu.memory_space<vmem>>
      %dma_wait3A_1453 = arith.constant 0 : i32
      %dma_wait3A_1454 = tpu.memref_slice %arg5[%dma_wait3A_1446, %dma_wait3A_1447, %dma_wait3A_1453] : memref<2x4x128xi32, #tpu.memory_space<vmem>> -> memref<1x1x128xi32, #tpu.memory_space<vmem>>
      %dma_wait3A_1455 = tpu.memref_squeeze %dma_wait3A_1454 : memref<1x1x128xi32, #tpu.memory_space<vmem>> -> memref<128xi32, #tpu.memory_space<vmem>>
      %dma_wait3A_1456 = arith.constant 0 : i32
      %dma_wait3A_1457 = arith.constant 0 : i32
      %dma_wait3A_1458 = tpu.memref_slice %arg2[%dma_wait3A_1456, %dma_wait3A_1457] : memref<1000000x32xf32, #tpu.memory_space<hbm>> -> memref<1000000x32xf32, #tpu.memory_space<hbm>>
      tpu.wait_indirect_dma semaphore(%arg9 : memref<!tpu.dma_semaphore, #tpu.memory_space<semaphore_mem>>) src(%dma_wait3A_1458 : memref<1000000x32xf32, #tpu.memory_space<hbm>>) dst(%dma_wait3A_1452 : memref<128x32xf32, #tpu.memory_space<vmem>>)
      %dma_wait3A_1459 = arith.constant 1 : i32
      %dma_wait3A_1460 = arith.constant 1 : i32
      %dma_wait3A_1461 = arith.constant 1 : i32
      %dma_wait3A_1462 = arith.constant 128 : i32
      %dma_wait3A_1463 = arith.constant 0 : i32
      %dma_wait3A_1464 = tpu.memref_slice %arg6[%dma_wait3A_1461, %dma_wait3A_1462, %dma_wait3A_1463] : memref<2x512x32xf32, #tpu.memory_space<vmem>> -> memref<1x128x32xf32, #tpu.memory_space<vmem>>
      %dma_wait3A_1465 = tpu.memref_squeeze %dma_wait3A_1464 : memref<1x128x32xf32, #tpu.memory_space<vmem>> -> memref<128x32xf32, #tpu.memory_space<vmem>>
      %dma_wait3A_1466 = arith.constant 0 : i32
      %dma_wait3A_1467 = tpu.memref_slice %arg5[%dma_wait3A_1459, %dma_wait3A_1460, %dma_wait3A_1466] : memref<2x4x128xi32, #tpu.memory_space<vmem>> -> memref<1x1x128xi32, #tpu.memory_space<vmem>>
      %dma_wait3A_1468 = tpu.memref_squeeze %dma_wait3A_1467 : memref<1x1x128xi32, #tpu.memory_space<vmem>> -> memref<128xi32, #tpu.memory_space<vmem>>
      %dma_wait3A_1469 = arith.constant 0 : i32
      %dma_wait3A_1470 = arith.constant 0 : i32
      %dma_wait3A_1471 = tpu.memref_slice %arg2[%dma_wait3A_1469, %dma_wait3A_1470] : memref<1000000x32xf32, #tpu.memory_space<hbm>> -> memref<1000000x32xf32, #tpu.memory_space<hbm>>
      tpu.wait_indirect_dma semaphore(%arg9 : memref<!tpu.dma_semaphore, #tpu.memory_space<semaphore_mem>>) src(%dma_wait3A_1471 : memref<1000000x32xf32, #tpu.memory_space<hbm>>) dst(%dma_wait3A_1465 : memref<128x32xf32, #tpu.memory_space<vmem>>)
      %dma_wait3A_1472 = arith.constant 1 : i32
      %dma_wait3A_1473 = arith.constant 2 : i32
      %dma_wait3A_1474 = arith.constant 1 : i32
      %dma_wait3A_1475 = arith.constant 256 : i32
      %dma_wait3A_1476 = arith.constant 0 : i32
      %dma_wait3A_1477 = tpu.memref_slice %arg6[%dma_wait3A_1474, %dma_wait3A_1475, %dma_wait3A_1476] : memref<2x512x32xf32, #tpu.memory_space<vmem>> -> memref<1x128x32xf32, #tpu.memory_space<vmem>>
      %dma_wait3A_1478 = tpu.memref_squeeze %dma_wait3A_1477 : memref<1x128x32xf32, #tpu.memory_space<vmem>> -> memref<128x32xf32, #tpu.memory_space<vmem>>
      %dma_wait3A_1479 = arith.constant 0 : i32
      %dma_wait3A_1480 = tpu.memref_slice %arg5[%dma_wait3A_1472, %dma_wait3A_1473, %dma_wait3A_1479] : memref<2x4x128xi32, #tpu.memory_space<vmem>> -> memref<1x1x128xi32, #tpu.memory_space<vmem>>
      %dma_wait3A_1481 = tpu.memref_squeeze %dma_wait3A_1480 : memref<1x1x128xi32, #tpu.memory_space<vmem>> -> memref<128xi32, #tpu.memory_space<vmem>>
      %dma_wait3A_1482 = arith.constant 0 : i32
      %dma_wait3A_1483 = arith.constant 0 : i32
      %dma_wait3A_1484 = tpu.memref_slice %arg2[%dma_wait3A_1482, %dma_wait3A_1483] : memref<1000000x32xf32, #tpu.memory_space<hbm>> -> memref<1000000x32xf32, #tpu.memory_space<hbm>>
      tpu.wait_indirect_dma semaphore(%arg9 : memref<!tpu.dma_semaphore, #tpu.memory_space<semaphore_mem>>) src(%dma_wait3A_1484 : memref<1000000x32xf32, #tpu.memory_space<hbm>>) dst(%dma_wait3A_1478 : memref<128x32xf32, #tpu.memory_space<vmem>>)
      %dma_wait3A_1485 = arith.constant 1 : i32
      %dma_wait3A_1486 = arith.constant 3 : i32
      %dma_wait3A_1487 = arith.constant 1 : i32
      %dma_wait3A_1488 = arith.constant 384 : i32
      %dma_wait3A_1489 = arith.constant 0 : i32
      %dma_wait3A_1490 = tpu.memref_slice %arg6[%dma_wait3A_1487, %dma_wait3A_1488, %dma_wait3A_1489] : memref<2x512x32xf32, #tpu.memory_space<vmem>> -> memref<1x128x32xf32, #tpu.memory_space<vmem>>
      %dma_wait3A_1491 = tpu.memref_squeeze %dma_wait3A_1490 : memref<1x128x32xf32, #tpu.memory_space<vmem>> -> memref<128x32xf32, #tpu.memory_space<vmem>>
      %dma_wait3A_1492 = arith.constant 0 : i32
      %dma_wait3A_1493 = tpu.memref_slice %arg5[%dma_wait3A_1485, %dma_wait3A_1486, %dma_wait3A_1492] : memref<2x4x128xi32, #tpu.memory_space<vmem>> -> memref<1x1x128xi32, #tpu.memory_space<vmem>>
      %dma_wait3A_1494 = tpu.memref_squeeze %dma_wait3A_1493 : memref<1x1x128xi32, #tpu.memory_space<vmem>> -> memref<128xi32, #tpu.memory_space<vmem>>
      %dma_wait3A_1495 = arith.constant 0 : i32
      %dma_wait3A_1496 = arith.constant 0 : i32
      %dma_wait3A_1497 = tpu.memref_slice %arg2[%dma_wait3A_1495, %dma_wait3A_1496] : memref<1000000x32xf32, #tpu.memory_space<hbm>> -> memref<1000000x32xf32, #tpu.memory_space<hbm>>
      tpu.wait_indirect_dma semaphore(%arg9 : memref<!tpu.dma_semaphore, #tpu.memory_space<semaphore_mem>>) src(%dma_wait3A_1497 : memref<1000000x32xf32, #tpu.memory_space<hbm>>) dst(%dma_wait3A_1491 : memref<128x32xf32, #tpu.memory_space<vmem>>)
      %lt3A_1498 = arith.constant 24 : i32
      %lt3A_1499 = arith.cmpi slt, %scan3A_917, %lt3A_1498 : i32
      %convert_element_type3A_1500 = arith.extui %lt3A_1499 : i1 to i32
      %cond3A_1501 = arith.constant 0 : i32
      %cond3A_1502 = arith.cmpi ne, %convert_element_type3A_1500, %cond3A_1501 : i32
      scf.if %cond3A_1502 {
        %add3A_1904 = arith.constant 1 : i32
        %add3A_1905 = arith.addi %add3A_1445, %add3A_1904 : i32
        %mul3A_1906 = arith.constant 4 : i32
        %mul3A_1907 = arith.muli %add3A, %mul3A_1906 : i32
        %dma_wait3A_1908 = arith.constant 0 : i32
        %dma_wait3A_1909 = arith.constant 0 : i32
        %dma_wait3A_1910 = arith.constant 0 : i32
        %dma_wait3A_1911 = tpu.memref_slice %arg5[%dma_wait3A_1908, %dma_wait3A_1909, %dma_wait3A_1910] : memref<2x4x128xi32, #tpu.memory_space<vmem>> -> memref<1x4x128xi32, #tpu.memory_space<vmem>>
        %dma_wait3A_1912 = tpu.memref_squeeze %dma_wait3A_1911 : memref<1x4x128xi32, #tpu.memory_space<vmem>> -> memref<4x128xi32, #tpu.memory_space<vmem>>
        %dma_wait3A_1913 = arith.constant 0 : i32
        %dma_wait3A_1914 = tpu.memref_slice %arg3[%add3A_1905, %mul3A_1907, %dma_wait3A_1913] : memref<50x128x128xi32, #tpu.memory_space<hbm>> -> memref<1x4x128xi32, #tpu.memory_space<hbm>>
        %dma_wait3A_1915 = tpu.memref_squeeze %dma_wait3A_1914 : memref<1x4x128xi32, #tpu.memory_space<hbm>> -> memref<4x128xi32, #tpu.memory_space<hbm>>
        %dma_wait3A_1916 = arith.constant 0 : i32
        %dma_wait3A_1917 = arith.constant 0 : i32
        %dma_wait3A_1918 = tpu.memref_slice %arg5[%dma_wait3A_1908, %dma_wait3A_1916, %dma_wait3A_1917] : memref<2x4x128xi32, #tpu.memory_space<vmem>> -> memref<1x4x128xi32, #tpu.memory_space<vmem>>
        %dma_wait3A_1919 = tpu.memref_squeeze %dma_wait3A_1918 : memref<1x4x128xi32, #tpu.memory_space<vmem>> -> memref<4x128xi32, #tpu.memory_space<vmem>>
        %dma_wait3A_1920 = arith.constant 0 : i32
        %dma_wait3A_1921 = tpu.memref_slice %arg3[%add3A_1905, %mul3A_1907, %dma_wait3A_1920] : memref<50x128x128xi32, #tpu.memory_space<hbm>> -> memref<1x4x128xi32, #tpu.memory_space<hbm>>
        %dma_wait3A_1922 = tpu.memref_squeeze %dma_wait3A_1921 : memref<1x4x128xi32, #tpu.memory_space<hbm>> -> memref<4x128xi32, #tpu.memory_space<hbm>>
        tpu.wait_dma2 semaphore(%arg12 : memref<!tpu.dma_semaphore, #tpu.memory_space<semaphore_mem>>) src(%dma_wait3A_1922 : memref<4x128xi32, #tpu.memory_space<hbm>>) dst(%dma_wait3A_1919 : memref<4x128xi32, #tpu.memory_space<vmem>>)
        %dma_start3A_1923 = arith.constant 0 : i32
        %dma_start3A_1924 = arith.constant 0 : i32
        %dma_start3A_1925 = arith.constant 0 : i32
        %dma_start3A_1926 = arith.constant 0 : i32
        %dma_start3A_1927 = arith.constant 0 : i32
        %dma_start3A_1928 = tpu.memref_slice %arg6[%dma_start3A_1925, %dma_start3A_1926, %dma_start3A_1927] : memref<2x512x32xf32, #tpu.memory_space<vmem>> -> memref<1x128x32xf32, #tpu.memory_space<vmem>>
        %dma_start3A_1929 = tpu.memref_squeeze %dma_start3A_1928 : memref<1x128x32xf32, #tpu.memory_space<vmem>> -> memref<128x32xf32, #tpu.memory_space<vmem>>
        %dma_start3A_1930 = arith.constant 0 : i32
        %dma_start3A_1931 = tpu.memref_slice %arg5[%dma_start3A_1923, %dma_start3A_1924, %dma_start3A_1930] : memref<2x4x128xi32, #tpu.memory_space<vmem>> -> memref<1x1x128xi32, #tpu.memory_space<vmem>>
        %dma_start3A_1932 = tpu.memref_squeeze %dma_start3A_1931 : memref<1x1x128xi32, #tpu.memory_space<vmem>> -> memref<128xi32, #tpu.memory_space<vmem>>
        %dma_start3A_1933 = arith.constant 0 : i32
        %dma_start3A_1934 = arith.constant 0 : i32
        %dma_start3A_1935 = tpu.memref_slice %arg2[%dma_start3A_1933, %dma_start3A_1934] : memref<1000000x32xf32, #tpu.memory_space<hbm>> -> memref<1000000x32xf32, #tpu.memory_space<hbm>>
        tpu.enqueue_indirect_dma source(%dma_start3A_1935 : memref<1000000x32xf32, #tpu.memory_space<hbm>>) target(%dma_start3A_1929 : memref<128x32xf32, #tpu.memory_space<vmem>>) offsets(%dma_start3A_1932 : memref<128xi32, #tpu.memory_space<vmem>>) semaphore(%arg8 : memref<!tpu.dma_semaphore, #tpu.memory_space<semaphore_mem>>)
        %dma_start3A_1936 = arith.constant 0 : i32
        %dma_start3A_1937 = arith.constant 1 : i32
        %dma_start3A_1938 = arith.constant 0 : i32
        %dma_start3A_1939 = arith.constant 128 : i32
        %dma_start3A_1940 = arith.constant 0 : i32
        %dma_start3A_1941 = tpu.memref_slice %arg6[%dma_start3A_1938, %dma_start3A_1939, %dma_start3A_1940] : memref<2x512x32xf32, #tpu.memory_space<vmem>> -> memref<1x128x32xf32, #tpu.memory_space<vmem>>
        %dma_start3A_1942 = tpu.memref_squeeze %dma_start3A_1941 : memref<1x128x32xf32, #tpu.memory_space<vmem>> -> memref<128x32xf32, #tpu.memory_space<vmem>>
        %dma_start3A_1943 = arith.constant 0 : i32
        %dma_start3A_1944 = tpu.memref_slice %arg5[%dma_start3A_1936, %dma_start3A_1937, %dma_start3A_1943] : memref<2x4x128xi32, #tpu.memory_space<vmem>> -> memref<1x1x128xi32, #tpu.memory_space<vmem>>
        %dma_start3A_1945 = tpu.memref_squeeze %dma_start3A_1944 : memref<1x1x128xi32, #tpu.memory_space<vmem>> -> memref<128xi32, #tpu.memory_space<vmem>>
        %dma_start3A_1946 = arith.constant 0 : i32
        %dma_start3A_1947 = arith.constant 0 : i32
        %dma_start3A_1948 = tpu.memref_slice %arg2[%dma_start3A_1946, %dma_start3A_1947] : memref<1000000x32xf32, #tpu.memory_space<hbm>> -> memref<1000000x32xf32, #tpu.memory_space<hbm>>
        tpu.enqueue_indirect_dma source(%dma_start3A_1948 : memref<1000000x32xf32, #tpu.memory_space<hbm>>) target(%dma_start3A_1942 : memref<128x32xf32, #tpu.memory_space<vmem>>) offsets(%dma_start3A_1945 : memref<128xi32, #tpu.memory_space<vmem>>) semaphore(%arg8 : memref<!tpu.dma_semaphore, #tpu.memory_space<semaphore_mem>>)
        %dma_start3A_1949 = arith.constant 0 : i32
        %dma_start3A_1950 = arith.constant 2 : i32
        %dma_start3A_1951 = arith.constant 0 : i32
        %dma_start3A_1952 = arith.constant 256 : i32
        %dma_start3A_1953 = arith.constant 0 : i32
        %dma_start3A_1954 = tpu.memref_slice %arg6[%dma_start3A_1951, %dma_start3A_1952, %dma_start3A_1953] : memref<2x512x32xf32, #tpu.memory_space<vmem>> -> memref<1x128x32xf32, #tpu.memory_space<vmem>>
        %dma_start3A_1955 = tpu.memref_squeeze %dma_start3A_1954 : memref<1x128x32xf32, #tpu.memory_space<vmem>> -> memref<128x32xf32, #tpu.memory_space<vmem>>
        %dma_start3A_1956 = arith.constant 0 : i32
        %dma_start3A_1957 = tpu.memref_slice %arg5[%dma_start3A_1949, %dma_start3A_1950, %dma_start3A_1956] : memref<2x4x128xi32, #tpu.memory_space<vmem>> -> memref<1x1x128xi32, #tpu.memory_space<vmem>>
        %dma_start3A_1958 = tpu.memref_squeeze %dma_start3A_1957 : memref<1x1x128xi32, #tpu.memory_space<vmem>> -> memref<128xi32, #tpu.memory_space<vmem>>
        %dma_start3A_1959 = arith.constant 0 : i32
        %dma_start3A_1960 = arith.constant 0 : i32
        %dma_start3A_1961 = tpu.memref_slice %arg2[%dma_start3A_1959, %dma_start3A_1960] : memref<1000000x32xf32, #tpu.memory_space<hbm>> -> memref<1000000x32xf32, #tpu.memory_space<hbm>>
        tpu.enqueue_indirect_dma source(%dma_start3A_1961 : memref<1000000x32xf32, #tpu.memory_space<hbm>>) target(%dma_start3A_1955 : memref<128x32xf32, #tpu.memory_space<vmem>>) offsets(%dma_start3A_1958 : memref<128xi32, #tpu.memory_space<vmem>>) semaphore(%arg8 : memref<!tpu.dma_semaphore, #tpu.memory_space<semaphore_mem>>)
        %dma_start3A_1962 = arith.constant 0 : i32
        %dma_start3A_1963 = arith.constant 3 : i32
        %dma_start3A_1964 = arith.constant 0 : i32
        %dma_start3A_1965 = arith.constant 384 : i32
        %dma_start3A_1966 = arith.constant 0 : i32
        %dma_start3A_1967 = tpu.memref_slice %arg6[%dma_start3A_1964, %dma_start3A_1965, %dma_start3A_1966] : memref<2x512x32xf32, #tpu.memory_space<vmem>> -> memref<1x128x32xf32, #tpu.memory_space<vmem>>
        %dma_start3A_1968 = tpu.memref_squeeze %dma_start3A_1967 : memref<1x128x32xf32, #tpu.memory_space<vmem>> -> memref<128x32xf32, #tpu.memory_space<vmem>>
        %dma_start3A_1969 = arith.constant 0 : i32
        %dma_start3A_1970 = tpu.memref_slice %arg5[%dma_start3A_1962, %dma_start3A_1963, %dma_start3A_1969] : memref<2x4x128xi32, #tpu.memory_space<vmem>> -> memref<1x1x128xi32, #tpu.memory_space<vmem>>
        %dma_start3A_1971 = tpu.memref_squeeze %dma_start3A_1970 : memref<1x1x128xi32, #tpu.memory_space<vmem>> -> memref<128xi32, #tpu.memory_space<vmem>>
        %dma_start3A_1972 = arith.constant 0 : i32
        %dma_start3A_1973 = arith.constant 0 : i32
        %dma_start3A_1974 = tpu.memref_slice %arg2[%dma_start3A_1972, %dma_start3A_1973] : memref<1000000x32xf32, #tpu.memory_space<hbm>> -> memref<1000000x32xf32, #tpu.memory_space<hbm>>
        tpu.enqueue_indirect_dma source(%dma_start3A_1974 : memref<1000000x32xf32, #tpu.memory_space<hbm>>) target(%dma_start3A_1968 : memref<128x32xf32, #tpu.memory_space<vmem>>) offsets(%dma_start3A_1971 : memref<128xi32, #tpu.memory_space<vmem>>) semaphore(%arg8 : memref<!tpu.dma_semaphore, #tpu.memory_space<semaphore_mem>>)
      } else {
      }
      %lt3A_1503 = arith.constant 24 : i32
      %lt3A_1504 = arith.cmpi slt, %scan3A_917, %lt3A_1503 : i32
      %convert_element_type3A_1505 = arith.extui %lt3A_1504 : i1 to i32
      %cond3A_1506 = arith.constant 0 : i32
      %cond3A_1507 = arith.cmpi ne, %convert_element_type3A_1505, %cond3A_1506 : i32
      scf.if %cond3A_1507 {
        %add3A_1904 = arith.constant 2 : i32
        %add3A_1905 = arith.addi %add3A_1445, %add3A_1904 : i32
        %mul3A_1906 = arith.constant 4 : i32
        %mul3A_1907 = arith.muli %add3A, %mul3A_1906 : i32
        %dma_start3A_1908 = arith.constant 1 : i32
        %dma_start3A_1909 = arith.constant 0 : i32
        %dma_start3A_1910 = arith.constant 0 : i32
        %dma_start3A_1911 = tpu.memref_slice %arg5[%dma_start3A_1908, %dma_start3A_1909, %dma_start3A_1910] : memref<2x4x128xi32, #tpu.memory_space<vmem>> -> memref<1x4x128xi32, #tpu.memory_space<vmem>>
        %dma_start3A_1912 = tpu.memref_squeeze %dma_start3A_1911 : memref<1x4x128xi32, #tpu.memory_space<vmem>> -> memref<4x128xi32, #tpu.memory_space<vmem>>
        %dma_start3A_1913 = arith.constant 0 : i32
        %dma_start3A_1914 = tpu.memref_slice %arg3[%add3A_1905, %mul3A_1907, %dma_start3A_1913] : memref<50x128x128xi32, #tpu.memory_space<hbm>> -> memref<1x4x128xi32, #tpu.memory_space<hbm>>
        %dma_start3A_1915 = tpu.memref_squeeze %dma_start3A_1914 : memref<1x4x128xi32, #tpu.memory_space<hbm>> -> memref<4x128xi32, #tpu.memory_space<hbm>>
        %dma_start3A_1916 = arith.constant 0 : i32
        %dma_start3A_1917 = arith.constant 0 : i32
        %dma_start3A_1918 = tpu.memref_slice %arg5[%dma_start3A_1908, %dma_start3A_1916, %dma_start3A_1917] : memref<2x4x128xi32, #tpu.memory_space<vmem>> -> memref<1x4x128xi32, #tpu.memory_space<vmem>>
        %dma_start3A_1919 = tpu.memref_squeeze %dma_start3A_1918 : memref<1x4x128xi32, #tpu.memory_space<vmem>> -> memref<4x128xi32, #tpu.memory_space<vmem>>
        %dma_start3A_1920 = arith.constant 0 : i32
        %dma_start3A_1921 = tpu.memref_slice %arg3[%add3A_1905, %mul3A_1907, %dma_start3A_1920] : memref<50x128x128xi32, #tpu.memory_space<hbm>> -> memref<1x4x128xi32, #tpu.memory_space<hbm>>
        %dma_start3A_1922 = tpu.memref_squeeze %dma_start3A_1921 : memref<1x4x128xi32, #tpu.memory_space<hbm>> -> memref<4x128xi32, #tpu.memory_space<hbm>>
        tpu.enqueue_dma source(%dma_start3A_1922 : memref<4x128xi32, #tpu.memory_space<hbm>>) target(%dma_start3A_1919 : memref<4x128xi32, #tpu.memory_space<vmem>>) target_semaphore(%arg13 : memref<!tpu.dma_semaphore, #tpu.memory_space<semaphore_mem>>)
      } else {
      }
      %gt3A_1508 = arith.constant 0 : i32
      %gt3A_1509 = arith.cmpi sgt, %scan3A_917, %gt3A_1508 : i32
      %convert_element_type3A_1510 = arith.extui %gt3A_1509 : i1 to i32
      %cond3A_1511 = arith.constant 0 : i32
      %cond3A_1512 = arith.cmpi ne, %convert_element_type3A_1510, %cond3A_1511 : i32
      scf.if %cond3A_1512 {
        %mul3A_1904 = arith.constant 4 : i32
        %mul3A_1905 = arith.muli %add3A, %mul3A_1904 : i32
        %add3A_1906 = arith.constant 0 : i32
        %add3A_1907 = arith.addi %mul3A_1905, %add3A_1906 : i32
        %dma_wait3A_1908 = arith.constant 1 : i32
        %dma_wait3A_1909 = arith.constant 0 : i32
        %dma_wait3A_1910 = arith.constant 0 : i32
        %dma_wait3A_1911 = arith.constant 0 : i32
        %dma_wait3A_1912 = arith.constant 0 : i32
        %dma_wait3A_1913 = arith.constant 0 : i32
        %dma_wait3A_1914 = tpu.memref_slice %arg7[%dma_wait3A_1908, %dma_wait3A_1909, %dma_wait3A_1910, %dma_wait3A_1912, %dma_wait3A_1913] : memref<2x4x5x8x129xf32, #tpu.memory_space<vmem>> -> memref<1x1x1x8x128xf32, #tpu.memory_space<vmem>>
        %dma_wait3A_1915 = tpu.memref_squeeze %dma_wait3A_1914 : memref<1x1x1x8x128xf32, #tpu.memory_space<vmem>> -> memref<8x128xf32, #tpu.memory_space<vmem>>
        %dma_wait3A_1916 = arith.constant 0 : i32
        %dma_wait3A_1917 = arith.constant 0 : i32
        %dma_wait3A_1918 = tpu.memref_slice %arg4[%add3A_1445, %dma_wait3A_1911, %add3A_1907, %dma_wait3A_1916, %dma_wait3A_1917] : memref<50x4x128x8x128xf32, #tpu.memory_space<hbm>> -> memref<1x1x1x8x128xf32, #tpu.memory_space<hbm>>
        %dma_wait3A_1919 = tpu.memref_squeeze %dma_wait3A_1918 : memref<1x1x1x8x128xf32, #tpu.memory_space<hbm>> -> memref<8x128xf32, #tpu.memory_space<hbm>>
        %dma_wait3A_1920 = arith.constant 0 : i32
        %dma_wait3A_1921 = arith.constant 0 : i32
        %dma_wait3A_1922 = tpu.memref_slice %arg4[%add3A_1445, %dma_wait3A_1911, %add3A_1907, %dma_wait3A_1920, %dma_wait3A_1921] : memref<50x4x128x8x128xf32, #tpu.memory_space<hbm>> -> memref<1x1x1x8x128xf32, #tpu.memory_space<hbm>>
        %dma_wait3A_1923 = tpu.memref_squeeze %dma_wait3A_1922 : memref<1x1x1x8x128xf32, #tpu.memory_space<hbm>> -> memref<8x128xf32, #tpu.memory_space<hbm>>
        %dma_wait3A_1924 = arith.constant 0 : i32
        %dma_wait3A_1925 = arith.constant 0 : i32
        %dma_wait3A_1926 = tpu.memref_slice %arg7[%dma_wait3A_1908, %dma_wait3A_1909, %dma_wait3A_1910, %dma_wait3A_1924, %dma_wait3A_1925] : memref<2x4x5x8x129xf32, #tpu.memory_space<vmem>> -> memref<1x1x1x8x128xf32, #tpu.memory_space<vmem>>
        %dma_wait3A_1927 = tpu.memref_squeeze %dma_wait3A_1926 : memref<1x1x1x8x128xf32, #tpu.memory_space<vmem>> -> memref<8x128xf32, #tpu.memory_space<vmem>>
        tpu.wait_dma2 semaphore(%arg11 : memref<!tpu.dma_semaphore, #tpu.memory_space<semaphore_mem>>) src(%dma_wait3A_1927 : memref<8x128xf32, #tpu.memory_space<vmem>>) dst(%dma_wait3A_1923 : memref<8x128xf32, #tpu.memory_space<hbm>>)
        %mul3A_1928 = arith.constant 4 : i32
        %mul3A_1929 = arith.muli %add3A, %mul3A_1928 : i32
        %add3A_1930 = arith.constant 1 : i32
        %add3A_1931 = arith.addi %mul3A_1929, %add3A_1930 : i32
        %dma_wait3A_1932 = arith.constant 1 : i32
        %dma_wait3A_1933 = arith.constant 0 : i32
        %dma_wait3A_1934 = arith.constant 1 : i32
        %dma_wait3A_1935 = arith.constant 0 : i32
        %dma_wait3A_1936 = arith.constant 0 : i32
        %dma_wait3A_1937 = arith.constant 0 : i32
        %dma_wait3A_1938 = tpu.memref_slice %arg7[%dma_wait3A_1932, %dma_wait3A_1933, %dma_wait3A_1934, %dma_wait3A_1936, %dma_wait3A_1937] : memref<2x4x5x8x129xf32, #tpu.memory_space<vmem>> -> memref<1x1x1x8x128xf32, #tpu.memory_space<vmem>>
        %dma_wait3A_1939 = tpu.memref_squeeze %dma_wait3A_1938 : memref<1x1x1x8x128xf32, #tpu.memory_space<vmem>> -> memref<8x128xf32, #tpu.memory_space<vmem>>
        %dma_wait3A_1940 = arith.constant 0 : i32
        %dma_wait3A_1941 = arith.constant 0 : i32
        %dma_wait3A_1942 = tpu.memref_slice %arg4[%add3A_1445, %dma_wait3A_1935, %add3A_1931, %dma_wait3A_1940, %dma_wait3A_1941] : memref<50x4x128x8x128xf32, #tpu.memory_space<hbm>> -> memref<1x1x1x8x128xf32, #tpu.memory_space<hbm>>
        %dma_wait3A_1943 = tpu.memref_squeeze %dma_wait3A_1942 : memref<1x1x1x8x128xf32, #tpu.memory_space<hbm>> -> memref<8x128xf32, #tpu.memory_space<hbm>>
        %dma_wait3A_1944 = arith.constant 0 : i32
        %dma_wait3A_1945 = arith.constant 0 : i32
        %dma_wait3A_1946 = tpu.memref_slice %arg4[%add3A_1445, %dma_wait3A_1935, %add3A_1931, %dma_wait3A_1944, %dma_wait3A_1945] : memref<50x4x128x8x128xf32, #tpu.memory_space<hbm>> -> memref<1x1x1x8x128xf32, #tpu.memory_space<hbm>>
        %dma_wait3A_1947 = tpu.memref_squeeze %dma_wait3A_1946 : memref<1x1x1x8x128xf32, #tpu.memory_space<hbm>> -> memref<8x128xf32, #tpu.memory_space<hbm>>
        %dma_wait3A_1948 = arith.constant 0 : i32
        %dma_wait3A_1949 = arith.constant 0 : i32
        %dma_wait3A_1950 = tpu.memref_slice %arg7[%dma_wait3A_1932, %dma_wait3A_1933, %dma_wait3A_1934, %dma_wait3A_1948, %dma_wait3A_1949] : memref<2x4x5x8x129xf32, #tpu.memory_space<vmem>> -> memref<1x1x1x8x128xf32, #tpu.memory_space<vmem>>
        %dma_wait3A_1951 = tpu.memref_squeeze %dma_wait3A_1950 : memref<1x1x1x8x128xf32, #tpu.memory_space<vmem>> -> memref<8x128xf32, #tpu.memory_space<vmem>>
        tpu.wait_dma2 semaphore(%arg11 : memref<!tpu.dma_semaphore, #tpu.memory_space<semaphore_mem>>) src(%dma_wait3A_1951 : memref<8x128xf32, #tpu.memory_space<vmem>>) dst(%dma_wait3A_1947 : memref<8x128xf32, #tpu.memory_space<hbm>>)
        %mul3A_1952 = arith.constant 4 : i32
        %mul3A_1953 = arith.muli %add3A, %mul3A_1952 : i32
        %add3A_1954 = arith.constant 2 : i32
        %add3A_1955 = arith.addi %mul3A_1953, %add3A_1954 : i32
        %dma_wait3A_1956 = arith.constant 1 : i32
        %dma_wait3A_1957 = arith.constant 0 : i32
        %dma_wait3A_1958 = arith.constant 2 : i32
        %dma_wait3A_1959 = arith.constant 0 : i32
        %dma_wait3A_1960 = arith.constant 0 : i32
        %dma_wait3A_1961 = arith.constant 0 : i32
        %dma_wait3A_1962 = tpu.memref_slice %arg7[%dma_wait3A_1956, %dma_wait3A_1957, %dma_wait3A_1958, %dma_wait3A_1960, %dma_wait3A_1961] : memref<2x4x5x8x129xf32, #tpu.memory_space<vmem>> -> memref<1x1x1x8x128xf32, #tpu.memory_space<vmem>>
        %dma_wait3A_1963 = tpu.memref_squeeze %dma_wait3A_1962 : memref<1x1x1x8x128xf32, #tpu.memory_space<vmem>> -> memref<8x128xf32, #tpu.memory_space<vmem>>
        %dma_wait3A_1964 = arith.constant 0 : i32
        %dma_wait3A_1965 = arith.constant 0 : i32
        %dma_wait3A_1966 = tpu.memref_slice %arg4[%add3A_1445, %dma_wait3A_1959, %add3A_1955, %dma_wait3A_1964, %dma_wait3A_1965] : memref<50x4x128x8x128xf32, #tpu.memory_space<hbm>> -> memref<1x1x1x8x128xf32, #tpu.memory_space<hbm>>
        %dma_wait3A_1967 = tpu.memref_squeeze %dma_wait3A_1966 : memref<1x1x1x8x128xf32, #tpu.memory_space<hbm>> -> memref<8x128xf32, #tpu.memory_space<hbm>>
        %dma_wait3A_1968 = arith.constant 0 : i32
        %dma_wait3A_1969 = arith.constant 0 : i32
        %dma_wait3A_1970 = tpu.memref_slice %arg4[%add3A_1445, %dma_wait3A_1959, %add3A_1955, %dma_wait3A_1968, %dma_wait3A_1969] : memref<50x4x128x8x128xf32, #tpu.memory_space<hbm>> -> memref<1x1x1x8x128xf32, #tpu.memory_space<hbm>>
        %dma_wait3A_1971 = tpu.memref_squeeze %dma_wait3A_1970 : memref<1x1x1x8x128xf32, #tpu.memory_space<hbm>> -> memref<8x128xf32, #tpu.memory_space<hbm>>
        %dma_wait3A_1972 = arith.constant 0 : i32
        %dma_wait3A_1973 = arith.constant 0 : i32
        %dma_wait3A_1974 = tpu.memref_slice %arg7[%dma_wait3A_1956, %dma_wait3A_1957, %dma_wait3A_1958, %dma_wait3A_1972, %dma_wait3A_1973] : memref<2x4x5x8x129xf32, #tpu.memory_space<vmem>> -> memref<1x1x1x8x128xf32, #tpu.memory_space<vmem>>
        %dma_wait3A_1975 = tpu.memref_squeeze %dma_wait3A_1974 : memref<1x1x1x8x128xf32, #tpu.memory_space<vmem>> -> memref<8x128xf32, #tpu.memory_space<vmem>>
        tpu.wait_dma2 semaphore(%arg11 : memref<!tpu.dma_semaphore, #tpu.memory_space<semaphore_mem>>) src(%dma_wait3A_1975 : memref<8x128xf32, #tpu.memory_space<vmem>>) dst(%dma_wait3A_1971 : memref<8x128xf32, #tpu.memory_space<hbm>>)
        %mul3A_1976 = arith.constant 4 : i32
        %mul3A_1977 = arith.muli %add3A, %mul3A_1976 : i32
        %add3A_1978 = arith.constant 3 : i32
        %add3A_1979 = arith.addi %mul3A_1977, %add3A_1978 : i32
        %dma_wait3A_1980 = arith.constant 1 : i32
        %dma_wait3A_1981 = arith.constant 0 : i32
        %dma_wait3A_1982 = arith.constant 3 : i32
        %dma_wait3A_1983 = arith.constant 0 : i32
        %dma_wait3A_1984 = arith.constant 0 : i32
        %dma_wait3A_1985 = arith.constant 0 : i32
        %dma_wait3A_1986 = tpu.memref_slice %arg7[%dma_wait3A_1980, %dma_wait3A_1981, %dma_wait3A_1982, %dma_wait3A_1984, %dma_wait3A_1985] : memref<2x4x5x8x129xf32, #tpu.memory_space<vmem>> -> memref<1x1x1x8x128xf32, #tpu.memory_space<vmem>>
        %dma_wait3A_1987 = tpu.memref_squeeze %dma_wait3A_1986 : memref<1x1x1x8x128xf32, #tpu.memory_space<vmem>> -> memref<8x128xf32, #tpu.memory_space<vmem>>
        %dma_wait3A_1988 = arith.constant 0 : i32
        %dma_wait3A_1989 = arith.constant 0 : i32
        %dma_wait3A_1990 = tpu.memref_slice %arg4[%add3A_1445, %dma_wait3A_1983, %add3A_1979, %dma_wait3A_1988, %dma_wait3A_1989] : memref<50x4x128x8x128xf32, #tpu.memory_space<hbm>> -> memref<1x1x1x8x128xf32, #tpu.memory_space<hbm>>
        %dma_wait3A_1991 = tpu.memref_squeeze %dma_wait3A_1990 : memref<1x1x1x8x128xf32, #tpu.memory_space<hbm>> -> memref<8x128xf32, #tpu.memory_space<hbm>>
        %dma_wait3A_1992 = arith.constant 0 : i32
        %dma_wait3A_1993 = arith.constant 0 : i32
        %dma_wait3A_1994 = tpu.memref_slice %arg4[%add3A_1445, %dma_wait3A_1983, %add3A_1979, %dma_wait3A_1992, %dma_wait3A_1993] : memref<50x4x128x8x128xf32, #tpu.memory_space<hbm>> -> memref<1x1x1x8x128xf32, #tpu.memory_space<hbm>>
        %dma_wait3A_1995 = tpu.memref_squeeze %dma_wait3A_1994 : memref<1x1x1x8x128xf32, #tpu.memory_space<hbm>> -> memref<8x128xf32, #tpu.memory_space<hbm>>
        %dma_wait3A_1996 = arith.constant 0 : i32
        %dma_wait3A_1997 = arith.constant 0 : i32
        %dma_wait3A_1998 = tpu.memref_slice %arg7[%dma_wait3A_1980, %dma_wait3A_1981, %dma_wait3A_1982, %dma_wait3A_1996, %dma_wait3A_1997] : memref<2x4x5x8x129xf32, #tpu.memory_space<vmem>> -> memref<1x1x1x8x128xf32, #tpu.memory_space<vmem>>
        %dma_wait3A_1999 = tpu.memref_squeeze %dma_wait3A_1998 : memref<1x1x1x8x128xf32, #tpu.memory_space<vmem>> -> memref<8x128xf32, #tpu.memory_space<vmem>>
        tpu.wait_dma2 semaphore(%arg11 : memref<!tpu.dma_semaphore, #tpu.memory_space<semaphore_mem>>) src(%dma_wait3A_1999 : memref<8x128xf32, #tpu.memory_space<vmem>>) dst(%dma_wait3A_1995 : memref<8x128xf32, #tpu.memory_space<hbm>>)
        %mul3A_2000 = arith.constant 4 : i32
        %mul3A_2001 = arith.muli %add3A, %mul3A_2000 : i32
        %add3A_2002 = arith.constant 0 : i32
        %add3A_2003 = arith.addi %mul3A_2001, %add3A_2002 : i32
        %dma_wait3A_2004 = arith.constant 1 : i32
        %dma_wait3A_2005 = arith.constant 1 : i32
        %dma_wait3A_2006 = arith.constant 0 : i32
        %dma_wait3A_2007 = arith.constant 1 : i32
        %dma_wait3A_2008 = arith.constant 0 : i32
        %dma_wait3A_2009 = arith.constant 0 : i32
        %dma_wait3A_2010 = tpu.memref_slice %arg7[%dma_wait3A_2004, %dma_wait3A_2005, %dma_wait3A_2006, %dma_wait3A_2008, %dma_wait3A_2009] : memref<2x4x5x8x129xf32, #tpu.memory_space<vmem>> -> memref<1x1x1x8x128xf32, #tpu.memory_space<vmem>>
        %dma_wait3A_2011 = tpu.memref_squeeze %dma_wait3A_2010 : memref<1x1x1x8x128xf32, #tpu.memory_space<vmem>> -> memref<8x128xf32, #tpu.memory_space<vmem>>
        %dma_wait3A_2012 = arith.constant 0 : i32
        %dma_wait3A_2013 = arith.constant 0 : i32
        %dma_wait3A_2014 = tpu.memref_slice %arg4[%add3A_1445, %dma_wait3A_2007, %add3A_2003, %dma_wait3A_2012, %dma_wait3A_2013] : memref<50x4x128x8x128xf32, #tpu.memory_space<hbm>> -> memref<1x1x1x8x128xf32, #tpu.memory_space<hbm>>
        %dma_wait3A_2015 = tpu.memref_squeeze %dma_wait3A_2014 : memref<1x1x1x8x128xf32, #tpu.memory_space<hbm>> -> memref<8x128xf32, #tpu.memory_space<hbm>>
        %dma_wait3A_2016 = arith.constant 0 : i32
        %dma_wait3A_2017 = arith.constant 0 : i32
        %dma_wait3A_2018 = tpu.memref_slice %arg4[%add3A_1445, %dma_wait3A_2007, %add3A_2003, %dma_wait3A_2016, %dma_wait3A_2017] : memref<50x4x128x8x128xf32, #tpu.memory_space<hbm>> -> memref<1x1x1x8x128xf32, #tpu.memory_space<hbm>>
        %dma_wait3A_2019 = tpu.memref_squeeze %dma_wait3A_2018 : memref<1x1x1x8x128xf32, #tpu.memory_space<hbm>> -> memref<8x128xf32, #tpu.memory_space<hbm>>
        %dma_wait3A_2020 = arith.constant 0 : i32
        %dma_wait3A_2021 = arith.constant 0 : i32
        %dma_wait3A_2022 = tpu.memref_slice %arg7[%dma_wait3A_2004, %dma_wait3A_2005, %dma_wait3A_2006, %dma_wait3A_2020, %dma_wait3A_2021] : memref<2x4x5x8x129xf32, #tpu.memory_space<vmem>> -> memref<1x1x1x8x128xf32, #tpu.memory_space<vmem>>
        %dma_wait3A_2023 = tpu.memref_squeeze %dma_wait3A_2022 : memref<1x1x1x8x128xf32, #tpu.memory_space<vmem>> -> memref<8x128xf32, #tpu.memory_space<vmem>>
        tpu.wait_dma2 semaphore(%arg11 : memref<!tpu.dma_semaphore, #tpu.memory_space<semaphore_mem>>) src(%dma_wait3A_2023 : memref<8x128xf32, #tpu.memory_space<vmem>>) dst(%dma_wait3A_2019 : memref<8x128xf32, #tpu.memory_space<hbm>>)
        %mul3A_2024 = arith.constant 4 : i32
        %mul3A_2025 = arith.muli %add3A, %mul3A_2024 : i32
        %add3A_2026 = arith.constant 1 : i32
        %add3A_2027 = arith.addi %mul3A_2025, %add3A_2026 : i32
        %dma_wait3A_2028 = arith.constant 1 : i32
        %dma_wait3A_2029 = arith.constant 1 : i32
        %dma_wait3A_2030 = arith.constant 1 : i32
        %dma_wait3A_2031 = arith.constant 1 : i32
        %dma_wait3A_2032 = arith.constant 0 : i32
        %dma_wait3A_2033 = arith.constant 0 : i32
        %dma_wait3A_2034 = tpu.memref_slice %arg7[%dma_wait3A_2028, %dma_wait3A_2029, %dma_wait3A_2030, %dma_wait3A_2032, %dma_wait3A_2033] : memref<2x4x5x8x129xf32, #tpu.memory_space<vmem>> -> memref<1x1x1x8x128xf32, #tpu.memory_space<vmem>>
        %dma_wait3A_2035 = tpu.memref_squeeze %dma_wait3A_2034 : memref<1x1x1x8x128xf32, #tpu.memory_space<vmem>> -> memref<8x128xf32, #tpu.memory_space<vmem>>
        %dma_wait3A_2036 = arith.constant 0 : i32
        %dma_wait3A_2037 = arith.constant 0 : i32
        %dma_wait3A_2038 = tpu.memref_slice %arg4[%add3A_1445, %dma_wait3A_2031, %add3A_2027, %dma_wait3A_2036, %dma_wait3A_2037] : memref<50x4x128x8x128xf32, #tpu.memory_space<hbm>> -> memref<1x1x1x8x128xf32, #tpu.memory_space<hbm>>
        %dma_wait3A_2039 = tpu.memref_squeeze %dma_wait3A_2038 : memref<1x1x1x8x128xf32, #tpu.memory_space<hbm>> -> memref<8x128xf32, #tpu.memory_space<hbm>>
        %dma_wait3A_2040 = arith.constant 0 : i32
        %dma_wait3A_2041 = arith.constant 0 : i32
        %dma_wait3A_2042 = tpu.memref_slice %arg4[%add3A_1445, %dma_wait3A_2031, %add3A_2027, %dma_wait3A_2040, %dma_wait3A_2041] : memref<50x4x128x8x128xf32, #tpu.memory_space<hbm>> -> memref<1x1x1x8x128xf32, #tpu.memory_space<hbm>>
        %dma_wait3A_2043 = tpu.memref_squeeze %dma_wait3A_2042 : memref<1x1x1x8x128xf32, #tpu.memory_space<hbm>> -> memref<8x128xf32, #tpu.memory_space<hbm>>
        %dma_wait3A_2044 = arith.constant 0 : i32
        %dma_wait3A_2045 = arith.constant 0 : i32
        %dma_wait3A_2046 = tpu.memref_slice %arg7[%dma_wait3A_2028, %dma_wait3A_2029, %dma_wait3A_2030, %dma_wait3A_2044, %dma_wait3A_2045] : memref<2x4x5x8x129xf32, #tpu.memory_space<vmem>> -> memref<1x1x1x8x128xf32, #tpu.memory_space<vmem>>
        %dma_wait3A_2047 = tpu.memref_squeeze %dma_wait3A_2046 : memref<1x1x1x8x128xf32, #tpu.memory_space<vmem>> -> memref<8x128xf32, #tpu.memory_space<vmem>>
        tpu.wait_dma2 semaphore(%arg11 : memref<!tpu.dma_semaphore, #tpu.memory_space<semaphore_mem>>) src(%dma_wait3A_2047 : memref<8x128xf32, #tpu.memory_space<vmem>>) dst(%dma_wait3A_2043 : memref<8x128xf32, #tpu.memory_space<hbm>>)
        %mul3A_2048 = arith.constant 4 : i32
        %mul3A_2049 = arith.muli %add3A, %mul3A_2048 : i32
        %add3A_2050 = arith.constant 2 : i32
        %add3A_2051 = arith.addi %mul3A_2049, %add3A_2050 : i32
        %dma_wait3A_2052 = arith.constant 1 : i32
        %dma_wait3A_2053 = arith.constant 1 : i32
        %dma_wait3A_2054 = arith.constant 2 : i32
        %dma_wait3A_2055 = arith.constant 1 : i32
        %dma_wait3A_2056 = arith.constant 0 : i32
        %dma_wait3A_2057 = arith.constant 0 : i32
        %dma_wait3A_2058 = tpu.memref_slice %arg7[%dma_wait3A_2052, %dma_wait3A_2053, %dma_wait3A_2054, %dma_wait3A_2056, %dma_wait3A_2057] : memref<2x4x5x8x129xf32, #tpu.memory_space<vmem>> -> memref<1x1x1x8x128xf32, #tpu.memory_space<vmem>>
        %dma_wait3A_2059 = tpu.memref_squeeze %dma_wait3A_2058 : memref<1x1x1x8x128xf32, #tpu.memory_space<vmem>> -> memref<8x128xf32, #tpu.memory_space<vmem>>
        %dma_wait3A_2060 = arith.constant 0 : i32
        %dma_wait3A_2061 = arith.constant 0 : i32
        %dma_wait3A_2062 = tpu.memref_slice %arg4[%add3A_1445, %dma_wait3A_2055, %add3A_2051, %dma_wait3A_2060, %dma_wait3A_2061] : memref<50x4x128x8x128xf32, #tpu.memory_space<hbm>> -> memref<1x1x1x8x128xf32, #tpu.memory_space<hbm>>
        %dma_wait3A_2063 = tpu.memref_squeeze %dma_wait3A_2062 : memref<1x1x1x8x128xf32, #tpu.memory_space<hbm>> -> memref<8x128xf32, #tpu.memory_space<hbm>>
        %dma_wait3A_2064 = arith.constant 0 : i32
        %dma_wait3A_2065 = arith.constant 0 : i32
        %dma_wait3A_2066 = tpu.memref_slice %arg4[%add3A_1445, %dma_wait3A_2055, %add3A_2051, %dma_wait3A_2064, %dma_wait3A_2065] : memref<50x4x128x8x128xf32, #tpu.memory_space<hbm>> -> memref<1x1x1x8x128xf32, #tpu.memory_space<hbm>>
        %dma_wait3A_2067 = tpu.memref_squeeze %dma_wait3A_2066 : memref<1x1x1x8x128xf32, #tpu.memory_space<hbm>> -> memref<8x128xf32, #tpu.memory_space<hbm>>
        %dma_wait3A_2068 = arith.constant 0 : i32
        %dma_wait3A_2069 = arith.constant 0 : i32
        %dma_wait3A_2070 = tpu.memref_slice %arg7[%dma_wait3A_2052, %dma_wait3A_2053, %dma_wait3A_2054, %dma_wait3A_2068, %dma_wait3A_2069] : memref<2x4x5x8x129xf32, #tpu.memory_space<vmem>> -> memref<1x1x1x8x128xf32, #tpu.memory_space<vmem>>
        %dma_wait3A_2071 = tpu.memref_squeeze %dma_wait3A_2070 : memref<1x1x1x8x128xf32, #tpu.memory_space<vmem>> -> memref<8x128xf32, #tpu.memory_space<vmem>>
        tpu.wait_dma2 semaphore(%arg11 : memref<!tpu.dma_semaphore, #tpu.memory_space<semaphore_mem>>) src(%dma_wait3A_2071 : memref<8x128xf32, #tpu.memory_space<vmem>>) dst(%dma_wait3A_2067 : memref<8x128xf32, #tpu.memory_space<hbm>>)
        %mul3A_2072 = arith.constant 4 : i32
        %mul3A_2073 = arith.muli %add3A, %mul3A_2072 : i32
        %add3A_2074 = arith.constant 3 : i32
        %add3A_2075 = arith.addi %mul3A_2073, %add3A_2074 : i32
        %dma_wait3A_2076 = arith.constant 1 : i32
        %dma_wait3A_2077 = arith.constant 1 : i32
        %dma_wait3A_2078 = arith.constant 3 : i32
        %dma_wait3A_2079 = arith.constant 1 : i32
        %dma_wait3A_2080 = arith.constant 0 : i32
        %dma_wait3A_2081 = arith.constant 0 : i32
        %dma_wait3A_2082 = tpu.memref_slice %arg7[%dma_wait3A_2076, %dma_wait3A_2077, %dma_wait3A_2078, %dma_wait3A_2080, %dma_wait3A_2081] : memref<2x4x5x8x129xf32, #tpu.memory_space<vmem>> -> memref<1x1x1x8x128xf32, #tpu.memory_space<vmem>>
        %dma_wait3A_2083 = tpu.memref_squeeze %dma_wait3A_2082 : memref<1x1x1x8x128xf32, #tpu.memory_space<vmem>> -> memref<8x128xf32, #tpu.memory_space<vmem>>
        %dma_wait3A_2084 = arith.constant 0 : i32
        %dma_wait3A_2085 = arith.constant 0 : i32
        %dma_wait3A_2086 = tpu.memref_slice %arg4[%add3A_1445, %dma_wait3A_2079, %add3A_2075, %dma_wait3A_2084, %dma_wait3A_2085] : memref<50x4x128x8x128xf32, #tpu.memory_space<hbm>> -> memref<1x1x1x8x128xf32, #tpu.memory_space<hbm>>
        %dma_wait3A_2087 = tpu.memref_squeeze %dma_wait3A_2086 : memref<1x1x1x8x128xf32, #tpu.memory_space<hbm>> -> memref<8x128xf32, #tpu.memory_space<hbm>>
        %dma_wait3A_2088 = arith.constant 0 : i32
        %dma_wait3A_2089 = arith.constant 0 : i32
        %dma_wait3A_2090 = tpu.memref_slice %arg4[%add3A_1445, %dma_wait3A_2079, %add3A_2075, %dma_wait3A_2088, %dma_wait3A_2089] : memref<50x4x128x8x128xf32, #tpu.memory_space<hbm>> -> memref<1x1x1x8x128xf32, #tpu.memory_space<hbm>>
        %dma_wait3A_2091 = tpu.memref_squeeze %dma_wait3A_2090 : memref<1x1x1x8x128xf32, #tpu.memory_space<hbm>> -> memref<8x128xf32, #tpu.memory_space<hbm>>
        %dma_wait3A_2092 = arith.constant 0 : i32
        %dma_wait3A_2093 = arith.constant 0 : i32
        %dma_wait3A_2094 = tpu.memref_slice %arg7[%dma_wait3A_2076, %dma_wait3A_2077, %dma_wait3A_2078, %dma_wait3A_2092, %dma_wait3A_2093] : memref<2x4x5x8x129xf32, #tpu.memory_space<vmem>> -> memref<1x1x1x8x128xf32, #tpu.memory_space<vmem>>
        %dma_wait3A_2095 = tpu.memref_squeeze %dma_wait3A_2094 : memref<1x1x1x8x128xf32, #tpu.memory_space<vmem>> -> memref<8x128xf32, #tpu.memory_space<vmem>>
        tpu.wait_dma2 semaphore(%arg11 : memref<!tpu.dma_semaphore, #tpu.memory_space<semaphore_mem>>) src(%dma_wait3A_2095 : memref<8x128xf32, #tpu.memory_space<vmem>>) dst(%dma_wait3A_2091 : memref<8x128xf32, #tpu.memory_space<hbm>>)
        %mul3A_2096 = arith.constant 4 : i32
        %mul3A_2097 = arith.muli %add3A, %mul3A_2096 : i32
        %add3A_2098 = arith.constant 0 : i32
        %add3A_2099 = arith.addi %mul3A_2097, %add3A_2098 : i32
        %dma_wait3A_2100 = arith.constant 1 : i32
        %dma_wait3A_2101 = arith.constant 2 : i32
        %dma_wait3A_2102 = arith.constant 0 : i32
        %dma_wait3A_2103 = arith.constant 2 : i32
        %dma_wait3A_2104 = arith.constant 0 : i32
        %dma_wait3A_2105 = arith.constant 0 : i32
        %dma_wait3A_2106 = tpu.memref_slice %arg7[%dma_wait3A_2100, %dma_wait3A_2101, %dma_wait3A_2102, %dma_wait3A_2104, %dma_wait3A_2105] : memref<2x4x5x8x129xf32, #tpu.memory_space<vmem>> -> memref<1x1x1x8x128xf32, #tpu.memory_space<vmem>>
        %dma_wait3A_2107 = tpu.memref_squeeze %dma_wait3A_2106 : memref<1x1x1x8x128xf32, #tpu.memory_space<vmem>> -> memref<8x128xf32, #tpu.memory_space<vmem>>
        %dma_wait3A_2108 = arith.constant 0 : i32
        %dma_wait3A_2109 = arith.constant 0 : i32
        %dma_wait3A_2110 = tpu.memref_slice %arg4[%add3A_1445, %dma_wait3A_2103, %add3A_2099, %dma_wait3A_2108, %dma_wait3A_2109] : memref<50x4x128x8x128xf32, #tpu.memory_space<hbm>> -> memref<1x1x1x8x128xf32, #tpu.memory_space<hbm>>
        %dma_wait3A_2111 = tpu.memref_squeeze %dma_wait3A_2110 : memref<1x1x1x8x128xf32, #tpu.memory_space<hbm>> -> memref<8x128xf32, #tpu.memory_space<hbm>>
        %dma_wait3A_2112 = arith.constant 0 : i32
        %dma_wait3A_2113 = arith.constant 0 : i32
        %dma_wait3A_2114 = tpu.memref_slice %arg4[%add3A_1445, %dma_wait3A_2103, %add3A_2099, %dma_wait3A_2112, %dma_wait3A_2113] : memref<50x4x128x8x128xf32, #tpu.memory_space<hbm>> -> memref<1x1x1x8x128xf32, #tpu.memory_space<hbm>>
        %dma_wait3A_2115 = tpu.memref_squeeze %dma_wait3A_2114 : memref<1x1x1x8x128xf32, #tpu.memory_space<hbm>> -> memref<8x128xf32, #tpu.memory_space<hbm>>
        %dma_wait3A_2116 = arith.constant 0 : i32
        %dma_wait3A_2117 = arith.constant 0 : i32
        %dma_wait3A_2118 = tpu.memref_slice %arg7[%dma_wait3A_2100, %dma_wait3A_2101, %dma_wait3A_2102, %dma_wait3A_2116, %dma_wait3A_2117] : memref<2x4x5x8x129xf32, #tpu.memory_space<vmem>> -> memref<1x1x1x8x128xf32, #tpu.memory_space<vmem>>
        %dma_wait3A_2119 = tpu.memref_squeeze %dma_wait3A_2118 : memref<1x1x1x8x128xf32, #tpu.memory_space<vmem>> -> memref<8x128xf32, #tpu.memory_space<vmem>>
        tpu.wait_dma2 semaphore(%arg11 : memref<!tpu.dma_semaphore, #tpu.memory_space<semaphore_mem>>) src(%dma_wait3A_2119 : memref<8x128xf32, #tpu.memory_space<vmem>>) dst(%dma_wait3A_2115 : memref<8x128xf32, #tpu.memory_space<hbm>>)
        %mul3A_2120 = arith.constant 4 : i32
        %mul3A_2121 = arith.muli %add3A, %mul3A_2120 : i32
        %add3A_2122 = arith.constant 1 : i32
        %add3A_2123 = arith.addi %mul3A_2121, %add3A_2122 : i32
        %dma_wait3A_2124 = arith.constant 1 : i32
        %dma_wait3A_2125 = arith.constant 2 : i32
        %dma_wait3A_2126 = arith.constant 1 : i32
        %dma_wait3A_2127 = arith.constant 2 : i32
        %dma_wait3A_2128 = arith.constant 0 : i32
        %dma_wait3A_2129 = arith.constant 0 : i32
        %dma_wait3A_2130 = tpu.memref_slice %arg7[%dma_wait3A_2124, %dma_wait3A_2125, %dma_wait3A_2126, %dma_wait3A_2128, %dma_wait3A_2129] : memref<2x4x5x8x129xf32, #tpu.memory_space<vmem>> -> memref<1x1x1x8x128xf32, #tpu.memory_space<vmem>>
        %dma_wait3A_2131 = tpu.memref_squeeze %dma_wait3A_2130 : memref<1x1x1x8x128xf32, #tpu.memory_space<vmem>> -> memref<8x128xf32, #tpu.memory_space<vmem>>
        %dma_wait3A_2132 = arith.constant 0 : i32
        %dma_wait3A_2133 = arith.constant 0 : i32
        %dma_wait3A_2134 = tpu.memref_slice %arg4[%add3A_1445, %dma_wait3A_2127, %add3A_2123, %dma_wait3A_2132, %dma_wait3A_2133] : memref<50x4x128x8x128xf32, #tpu.memory_space<hbm>> -> memref<1x1x1x8x128xf32, #tpu.memory_space<hbm>>
        %dma_wait3A_2135 = tpu.memref_squeeze %dma_wait3A_2134 : memref<1x1x1x8x128xf32, #tpu.memory_space<hbm>> -> memref<8x128xf32, #tpu.memory_space<hbm>>
        %dma_wait3A_2136 = arith.constant 0 : i32
        %dma_wait3A_2137 = arith.constant 0 : i32
        %dma_wait3A_2138 = tpu.memref_slice %arg4[%add3A_1445, %dma_wait3A_2127, %add3A_2123, %dma_wait3A_2136, %dma_wait3A_2137] : memref<50x4x128x8x128xf32, #tpu.memory_space<hbm>> -> memref<1x1x1x8x128xf32, #tpu.memory_space<hbm>>
        %dma_wait3A_2139 = tpu.memref_squeeze %dma_wait3A_2138 : memref<1x1x1x8x128xf32, #tpu.memory_space<hbm>> -> memref<8x128xf32, #tpu.memory_space<hbm>>
        %dma_wait3A_2140 = arith.constant 0 : i32
        %dma_wait3A_2141 = arith.constant 0 : i32
        %dma_wait3A_2142 = tpu.memref_slice %arg7[%dma_wait3A_2124, %dma_wait3A_2125, %dma_wait3A_2126, %dma_wait3A_2140, %dma_wait3A_2141] : memref<2x4x5x8x129xf32, #tpu.memory_space<vmem>> -> memref<1x1x1x8x128xf32, #tpu.memory_space<vmem>>
        %dma_wait3A_2143 = tpu.memref_squeeze %dma_wait3A_2142 : memref<1x1x1x8x128xf32, #tpu.memory_space<vmem>> -> memref<8x128xf32, #tpu.memory_space<vmem>>
        tpu.wait_dma2 semaphore(%arg11 : memref<!tpu.dma_semaphore, #tpu.memory_space<semaphore_mem>>) src(%dma_wait3A_2143 : memref<8x128xf32, #tpu.memory_space<vmem>>) dst(%dma_wait3A_2139 : memref<8x128xf32, #tpu.memory_space<hbm>>)
        %mul3A_2144 = arith.constant 4 : i32
        %mul3A_2145 = arith.muli %add3A, %mul3A_2144 : i32
        %add3A_2146 = arith.constant 2 : i32
        %add3A_2147 = arith.addi %mul3A_2145, %add3A_2146 : i32
        %dma_wait3A_2148 = arith.constant 1 : i32
        %dma_wait3A_2149 = arith.constant 2 : i32
        %dma_wait3A_2150 = arith.constant 2 : i32
        %dma_wait3A_2151 = arith.constant 2 : i32
        %dma_wait3A_2152 = arith.constant 0 : i32
        %dma_wait3A_2153 = arith.constant 0 : i32
        %dma_wait3A_2154 = tpu.memref_slice %arg7[%dma_wait3A_2148, %dma_wait3A_2149, %dma_wait3A_2150, %dma_wait3A_2152, %dma_wait3A_2153] : memref<2x4x5x8x129xf32, #tpu.memory_space<vmem>> -> memref<1x1x1x8x128xf32, #tpu.memory_space<vmem>>
        %dma_wait3A_2155 = tpu.memref_squeeze %dma_wait3A_2154 : memref<1x1x1x8x128xf32, #tpu.memory_space<vmem>> -> memref<8x128xf32, #tpu.memory_space<vmem>>
        %dma_wait3A_2156 = arith.constant 0 : i32
        %dma_wait3A_2157 = arith.constant 0 : i32
        %dma_wait3A_2158 = tpu.memref_slice %arg4[%add3A_1445, %dma_wait3A_2151, %add3A_2147, %dma_wait3A_2156, %dma_wait3A_2157] : memref<50x4x128x8x128xf32, #tpu.memory_space<hbm>> -> memref<1x1x1x8x128xf32, #tpu.memory_space<hbm>>
        %dma_wait3A_2159 = tpu.memref_squeeze %dma_wait3A_2158 : memref<1x1x1x8x128xf32, #tpu.memory_space<hbm>> -> memref<8x128xf32, #tpu.memory_space<hbm>>
        %dma_wait3A_2160 = arith.constant 0 : i32
        %dma_wait3A_2161 = arith.constant 0 : i32
        %dma_wait3A_2162 = tpu.memref_slice %arg4[%add3A_1445, %dma_wait3A_2151, %add3A_2147, %dma_wait3A_2160, %dma_wait3A_2161] : memref<50x4x128x8x128xf32, #tpu.memory_space<hbm>> -> memref<1x1x1x8x128xf32, #tpu.memory_space<hbm>>
        %dma_wait3A_2163 = tpu.memref_squeeze %dma_wait3A_2162 : memref<1x1x1x8x128xf32, #tpu.memory_space<hbm>> -> memref<8x128xf32, #tpu.memory_space<hbm>>
        %dma_wait3A_2164 = arith.constant 0 : i32
        %dma_wait3A_2165 = arith.constant 0 : i32
        %dma_wait3A_2166 = tpu.memref_slice %arg7[%dma_wait3A_2148, %dma_wait3A_2149, %dma_wait3A_2150, %dma_wait3A_2164, %dma_wait3A_2165] : memref<2x4x5x8x129xf32, #tpu.memory_space<vmem>> -> memref<1x1x1x8x128xf32, #tpu.memory_space<vmem>>
        %dma_wait3A_2167 = tpu.memref_squeeze %dma_wait3A_2166 : memref<1x1x1x8x128xf32, #tpu.memory_space<vmem>> -> memref<8x128xf32, #tpu.memory_space<vmem>>
        tpu.wait_dma2 semaphore(%arg11 : memref<!tpu.dma_semaphore, #tpu.memory_space<semaphore_mem>>) src(%dma_wait3A_2167 : memref<8x128xf32, #tpu.memory_space<vmem>>) dst(%dma_wait3A_2163 : memref<8x128xf32, #tpu.memory_space<hbm>>)
        %mul3A_2168 = arith.constant 4 : i32
        %mul3A_2169 = arith.muli %add3A, %mul3A_2168 : i32
        %add3A_2170 = arith.constant 3 : i32
        %add3A_2171 = arith.addi %mul3A_2169, %add3A_2170 : i32
        %dma_wait3A_2172 = arith.constant 1 : i32
        %dma_wait3A_2173 = arith.constant 2 : i32
        %dma_wait3A_2174 = arith.constant 3 : i32
        %dma_wait3A_2175 = arith.constant 2 : i32
        %dma_wait3A_2176 = arith.constant 0 : i32
        %dma_wait3A_2177 = arith.constant 0 : i32
        %dma_wait3A_2178 = tpu.memref_slice %arg7[%dma_wait3A_2172, %dma_wait3A_2173, %dma_wait3A_2174, %dma_wait3A_2176, %dma_wait3A_2177] : memref<2x4x5x8x129xf32, #tpu.memory_space<vmem>> -> memref<1x1x1x8x128xf32, #tpu.memory_space<vmem>>
        %dma_wait3A_2179 = tpu.memref_squeeze %dma_wait3A_2178 : memref<1x1x1x8x128xf32, #tpu.memory_space<vmem>> -> memref<8x128xf32, #tpu.memory_space<vmem>>
        %dma_wait3A_2180 = arith.constant 0 : i32
        %dma_wait3A_2181 = arith.constant 0 : i32
        %dma_wait3A_2182 = tpu.memref_slice %arg4[%add3A_1445, %dma_wait3A_2175, %add3A_2171, %dma_wait3A_2180, %dma_wait3A_2181] : memref<50x4x128x8x128xf32, #tpu.memory_space<hbm>> -> memref<1x1x1x8x128xf32, #tpu.memory_space<hbm>>
        %dma_wait3A_2183 = tpu.memref_squeeze %dma_wait3A_2182 : memref<1x1x1x8x128xf32, #tpu.memory_space<hbm>> -> memref<8x128xf32, #tpu.memory_space<hbm>>
        %dma_wait3A_2184 = arith.constant 0 : i32
        %dma_wait3A_2185 = arith.constant 0 : i32
        %dma_wait3A_2186 = tpu.memref_slice %arg4[%add3A_1445, %dma_wait3A_2175, %add3A_2171, %dma_wait3A_2184, %dma_wait3A_2185] : memref<50x4x128x8x128xf32, #tpu.memory_space<hbm>> -> memref<1x1x1x8x128xf32, #tpu.memory_space<hbm>>
        %dma_wait3A_2187 = tpu.memref_squeeze %dma_wait3A_2186 : memref<1x1x1x8x128xf32, #tpu.memory_space<hbm>> -> memref<8x128xf32, #tpu.memory_space<hbm>>
        %dma_wait3A_2188 = arith.constant 0 : i32
        %dma_wait3A_2189 = arith.constant 0 : i32
        %dma_wait3A_2190 = tpu.memref_slice %arg7[%dma_wait3A_2172, %dma_wait3A_2173, %dma_wait3A_2174, %dma_wait3A_2188, %dma_wait3A_2189] : memref<2x4x5x8x129xf32, #tpu.memory_space<vmem>> -> memref<1x1x1x8x128xf32, #tpu.memory_space<vmem>>
        %dma_wait3A_2191 = tpu.memref_squeeze %dma_wait3A_2190 : memref<1x1x1x8x128xf32, #tpu.memory_space<vmem>> -> memref<8x128xf32, #tpu.memory_space<vmem>>
        tpu.wait_dma2 semaphore(%arg11 : memref<!tpu.dma_semaphore, #tpu.memory_space<semaphore_mem>>) src(%dma_wait3A_2191 : memref<8x128xf32, #tpu.memory_space<vmem>>) dst(%dma_wait3A_2187 : memref<8x128xf32, #tpu.memory_space<hbm>>)
        %mul3A_2192 = arith.constant 4 : i32
        %mul3A_2193 = arith.muli %add3A, %mul3A_2192 : i32
        %add3A_2194 = arith.constant 0 : i32
        %add3A_2195 = arith.addi %mul3A_2193, %add3A_2194 : i32
        %dma_wait3A_2196 = arith.constant 1 : i32
        %dma_wait3A_2197 = arith.constant 3 : i32
        %dma_wait3A_2198 = arith.constant 0 : i32
        %dma_wait3A_2199 = arith.constant 3 : i32
        %dma_wait3A_2200 = arith.constant 0 : i32
        %dma_wait3A_2201 = arith.constant 0 : i32
        %dma_wait3A_2202 = tpu.memref_slice %arg7[%dma_wait3A_2196, %dma_wait3A_2197, %dma_wait3A_2198, %dma_wait3A_2200, %dma_wait3A_2201] : memref<2x4x5x8x129xf32, #tpu.memory_space<vmem>> -> memref<1x1x1x8x128xf32, #tpu.memory_space<vmem>>
        %dma_wait3A_2203 = tpu.memref_squeeze %dma_wait3A_2202 : memref<1x1x1x8x128xf32, #tpu.memory_space<vmem>> -> memref<8x128xf32, #tpu.memory_space<vmem>>
        %dma_wait3A_2204 = arith.constant 0 : i32
        %dma_wait3A_2205 = arith.constant 0 : i32
        %dma_wait3A_2206 = tpu.memref_slice %arg4[%add3A_1445, %dma_wait3A_2199, %add3A_2195, %dma_wait3A_2204, %dma_wait3A_2205] : memref<50x4x128x8x128xf32, #tpu.memory_space<hbm>> -> memref<1x1x1x8x128xf32, #tpu.memory_space<hbm>>
        %dma_wait3A_2207 = tpu.memref_squeeze %dma_wait3A_2206 : memref<1x1x1x8x128xf32, #tpu.memory_space<hbm>> -> memref<8x128xf32, #tpu.memory_space<hbm>>
        %dma_wait3A_2208 = arith.constant 0 : i32
        %dma_wait3A_2209 = arith.constant 0 : i32
        %dma_wait3A_2210 = tpu.memref_slice %arg4[%add3A_1445, %dma_wait3A_2199, %add3A_2195, %dma_wait3A_2208, %dma_wait3A_2209] : memref<50x4x128x8x128xf32, #tpu.memory_space<hbm>> -> memref<1x1x1x8x128xf32, #tpu.memory_space<hbm>>
        %dma_wait3A_2211 = tpu.memref_squeeze %dma_wait3A_2210 : memref<1x1x1x8x128xf32, #tpu.memory_space<hbm>> -> memref<8x128xf32, #tpu.memory_space<hbm>>
        %dma_wait3A_2212 = arith.constant 0 : i32
        %dma_wait3A_2213 = arith.constant 0 : i32
        %dma_wait3A_2214 = tpu.memref_slice %arg7[%dma_wait3A_2196, %dma_wait3A_2197, %dma_wait3A_2198, %dma_wait3A_2212, %dma_wait3A_2213] : memref<2x4x5x8x129xf32, #tpu.memory_space<vmem>> -> memref<1x1x1x8x128xf32, #tpu.memory_space<vmem>>
        %dma_wait3A_2215 = tpu.memref_squeeze %dma_wait3A_2214 : memref<1x1x1x8x128xf32, #tpu.memory_space<vmem>> -> memref<8x128xf32, #tpu.memory_space<vmem>>
        tpu.wait_dma2 semaphore(%arg11 : memref<!tpu.dma_semaphore, #tpu.memory_space<semaphore_mem>>) src(%dma_wait3A_2215 : memref<8x128xf32, #tpu.memory_space<vmem>>) dst(%dma_wait3A_2211 : memref<8x128xf32, #tpu.memory_space<hbm>>)
        %mul3A_2216 = arith.constant 4 : i32
        %mul3A_2217 = arith.muli %add3A, %mul3A_2216 : i32
        %add3A_2218 = arith.constant 1 : i32
        %add3A_2219 = arith.addi %mul3A_2217, %add3A_2218 : i32
        %dma_wait3A_2220 = arith.constant 1 : i32
        %dma_wait3A_2221 = arith.constant 3 : i32
        %dma_wait3A_2222 = arith.constant 1 : i32
        %dma_wait3A_2223 = arith.constant 3 : i32
        %dma_wait3A_2224 = arith.constant 0 : i32
        %dma_wait3A_2225 = arith.constant 0 : i32
        %dma_wait3A_2226 = tpu.memref_slice %arg7[%dma_wait3A_2220, %dma_wait3A_2221, %dma_wait3A_2222, %dma_wait3A_2224, %dma_wait3A_2225] : memref<2x4x5x8x129xf32, #tpu.memory_space<vmem>> -> memref<1x1x1x8x128xf32, #tpu.memory_space<vmem>>
        %dma_wait3A_2227 = tpu.memref_squeeze %dma_wait3A_2226 : memref<1x1x1x8x128xf32, #tpu.memory_space<vmem>> -> memref<8x128xf32, #tpu.memory_space<vmem>>
        %dma_wait3A_2228 = arith.constant 0 : i32
        %dma_wait3A_2229 = arith.constant 0 : i32
        %dma_wait3A_2230 = tpu.memref_slice %arg4[%add3A_1445, %dma_wait3A_2223, %add3A_2219, %dma_wait3A_2228, %dma_wait3A_2229] : memref<50x4x128x8x128xf32, #tpu.memory_space<hbm>> -> memref<1x1x1x8x128xf32, #tpu.memory_space<hbm>>
        %dma_wait3A_2231 = tpu.memref_squeeze %dma_wait3A_2230 : memref<1x1x1x8x128xf32, #tpu.memory_space<hbm>> -> memref<8x128xf32, #tpu.memory_space<hbm>>
        %dma_wait3A_2232 = arith.constant 0 : i32
        %dma_wait3A_2233 = arith.constant 0 : i32
        %dma_wait3A_2234 = tpu.memref_slice %arg4[%add3A_1445, %dma_wait3A_2223, %add3A_2219, %dma_wait3A_2232, %dma_wait3A_2233] : memref<50x4x128x8x128xf32, #tpu.memory_space<hbm>> -> memref<1x1x1x8x128xf32, #tpu.memory_space<hbm>>
        %dma_wait3A_2235 = tpu.memref_squeeze %dma_wait3A_2234 : memref<1x1x1x8x128xf32, #tpu.memory_space<hbm>> -> memref<8x128xf32, #tpu.memory_space<hbm>>
        %dma_wait3A_2236 = arith.constant 0 : i32
        %dma_wait3A_2237 = arith.constant 0 : i32
        %dma_wait3A_2238 = tpu.memref_slice %arg7[%dma_wait3A_2220, %dma_wait3A_2221, %dma_wait3A_2222, %dma_wait3A_2236, %dma_wait3A_2237] : memref<2x4x5x8x129xf32, #tpu.memory_space<vmem>> -> memref<1x1x1x8x128xf32, #tpu.memory_space<vmem>>
        %dma_wait3A_2239 = tpu.memref_squeeze %dma_wait3A_2238 : memref<1x1x1x8x128xf32, #tpu.memory_space<vmem>> -> memref<8x128xf32, #tpu.memory_space<vmem>>
        tpu.wait_dma2 semaphore(%arg11 : memref<!tpu.dma_semaphore, #tpu.memory_space<semaphore_mem>>) src(%dma_wait3A_2239 : memref<8x128xf32, #tpu.memory_space<vmem>>) dst(%dma_wait3A_2235 : memref<8x128xf32, #tpu.memory_space<hbm>>)
        %mul3A_2240 = arith.constant 4 : i32
        %mul3A_2241 = arith.muli %add3A, %mul3A_2240 : i32
        %add3A_2242 = arith.constant 2 : i32
        %add3A_2243 = arith.addi %mul3A_2241, %add3A_2242 : i32
        %dma_wait3A_2244 = arith.constant 1 : i32
        %dma_wait3A_2245 = arith.constant 3 : i32
        %dma_wait3A_2246 = arith.constant 2 : i32
        %dma_wait3A_2247 = arith.constant 3 : i32
        %dma_wait3A_2248 = arith.constant 0 : i32
        %dma_wait3A_2249 = arith.constant 0 : i32
        %dma_wait3A_2250 = tpu.memref_slice %arg7[%dma_wait3A_2244, %dma_wait3A_2245, %dma_wait3A_2246, %dma_wait3A_2248, %dma_wait3A_2249] : memref<2x4x5x8x129xf32, #tpu.memory_space<vmem>> -> memref<1x1x1x8x128xf32, #tpu.memory_space<vmem>>
        %dma_wait3A_2251 = tpu.memref_squeeze %dma_wait3A_2250 : memref<1x1x1x8x128xf32, #tpu.memory_space<vmem>> -> memref<8x128xf32, #tpu.memory_space<vmem>>
        %dma_wait3A_2252 = arith.constant 0 : i32
        %dma_wait3A_2253 = arith.constant 0 : i32
        %dma_wait3A_2254 = tpu.memref_slice %arg4[%add3A_1445, %dma_wait3A_2247, %add3A_2243, %dma_wait3A_2252, %dma_wait3A_2253] : memref<50x4x128x8x128xf32, #tpu.memory_space<hbm>> -> memref<1x1x1x8x128xf32, #tpu.memory_space<hbm>>
        %dma_wait3A_2255 = tpu.memref_squeeze %dma_wait3A_2254 : memref<1x1x1x8x128xf32, #tpu.memory_space<hbm>> -> memref<8x128xf32, #tpu.memory_space<hbm>>
        %dma_wait3A_2256 = arith.constant 0 : i32
        %dma_wait3A_2257 = arith.constant 0 : i32
        %dma_wait3A_2258 = tpu.memref_slice %arg4[%add3A_1445, %dma_wait3A_2247, %add3A_2243, %dma_wait3A_2256, %dma_wait3A_2257] : memref<50x4x128x8x128xf32, #tpu.memory_space<hbm>> -> memref<1x1x1x8x128xf32, #tpu.memory_space<hbm>>
        %dma_wait3A_2259 = tpu.memref_squeeze %dma_wait3A_2258 : memref<1x1x1x8x128xf32, #tpu.memory_space<hbm>> -> memref<8x128xf32, #tpu.memory_space<hbm>>
        %dma_wait3A_2260 = arith.constant 0 : i32
        %dma_wait3A_2261 = arith.constant 0 : i32
        %dma_wait3A_2262 = tpu.memref_slice %arg7[%dma_wait3A_2244, %dma_wait3A_2245, %dma_wait3A_2246, %dma_wait3A_2260, %dma_wait3A_2261] : memref<2x4x5x8x129xf32, #tpu.memory_space<vmem>> -> memref<1x1x1x8x128xf32, #tpu.memory_space<vmem>>
        %dma_wait3A_2263 = tpu.memref_squeeze %dma_wait3A_2262 : memref<1x1x1x8x128xf32, #tpu.memory_space<vmem>> -> memref<8x128xf32, #tpu.memory_space<vmem>>
        tpu.wait_dma2 semaphore(%arg11 : memref<!tpu.dma_semaphore, #tpu.memory_space<semaphore_mem>>) src(%dma_wait3A_2263 : memref<8x128xf32, #tpu.memory_space<vmem>>) dst(%dma_wait3A_2259 : memref<8x128xf32, #tpu.memory_space<hbm>>)
        %mul3A_2264 = arith.constant 4 : i32
        %mul3A_2265 = arith.muli %add3A, %mul3A_2264 : i32
        %add3A_2266 = arith.constant 3 : i32
        %add3A_2267 = arith.addi %mul3A_2265, %add3A_2266 : i32
        %dma_wait3A_2268 = arith.constant 1 : i32
        %dma_wait3A_2269 = arith.constant 3 : i32
        %dma_wait3A_2270 = arith.constant 3 : i32
        %dma_wait3A_2271 = arith.constant 3 : i32
        %dma_wait3A_2272 = arith.constant 0 : i32
        %dma_wait3A_2273 = arith.constant 0 : i32
        %dma_wait3A_2274 = tpu.memref_slice %arg7[%dma_wait3A_2268, %dma_wait3A_2269, %dma_wait3A_2270, %dma_wait3A_2272, %dma_wait3A_2273] : memref<2x4x5x8x129xf32, #tpu.memory_space<vmem>> -> memref<1x1x1x8x128xf32, #tpu.memory_space<vmem>>
        %dma_wait3A_2275 = tpu.memref_squeeze %dma_wait3A_2274 : memref<1x1x1x8x128xf32, #tpu.memory_space<vmem>> -> memref<8x128xf32, #tpu.memory_space<vmem>>
        %dma_wait3A_2276 = arith.constant 0 : i32
        %dma_wait3A_2277 = arith.constant 0 : i32
        %dma_wait3A_2278 = tpu.memref_slice %arg4[%add3A_1445, %dma_wait3A_2271, %add3A_2267, %dma_wait3A_2276, %dma_wait3A_2277] : memref<50x4x128x8x128xf32, #tpu.memory_space<hbm>> -> memref<1x1x1x8x128xf32, #tpu.memory_space<hbm>>
        %dma_wait3A_2279 = tpu.memref_squeeze %dma_wait3A_2278 : memref<1x1x1x8x128xf32, #tpu.memory_space<hbm>> -> memref<8x128xf32, #tpu.memory_space<hbm>>
        %dma_wait3A_2280 = arith.constant 0 : i32
        %dma_wait3A_2281 = arith.constant 0 : i32
        %dma_wait3A_2282 = tpu.memref_slice %arg4[%add3A_1445, %dma_wait3A_2271, %add3A_2267, %dma_wait3A_2280, %dma_wait3A_2281] : memref<50x4x128x8x128xf32, #tpu.memory_space<hbm>> -> memref<1x1x1x8x128xf32, #tpu.memory_space<hbm>>
        %dma_wait3A_2283 = tpu.memref_squeeze %dma_wait3A_2282 : memref<1x1x1x8x128xf32, #tpu.memory_space<hbm>> -> memref<8x128xf32, #tpu.memory_space<hbm>>
        %dma_wait3A_2284 = arith.constant 0 : i32
        %dma_wait3A_2285 = arith.constant 0 : i32
        %dma_wait3A_2286 = tpu.memref_slice %arg7[%dma_wait3A_2268, %dma_wait3A_2269, %dma_wait3A_2270, %dma_wait3A_2284, %dma_wait3A_2285] : memref<2x4x5x8x129xf32, #tpu.memory_space<vmem>> -> memref<1x1x1x8x128xf32, #tpu.memory_space<vmem>>
        %dma_wait3A_2287 = tpu.memref_squeeze %dma_wait3A_2286 : memref<1x1x1x8x128xf32, #tpu.memory_space<vmem>> -> memref<8x128xf32, #tpu.memory_space<vmem>>
        tpu.wait_dma2 semaphore(%arg11 : memref<!tpu.dma_semaphore, #tpu.memory_space<semaphore_mem>>) src(%dma_wait3A_2287 : memref<8x128xf32, #tpu.memory_space<vmem>>) dst(%dma_wait3A_2283 : memref<8x128xf32, #tpu.memory_space<hbm>>)
      } else {
      }
      %scan3A_1513 = arith.constant 0 : i32
      %scan3A_1514 = arith.constant 1 : i32
      %scan3A_1515 = arith.constant 0 : i32
      %scan3A_1516 = arith.constant 64 : i32
      %scan3A_1517 = arith.addi %scan3A_1515, %scan3A_1516 : i32
      %scan3A_1518 = arith.constant 1 : i32
      scf.for %scan3A_1904 = %scan3A_1515 to %scan3A_1517 step %scan3A_1518  : i32 {
        %mul3A_1905 = arith.constant 8 : i32
        %mul3A_1906 = arith.muli %scan3A_1904, %mul3A_1905 : i32
        %shift_right_logical3A_1907 = arith.constant 7 : i32
        %shift_right_logical3A_1908 = arith.shrui %mul3A_1906, %shift_right_logical3A_1907 : i32
        %broadcast_in_dim3A = vector.broadcast %shift_right_logical3A_1908 : i32 to vector<16xi32>
        %and3A_1909 = arith.constant 127 : i32
        %and3A_1910 = arith.andi %mul3A_1906, %and3A_1909 : i32
        %broadcast_in_dim3A_1911 = vector.broadcast %and3A_1910 : i32 to vector<16xi32>
        %add3A_1912 = arith.constant 0 : i32
        %add3A_1913 = arith.addi %mul3A_1906, %add3A_1912 : i32
        %add3A_1914 = arith.constant 0 : i32
        %add3A_1915 = vector.broadcast %add3A_1914 : i32 to vector<16xi32>
        %add3A_1916 = arith.addi %broadcast_in_dim3A_1911, %add3A_1915 : vector<16xi32>
        %get3A = arith.constant 1 : i32
        %get3A_1917 = arith.index_cast %get3A : i32 to index
        %get3A_1918 = arith.index_cast %add3A_1913 : i32 to index
        %get3A_1919 = arith.constant 0 : index
        %get3A_1920 = tpu.vector_load %arg6[%get3A_1917, %get3A_1918, %get3A_1919] {strides = array<i32>} : memref<2x512x32xf32, #tpu.memory_space<vmem>>, vector<16xf32>,
        %mul3A_1921 = arith.constant 5.65685415 : f32
        %mul3A_1922 = vector.broadcast %mul3A_1921 : f32 to vector<16xf32>
        %mul3A_1923 = arith.mulf %get3A_1920, %mul3A_1922 : vector<16xf32>
        %get3A_1924 = arith.constant 1 : i32
        %get3A_1925 = arith.index_cast %get3A_1924 : i32 to index
        %get3A_1926 = arith.index_cast %add3A_1913 : i32 to index
        %get3A_1927 = arith.constant 16 : index
        %get3A_1928 = tpu.vector_load %arg6[%get3A_1925, %get3A_1926, %get3A_1927] {strides = array<i32>} : memref<2x512x32xf32, #tpu.memory_space<vmem>>, vector<16xf32>,
        %mul3A_1929 = arith.constant 5.65685415 : f32
        %mul3A_1930 = vector.broadcast %mul3A_1929 : f32 to vector<16xf32>
        %mul3A_1931 = arith.mulf %get3A_1928, %mul3A_1930 : vector<16xf32>
        %scatter3A = arith.constant 0 : i32
        %scatter3A_1932 = arith.constant 0 : i32
        %scatter3A_1933 = arith.constant 0 : i32
        %scatter3A_1934 = arith.constant 0 : i32
        %scatter3A_1935 = tpu.memref_slice %arg7[%scan3A_1514, %scatter3A, %scatter3A_1932, %scatter3A_1933, %scatter3A_1934] : memref<2x4x5x8x129xf32, #tpu.memory_space<vmem>> -> memref<1x4x5x8x129xf32, #tpu.memory_space<vmem>>
        %scatter3A_1936 = tpu.memref_squeeze %scatter3A_1935 : memref<1x4x5x8x129xf32, #tpu.memory_space<vmem>> -> memref<4x5x8x129xf32, #tpu.memory_space<vmem>>
        tpu.vector_store_idx %scatter3A_1936[%shift_right_logical3A_2, %broadcast_in_dim3A, %and3A_7, %add3A_1916], %mul3A_1923 : memref<4x5x8x129xf32, #tpu.memory_space<vmem>>[vector<16xi32>, vector<16xi32>, vector<16xi32>, vector<16xi32>], vector<16xf32>,
        %scatter3A_1937 = arith.constant 0 : i32
        %scatter3A_1938 = arith.constant 0 : i32
        %scatter3A_1939 = arith.constant 0 : i32
        %scatter3A_1940 = arith.constant 0 : i32
        %scatter3A_1941 = tpu.memref_slice %arg7[%scan3A_1514, %scatter3A_1937, %scatter3A_1938, %scatter3A_1939, %scatter3A_1940] : memref<2x4x5x8x129xf32, #tpu.memory_space<vmem>> -> memref<1x4x5x8x129xf32, #tpu.memory_space<vmem>>
        %scatter3A_1942 = tpu.memref_squeeze %scatter3A_1941 : memref<1x4x5x8x129xf32, #tpu.memory_space<vmem>> -> memref<4x5x8x129xf32, #tpu.memory_space<vmem>>
        tpu.vector_store_idx %scatter3A_1942[%add3A_5, %broadcast_in_dim3A, %and3A_7, %add3A_1916], %mul3A_1931 : memref<4x5x8x129xf32, #tpu.memory_space<vmem>>[vector<16xi32>, vector<16xi32>, vector<16xi32>, vector<16xi32>], vector<16xf32>,
        %add3A_1943 = arith.constant 1 : i32
        %add3A_1944 = arith.addi %mul3A_1906, %add3A_1943 : i32
        %add3A_1945 = arith.constant 1 : i32
        %add3A_1946 = vector.broadcast %add3A_1945 : i32 to vector<16xi32>
        %add3A_1947 = arith.addi %broadcast_in_dim3A_1911, %add3A_1946 : vector<16xi32>
        %get3A_1948 = arith.constant 1 : i32
        %get3A_1949 = arith.index_cast %get3A_1948 : i32 to index
        %get3A_1950 = arith.index_cast %add3A_1944 : i32 to index
        %get3A_1951 = arith.constant 0 : index
        %get3A_1952 = tpu.vector_load %arg6[%get3A_1949, %get3A_1950, %get3A_1951] {strides = array<i32>} : memref<2x512x32xf32, #tpu.memory_space<vmem>>, vector<16xf32>,
        %mul3A_1953 = arith.constant 5.65685415 : f32
        %mul3A_1954 = vector.broadcast %mul3A_1953 : f32 to vector<16xf32>
        %mul3A_1955 = arith.mulf %get3A_1952, %mul3A_1954 : vector<16xf32>
        %get3A_1956 = arith.constant 1 : i32
        %get3A_1957 = arith.index_cast %get3A_1956 : i32 to index
        %get3A_1958 = arith.index_cast %add3A_1944 : i32 to index
        %get3A_1959 = arith.constant 16 : index
        %get3A_1960 = tpu.vector_load %arg6[%get3A_1957, %get3A_1958, %get3A_1959] {strides = array<i32>} : memref<2x512x32xf32, #tpu.memory_space<vmem>>, vector<16xf32>,
        %mul3A_1961 = arith.constant 5.65685415 : f32
        %mul3A_1962 = vector.broadcast %mul3A_1961 : f32 to vector<16xf32>
        %mul3A_1963 = arith.mulf %get3A_1960, %mul3A_1962 : vector<16xf32>
        %scatter3A_1964 = arith.constant 0 : i32
        %scatter3A_1965 = arith.constant 0 : i32
        %scatter3A_1966 = arith.constant 0 : i32
        %scatter3A_1967 = arith.constant 0 : i32
        %scatter3A_1968 = tpu.memref_slice %arg7[%scan3A_1514, %scatter3A_1964, %scatter3A_1965, %scatter3A_1966, %scatter3A_1967] : memref<2x4x5x8x129xf32, #tpu.memory_space<vmem>> -> memref<1x4x5x8x129xf32, #tpu.memory_space<vmem>>
        %scatter3A_1969 = tpu.memref_squeeze %scatter3A_1968 : memref<1x4x5x8x129xf32, #tpu.memory_space<vmem>> -> memref<4x5x8x129xf32, #tpu.memory_space<vmem>>
        tpu.vector_store_idx %scatter3A_1969[%shift_right_logical3A_2, %broadcast_in_dim3A, %and3A_7, %add3A_1947], %mul3A_1955 : memref<4x5x8x129xf32, #tpu.memory_space<vmem>>[vector<16xi32>, vector<16xi32>, vector<16xi32>, vector<16xi32>], vector<16xf32>,
        %scatter3A_1970 = arith.constant 0 : i32
        %scatter3A_1971 = arith.constant 0 : i32
        %scatter3A_1972 = arith.constant 0 : i32
        %scatter3A_1973 = arith.constant 0 : i32
        %scatter3A_1974 = tpu.memref_slice %arg7[%scan3A_1514, %scatter3A_1970, %scatter3A_1971, %scatter3A_1972, %scatter3A_1973] : memref<2x4x5x8x129xf32, #tpu.memory_space<vmem>> -> memref<1x4x5x8x129xf32, #tpu.memory_space<vmem>>
        %scatter3A_1975 = tpu.memref_squeeze %scatter3A_1974 : memref<1x4x5x8x129xf32, #tpu.memory_space<vmem>> -> memref<4x5x8x129xf32, #tpu.memory_space<vmem>>
        tpu.vector_store_idx %scatter3A_1975[%add3A_5, %broadcast_in_dim3A, %and3A_7, %add3A_1947], %mul3A_1963 : memref<4x5x8x129xf32, #tpu.memory_space<vmem>>[vector<16xi32>, vector<16xi32>, vector<16xi32>, vector<16xi32>], vector<16xf32>,
        %add3A_1976 = arith.constant 2 : i32
        %add3A_1977 = arith.addi %mul3A_1906, %add3A_1976 : i32
        %add3A_1978 = arith.constant 2 : i32
        %add3A_1979 = vector.broadcast %add3A_1978 : i32 to vector<16xi32>
        %add3A_1980 = arith.addi %broadcast_in_dim3A_1911, %add3A_1979 : vector<16xi32>
        %get3A_1981 = arith.constant 1 : i32
        %get3A_1982 = arith.index_cast %get3A_1981 : i32 to index
        %get3A_1983 = arith.index_cast %add3A_1977 : i32 to index
        %get3A_1984 = arith.constant 0 : index
        %get3A_1985 = tpu.vector_load %arg6[%get3A_1982, %get3A_1983, %get3A_1984] {strides = array<i32>} : memref<2x512x32xf32, #tpu.memory_space<vmem>>, vector<16xf32>,
        %mul3A_1986 = arith.constant 5.65685415 : f32
        %mul3A_1987 = vector.broadcast %mul3A_1986 : f32 to vector<16xf32>
        %mul3A_1988 = arith.mulf %get3A_1985, %mul3A_1987 : vector<16xf32>
        %get3A_1989 = arith.constant 1 : i32
        %get3A_1990 = arith.index_cast %get3A_1989 : i32 to index
        %get3A_1991 = arith.index_cast %add3A_1977 : i32 to index
        %get3A_1992 = arith.constant 16 : index
        %get3A_1993 = tpu.vector_load %arg6[%get3A_1990, %get3A_1991, %get3A_1992] {strides = array<i32>} : memref<2x512x32xf32, #tpu.memory_space<vmem>>, vector<16xf32>,
        %mul3A_1994 = arith.constant 5.65685415 : f32
        %mul3A_1995 = vector.broadcast %mul3A_1994 : f32 to vector<16xf32>
        %mul3A_1996 = arith.mulf %get3A_1993, %mul3A_1995 : vector<16xf32>
        %scatter3A_1997 = arith.constant 0 : i32
        %scatter3A_1998 = arith.constant 0 : i32
        %scatter3A_1999 = arith.constant 0 : i32
        %scatter3A_2000 = arith.constant 0 : i32
        %scatter3A_2001 = tpu.memref_slice %arg7[%scan3A_1514, %scatter3A_1997, %scatter3A_1998, %scatter3A_1999, %scatter3A_2000] : memref<2x4x5x8x129xf32, #tpu.memory_space<vmem>> -> memref<1x4x5x8x129xf32, #tpu.memory_space<vmem>>
        %scatter3A_2002 = tpu.memref_squeeze %scatter3A_2001 : memref<1x4x5x8x129xf32, #tpu.memory_space<vmem>> -> memref<4x5x8x129xf32, #tpu.memory_space<vmem>>
        tpu.vector_store_idx %scatter3A_2002[%shift_right_logical3A_2, %broadcast_in_dim3A, %and3A_7, %add3A_1980], %mul3A_1988 : memref<4x5x8x129xf32, #tpu.memory_space<vmem>>[vector<16xi32>, vector<16xi32>, vector<16xi32>, vector<16xi32>], vector<16xf32>,
        %scatter3A_2003 = arith.constant 0 : i32
        %scatter3A_2004 = arith.constant 0 : i32
        %scatter3A_2005 = arith.constant 0 : i32
        %scatter3A_2006 = arith.constant 0 : i32
        %scatter3A_2007 = tpu.memref_slice %arg7[%scan3A_1514, %scatter3A_2003, %scatter3A_2004, %scatter3A_2005, %scatter3A_2006] : memref<2x4x5x8x129xf32, #tpu.memory_space<vmem>> -> memref<1x4x5x8x129xf32, #tpu.memory_space<vmem>>
        %scatter3A_2008 = tpu.memref_squeeze %scatter3A_2007 : memref<1x4x5x8x129xf32, #tpu.memory_space<vmem>> -> memref<4x5x8x129xf32, #tpu.memory_space<vmem>>
        tpu.vector_store_idx %scatter3A_2008[%add3A_5, %broadcast_in_dim3A, %and3A_7, %add3A_1980], %mul3A_1996 : memref<4x5x8x129xf32, #tpu.memory_space<vmem>>[vector<16xi32>, vector<16xi32>, vector<16xi32>, vector<16xi32>], vector<16xf32>,
        %add3A_2009 = arith.constant 3 : i32
        %add3A_2010 = arith.addi %mul3A_1906, %add3A_2009 : i32
        %add3A_2011 = arith.constant 3 : i32
        %add3A_2012 = vector.broadcast %add3A_2011 : i32 to vector<16xi32>
        %add3A_2013 = arith.addi %broadcast_in_dim3A_1911, %add3A_2012 : vector<16xi32>
        %get3A_2014 = arith.constant 1 : i32
        %get3A_2015 = arith.index_cast %get3A_2014 : i32 to index
        %get3A_2016 = arith.index_cast %add3A_2010 : i32 to index
        %get3A_2017 = arith.constant 0 : index
        %get3A_2018 = tpu.vector_load %arg6[%get3A_2015, %get3A_2016, %get3A_2017] {strides = array<i32>} : memref<2x512x32xf32, #tpu.memory_space<vmem>>, vector<16xf32>,
        %mul3A_2019 = arith.constant 5.65685415 : f32
        %mul3A_2020 = vector.broadcast %mul3A_2019 : f32 to vector<16xf32>
        %mul3A_2021 = arith.mulf %get3A_2018, %mul3A_2020 : vector<16xf32>
        %get3A_2022 = arith.constant 1 : i32
        %get3A_2023 = arith.index_cast %get3A_2022 : i32 to index
        %get3A_2024 = arith.index_cast %add3A_2010 : i32 to index
        %get3A_2025 = arith.constant 16 : index
        %get3A_2026 = tpu.vector_load %arg6[%get3A_2023, %get3A_2024, %get3A_2025] {strides = array<i32>} : memref<2x512x32xf32, #tpu.memory_space<vmem>>, vector<16xf32>,
        %mul3A_2027 = arith.constant 5.65685415 : f32
        %mul3A_2028 = vector.broadcast %mul3A_2027 : f32 to vector<16xf32>
        %mul3A_2029 = arith.mulf %get3A_2026, %mul3A_2028 : vector<16xf32>
        %scatter3A_2030 = arith.constant 0 : i32
        %scatter3A_2031 = arith.constant 0 : i32
        %scatter3A_2032 = arith.constant 0 : i32
        %scatter3A_2033 = arith.constant 0 : i32
        %scatter3A_2034 = tpu.memref_slice %arg7[%scan3A_1514, %scatter3A_2030, %scatter3A_2031, %scatter3A_2032, %scatter3A_2033] : memref<2x4x5x8x129xf32, #tpu.memory_space<vmem>> -> memref<1x4x5x8x129xf32, #tpu.memory_space<vmem>>
        %scatter3A_2035 = tpu.memref_squeeze %scatter3A_2034 : memref<1x4x5x8x129xf32, #tpu.memory_space<vmem>> -> memref<4x5x8x129xf32, #tpu.memory_space<vmem>>
        tpu.vector_store_idx %scatter3A_2035[%shift_right_logical3A_2, %broadcast_in_dim3A, %and3A_7, %add3A_2013], %mul3A_2021 : memref<4x5x8x129xf32, #tpu.memory_space<vmem>>[vector<16xi32>, vector<16xi32>, vector<16xi32>, vector<16xi32>], vector<16xf32>,
        %scatter3A_2036 = arith.constant 0 : i32
        %scatter3A_2037 = arith.constant 0 : i32
        %scatter3A_2038 = arith.constant 0 : i32
        %scatter3A_2039 = arith.constant 0 : i32
        %scatter3A_2040 = tpu.memref_slice %arg7[%scan3A_1514, %scatter3A_2036, %scatter3A_2037, %scatter3A_2038, %scatter3A_2039] : memref<2x4x5x8x129xf32, #tpu.memory_space<vmem>> -> memref<1x4x5x8x129xf32, #tpu.memory_space<vmem>>
        %scatter3A_2041 = tpu.memref_squeeze %scatter3A_2040 : memref<1x4x5x8x129xf32, #tpu.memory_space<vmem>> -> memref<4x5x8x129xf32, #tpu.memory_space<vmem>>
        tpu.vector_store_idx %scatter3A_2041[%add3A_5, %broadcast_in_dim3A, %and3A_7, %add3A_2013], %mul3A_2029 : memref<4x5x8x129xf32, #tpu.memory_space<vmem>>[vector<16xi32>, vector<16xi32>, vector<16xi32>, vector<16xi32>], vector<16xf32>,
        %add3A_2042 = arith.constant 4 : i32
        %add3A_2043 = arith.addi %mul3A_1906, %add3A_2042 : i32
        %add3A_2044 = arith.constant 4 : i32
        %add3A_2045 = vector.broadcast %add3A_2044 : i32 to vector<16xi32>
        %add3A_2046 = arith.addi %broadcast_in_dim3A_1911, %add3A_2045 : vector<16xi32>
        %get3A_2047 = arith.constant 1 : i32
        %get3A_2048 = arith.index_cast %get3A_2047 : i32 to index
        %get3A_2049 = arith.index_cast %add3A_2043 : i32 to index
        %get3A_2050 = arith.constant 0 : index
        %get3A_2051 = tpu.vector_load %arg6[%get3A_2048, %get3A_2049, %get3A_2050] {strides = array<i32>} : memref<2x512x32xf32, #tpu.memory_space<vmem>>, vector<16xf32>,
        %mul3A_2052 = arith.constant 5.65685415 : f32
        %mul3A_2053 = vector.broadcast %mul3A_2052 : f32 to vector<16xf32>
        %mul3A_2054 = arith.mulf %get3A_2051, %mul3A_2053 : vector<16xf32>
        %get3A_2055 = arith.constant 1 : i32
        %get3A_2056 = arith.index_cast %get3A_2055 : i32 to index
        %get3A_2057 = arith.index_cast %add3A_2043 : i32 to index
        %get3A_2058 = arith.constant 16 : index
        %get3A_2059 = tpu.vector_load %arg6[%get3A_2056, %get3A_2057, %get3A_2058] {strides = array<i32>} : memref<2x512x32xf32, #tpu.memory_space<vmem>>, vector<16xf32>,
        %mul3A_2060 = arith.constant 5.65685415 : f32
        %mul3A_2061 = vector.broadcast %mul3A_2060 : f32 to vector<16xf32>
        %mul3A_2062 = arith.mulf %get3A_2059, %mul3A_2061 : vector<16xf32>
        %scatter3A_2063 = arith.constant 0 : i32
        %scatter3A_2064 = arith.constant 0 : i32
        %scatter3A_2065 = arith.constant 0 : i32
        %scatter3A_2066 = arith.constant 0 : i32
        %scatter3A_2067 = tpu.memref_slice %arg7[%scan3A_1514, %scatter3A_2063, %scatter3A_2064, %scatter3A_2065, %scatter3A_2066] : memref<2x4x5x8x129xf32, #tpu.memory_space<vmem>> -> memref<1x4x5x8x129xf32, #tpu.memory_space<vmem>>
        %scatter3A_2068 = tpu.memref_squeeze %scatter3A_2067 : memref<1x4x5x8x129xf32, #tpu.memory_space<vmem>> -> memref<4x5x8x129xf32, #tpu.memory_space<vmem>>
        tpu.vector_store_idx %scatter3A_2068[%shift_right_logical3A_2, %broadcast_in_dim3A, %and3A_7, %add3A_2046], %mul3A_2054 : memref<4x5x8x129xf32, #tpu.memory_space<vmem>>[vector<16xi32>, vector<16xi32>, vector<16xi32>, vector<16xi32>], vector<16xf32>,
        %scatter3A_2069 = arith.constant 0 : i32
        %scatter3A_2070 = arith.constant 0 : i32
        %scatter3A_2071 = arith.constant 0 : i32
        %scatter3A_2072 = arith.constant 0 : i32
        %scatter3A_2073 = tpu.memref_slice %arg7[%scan3A_1514, %scatter3A_2069, %scatter3A_2070, %scatter3A_2071, %scatter3A_2072] : memref<2x4x5x8x129xf32, #tpu.memory_space<vmem>> -> memref<1x4x5x8x129xf32, #tpu.memory_space<vmem>>
        %scatter3A_2074 = tpu.memref_squeeze %scatter3A_2073 : memref<1x4x5x8x129xf32, #tpu.memory_space<vmem>> -> memref<4x5x8x129xf32, #tpu.memory_space<vmem>>
        tpu.vector_store_idx %scatter3A_2074[%add3A_5, %broadcast_in_dim3A, %and3A_7, %add3A_2046], %mul3A_2062 : memref<4x5x8x129xf32, #tpu.memory_space<vmem>>[vector<16xi32>, vector<16xi32>, vector<16xi32>, vector<16xi32>], vector<16xf32>,
        %add3A_2075 = arith.constant 5 : i32
        %add3A_2076 = arith.addi %mul3A_1906, %add3A_2075 : i32
        %add3A_2077 = arith.constant 5 : i32
        %add3A_2078 = vector.broadcast %add3A_2077 : i32 to vector<16xi32>
        %add3A_2079 = arith.addi %broadcast_in_dim3A_1911, %add3A_2078 : vector<16xi32>
        %get3A_2080 = arith.constant 1 : i32
        %get3A_2081 = arith.index_cast %get3A_2080 : i32 to index
        %get3A_2082 = arith.index_cast %add3A_2076 : i32 to index
        %get3A_2083 = arith.constant 0 : index
        %get3A_2084 = tpu.vector_load %arg6[%get3A_2081, %get3A_2082, %get3A_2083] {strides = array<i32>} : memref<2x512x32xf32, #tpu.memory_space<vmem>>, vector<16xf32>,
        %mul3A_2085 = arith.constant 5.65685415 : f32
        %mul3A_2086 = vector.broadcast %mul3A_2085 : f32 to vector<16xf32>
        %mul3A_2087 = arith.mulf %get3A_2084, %mul3A_2086 : vector<16xf32>
        %get3A_2088 = arith.constant 1 : i32
        %get3A_2089 = arith.index_cast %get3A_2088 : i32 to index
        %get3A_2090 = arith.index_cast %add3A_2076 : i32 to index
        %get3A_2091 = arith.constant 16 : index
        %get3A_2092 = tpu.vector_load %arg6[%get3A_2089, %get3A_2090, %get3A_2091] {strides = array<i32>} : memref<2x512x32xf32, #tpu.memory_space<vmem>>, vector<16xf32>,
        %mul3A_2093 = arith.constant 5.65685415 : f32
        %mul3A_2094 = vector.broadcast %mul3A_2093 : f32 to vector<16xf32>
        %mul3A_2095 = arith.mulf %get3A_2092, %mul3A_2094 : vector<16xf32>
        %scatter3A_2096 = arith.constant 0 : i32
        %scatter3A_2097 = arith.constant 0 : i32
        %scatter3A_2098 = arith.constant 0 : i32
        %scatter3A_2099 = arith.constant 0 : i32
        %scatter3A_2100 = tpu.memref_slice %arg7[%scan3A_1514, %scatter3A_2096, %scatter3A_2097, %scatter3A_2098, %scatter3A_2099] : memref<2x4x5x8x129xf32, #tpu.memory_space<vmem>> -> memref<1x4x5x8x129xf32, #tpu.memory_space<vmem>>
        %scatter3A_2101 = tpu.memref_squeeze %scatter3A_2100 : memref<1x4x5x8x129xf32, #tpu.memory_space<vmem>> -> memref<4x5x8x129xf32, #tpu.memory_space<vmem>>
        tpu.vector_store_idx %scatter3A_2101[%shift_right_logical3A_2, %broadcast_in_dim3A, %and3A_7, %add3A_2079], %mul3A_2087 : memref<4x5x8x129xf32, #tpu.memory_space<vmem>>[vector<16xi32>, vector<16xi32>, vector<16xi32>, vector<16xi32>], vector<16xf32>,
        %scatter3A_2102 = arith.constant 0 : i32
        %scatter3A_2103 = arith.constant 0 : i32
        %scatter3A_2104 = arith.constant 0 : i32
        %scatter3A_2105 = arith.constant 0 : i32
        %scatter3A_2106 = tpu.memref_slice %arg7[%scan3A_1514, %scatter3A_2102, %scatter3A_2103, %scatter3A_2104, %scatter3A_2105] : memref<2x4x5x8x129xf32, #tpu.memory_space<vmem>> -> memref<1x4x5x8x129xf32, #tpu.memory_space<vmem>>
        %scatter3A_2107 = tpu.memref_squeeze %scatter3A_2106 : memref<1x4x5x8x129xf32, #tpu.memory_space<vmem>> -> memref<4x5x8x129xf32, #tpu.memory_space<vmem>>
        tpu.vector_store_idx %scatter3A_2107[%add3A_5, %broadcast_in_dim3A, %and3A_7, %add3A_2079], %mul3A_2095 : memref<4x5x8x129xf32, #tpu.memory_space<vmem>>[vector<16xi32>, vector<16xi32>, vector<16xi32>, vector<16xi32>], vector<16xf32>,
        %add3A_2108 = arith.constant 6 : i32
        %add3A_2109 = arith.addi %mul3A_1906, %add3A_2108 : i32
        %add3A_2110 = arith.constant 6 : i32
        %add3A_2111 = vector.broadcast %add3A_2110 : i32 to vector<16xi32>
        %add3A_2112 = arith.addi %broadcast_in_dim3A_1911, %add3A_2111 : vector<16xi32>
        %get3A_2113 = arith.constant 1 : i32
        %get3A_2114 = arith.index_cast %get3A_2113 : i32 to index
        %get3A_2115 = arith.index_cast %add3A_2109 : i32 to index
        %get3A_2116 = arith.constant 0 : index
        %get3A_2117 = tpu.vector_load %arg6[%get3A_2114, %get3A_2115, %get3A_2116] {strides = array<i32>} : memref<2x512x32xf32, #tpu.memory_space<vmem>>, vector<16xf32>,
        %mul3A_2118 = arith.constant 5.65685415 : f32
        %mul3A_2119 = vector.broadcast %mul3A_2118 : f32 to vector<16xf32>
        %mul3A_2120 = arith.mulf %get3A_2117, %mul3A_2119 : vector<16xf32>
        %get3A_2121 = arith.constant 1 : i32
        %get3A_2122 = arith.index_cast %get3A_2121 : i32 to index
        %get3A_2123 = arith.index_cast %add3A_2109 : i32 to index
        %get3A_2124 = arith.constant 16 : index
        %get3A_2125 = tpu.vector_load %arg6[%get3A_2122, %get3A_2123, %get3A_2124] {strides = array<i32>} : memref<2x512x32xf32, #tpu.memory_space<vmem>>, vector<16xf32>,
        %mul3A_2126 = arith.constant 5.65685415 : f32
        %mul3A_2127 = vector.broadcast %mul3A_2126 : f32 to vector<16xf32>
        %mul3A_2128 = arith.mulf %get3A_2125, %mul3A_2127 : vector<16xf32>
        %scatter3A_2129 = arith.constant 0 : i32
        %scatter3A_2130 = arith.constant 0 : i32
        %scatter3A_2131 = arith.constant 0 : i32
        %scatter3A_2132 = arith.constant 0 : i32
        %scatter3A_2133 = tpu.memref_slice %arg7[%scan3A_1514, %scatter3A_2129, %scatter3A_2130, %scatter3A_2131, %scatter3A_2132] : memref<2x4x5x8x129xf32, #tpu.memory_space<vmem>> -> memref<1x4x5x8x129xf32, #tpu.memory_space<vmem>>
        %scatter3A_2134 = tpu.memref_squeeze %scatter3A_2133 : memref<1x4x5x8x129xf32, #tpu.memory_space<vmem>> -> memref<4x5x8x129xf32, #tpu.memory_space<vmem>>
        tpu.vector_store_idx %scatter3A_2134[%shift_right_logical3A_2, %broadcast_in_dim3A, %and3A_7, %add3A_2112], %mul3A_2120 : memref<4x5x8x129xf32, #tpu.memory_space<vmem>>[vector<16xi32>, vector<16xi32>, vector<16xi32>, vector<16xi32>], vector<16xf32>,
        %scatter3A_2135 = arith.constant 0 : i32
        %scatter3A_2136 = arith.constant 0 : i32
        %scatter3A_2137 = arith.constant 0 : i32
        %scatter3A_2138 = arith.constant 0 : i32
        %scatter3A_2139 = tpu.memref_slice %arg7[%scan3A_1514, %scatter3A_2135, %scatter3A_2136, %scatter3A_2137, %scatter3A_2138] : memref<2x4x5x8x129xf32, #tpu.memory_space<vmem>> -> memref<1x4x5x8x129xf32, #tpu.memory_space<vmem>>
        %scatter3A_2140 = tpu.memref_squeeze %scatter3A_2139 : memref<1x4x5x8x129xf32, #tpu.memory_space<vmem>> -> memref<4x5x8x129xf32, #tpu.memory_space<vmem>>
        tpu.vector_store_idx %scatter3A_2140[%add3A_5, %broadcast_in_dim3A, %and3A_7, %add3A_2112], %mul3A_2128 : memref<4x5x8x129xf32, #tpu.memory_space<vmem>>[vector<16xi32>, vector<16xi32>, vector<16xi32>, vector<16xi32>], vector<16xf32>,
        %add3A_2141 = arith.constant 7 : i32
        %add3A_2142 = arith.addi %mul3A_1906, %add3A_2141 : i32
        %add3A_2143 = arith.constant 7 : i32
        %add3A_2144 = vector.broadcast %add3A_2143 : i32 to vector<16xi32>
        %add3A_2145 = arith.addi %broadcast_in_dim3A_1911, %add3A_2144 : vector<16xi32>
        %get3A_2146 = arith.constant 1 : i32
        %get3A_2147 = arith.index_cast %get3A_2146 : i32 to index
        %get3A_2148 = arith.index_cast %add3A_2142 : i32 to index
        %get3A_2149 = arith.constant 0 : index
        %get3A_2150 = tpu.vector_load %arg6[%get3A_2147, %get3A_2148, %get3A_2149] {strides = array<i32>} : memref<2x512x32xf32, #tpu.memory_space<vmem>>, vector<16xf32>,
        %mul3A_2151 = arith.constant 5.65685415 : f32
        %mul3A_2152 = vector.broadcast %mul3A_2151 : f32 to vector<16xf32>
        %mul3A_2153 = arith.mulf %get3A_2150, %mul3A_2152 : vector<16xf32>
        %get3A_2154 = arith.constant 1 : i32
        %get3A_2155 = arith.index_cast %get3A_2154 : i32 to index
        %get3A_2156 = arith.index_cast %add3A_2142 : i32 to index
        %get3A_2157 = arith.constant 16 : index
        %get3A_2158 = tpu.vector_load %arg6[%get3A_2155, %get3A_2156, %get3A_2157] {strides = array<i32>} : memref<2x512x32xf32, #tpu.memory_space<vmem>>, vector<16xf32>,
        %mul3A_2159 = arith.constant 5.65685415 : f32
        %mul3A_2160 = vector.broadcast %mul3A_2159 : f32 to vector<16xf32>
        %mul3A_2161 = arith.mulf %get3A_2158, %mul3A_2160 : vector<16xf32>
        %scatter3A_2162 = arith.constant 0 : i32
        %scatter3A_2163 = arith.constant 0 : i32
        %scatter3A_2164 = arith.constant 0 : i32
        %scatter3A_2165 = arith.constant 0 : i32
        %scatter3A_2166 = tpu.memref_slice %arg7[%scan3A_1514, %scatter3A_2162, %scatter3A_2163, %scatter3A_2164, %scatter3A_2165] : memref<2x4x5x8x129xf32, #tpu.memory_space<vmem>> -> memref<1x4x5x8x129xf32, #tpu.memory_space<vmem>>
        %scatter3A_2167 = tpu.memref_squeeze %scatter3A_2166 : memref<1x4x5x8x129xf32, #tpu.memory_space<vmem>> -> memref<4x5x8x129xf32, #tpu.memory_space<vmem>>
        tpu.vector_store_idx %scatter3A_2167[%shift_right_logical3A_2, %broadcast_in_dim3A, %and3A_7, %add3A_2145], %mul3A_2153 : memref<4x5x8x129xf32, #tpu.memory_space<vmem>>[vector<16xi32>, vector<16xi32>, vector<16xi32>, vector<16xi32>], vector<16xf32>,
        %scatter3A_2168 = arith.constant 0 : i32
        %scatter3A_2169 = arith.constant 0 : i32
        %scatter3A_2170 = arith.constant 0 : i32
        %scatter3A_2171 = arith.constant 0 : i32
        %scatter3A_2172 = tpu.memref_slice %arg7[%scan3A_1514, %scatter3A_2168, %scatter3A_2169, %scatter3A_2170, %scatter3A_2171] : memref<2x4x5x8x129xf32, #tpu.memory_space<vmem>> -> memref<1x4x5x8x129xf32, #tpu.memory_space<vmem>>
        %scatter3A_2173 = tpu.memref_squeeze %scatter3A_2172 : memref<1x4x5x8x129xf32, #tpu.memory_space<vmem>> -> memref<4x5x8x129xf32, #tpu.memory_space<vmem>>
        tpu.vector_store_idx %scatter3A_2173[%add3A_5, %broadcast_in_dim3A, %and3A_7, %add3A_2145], %mul3A_2161 : memref<4x5x8x129xf32, #tpu.memory_space<vmem>>[vector<16xi32>, vector<16xi32>, vector<16xi32>, vector<16xi32>], vector<16xf32>,
      }
      %scan3A_1519 = arith.constant 64 : i32
      %mul3A_1520 = arith.constant 4 : i32
      %mul3A_1521 = arith.muli %add3A, %mul3A_1520 : i32
      %add3A_1522 = arith.constant 0 : i32
      %add3A_1523 = arith.addi %mul3A_1521, %add3A_1522 : i32
      %dma_start3A_1524 = arith.constant 1 : i32
      %dma_start3A_1525 = arith.constant 0 : i32
      %dma_start3A_1526 = arith.constant 0 : i32
      %dma_start3A_1527 = arith.constant 0 : i32
      %dma_start3A_1528 = arith.constant 0 : i32
      %dma_start3A_1529 = arith.constant 0 : i32
      %dma_start3A_1530 = tpu.memref_slice %arg7[%dma_start3A_1524, %dma_start3A_1525, %dma_start3A_1526, %dma_start3A_1528, %dma_start3A_1529] : memref<2x4x5x8x129xf32, #tpu.memory_space<vmem>> -> memref<1x1x1x8x128xf32, #tpu.memory_space<vmem>>
      %dma_start3A_1531 = tpu.memref_squeeze %dma_start3A_1530 : memref<1x1x1x8x128xf32, #tpu.memory_space<vmem>> -> memref<8x128xf32, #tpu.memory_space<vmem>>
      %dma_start3A_1532 = arith.constant 0 : i32
      %dma_start3A_1533 = arith.constant 0 : i32
      %dma_start3A_1534 = tpu.memref_slice %arg4[%add3A_1445, %dma_start3A_1527, %add3A_1523, %dma_start3A_1532, %dma_start3A_1533] : memref<50x4x128x8x128xf32, #tpu.memory_space<hbm>> -> memref<1x1x1x8x128xf32, #tpu.memory_space<hbm>>
      %dma_start3A_1535 = tpu.memref_squeeze %dma_start3A_1534 : memref<1x1x1x8x128xf32, #tpu.memory_space<hbm>> -> memref<8x128xf32, #tpu.memory_space<hbm>>
      %dma_start3A_1536 = arith.constant 0 : i32
      %dma_start3A_1537 = arith.constant 0 : i32
      %dma_start3A_1538 = tpu.memref_slice %arg4[%add3A_1445, %dma_start3A_1527, %add3A_1523, %dma_start3A_1536, %dma_start3A_1537] : memref<50x4x128x8x128xf32, #tpu.memory_space<hbm>> -> memref<1x1x1x8x128xf32, #tpu.memory_space<hbm>>
      %dma_start3A_1539 = tpu.memref_squeeze %dma_start3A_1538 : memref<1x1x1x8x128xf32, #tpu.memory_space<hbm>> -> memref<8x128xf32, #tpu.memory_space<hbm>>
      %dma_start3A_1540 = arith.constant 0 : i32
      %dma_start3A_1541 = arith.constant 0 : i32
      %dma_start3A_1542 = tpu.memref_slice %arg7[%dma_start3A_1524, %dma_start3A_1525, %dma_start3A_1526, %dma_start3A_1540, %dma_start3A_1541] : memref<2x4x5x8x129xf32, #tpu.memory_space<vmem>> -> memref<1x1x1x8x128xf32, #tpu.memory_space<vmem>>
      %dma_start3A_1543 = tpu.memref_squeeze %dma_start3A_1542 : memref<1x1x1x8x128xf32, #tpu.memory_space<vmem>> -> memref<8x128xf32, #tpu.memory_space<vmem>>
      tpu.enqueue_dma source(%dma_start3A_1543 : memref<8x128xf32, #tpu.memory_space<vmem>>) target(%dma_start3A_1539 : memref<8x128xf32, #tpu.memory_space<hbm>>) target_semaphore(%arg11 : memref<!tpu.dma_semaphore, #tpu.memory_space<semaphore_mem>>)
      %mul3A_1544 = arith.constant 4 : i32
      %mul3A_1545 = arith.muli %add3A, %mul3A_1544 : i32
      %add3A_1546 = arith.constant 1 : i32
      %add3A_1547 = arith.addi %mul3A_1545, %add3A_1546 : i32
      %dma_start3A_1548 = arith.constant 1 : i32
      %dma_start3A_1549 = arith.constant 0 : i32
      %dma_start3A_1550 = arith.constant 1 : i32
      %dma_start3A_1551 = arith.constant 0 : i32
      %dma_start3A_1552 = arith.constant 0 : i32
      %dma_start3A_1553 = arith.constant 0 : i32
      %dma_start3A_1554 = tpu.memref_slice %arg7[%dma_start3A_1548, %dma_start3A_1549, %dma_start3A_1550, %dma_start3A_1552, %dma_start3A_1553] : memref<2x4x5x8x129xf32, #tpu.memory_space<vmem>> -> memref<1x1x1x8x128xf32, #tpu.memory_space<vmem>>
      %dma_start3A_1555 = tpu.memref_squeeze %dma_start3A_1554 : memref<1x1x1x8x128xf32, #tpu.memory_space<vmem>> -> memref<8x128xf32, #tpu.memory_space<vmem>>
      %dma_start3A_1556 = arith.constant 0 : i32
      %dma_start3A_1557 = arith.constant 0 : i32
      %dma_start3A_1558 = tpu.memref_slice %arg4[%add3A_1445, %dma_start3A_1551, %add3A_1547, %dma_start3A_1556, %dma_start3A_1557] : memref<50x4x128x8x128xf32, #tpu.memory_space<hbm>> -> memref<1x1x1x8x128xf32, #tpu.memory_space<hbm>>
      %dma_start3A_1559 = tpu.memref_squeeze %dma_start3A_1558 : memref<1x1x1x8x128xf32, #tpu.memory_space<hbm>> -> memref<8x128xf32, #tpu.memory_space<hbm>>
      %dma_start3A_1560 = arith.constant 0 : i32
      %dma_start3A_1561 = arith.constant 0 : i32
      %dma_start3A_1562 = tpu.memref_slice %arg4[%add3A_1445, %dma_start3A_1551, %add3A_1547, %dma_start3A_1560, %dma_start3A_1561] : memref<50x4x128x8x128xf32, #tpu.memory_space<hbm>> -> memref<1x1x1x8x128xf32, #tpu.memory_space<hbm>>
      %dma_start3A_1563 = tpu.memref_squeeze %dma_start3A_1562 : memref<1x1x1x8x128xf32, #tpu.memory_space<hbm>> -> memref<8x128xf32, #tpu.memory_space<hbm>>
      %dma_start3A_1564 = arith.constant 0 : i32
      %dma_start3A_1565 = arith.constant 0 : i32
      %dma_start3A_1566 = tpu.memref_slice %arg7[%dma_start3A_1548, %dma_start3A_1549, %dma_start3A_1550, %dma_start3A_1564, %dma_start3A_1565] : memref<2x4x5x8x129xf32, #tpu.memory_space<vmem>> -> memref<1x1x1x8x128xf32, #tpu.memory_space<vmem>>
      %dma_start3A_1567 = tpu.memref_squeeze %dma_start3A_1566 : memref<1x1x1x8x128xf32, #tpu.memory_space<vmem>> -> memref<8x128xf32, #tpu.memory_space<vmem>>
      tpu.enqueue_dma source(%dma_start3A_1567 : memref<8x128xf32, #tpu.memory_space<vmem>>) target(%dma_start3A_1563 : memref<8x128xf32, #tpu.memory_space<hbm>>) target_semaphore(%arg11 : memref<!tpu.dma_semaphore, #tpu.memory_space<semaphore_mem>>)
      %mul3A_1568 = arith.constant 4 : i32
      %mul3A_1569 = arith.muli %add3A, %mul3A_1568 : i32
      %add3A_1570 = arith.constant 2 : i32
      %add3A_1571 = arith.addi %mul3A_1569, %add3A_1570 : i32
      %dma_start3A_1572 = arith.constant 1 : i32
      %dma_start3A_1573 = arith.constant 0 : i32
      %dma_start3A_1574 = arith.constant 2 : i32
      %dma_start3A_1575 = arith.constant 0 : i32
      %dma_start3A_1576 = arith.constant 0 : i32
      %dma_start3A_1577 = arith.constant 0 : i32
      %dma_start3A_1578 = tpu.memref_slice %arg7[%dma_start3A_1572, %dma_start3A_1573, %dma_start3A_1574, %dma_start3A_1576, %dma_start3A_1577] : memref<2x4x5x8x129xf32, #tpu.memory_space<vmem>> -> memref<1x1x1x8x128xf32, #tpu.memory_space<vmem>>
      %dma_start3A_1579 = tpu.memref_squeeze %dma_start3A_1578 : memref<1x1x1x8x128xf32, #tpu.memory_space<vmem>> -> memref<8x128xf32, #tpu.memory_space<vmem>>
      %dma_start3A_1580 = arith.constant 0 : i32
      %dma_start3A_1581 = arith.constant 0 : i32
      %dma_start3A_1582 = tpu.memref_slice %arg4[%add3A_1445, %dma_start3A_1575, %add3A_1571, %dma_start3A_1580, %dma_start3A_1581] : memref<50x4x128x8x128xf32, #tpu.memory_space<hbm>> -> memref<1x1x1x8x128xf32, #tpu.memory_space<hbm>>
      %dma_start3A_1583 = tpu.memref_squeeze %dma_start3A_1582 : memref<1x1x1x8x128xf32, #tpu.memory_space<hbm>> -> memref<8x128xf32, #tpu.memory_space<hbm>>
      %dma_start3A_1584 = arith.constant 0 : i32
      %dma_start3A_1585 = arith.constant 0 : i32
      %dma_start3A_1586 = tpu.memref_slice %arg4[%add3A_1445, %dma_start3A_1575, %add3A_1571, %dma_start3A_1584, %dma_start3A_1585] : memref<50x4x128x8x128xf32, #tpu.memory_space<hbm>> -> memref<1x1x1x8x128xf32, #tpu.memory_space<hbm>>
      %dma_start3A_1587 = tpu.memref_squeeze %dma_start3A_1586 : memref<1x1x1x8x128xf32, #tpu.memory_space<hbm>> -> memref<8x128xf32, #tpu.memory_space<hbm>>
      %dma_start3A_1588 = arith.constant 0 : i32
      %dma_start3A_1589 = arith.constant 0 : i32
      %dma_start3A_1590 = tpu.memref_slice %arg7[%dma_start3A_1572, %dma_start3A_1573, %dma_start3A_1574, %dma_start3A_1588, %dma_start3A_1589] : memref<2x4x5x8x129xf32, #tpu.memory_space<vmem>> -> memref<1x1x1x8x128xf32, #tpu.memory_space<vmem>>
      %dma_start3A_1591 = tpu.memref_squeeze %dma_start3A_1590 : memref<1x1x1x8x128xf32, #tpu.memory_space<vmem>> -> memref<8x128xf32, #tpu.memory_space<vmem>>
      tpu.enqueue_dma source(%dma_start3A_1591 : memref<8x128xf32, #tpu.memory_space<vmem>>) target(%dma_start3A_1587 : memref<8x128xf32, #tpu.memory_space<hbm>>) target_semaphore(%arg11 : memref<!tpu.dma_semaphore, #tpu.memory_space<semaphore_mem>>)
      %mul3A_1592 = arith.constant 4 : i32
      %mul3A_1593 = arith.muli %add3A, %mul3A_1592 : i32
      %add3A_1594 = arith.constant 3 : i32
      %add3A_1595 = arith.addi %mul3A_1593, %add3A_1594 : i32
      %dma_start3A_1596 = arith.constant 1 : i32
      %dma_start3A_1597 = arith.constant 0 : i32
      %dma_start3A_1598 = arith.constant 3 : i32
      %dma_start3A_1599 = arith.constant 0 : i32
      %dma_start3A_1600 = arith.constant 0 : i32
      %dma_start3A_1601 = arith.constant 0 : i32
      %dma_start3A_1602 = tpu.memref_slice %arg7[%dma_start3A_1596, %dma_start3A_1597, %dma_start3A_1598, %dma_start3A_1600, %dma_start3A_1601] : memref<2x4x5x8x129xf32, #tpu.memory_space<vmem>> -> memref<1x1x1x8x128xf32, #tpu.memory_space<vmem>>
      %dma_start3A_1603 = tpu.memref_squeeze %dma_start3A_1602 : memref<1x1x1x8x128xf32, #tpu.memory_space<vmem>> -> memref<8x128xf32, #tpu.memory_space<vmem>>
      %dma_start3A_1604 = arith.constant 0 : i32
      %dma_start3A_1605 = arith.constant 0 : i32
      %dma_start3A_1606 = tpu.memref_slice %arg4[%add3A_1445, %dma_start3A_1599, %add3A_1595, %dma_start3A_1604, %dma_start3A_1605] : memref<50x4x128x8x128xf32, #tpu.memory_space<hbm>> -> memref<1x1x1x8x128xf32, #tpu.memory_space<hbm>>
      %dma_start3A_1607 = tpu.memref_squeeze %dma_start3A_1606 : memref<1x1x1x8x128xf32, #tpu.memory_space<hbm>> -> memref<8x128xf32, #tpu.memory_space<hbm>>
      %dma_start3A_1608 = arith.constant 0 : i32
      %dma_start3A_1609 = arith.constant 0 : i32
      %dma_start3A_1610 = tpu.memref_slice %arg4[%add3A_1445, %dma_start3A_1599, %add3A_1595, %dma_start3A_1608, %dma_start3A_1609] : memref<50x4x128x8x128xf32, #tpu.memory_space<hbm>> -> memref<1x1x1x8x128xf32, #tpu.memory_space<hbm>>
      %dma_start3A_1611 = tpu.memref_squeeze %dma_start3A_1610 : memref<1x1x1x8x128xf32, #tpu.memory_space<hbm>> -> memref<8x128xf32, #tpu.memory_space<hbm>>
      %dma_start3A_1612 = arith.constant 0 : i32
      %dma_start3A_1613 = arith.constant 0 : i32
      %dma_start3A_1614 = tpu.memref_slice %arg7[%dma_start3A_1596, %dma_start3A_1597, %dma_start3A_1598, %dma_start3A_1612, %dma_start3A_1613] : memref<2x4x5x8x129xf32, #tpu.memory_space<vmem>> -> memref<1x1x1x8x128xf32, #tpu.memory_space<vmem>>
      %dma_start3A_1615 = tpu.memref_squeeze %dma_start3A_1614 : memref<1x1x1x8x128xf32, #tpu.memory_space<vmem>> -> memref<8x128xf32, #tpu.memory_space<vmem>>
      tpu.enqueue_dma source(%dma_start3A_1615 : memref<8x128xf32, #tpu.memory_space<vmem>>) target(%dma_start3A_1611 : memref<8x128xf32, #tpu.memory_space<hbm>>) target_semaphore(%arg11 : memref<!tpu.dma_semaphore, #tpu.memory_space<semaphore_mem>>)
      %mul3A_1616 = arith.constant 4 : i32
      %mul3A_1617 = arith.muli %add3A, %mul3A_1616 : i32
      %add3A_1618 = arith.constant 0 : i32
      %add3A_1619 = arith.addi %mul3A_1617, %add3A_1618 : i32
      %dma_start3A_1620 = arith.constant 1 : i32
      %dma_start3A_1621 = arith.constant 1 : i32
      %dma_start3A_1622 = arith.constant 0 : i32
      %dma_start3A_1623 = arith.constant 1 : i32
      %dma_start3A_1624 = arith.constant 0 : i32
      %dma_start3A_1625 = arith.constant 0 : i32
      %dma_start3A_1626 = tpu.memref_slice %arg7[%dma_start3A_1620, %dma_start3A_1621, %dma_start3A_1622, %dma_start3A_1624, %dma_start3A_1625] : memref<2x4x5x8x129xf32, #tpu.memory_space<vmem>> -> memref<1x1x1x8x128xf32, #tpu.memory_space<vmem>>
      %dma_start3A_1627 = tpu.memref_squeeze %dma_start3A_1626 : memref<1x1x1x8x128xf32, #tpu.memory_space<vmem>> -> memref<8x128xf32, #tpu.memory_space<vmem>>
      %dma_start3A_1628 = arith.constant 0 : i32
      %dma_start3A_1629 = arith.constant 0 : i32
      %dma_start3A_1630 = tpu.memref_slice %arg4[%add3A_1445, %dma_start3A_1623, %add3A_1619, %dma_start3A_1628, %dma_start3A_1629] : memref<50x4x128x8x128xf32, #tpu.memory_space<hbm>> -> memref<1x1x1x8x128xf32, #tpu.memory_space<hbm>>
      %dma_start3A_1631 = tpu.memref_squeeze %dma_start3A_1630 : memref<1x1x1x8x128xf32, #tpu.memory_space<hbm>> -> memref<8x128xf32, #tpu.memory_space<hbm>>
      %dma_start3A_1632 = arith.constant 0 : i32
      %dma_start3A_1633 = arith.constant 0 : i32
      %dma_start3A_1634 = tpu.memref_slice %arg4[%add3A_1445, %dma_start3A_1623, %add3A_1619, %dma_start3A_1632, %dma_start3A_1633] : memref<50x4x128x8x128xf32, #tpu.memory_space<hbm>> -> memref<1x1x1x8x128xf32, #tpu.memory_space<hbm>>
      %dma_start3A_1635 = tpu.memref_squeeze %dma_start3A_1634 : memref<1x1x1x8x128xf32, #tpu.memory_space<hbm>> -> memref<8x128xf32, #tpu.memory_space<hbm>>
      %dma_start3A_1636 = arith.constant 0 : i32
      %dma_start3A_1637 = arith.constant 0 : i32
      %dma_start3A_1638 = tpu.memref_slice %arg7[%dma_start3A_1620, %dma_start3A_1621, %dma_start3A_1622, %dma_start3A_1636, %dma_start3A_1637] : memref<2x4x5x8x129xf32, #tpu.memory_space<vmem>> -> memref<1x1x1x8x128xf32, #tpu.memory_space<vmem>>
      %dma_start3A_1639 = tpu.memref_squeeze %dma_start3A_1638 : memref<1x1x1x8x128xf32, #tpu.memory_space<vmem>> -> memref<8x128xf32, #tpu.memory_space<vmem>>
      tpu.enqueue_dma source(%dma_start3A_1639 : memref<8x128xf32, #tpu.memory_space<vmem>>) target(%dma_start3A_1635 : memref<8x128xf32, #tpu.memory_space<hbm>>) target_semaphore(%arg11 : memref<!tpu.dma_semaphore, #tpu.memory_space<semaphore_mem>>)
      %mul3A_1640 = arith.constant 4 : i32
      %mul3A_1641 = arith.muli %add3A, %mul3A_1640 : i32
      %add3A_1642 = arith.constant 1 : i32
      %add3A_1643 = arith.addi %mul3A_1641, %add3A_1642 : i32
      %dma_start3A_1644 = arith.constant 1 : i32
      %dma_start3A_1645 = arith.constant 1 : i32
      %dma_start3A_1646 = arith.constant 1 : i32
      %dma_start3A_1647 = arith.constant 1 : i32
      %dma_start3A_1648 = arith.constant 0 : i32
      %dma_start3A_1649 = arith.constant 0 : i32
      %dma_start3A_1650 = tpu.memref_slice %arg7[%dma_start3A_1644, %dma_start3A_1645, %dma_start3A_1646, %dma_start3A_1648, %dma_start3A_1649] : memref<2x4x5x8x129xf32, #tpu.memory_space<vmem>> -> memref<1x1x1x8x128xf32, #tpu.memory_space<vmem>>
      %dma_start3A_1651 = tpu.memref_squeeze %dma_start3A_1650 : memref<1x1x1x8x128xf32, #tpu.memory_space<vmem>> -> memref<8x128xf32, #tpu.memory_space<vmem>>
      %dma_start3A_1652 = arith.constant 0 : i32
      %dma_start3A_1653 = arith.constant 0 : i32
      %dma_start3A_1654 = tpu.memref_slice %arg4[%add3A_1445, %dma_start3A_1647, %add3A_1643, %dma_start3A_1652, %dma_start3A_1653] : memref<50x4x128x8x128xf32, #tpu.memory_space<hbm>> -> memref<1x1x1x8x128xf32, #tpu.memory_space<hbm>>
      %dma_start3A_1655 = tpu.memref_squeeze %dma_start3A_1654 : memref<1x1x1x8x128xf32, #tpu.memory_space<hbm>> -> memref<8x128xf32, #tpu.memory_space<hbm>>
      %dma_start3A_1656 = arith.constant 0 : i32
      %dma_start3A_1657 = arith.constant 0 : i32
      %dma_start3A_1658 = tpu.memref_slice %arg4[%add3A_1445, %dma_start3A_1647, %add3A_1643, %dma_start3A_1656, %dma_start3A_1657] : memref<50x4x128x8x128xf32, #tpu.memory_space<hbm>> -> memref<1x1x1x8x128xf32, #tpu.memory_space<hbm>>
      %dma_start3A_1659 = tpu.memref_squeeze %dma_start3A_1658 : memref<1x1x1x8x128xf32, #tpu.memory_space<hbm>> -> memref<8x128xf32, #tpu.memory_space<hbm>>
      %dma_start3A_1660 = arith.constant 0 : i32
      %dma_start3A_1661 = arith.constant 0 : i32
      %dma_start3A_1662 = tpu.memref_slice %arg7[%dma_start3A_1644, %dma_start3A_1645, %dma_start3A_1646, %dma_start3A_1660, %dma_start3A_1661] : memref<2x4x5x8x129xf32, #tpu.memory_space<vmem>> -> memref<1x1x1x8x128xf32, #tpu.memory_space<vmem>>
      %dma_start3A_1663 = tpu.memref_squeeze %dma_start3A_1662 : memref<1x1x1x8x128xf32, #tpu.memory_space<vmem>> -> memref<8x128xf32, #tpu.memory_space<vmem>>
      tpu.enqueue_dma source(%dma_start3A_1663 : memref<8x128xf32, #tpu.memory_space<vmem>>) target(%dma_start3A_1659 : memref<8x128xf32, #tpu.memory_space<hbm>>) target_semaphore(%arg11 : memref<!tpu.dma_semaphore, #tpu.memory_space<semaphore_mem>>)
      %mul3A_1664 = arith.constant 4 : i32
      %mul3A_1665 = arith.muli %add3A, %mul3A_1664 : i32
      %add3A_1666 = arith.constant 2 : i32
      %add3A_1667 = arith.addi %mul3A_1665, %add3A_1666 : i32
      %dma_start3A_1668 = arith.constant 1 : i32
      %dma_start3A_1669 = arith.constant 1 : i32
      %dma_start3A_1670 = arith.constant 2 : i32
      %dma_start3A_1671 = arith.constant 1 : i32
      %dma_start3A_1672 = arith.constant 0 : i32
      %dma_start3A_1673 = arith.constant 0 : i32
      %dma_start3A_1674 = tpu.memref_slice %arg7[%dma_start3A_1668, %dma_start3A_1669, %dma_start3A_1670, %dma_start3A_1672, %dma_start3A_1673] : memref<2x4x5x8x129xf32, #tpu.memory_space<vmem>> -> memref<1x1x1x8x128xf32, #tpu.memory_space<vmem>>
      %dma_start3A_1675 = tpu.memref_squeeze %dma_start3A_1674 : memref<1x1x1x8x128xf32, #tpu.memory_space<vmem>> -> memref<8x128xf32, #tpu.memory_space<vmem>>
      %dma_start3A_1676 = arith.constant 0 : i32
      %dma_start3A_1677 = arith.constant 0 : i32
      %dma_start3A_1678 = tpu.memref_slice %arg4[%add3A_1445, %dma_start3A_1671, %add3A_1667, %dma_start3A_1676, %dma_start3A_1677] : memref<50x4x128x8x128xf32, #tpu.memory_space<hbm>> -> memref<1x1x1x8x128xf32, #tpu.memory_space<hbm>>
      %dma_start3A_1679 = tpu.memref_squeeze %dma_start3A_1678 : memref<1x1x1x8x128xf32, #tpu.memory_space<hbm>> -> memref<8x128xf32, #tpu.memory_space<hbm>>
      %dma_start3A_1680 = arith.constant 0 : i32
      %dma_start3A_1681 = arith.constant 0 : i32
      %dma_start3A_1682 = tpu.memref_slice %arg4[%add3A_1445, %dma_start3A_1671, %add3A_1667, %dma_start3A_1680, %dma_start3A_1681] : memref<50x4x128x8x128xf32, #tpu.memory_space<hbm>> -> memref<1x1x1x8x128xf32, #tpu.memory_space<hbm>>
      %dma_start3A_1683 = tpu.memref_squeeze %dma_start3A_1682 : memref<1x1x1x8x128xf32, #tpu.memory_space<hbm>> -> memref<8x128xf32, #tpu.memory_space<hbm>>
      %dma_start3A_1684 = arith.constant 0 : i32
      %dma_start3A_1685 = arith.constant 0 : i32
      %dma_start3A_1686 = tpu.memref_slice %arg7[%dma_start3A_1668, %dma_start3A_1669, %dma_start3A_1670, %dma_start3A_1684, %dma_start3A_1685] : memref<2x4x5x8x129xf32, #tpu.memory_space<vmem>> -> memref<1x1x1x8x128xf32, #tpu.memory_space<vmem>>
      %dma_start3A_1687 = tpu.memref_squeeze %dma_start3A_1686 : memref<1x1x1x8x128xf32, #tpu.memory_space<vmem>> -> memref<8x128xf32, #tpu.memory_space<vmem>>
      tpu.enqueue_dma source(%dma_start3A_1687 : memref<8x128xf32, #tpu.memory_space<vmem>>) target(%dma_start3A_1683 : memref<8x128xf32, #tpu.memory_space<hbm>>) target_semaphore(%arg11 : memref<!tpu.dma_semaphore, #tpu.memory_space<semaphore_mem>>)
      %mul3A_1688 = arith.constant 4 : i32
      %mul3A_1689 = arith.muli %add3A, %mul3A_1688 : i32
      %add3A_1690 = arith.constant 3 : i32
      %add3A_1691 = arith.addi %mul3A_1689, %add3A_1690 : i32
      %dma_start3A_1692 = arith.constant 1 : i32
      %dma_start3A_1693 = arith.constant 1 : i32
      %dma_start3A_1694 = arith.constant 3 : i32
      %dma_start3A_1695 = arith.constant 1 : i32
      %dma_start3A_1696 = arith.constant 0 : i32
      %dma_start3A_1697 = arith.constant 0 : i32
      %dma_start3A_1698 = tpu.memref_slice %arg7[%dma_start3A_1692, %dma_start3A_1693, %dma_start3A_1694, %dma_start3A_1696, %dma_start3A_1697] : memref<2x4x5x8x129xf32, #tpu.memory_space<vmem>> -> memref<1x1x1x8x128xf32, #tpu.memory_space<vmem>>
      %dma_start3A_1699 = tpu.memref_squeeze %dma_start3A_1698 : memref<1x1x1x8x128xf32, #tpu.memory_space<vmem>> -> memref<8x128xf32, #tpu.memory_space<vmem>>
      %dma_start3A_1700 = arith.constant 0 : i32
      %dma_start3A_1701 = arith.constant 0 : i32
      %dma_start3A_1702 = tpu.memref_slice %arg4[%add3A_1445, %dma_start3A_1695, %add3A_1691, %dma_start3A_1700, %dma_start3A_1701] : memref<50x4x128x8x128xf32, #tpu.memory_space<hbm>> -> memref<1x1x1x8x128xf32, #tpu.memory_space<hbm>>
      %dma_start3A_1703 = tpu.memref_squeeze %dma_start3A_1702 : memref<1x1x1x8x128xf32, #tpu.memory_space<hbm>> -> memref<8x128xf32, #tpu.memory_space<hbm>>
      %dma_start3A_1704 = arith.constant 0 : i32
      %dma_start3A_1705 = arith.constant 0 : i32
      %dma_start3A_1706 = tpu.memref_slice %arg4[%add3A_1445, %dma_start3A_1695, %add3A_1691, %dma_start3A_1704, %dma_start3A_1705] : memref<50x4x128x8x128xf32, #tpu.memory_space<hbm>> -> memref<1x1x1x8x128xf32, #tpu.memory_space<hbm>>
      %dma_start3A_1707 = tpu.memref_squeeze %dma_start3A_1706 : memref<1x1x1x8x128xf32, #tpu.memory_space<hbm>> -> memref<8x128xf32, #tpu.memory_space<hbm>>
      %dma_start3A_1708 = arith.constant 0 : i32
      %dma_start3A_1709 = arith.constant 0 : i32
      %dma_start3A_1710 = tpu.memref_slice %arg7[%dma_start3A_1692, %dma_start3A_1693, %dma_start3A_1694, %dma_start3A_1708, %dma_start3A_1709] : memref<2x4x5x8x129xf32, #tpu.memory_space<vmem>> -> memref<1x1x1x8x128xf32, #tpu.memory_space<vmem>>
      %dma_start3A_1711 = tpu.memref_squeeze %dma_start3A_1710 : memref<1x1x1x8x128xf32, #tpu.memory_space<vmem>> -> memref<8x128xf32, #tpu.memory_space<vmem>>
      tpu.enqueue_dma source(%dma_start3A_1711 : memref<8x128xf32, #tpu.memory_space<vmem>>) target(%dma_start3A_1707 : memref<8x128xf32, #tpu.memory_space<hbm>>) target_semaphore(%arg11 : memref<!tpu.dma_semaphore, #tpu.memory_space<semaphore_mem>>)
      %mul3A_1712 = arith.constant 4 : i32
      %mul3A_1713 = arith.muli %add3A, %mul3A_1712 : i32
      %add3A_1714 = arith.constant 0 : i32
      %add3A_1715 = arith.addi %mul3A_1713, %add3A_1714 : i32
      %dma_start3A_1716 = arith.constant 1 : i32
      %dma_start3A_1717 = arith.constant 2 : i32
      %dma_start3A_1718 = arith.constant 0 : i32
      %dma_start3A_1719 = arith.constant 2 : i32
      %dma_start3A_1720 = arith.constant 0 : i32
      %dma_start3A_1721 = arith.constant 0 : i32
      %dma_start3A_1722 = tpu.memref_slice %arg7[%dma_start3A_1716, %dma_start3A_1717, %dma_start3A_1718, %dma_start3A_1720, %dma_start3A_1721] : memref<2x4x5x8x129xf32, #tpu.memory_space<vmem>> -> memref<1x1x1x8x128xf32, #tpu.memory_space<vmem>>
      %dma_start3A_1723 = tpu.memref_squeeze %dma_start3A_1722 : memref<1x1x1x8x128xf32, #tpu.memory_space<vmem>> -> memref<8x128xf32, #tpu.memory_space<vmem>>
      %dma_start3A_1724 = arith.constant 0 : i32
      %dma_start3A_1725 = arith.constant 0 : i32
      %dma_start3A_1726 = tpu.memref_slice %arg4[%add3A_1445, %dma_start3A_1719, %add3A_1715, %dma_start3A_1724, %dma_start3A_1725] : memref<50x4x128x8x128xf32, #tpu.memory_space<hbm>> -> memref<1x1x1x8x128xf32, #tpu.memory_space<hbm>>
      %dma_start3A_1727 = tpu.memref_squeeze %dma_start3A_1726 : memref<1x1x1x8x128xf32, #tpu.memory_space<hbm>> -> memref<8x128xf32, #tpu.memory_space<hbm>>
      %dma_start3A_1728 = arith.constant 0 : i32
      %dma_start3A_1729 = arith.constant 0 : i32
      %dma_start3A_1730 = tpu.memref_slice %arg4[%add3A_1445, %dma_start3A_1719, %add3A_1715, %dma_start3A_1728, %dma_start3A_1729] : memref<50x4x128x8x128xf32, #tpu.memory_space<hbm>> -> memref<1x1x1x8x128xf32, #tpu.memory_space<hbm>>
      %dma_start3A_1731 = tpu.memref_squeeze %dma_start3A_1730 : memref<1x1x1x8x128xf32, #tpu.memory_space<hbm>> -> memref<8x128xf32, #tpu.memory_space<hbm>>
      %dma_start3A_1732 = arith.constant 0 : i32
      %dma_start3A_1733 = arith.constant 0 : i32
      %dma_start3A_1734 = tpu.memref_slice %arg7[%dma_start3A_1716, %dma_start3A_1717, %dma_start3A_1718, %dma_start3A_1732, %dma_start3A_1733] : memref<2x4x5x8x129xf32, #tpu.memory_space<vmem>> -> memref<1x1x1x8x128xf32, #tpu.memory_space<vmem>>
      %dma_start3A_1735 = tpu.memref_squeeze %dma_start3A_1734 : memref<1x1x1x8x128xf32, #tpu.memory_space<vmem>> -> memref<8x128xf32, #tpu.memory_space<vmem>>
      tpu.enqueue_dma source(%dma_start3A_1735 : memref<8x128xf32, #tpu.memory_space<vmem>>) target(%dma_start3A_1731 : memref<8x128xf32, #tpu.memory_space<hbm>>) target_semaphore(%arg11 : memref<!tpu.dma_semaphore, #tpu.memory_space<semaphore_mem>>)
      %mul3A_1736 = arith.constant 4 : i32
      %mul3A_1737 = arith.muli %add3A, %mul3A_1736 : i32
      %add3A_1738 = arith.constant 1 : i32
      %add3A_1739 = arith.addi %mul3A_1737, %add3A_1738 : i32
      %dma_start3A_1740 = arith.constant 1 : i32
      %dma_start3A_1741 = arith.constant 2 : i32
      %dma_start3A_1742 = arith.constant 1 : i32
      %dma_start3A_1743 = arith.constant 2 : i32
      %dma_start3A_1744 = arith.constant 0 : i32
      %dma_start3A_1745 = arith.constant 0 : i32
      %dma_start3A_1746 = tpu.memref_slice %arg7[%dma_start3A_1740, %dma_start3A_1741, %dma_start3A_1742, %dma_start3A_1744, %dma_start3A_1745] : memref<2x4x5x8x129xf32, #tpu.memory_space<vmem>> -> memref<1x1x1x8x128xf32, #tpu.memory_space<vmem>>
      %dma_start3A_1747 = tpu.memref_squeeze %dma_start3A_1746 : memref<1x1x1x8x128xf32, #tpu.memory_space<vmem>> -> memref<8x128xf32, #tpu.memory_space<vmem>>
      %dma_start3A_1748 = arith.constant 0 : i32
      %dma_start3A_1749 = arith.constant 0 : i32
      %dma_start3A_1750 = tpu.memref_slice %arg4[%add3A_1445, %dma_start3A_1743, %add3A_1739, %dma_start3A_1748, %dma_start3A_1749] : memref<50x4x128x8x128xf32, #tpu.memory_space<hbm>> -> memref<1x1x1x8x128xf32, #tpu.memory_space<hbm>>
      %dma_start3A_1751 = tpu.memref_squeeze %dma_start3A_1750 : memref<1x1x1x8x128xf32, #tpu.memory_space<hbm>> -> memref<8x128xf32, #tpu.memory_space<hbm>>
      %dma_start3A_1752 = arith.constant 0 : i32
      %dma_start3A_1753 = arith.constant 0 : i32
      %dma_start3A_1754 = tpu.memref_slice %arg4[%add3A_1445, %dma_start3A_1743, %add3A_1739, %dma_start3A_1752, %dma_start3A_1753] : memref<50x4x128x8x128xf32, #tpu.memory_space<hbm>> -> memref<1x1x1x8x128xf32, #tpu.memory_space<hbm>>
      %dma_start3A_1755 = tpu.memref_squeeze %dma_start3A_1754 : memref<1x1x1x8x128xf32, #tpu.memory_space<hbm>> -> memref<8x128xf32, #tpu.memory_space<hbm>>
      %dma_start3A_1756 = arith.constant 0 : i32
      %dma_start3A_1757 = arith.constant 0 : i32
      %dma_start3A_1758 = tpu.memref_slice %arg7[%dma_start3A_1740, %dma_start3A_1741, %dma_start3A_1742, %dma_start3A_1756, %dma_start3A_1757] : memref<2x4x5x8x129xf32, #tpu.memory_space<vmem>> -> memref<1x1x1x8x128xf32, #tpu.memory_space<vmem>>
      %dma_start3A_1759 = tpu.memref_squeeze %dma_start3A_1758 : memref<1x1x1x8x128xf32, #tpu.memory_space<vmem>> -> memref<8x128xf32, #tpu.memory_space<vmem>>
      tpu.enqueue_dma source(%dma_start3A_1759 : memref<8x128xf32, #tpu.memory_space<vmem>>) target(%dma_start3A_1755 : memref<8x128xf32, #tpu.memory_space<hbm>>) target_semaphore(%arg11 : memref<!tpu.dma_semaphore, #tpu.memory_space<semaphore_mem>>)
      %mul3A_1760 = arith.constant 4 : i32
      %mul3A_1761 = arith.muli %add3A, %mul3A_1760 : i32
      %add3A_1762 = arith.constant 2 : i32
      %add3A_1763 = arith.addi %mul3A_1761, %add3A_1762 : i32
      %dma_start3A_1764 = arith.constant 1 : i32
      %dma_start3A_1765 = arith.constant 2 : i32
      %dma_start3A_1766 = arith.constant 2 : i32
      %dma_start3A_1767 = arith.constant 2 : i32
      %dma_start3A_1768 = arith.constant 0 : i32
      %dma_start3A_1769 = arith.constant 0 : i32
      %dma_start3A_1770 = tpu.memref_slice %arg7[%dma_start3A_1764, %dma_start3A_1765, %dma_start3A_1766, %dma_start3A_1768, %dma_start3A_1769] : memref<2x4x5x8x129xf32, #tpu.memory_space<vmem>> -> memref<1x1x1x8x128xf32, #tpu.memory_space<vmem>>
      %dma_start3A_1771 = tpu.memref_squeeze %dma_start3A_1770 : memref<1x1x1x8x128xf32, #tpu.memory_space<vmem>> -> memref<8x128xf32, #tpu.memory_space<vmem>>
      %dma_start3A_1772 = arith.constant 0 : i32
      %dma_start3A_1773 = arith.constant 0 : i32
      %dma_start3A_1774 = tpu.memref_slice %arg4[%add3A_1445, %dma_start3A_1767, %add3A_1763, %dma_start3A_1772, %dma_start3A_1773] : memref<50x4x128x8x128xf32, #tpu.memory_space<hbm>> -> memref<1x1x1x8x128xf32, #tpu.memory_space<hbm>>
      %dma_start3A_1775 = tpu.memref_squeeze %dma_start3A_1774 : memref<1x1x1x8x128xf32, #tpu.memory_space<hbm>> -> memref<8x128xf32, #tpu.memory_space<hbm>>
      %dma_start3A_1776 = arith.constant 0 : i32
      %dma_start3A_1777 = arith.constant 0 : i32
      %dma_start3A_1778 = tpu.memref_slice %arg4[%add3A_1445, %dma_start3A_1767, %add3A_1763, %dma_start3A_1776, %dma_start3A_1777] : memref<50x4x128x8x128xf32, #tpu.memory_space<hbm>> -> memref<1x1x1x8x128xf32, #tpu.memory_space<hbm>>
      %dma_start3A_1779 = tpu.memref_squeeze %dma_start3A_1778 : memref<1x1x1x8x128xf32, #tpu.memory_space<hbm>> -> memref<8x128xf32, #tpu.memory_space<hbm>>
      %dma_start3A_1780 = arith.constant 0 : i32
      %dma_start3A_1781 = arith.constant 0 : i32
      %dma_start3A_1782 = tpu.memref_slice %arg7[%dma_start3A_1764, %dma_start3A_1765, %dma_start3A_1766, %dma_start3A_1780, %dma_start3A_1781] : memref<2x4x5x8x129xf32, #tpu.memory_space<vmem>> -> memref<1x1x1x8x128xf32, #tpu.memory_space<vmem>>
      %dma_start3A_1783 = tpu.memref_squeeze %dma_start3A_1782 : memref<1x1x1x8x128xf32, #tpu.memory_space<vmem>> -> memref<8x128xf32, #tpu.memory_space<vmem>>
      tpu.enqueue_dma source(%dma_start3A_1783 : memref<8x128xf32, #tpu.memory_space<vmem>>) target(%dma_start3A_1779 : memref<8x128xf32, #tpu.memory_space<hbm>>) target_semaphore(%arg11 : memref<!tpu.dma_semaphore, #tpu.memory_space<semaphore_mem>>)
      %mul3A_1784 = arith.constant 4 : i32
      %mul3A_1785 = arith.muli %add3A, %mul3A_1784 : i32
      %add3A_1786 = arith.constant 3 : i32
      %add3A_1787 = arith.addi %mul3A_1785, %add3A_1786 : i32
      %dma_start3A_1788 = arith.constant 1 : i32
      %dma_start3A_1789 = arith.constant 2 : i32
      %dma_start3A_1790 = arith.constant 3 : i32
      %dma_start3A_1791 = arith.constant 2 : i32
      %dma_start3A_1792 = arith.constant 0 : i32
      %dma_start3A_1793 = arith.constant 0 : i32
      %dma_start3A_1794 = tpu.memref_slice %arg7[%dma_start3A_1788, %dma_start3A_1789, %dma_start3A_1790, %dma_start3A_1792, %dma_start3A_1793] : memref<2x4x5x8x129xf32, #tpu.memory_space<vmem>> -> memref<1x1x1x8x128xf32, #tpu.memory_space<vmem>>
      %dma_start3A_1795 = tpu.memref_squeeze %dma_start3A_1794 : memref<1x1x1x8x128xf32, #tpu.memory_space<vmem>> -> memref<8x128xf32, #tpu.memory_space<vmem>>
      %dma_start3A_1796 = arith.constant 0 : i32
      %dma_start3A_1797 = arith.constant 0 : i32
      %dma_start3A_1798 = tpu.memref_slice %arg4[%add3A_1445, %dma_start3A_1791, %add3A_1787, %dma_start3A_1796, %dma_start3A_1797] : memref<50x4x128x8x128xf32, #tpu.memory_space<hbm>> -> memref<1x1x1x8x128xf32, #tpu.memory_space<hbm>>
      %dma_start3A_1799 = tpu.memref_squeeze %dma_start3A_1798 : memref<1x1x1x8x128xf32, #tpu.memory_space<hbm>> -> memref<8x128xf32, #tpu.memory_space<hbm>>
      %dma_start3A_1800 = arith.constant 0 : i32
      %dma_start3A_1801 = arith.constant 0 : i32
      %dma_start3A_1802 = tpu.memref_slice %arg4[%add3A_1445, %dma_start3A_1791, %add3A_1787, %dma_start3A_1800, %dma_start3A_1801] : memref<50x4x128x8x128xf32, #tpu.memory_space<hbm>> -> memref<1x1x1x8x128xf32, #tpu.memory_space<hbm>>
      %dma_start3A_1803 = tpu.memref_squeeze %dma_start3A_1802 : memref<1x1x1x8x128xf32, #tpu.memory_space<hbm>> -> memref<8x128xf32, #tpu.memory_space<hbm>>
      %dma_start3A_1804 = arith.constant 0 : i32
      %dma_start3A_1805 = arith.constant 0 : i32
      %dma_start3A_1806 = tpu.memref_slice %arg7[%dma_start3A_1788, %dma_start3A_1789, %dma_start3A_1790, %dma_start3A_1804, %dma_start3A_1805] : memref<2x4x5x8x129xf32, #tpu.memory_space<vmem>> -> memref<1x1x1x8x128xf32, #tpu.memory_space<vmem>>
      %dma_start3A_1807 = tpu.memref_squeeze %dma_start3A_1806 : memref<1x1x1x8x128xf32, #tpu.memory_space<vmem>> -> memref<8x128xf32, #tpu.memory_space<vmem>>
      tpu.enqueue_dma source(%dma_start3A_1807 : memref<8x128xf32, #tpu.memory_space<vmem>>) target(%dma_start3A_1803 : memref<8x128xf32, #tpu.memory_space<hbm>>) target_semaphore(%arg11 : memref<!tpu.dma_semaphore, #tpu.memory_space<semaphore_mem>>)
      %mul3A_1808 = arith.constant 4 : i32
      %mul3A_1809 = arith.muli %add3A, %mul3A_1808 : i32
      %add3A_1810 = arith.constant 0 : i32
      %add3A_1811 = arith.addi %mul3A_1809, %add3A_1810 : i32
      %dma_start3A_1812 = arith.constant 1 : i32
      %dma_start3A_1813 = arith.constant 3 : i32
      %dma_start3A_1814 = arith.constant 0 : i32
      %dma_start3A_1815 = arith.constant 3 : i32
      %dma_start3A_1816 = arith.constant 0 : i32
      %dma_start3A_1817 = arith.constant 0 : i32
      %dma_start3A_1818 = tpu.memref_slice %arg7[%dma_start3A_1812, %dma_start3A_1813, %dma_start3A_1814, %dma_start3A_1816, %dma_start3A_1817] : memref<2x4x5x8x129xf32, #tpu.memory_space<vmem>> -> memref<1x1x1x8x128xf32, #tpu.memory_space<vmem>>
      %dma_start3A_1819 = tpu.memref_squeeze %dma_start3A_1818 : memref<1x1x1x8x128xf32, #tpu.memory_space<vmem>> -> memref<8x128xf32, #tpu.memory_space<vmem>>
      %dma_start3A_1820 = arith.constant 0 : i32
      %dma_start3A_1821 = arith.constant 0 : i32
      %dma_start3A_1822 = tpu.memref_slice %arg4[%add3A_1445, %dma_start3A_1815, %add3A_1811, %dma_start3A_1820, %dma_start3A_1821] : memref<50x4x128x8x128xf32, #tpu.memory_space<hbm>> -> memref<1x1x1x8x128xf32, #tpu.memory_space<hbm>>
      %dma_start3A_1823 = tpu.memref_squeeze %dma_start3A_1822 : memref<1x1x1x8x128xf32, #tpu.memory_space<hbm>> -> memref<8x128xf32, #tpu.memory_space<hbm>>
      %dma_start3A_1824 = arith.constant 0 : i32
      %dma_start3A_1825 = arith.constant 0 : i32
      %dma_start3A_1826 = tpu.memref_slice %arg4[%add3A_1445, %dma_start3A_1815, %add3A_1811, %dma_start3A_1824, %dma_start3A_1825] : memref<50x4x128x8x128xf32, #tpu.memory_space<hbm>> -> memref<1x1x1x8x128xf32, #tpu.memory_space<hbm>>
      %dma_start3A_1827 = tpu.memref_squeeze %dma_start3A_1826 : memref<1x1x1x8x128xf32, #tpu.memory_space<hbm>> -> memref<8x128xf32, #tpu.memory_space<hbm>>
      %dma_start3A_1828 = arith.constant 0 : i32
      %dma_start3A_1829 = arith.constant 0 : i32
      %dma_start3A_1830 = tpu.memref_slice %arg7[%dma_start3A_1812, %dma_start3A_1813, %dma_start3A_1814, %dma_start3A_1828, %dma_start3A_1829] : memref<2x4x5x8x129xf32, #tpu.memory_space<vmem>> -> memref<1x1x1x8x128xf32, #tpu.memory_space<vmem>>
      %dma_start3A_1831 = tpu.memref_squeeze %dma_start3A_1830 : memref<1x1x1x8x128xf32, #tpu.memory_space<vmem>> -> memref<8x128xf32, #tpu.memory_space<vmem>>
      tpu.enqueue_dma source(%dma_start3A_1831 : memref<8x128xf32, #tpu.memory_space<vmem>>) target(%dma_start3A_1827 : memref<8x128xf32, #tpu.memory_space<hbm>>) target_semaphore(%arg11 : memref<!tpu.dma_semaphore, #tpu.memory_space<semaphore_mem>>)
      %mul3A_1832 = arith.constant 4 : i32
      %mul3A_1833 = arith.muli %add3A, %mul3A_1832 : i32
      %add3A_1834 = arith.constant 1 : i32
      %add3A_1835 = arith.addi %mul3A_1833, %add3A_1834 : i32
      %dma_start3A_1836 = arith.constant 1 : i32
      %dma_start3A_1837 = arith.constant 3 : i32
      %dma_start3A_1838 = arith.constant 1 : i32
      %dma_start3A_1839 = arith.constant 3 : i32
      %dma_start3A_1840 = arith.constant 0 : i32
      %dma_start3A_1841 = arith.constant 0 : i32
      %dma_start3A_1842 = tpu.memref_slice %arg7[%dma_start3A_1836, %dma_start3A_1837, %dma_start3A_1838, %dma_start3A_1840, %dma_start3A_1841] : memref<2x4x5x8x129xf32, #tpu.memory_space<vmem>> -> memref<1x1x1x8x128xf32, #tpu.memory_space<vmem>>
      %dma_start3A_1843 = tpu.memref_squeeze %dma_start3A_1842 : memref<1x1x1x8x128xf32, #tpu.memory_space<vmem>> -> memref<8x128xf32, #tpu.memory_space<vmem>>
      %dma_start3A_1844 = arith.constant 0 : i32
      %dma_start3A_1845 = arith.constant 0 : i32
      %dma_start3A_1846 = tpu.memref_slice %arg4[%add3A_1445, %dma_start3A_1839, %add3A_1835, %dma_start3A_1844, %dma_start3A_1845] : memref<50x4x128x8x128xf32, #tpu.memory_space<hbm>> -> memref<1x1x1x8x128xf32, #tpu.memory_space<hbm>>
      %dma_start3A_1847 = tpu.memref_squeeze %dma_start3A_1846 : memref<1x1x1x8x128xf32, #tpu.memory_space<hbm>> -> memref<8x128xf32, #tpu.memory_space<hbm>>
      %dma_start3A_1848 = arith.constant 0 : i32
      %dma_start3A_1849 = arith.constant 0 : i32
      %dma_start3A_1850 = tpu.memref_slice %arg4[%add3A_1445, %dma_start3A_1839, %add3A_1835, %dma_start3A_1848, %dma_start3A_1849] : memref<50x4x128x8x128xf32, #tpu.memory_space<hbm>> -> memref<1x1x1x8x128xf32, #tpu.memory_space<hbm>>
      %dma_start3A_1851 = tpu.memref_squeeze %dma_start3A_1850 : memref<1x1x1x8x128xf32, #tpu.memory_space<hbm>> -> memref<8x128xf32, #tpu.memory_space<hbm>>
      %dma_start3A_1852 = arith.constant 0 : i32
      %dma_start3A_1853 = arith.constant 0 : i32
      %dma_start3A_1854 = tpu.memref_slice %arg7[%dma_start3A_1836, %dma_start3A_1837, %dma_start3A_1838, %dma_start3A_1852, %dma_start3A_1853] : memref<2x4x5x8x129xf32, #tpu.memory_space<vmem>> -> memref<1x1x1x8x128xf32, #tpu.memory_space<vmem>>
      %dma_start3A_1855 = tpu.memref_squeeze %dma_start3A_1854 : memref<1x1x1x8x128xf32, #tpu.memory_space<vmem>> -> memref<8x128xf32, #tpu.memory_space<vmem>>
      tpu.enqueue_dma source(%dma_start3A_1855 : memref<8x128xf32, #tpu.memory_space<vmem>>) target(%dma_start3A_1851 : memref<8x128xf32, #tpu.memory_space<hbm>>) target_semaphore(%arg11 : memref<!tpu.dma_semaphore, #tpu.memory_space<semaphore_mem>>)
      %mul3A_1856 = arith.constant 4 : i32
      %mul3A_1857 = arith.muli %add3A, %mul3A_1856 : i32
      %add3A_1858 = arith.constant 2 : i32
      %add3A_1859 = arith.addi %mul3A_1857, %add3A_1858 : i32
      %dma_start3A_1860 = arith.constant 1 : i32
      %dma_start3A_1861 = arith.constant 3 : i32
      %dma_start3A_1862 = arith.constant 2 : i32
      %dma_start3A_1863 = arith.constant 3 : i32
      %dma_start3A_1864 = arith.constant 0 : i32
      %dma_start3A_1865 = arith.constant 0 : i32
      %dma_start3A_1866 = tpu.memref_slice %arg7[%dma_start3A_1860, %dma_start3A_1861, %dma_start3A_1862, %dma_start3A_1864, %dma_start3A_1865] : memref<2x4x5x8x129xf32, #tpu.memory_space<vmem>> -> memref<1x1x1x8x128xf32, #tpu.memory_space<vmem>>
      %dma_start3A_1867 = tpu.memref_squeeze %dma_start3A_1866 : memref<1x1x1x8x128xf32, #tpu.memory_space<vmem>> -> memref<8x128xf32, #tpu.memory_space<vmem>>
      %dma_start3A_1868 = arith.constant 0 : i32
      %dma_start3A_1869 = arith.constant 0 : i32
      %dma_start3A_1870 = tpu.memref_slice %arg4[%add3A_1445, %dma_start3A_1863, %add3A_1859, %dma_start3A_1868, %dma_start3A_1869] : memref<50x4x128x8x128xf32, #tpu.memory_space<hbm>> -> memref<1x1x1x8x128xf32, #tpu.memory_space<hbm>>
      %dma_start3A_1871 = tpu.memref_squeeze %dma_start3A_1870 : memref<1x1x1x8x128xf32, #tpu.memory_space<hbm>> -> memref<8x128xf32, #tpu.memory_space<hbm>>
      %dma_start3A_1872 = arith.constant 0 : i32
      %dma_start3A_1873 = arith.constant 0 : i32
      %dma_start3A_1874 = tpu.memref_slice %arg4[%add3A_1445, %dma_start3A_1863, %add3A_1859, %dma_start3A_1872, %dma_start3A_1873] : memref<50x4x128x8x128xf32, #tpu.memory_space<hbm>> -> memref<1x1x1x8x128xf32, #tpu.memory_space<hbm>>
      %dma_start3A_1875 = tpu.memref_squeeze %dma_start3A_1874 : memref<1x1x1x8x128xf32, #tpu.memory_space<hbm>> -> memref<8x128xf32, #tpu.memory_space<hbm>>
      %dma_start3A_1876 = arith.constant 0 : i32
      %dma_start3A_1877 = arith.constant 0 : i32
      %dma_start3A_1878 = tpu.memref_slice %arg7[%dma_start3A_1860, %dma_start3A_1861, %dma_start3A_1862, %dma_start3A_1876, %dma_start3A_1877] : memref<2x4x5x8x129xf32, #tpu.memory_space<vmem>> -> memref<1x1x1x8x128xf32, #tpu.memory_space<vmem>>
      %dma_start3A_1879 = tpu.memref_squeeze %dma_start3A_1878 : memref<1x1x1x8x128xf32, #tpu.memory_space<vmem>> -> memref<8x128xf32, #tpu.memory_space<vmem>>
      tpu.enqueue_dma source(%dma_start3A_1879 : memref<8x128xf32, #tpu.memory_space<vmem>>) target(%dma_start3A_1875 : memref<8x128xf32, #tpu.memory_space<hbm>>) target_semaphore(%arg11 : memref<!tpu.dma_semaphore, #tpu.memory_space<semaphore_mem>>)
      %mul3A_1880 = arith.constant 4 : i32
      %mul3A_1881 = arith.muli %add3A, %mul3A_1880 : i32
      %add3A_1882 = arith.constant 3 : i32
      %add3A_1883 = arith.addi %mul3A_1881, %add3A_1882 : i32
      %dma_start3A_1884 = arith.constant 1 : i32
      %dma_start3A_1885 = arith.constant 3 : i32
      %dma_start3A_1886 = arith.constant 3 : i32
      %dma_start3A_1887 = arith.constant 3 : i32
      %dma_start3A_1888 = arith.constant 0 : i32
      %dma_start3A_1889 = arith.constant 0 : i32
      %dma_start3A_1890 = tpu.memref_slice %arg7[%dma_start3A_1884, %dma_start3A_1885, %dma_start3A_1886, %dma_start3A_1888, %dma_start3A_1889] : memref<2x4x5x8x129xf32, #tpu.memory_space<vmem>> -> memref<1x1x1x8x128xf32, #tpu.memory_space<vmem>>
      %dma_start3A_1891 = tpu.memref_squeeze %dma_start3A_1890 : memref<1x1x1x8x128xf32, #tpu.memory_space<vmem>> -> memref<8x128xf32, #tpu.memory_space<vmem>>
      %dma_start3A_1892 = arith.constant 0 : i32
      %dma_start3A_1893 = arith.constant 0 : i32
      %dma_start3A_1894 = tpu.memref_slice %arg4[%add3A_1445, %dma_start3A_1887, %add3A_1883, %dma_start3A_1892, %dma_start3A_1893] : memref<50x4x128x8x128xf32, #tpu.memory_space<hbm>> -> memref<1x1x1x8x128xf32, #tpu.memory_space<hbm>>
      %dma_start3A_1895 = tpu.memref_squeeze %dma_start3A_1894 : memref<1x1x1x8x128xf32, #tpu.memory_space<hbm>> -> memref<8x128xf32, #tpu.memory_space<hbm>>
      %dma_start3A_1896 = arith.constant 0 : i32
      %dma_start3A_1897 = arith.constant 0 : i32
      %dma_start3A_1898 = tpu.memref_slice %arg4[%add3A_1445, %dma_start3A_1887, %add3A_1883, %dma_start3A_1896, %dma_start3A_1897] : memref<50x4x128x8x128xf32, #tpu.memory_space<hbm>> -> memref<1x1x1x8x128xf32, #tpu.memory_space<hbm>>
      %dma_start3A_1899 = tpu.memref_squeeze %dma_start3A_1898 : memref<1x1x1x8x128xf32, #tpu.memory_space<hbm>> -> memref<8x128xf32, #tpu.memory_space<hbm>>
      %dma_start3A_1900 = arith.constant 0 : i32
      %dma_start3A_1901 = arith.constant 0 : i32
      %dma_start3A_1902 = tpu.memref_slice %arg7[%dma_start3A_1884, %dma_start3A_1885, %dma_start3A_1886, %dma_start3A_1900, %dma_start3A_1901] : memref<2x4x5x8x129xf32, #tpu.memory_space<vmem>> -> memref<1x1x1x8x128xf32, #tpu.memory_space<vmem>>
      %dma_start3A_1903 = tpu.memref_squeeze %dma_start3A_1902 : memref<1x1x1x8x128xf32, #tpu.memory_space<vmem>> -> memref<8x128xf32, #tpu.memory_space<vmem>>
      tpu.enqueue_dma source(%dma_start3A_1903 : memref<8x128xf32, #tpu.memory_space<vmem>>) target(%dma_start3A_1899 : memref<8x128xf32, #tpu.memory_space<hbm>>) target_semaphore(%arg11 : memref<!tpu.dma_semaphore, #tpu.memory_space<semaphore_mem>>)
    }
    %scan3A_116 = arith.constant 25 : i32
    %mul3A_117 = arith.constant 4 : i32
    %mul3A_118 = arith.muli %add3A, %mul3A_117 : i32
    %add3A_119 = arith.constant 0 : i32
    %add3A_120 = arith.addi %mul3A_118, %add3A_119 : i32
    %dma_wait3A_121 = arith.constant 0 : i32
    %dma_wait3A_122 = arith.constant 0 : i32
    %dma_wait3A_123 = arith.constant 0 : i32
    %dma_wait3A_124 = arith.constant 48 : i32
    %dma_wait3A_125 = arith.constant 0 : i32
    %dma_wait3A_126 = arith.constant 0 : i32
    %dma_wait3A_127 = arith.constant 0 : i32
    %dma_wait3A_128 = tpu.memref_slice %arg7[%dma_wait3A_121, %dma_wait3A_122, %dma_wait3A_123, %dma_wait3A_126, %dma_wait3A_127] : memref<2x4x5x8x129xf32, #tpu.memory_space<vmem>> -> memref<1x1x1x8x128xf32, #tpu.memory_space<vmem>>
    %dma_wait3A_129 = tpu.memref_squeeze %dma_wait3A_128 : memref<1x1x1x8x128xf32, #tpu.memory_space<vmem>> -> memref<8x128xf32, #tpu.memory_space<vmem>>
    %dma_wait3A_130 = arith.constant 0 : i32
    %dma_wait3A_131 = arith.constant 0 : i32
    %dma_wait3A_132 = tpu.memref_slice %arg4[%dma_wait3A_124, %dma_wait3A_125, %add3A_120, %dma_wait3A_130, %dma_wait3A_131] : memref<50x4x128x8x128xf32, #tpu.memory_space<hbm>> -> memref<1x1x1x8x128xf32, #tpu.memory_space<hbm>>
    %dma_wait3A_133 = tpu.memref_squeeze %dma_wait3A_132 : memref<1x1x1x8x128xf32, #tpu.memory_space<hbm>> -> memref<8x128xf32, #tpu.memory_space<hbm>>
    %dma_wait3A_134 = arith.constant 0 : i32
    %dma_wait3A_135 = arith.constant 0 : i32
    %dma_wait3A_136 = tpu.memref_slice %arg4[%dma_wait3A_124, %dma_wait3A_125, %add3A_120, %dma_wait3A_134, %dma_wait3A_135] : memref<50x4x128x8x128xf32, #tpu.memory_space<hbm>> -> memref<1x1x1x8x128xf32, #tpu.memory_space<hbm>>
    %dma_wait3A_137 = tpu.memref_squeeze %dma_wait3A_136 : memref<1x1x1x8x128xf32, #tpu.memory_space<hbm>> -> memref<8x128xf32, #tpu.memory_space<hbm>>
    %dma_wait3A_138 = arith.constant 0 : i32
    %dma_wait3A_139 = arith.constant 0 : i32
    %dma_wait3A_140 = tpu.memref_slice %arg7[%dma_wait3A_121, %dma_wait3A_122, %dma_wait3A_123, %dma_wait3A_138, %dma_wait3A_139] : memref<2x4x5x8x129xf32, #tpu.memory_space<vmem>> -> memref<1x1x1x8x128xf32, #tpu.memory_space<vmem>>
    %dma_wait3A_141 = tpu.memref_squeeze %dma_wait3A_140 : memref<1x1x1x8x128xf32, #tpu.memory_space<vmem>> -> memref<8x128xf32, #tpu.memory_space<vmem>>
    tpu.wait_dma2 semaphore(%arg10 : memref<!tpu.dma_semaphore, #tpu.memory_space<semaphore_mem>>) src(%dma_wait3A_141 : memref<8x128xf32, #tpu.memory_space<vmem>>) dst(%dma_wait3A_137 : memref<8x128xf32, #tpu.memory_space<hbm>>)
    %mul3A_142 = arith.constant 4 : i32
    %mul3A_143 = arith.muli %add3A, %mul3A_142 : i32
    %add3A_144 = arith.constant 1 : i32
    %add3A_145 = arith.addi %mul3A_143, %add3A_144 : i32
    %dma_wait3A_146 = arith.constant 0 : i32
    %dma_wait3A_147 = arith.constant 0 : i32
    %dma_wait3A_148 = arith.constant 1 : i32
    %dma_wait3A_149 = arith.constant 48 : i32
    %dma_wait3A_150 = arith.constant 0 : i32
    %dma_wait3A_151 = arith.constant 0 : i32
    %dma_wait3A_152 = arith.constant 0 : i32
    %dma_wait3A_153 = tpu.memref_slice %arg7[%dma_wait3A_146, %dma_wait3A_147, %dma_wait3A_148, %dma_wait3A_151, %dma_wait3A_152] : memref<2x4x5x8x129xf32, #tpu.memory_space<vmem>> -> memref<1x1x1x8x128xf32, #tpu.memory_space<vmem>>
    %dma_wait3A_154 = tpu.memref_squeeze %dma_wait3A_153 : memref<1x1x1x8x128xf32, #tpu.memory_space<vmem>> -> memref<8x128xf32, #tpu.memory_space<vmem>>
    %dma_wait3A_155 = arith.constant 0 : i32
    %dma_wait3A_156 = arith.constant 0 : i32
    %dma_wait3A_157 = tpu.memref_slice %arg4[%dma_wait3A_149, %dma_wait3A_150, %add3A_145, %dma_wait3A_155, %dma_wait3A_156] : memref<50x4x128x8x128xf32, #tpu.memory_space<hbm>> -> memref<1x1x1x8x128xf32, #tpu.memory_space<hbm>>
    %dma_wait3A_158 = tpu.memref_squeeze %dma_wait3A_157 : memref<1x1x1x8x128xf32, #tpu.memory_space<hbm>> -> memref<8x128xf32, #tpu.memory_space<hbm>>
    %dma_wait3A_159 = arith.constant 0 : i32
    %dma_wait3A_160 = arith.constant 0 : i32
    %dma_wait3A_161 = tpu.memref_slice %arg4[%dma_wait3A_149, %dma_wait3A_150, %add3A_145, %dma_wait3A_159, %dma_wait3A_160] : memref<50x4x128x8x128xf32, #tpu.memory_space<hbm>> -> memref<1x1x1x8x128xf32, #tpu.memory_space<hbm>>
    %dma_wait3A_162 = tpu.memref_squeeze %dma_wait3A_161 : memref<1x1x1x8x128xf32, #tpu.memory_space<hbm>> -> memref<8x128xf32, #tpu.memory_space<hbm>>
    %dma_wait3A_163 = arith.constant 0 : i32
    %dma_wait3A_164 = arith.constant 0 : i32
    %dma_wait3A_165 = tpu.memref_slice %arg7[%dma_wait3A_146, %dma_wait3A_147, %dma_wait3A_148, %dma_wait3A_163, %dma_wait3A_164] : memref<2x4x5x8x129xf32, #tpu.memory_space<vmem>> -> memref<1x1x1x8x128xf32, #tpu.memory_space<vmem>>
    %dma_wait3A_166 = tpu.memref_squeeze %dma_wait3A_165 : memref<1x1x1x8x128xf32, #tpu.memory_space<vmem>> -> memref<8x128xf32, #tpu.memory_space<vmem>>
    tpu.wait_dma2 semaphore(%arg10 : memref<!tpu.dma_semaphore, #tpu.memory_space<semaphore_mem>>) src(%dma_wait3A_166 : memref<8x128xf32, #tpu.memory_space<vmem>>) dst(%dma_wait3A_162 : memref<8x128xf32, #tpu.memory_space<hbm>>)
    %mul3A_167 = arith.constant 4 : i32
    %mul3A_168 = arith.muli %add3A, %mul3A_167 : i32
    %add3A_169 = arith.constant 2 : i32
    %add3A_170 = arith.addi %mul3A_168, %add3A_169 : i32
    %dma_wait3A_171 = arith.constant 0 : i32
    %dma_wait3A_172 = arith.constant 0 : i32
    %dma_wait3A_173 = arith.constant 2 : i32
    %dma_wait3A_174 = arith.constant 48 : i32
    %dma_wait3A_175 = arith.constant 0 : i32
    %dma_wait3A_176 = arith.constant 0 : i32
    %dma_wait3A_177 = arith.constant 0 : i32
    %dma_wait3A_178 = tpu.memref_slice %arg7[%dma_wait3A_171, %dma_wait3A_172, %dma_wait3A_173, %dma_wait3A_176, %dma_wait3A_177] : memref<2x4x5x8x129xf32, #tpu.memory_space<vmem>> -> memref<1x1x1x8x128xf32, #tpu.memory_space<vmem>>
    %dma_wait3A_179 = tpu.memref_squeeze %dma_wait3A_178 : memref<1x1x1x8x128xf32, #tpu.memory_space<vmem>> -> memref<8x128xf32, #tpu.memory_space<vmem>>
    %dma_wait3A_180 = arith.constant 0 : i32
    %dma_wait3A_181 = arith.constant 0 : i32
    %dma_wait3A_182 = tpu.memref_slice %arg4[%dma_wait3A_174, %dma_wait3A_175, %add3A_170, %dma_wait3A_180, %dma_wait3A_181] : memref<50x4x128x8x128xf32, #tpu.memory_space<hbm>> -> memref<1x1x1x8x128xf32, #tpu.memory_space<hbm>>
    %dma_wait3A_183 = tpu.memref_squeeze %dma_wait3A_182 : memref<1x1x1x8x128xf32, #tpu.memory_space<hbm>> -> memref<8x128xf32, #tpu.memory_space<hbm>>
    %dma_wait3A_184 = arith.constant 0 : i32
    %dma_wait3A_185 = arith.constant 0 : i32
    %dma_wait3A_186 = tpu.memref_slice %arg4[%dma_wait3A_174, %dma_wait3A_175, %add3A_170, %dma_wait3A_184, %dma_wait3A_185] : memref<50x4x128x8x128xf32, #tpu.memory_space<hbm>> -> memref<1x1x1x8x128xf32, #tpu.memory_space<hbm>>
    %dma_wait3A_187 = tpu.memref_squeeze %dma_wait3A_186 : memref<1x1x1x8x128xf32, #tpu.memory_space<hbm>> -> memref<8x128xf32, #tpu.memory_space<hbm>>
    %dma_wait3A_188 = arith.constant 0 : i32
    %dma_wait3A_189 = arith.constant 0 : i32
    %dma_wait3A_190 = tpu.memref_slice %arg7[%dma_wait3A_171, %dma_wait3A_172, %dma_wait3A_173, %dma_wait3A_188, %dma_wait3A_189] : memref<2x4x5x8x129xf32, #tpu.memory_space<vmem>> -> memref<1x1x1x8x128xf32, #tpu.memory_space<vmem>>
    %dma_wait3A_191 = tpu.memref_squeeze %dma_wait3A_190 : memref<1x1x1x8x128xf32, #tpu.memory_space<vmem>> -> memref<8x128xf32, #tpu.memory_space<vmem>>
    tpu.wait_dma2 semaphore(%arg10 : memref<!tpu.dma_semaphore, #tpu.memory_space<semaphore_mem>>) src(%dma_wait3A_191 : memref<8x128xf32, #tpu.memory_space<vmem>>) dst(%dma_wait3A_187 : memref<8x128xf32, #tpu.memory_space<hbm>>)
    %mul3A_192 = arith.constant 4 : i32
    %mul3A_193 = arith.muli %add3A, %mul3A_192 : i32
    %add3A_194 = arith.constant 3 : i32
    %add3A_195 = arith.addi %mul3A_193, %add3A_194 : i32
    %dma_wait3A_196 = arith.constant 0 : i32
    %dma_wait3A_197 = arith.constant 0 : i32
    %dma_wait3A_198 = arith.constant 3 : i32
    %dma_wait3A_199 = arith.constant 48 : i32
    %dma_wait3A_200 = arith.constant 0 : i32
    %dma_wait3A_201 = arith.constant 0 : i32
    %dma_wait3A_202 = arith.constant 0 : i32
    %dma_wait3A_203 = tpu.memref_slice %arg7[%dma_wait3A_196, %dma_wait3A_197, %dma_wait3A_198, %dma_wait3A_201, %dma_wait3A_202] : memref<2x4x5x8x129xf32, #tpu.memory_space<vmem>> -> memref<1x1x1x8x128xf32, #tpu.memory_space<vmem>>
    %dma_wait3A_204 = tpu.memref_squeeze %dma_wait3A_203 : memref<1x1x1x8x128xf32, #tpu.memory_space<vmem>> -> memref<8x128xf32, #tpu.memory_space<vmem>>
    %dma_wait3A_205 = arith.constant 0 : i32
    %dma_wait3A_206 = arith.constant 0 : i32
    %dma_wait3A_207 = tpu.memref_slice %arg4[%dma_wait3A_199, %dma_wait3A_200, %add3A_195, %dma_wait3A_205, %dma_wait3A_206] : memref<50x4x128x8x128xf32, #tpu.memory_space<hbm>> -> memref<1x1x1x8x128xf32, #tpu.memory_space<hbm>>
    %dma_wait3A_208 = tpu.memref_squeeze %dma_wait3A_207 : memref<1x1x1x8x128xf32, #tpu.memory_space<hbm>> -> memref<8x128xf32, #tpu.memory_space<hbm>>
    %dma_wait3A_209 = arith.constant 0 : i32
    %dma_wait3A_210 = arith.constant 0 : i32
    %dma_wait3A_211 = tpu.memref_slice %arg4[%dma_wait3A_199, %dma_wait3A_200, %add3A_195, %dma_wait3A_209, %dma_wait3A_210] : memref<50x4x128x8x128xf32, #tpu.memory_space<hbm>> -> memref<1x1x1x8x128xf32, #tpu.memory_space<hbm>>
    %dma_wait3A_212 = tpu.memref_squeeze %dma_wait3A_211 : memref<1x1x1x8x128xf32, #tpu.memory_space<hbm>> -> memref<8x128xf32, #tpu.memory_space<hbm>>
    %dma_wait3A_213 = arith.constant 0 : i32
    %dma_wait3A_214 = arith.constant 0 : i32
    %dma_wait3A_215 = tpu.memref_slice %arg7[%dma_wait3A_196, %dma_wait3A_197, %dma_wait3A_198, %dma_wait3A_213, %dma_wait3A_214] : memref<2x4x5x8x129xf32, #tpu.memory_space<vmem>> -> memref<1x1x1x8x128xf32, #tpu.memory_space<vmem>>
    %dma_wait3A_216 = tpu.memref_squeeze %dma_wait3A_215 : memref<1x1x1x8x128xf32, #tpu.memory_space<vmem>> -> memref<8x128xf32, #tpu.memory_space<vmem>>
    tpu.wait_dma2 semaphore(%arg10 : memref<!tpu.dma_semaphore, #tpu.memory_space<semaphore_mem>>) src(%dma_wait3A_216 : memref<8x128xf32, #tpu.memory_space<vmem>>) dst(%dma_wait3A_212 : memref<8x128xf32, #tpu.memory_space<hbm>>)
    %mul3A_217 = arith.constant 4 : i32
    %mul3A_218 = arith.muli %add3A, %mul3A_217 : i32
    %add3A_219 = arith.constant 0 : i32
    %add3A_220 = arith.addi %mul3A_218, %add3A_219 : i32
    %dma_wait3A_221 = arith.constant 0 : i32
    %dma_wait3A_222 = arith.constant 1 : i32
    %dma_wait3A_223 = arith.constant 0 : i32
    %dma_wait3A_224 = arith.constant 48 : i32
    %dma_wait3A_225 = arith.constant 1 : i32
    %dma_wait3A_226 = arith.constant 0 : i32
    %dma_wait3A_227 = arith.constant 0 : i32
    %dma_wait3A_228 = tpu.memref_slice %arg7[%dma_wait3A_221, %dma_wait3A_222, %dma_wait3A_223, %dma_wait3A_226, %dma_wait3A_227] : memref<2x4x5x8x129xf32, #tpu.memory_space<vmem>> -> memref<1x1x1x8x128xf32, #tpu.memory_space<vmem>>
    %dma_wait3A_229 = tpu.memref_squeeze %dma_wait3A_228 : memref<1x1x1x8x128xf32, #tpu.memory_space<vmem>> -> memref<8x128xf32, #tpu.memory_space<vmem>>
    %dma_wait3A_230 = arith.constant 0 : i32
    %dma_wait3A_231 = arith.constant 0 : i32
    %dma_wait3A_232 = tpu.memref_slice %arg4[%dma_wait3A_224, %dma_wait3A_225, %add3A_220, %dma_wait3A_230, %dma_wait3A_231] : memref<50x4x128x8x128xf32, #tpu.memory_space<hbm>> -> memref<1x1x1x8x128xf32, #tpu.memory_space<hbm>>
    %dma_wait3A_233 = tpu.memref_squeeze %dma_wait3A_232 : memref<1x1x1x8x128xf32, #tpu.memory_space<hbm>> -> memref<8x128xf32, #tpu.memory_space<hbm>>
    %dma_wait3A_234 = arith.constant 0 : i32
    %dma_wait3A_235 = arith.constant 0 : i32
    %dma_wait3A_236 = tpu.memref_slice %arg4[%dma_wait3A_224, %dma_wait3A_225, %add3A_220, %dma_wait3A_234, %dma_wait3A_235] : memref<50x4x128x8x128xf32, #tpu.memory_space<hbm>> -> memref<1x1x1x8x128xf32, #tpu.memory_space<hbm>>
    %dma_wait3A_237 = tpu.memref_squeeze %dma_wait3A_236 : memref<1x1x1x8x128xf32, #tpu.memory_space<hbm>> -> memref<8x128xf32, #tpu.memory_space<hbm>>
    %dma_wait3A_238 = arith.constant 0 : i32
    %dma_wait3A_239 = arith.constant 0 : i32
    %dma_wait3A_240 = tpu.memref_slice %arg7[%dma_wait3A_221, %dma_wait3A_222, %dma_wait3A_223, %dma_wait3A_238, %dma_wait3A_239] : memref<2x4x5x8x129xf32, #tpu.memory_space<vmem>> -> memref<1x1x1x8x128xf32, #tpu.memory_space<vmem>>
    %dma_wait3A_241 = tpu.memref_squeeze %dma_wait3A_240 : memref<1x1x1x8x128xf32, #tpu.memory_space<vmem>> -> memref<8x128xf32, #tpu.memory_space<vmem>>
    tpu.wait_dma2 semaphore(%arg10 : memref<!tpu.dma_semaphore, #tpu.memory_space<semaphore_mem>>) src(%dma_wait3A_241 : memref<8x128xf32, #tpu.memory_space<vmem>>) dst(%dma_wait3A_237 : memref<8x128xf32, #tpu.memory_space<hbm>>)
    %mul3A_242 = arith.constant 4 : i32
    %mul3A_243 = arith.muli %add3A, %mul3A_242 : i32
    %add3A_244 = arith.constant 1 : i32
    %add3A_245 = arith.addi %mul3A_243, %add3A_244 : i32
    %dma_wait3A_246 = arith.constant 0 : i32
    %dma_wait3A_247 = arith.constant 1 : i32
    %dma_wait3A_248 = arith.constant 1 : i32
    %dma_wait3A_249 = arith.constant 48 : i32
    %dma_wait3A_250 = arith.constant 1 : i32
    %dma_wait3A_251 = arith.constant 0 : i32
    %dma_wait3A_252 = arith.constant 0 : i32
    %dma_wait3A_253 = tpu.memref_slice %arg7[%dma_wait3A_246, %dma_wait3A_247, %dma_wait3A_248, %dma_wait3A_251, %dma_wait3A_252] : memref<2x4x5x8x129xf32, #tpu.memory_space<vmem>> -> memref<1x1x1x8x128xf32, #tpu.memory_space<vmem>>
    %dma_wait3A_254 = tpu.memref_squeeze %dma_wait3A_253 : memref<1x1x1x8x128xf32, #tpu.memory_space<vmem>> -> memref<8x128xf32, #tpu.memory_space<vmem>>
    %dma_wait3A_255 = arith.constant 0 : i32
    %dma_wait3A_256 = arith.constant 0 : i32
    %dma_wait3A_257 = tpu.memref_slice %arg4[%dma_wait3A_249, %dma_wait3A_250, %add3A_245, %dma_wait3A_255, %dma_wait3A_256] : memref<50x4x128x8x128xf32, #tpu.memory_space<hbm>> -> memref<1x1x1x8x128xf32, #tpu.memory_space<hbm>>
    %dma_wait3A_258 = tpu.memref_squeeze %dma_wait3A_257 : memref<1x1x1x8x128xf32, #tpu.memory_space<hbm>> -> memref<8x128xf32, #tpu.memory_space<hbm>>
    %dma_wait3A_259 = arith.constant 0 : i32
    %dma_wait3A_260 = arith.constant 0 : i32
    %dma_wait3A_261 = tpu.memref_slice %arg4[%dma_wait3A_249, %dma_wait3A_250, %add3A_245, %dma_wait3A_259, %dma_wait3A_260] : memref<50x4x128x8x128xf32, #tpu.memory_space<hbm>> -> memref<1x1x1x8x128xf32, #tpu.memory_space<hbm>>
    %dma_wait3A_262 = tpu.memref_squeeze %dma_wait3A_261 : memref<1x1x1x8x128xf32, #tpu.memory_space<hbm>> -> memref<8x128xf32, #tpu.memory_space<hbm>>
    %dma_wait3A_263 = arith.constant 0 : i32
    %dma_wait3A_264 = arith.constant 0 : i32
    %dma_wait3A_265 = tpu.memref_slice %arg7[%dma_wait3A_246, %dma_wait3A_247, %dma_wait3A_248, %dma_wait3A_263, %dma_wait3A_264] : memref<2x4x5x8x129xf32, #tpu.memory_space<vmem>> -> memref<1x1x1x8x128xf32, #tpu.memory_space<vmem>>
    %dma_wait3A_266 = tpu.memref_squeeze %dma_wait3A_265 : memref<1x1x1x8x128xf32, #tpu.memory_space<vmem>> -> memref<8x128xf32, #tpu.memory_space<vmem>>
    tpu.wait_dma2 semaphore(%arg10 : memref<!tpu.dma_semaphore, #tpu.memory_space<semaphore_mem>>) src(%dma_wait3A_266 : memref<8x128xf32, #tpu.memory_space<vmem>>) dst(%dma_wait3A_262 : memref<8x128xf32, #tpu.memory_space<hbm>>)
    %mul3A_267 = arith.constant 4 : i32
    %mul3A_268 = arith.muli %add3A, %mul3A_267 : i32
    %add3A_269 = arith.constant 2 : i32
    %add3A_270 = arith.addi %mul3A_268, %add3A_269 : i32
    %dma_wait3A_271 = arith.constant 0 : i32
    %dma_wait3A_272 = arith.constant 1 : i32
    %dma_wait3A_273 = arith.constant 2 : i32
    %dma_wait3A_274 = arith.constant 48 : i32
    %dma_wait3A_275 = arith.constant 1 : i32
    %dma_wait3A_276 = arith.constant 0 : i32
    %dma_wait3A_277 = arith.constant 0 : i32
    %dma_wait3A_278 = tpu.memref_slice %arg7[%dma_wait3A_271, %dma_wait3A_272, %dma_wait3A_273, %dma_wait3A_276, %dma_wait3A_277] : memref<2x4x5x8x129xf32, #tpu.memory_space<vmem>> -> memref<1x1x1x8x128xf32, #tpu.memory_space<vmem>>
    %dma_wait3A_279 = tpu.memref_squeeze %dma_wait3A_278 : memref<1x1x1x8x128xf32, #tpu.memory_space<vmem>> -> memref<8x128xf32, #tpu.memory_space<vmem>>
    %dma_wait3A_280 = arith.constant 0 : i32
    %dma_wait3A_281 = arith.constant 0 : i32
    %dma_wait3A_282 = tpu.memref_slice %arg4[%dma_wait3A_274, %dma_wait3A_275, %add3A_270, %dma_wait3A_280, %dma_wait3A_281] : memref<50x4x128x8x128xf32, #tpu.memory_space<hbm>> -> memref<1x1x1x8x128xf32, #tpu.memory_space<hbm>>
    %dma_wait3A_283 = tpu.memref_squeeze %dma_wait3A_282 : memref<1x1x1x8x128xf32, #tpu.memory_space<hbm>> -> memref<8x128xf32, #tpu.memory_space<hbm>>
    %dma_wait3A_284 = arith.constant 0 : i32
    %dma_wait3A_285 = arith.constant 0 : i32
    %dma_wait3A_286 = tpu.memref_slice %arg4[%dma_wait3A_274, %dma_wait3A_275, %add3A_270, %dma_wait3A_284, %dma_wait3A_285] : memref<50x4x128x8x128xf32, #tpu.memory_space<hbm>> -> memref<1x1x1x8x128xf32, #tpu.memory_space<hbm>>
    %dma_wait3A_287 = tpu.memref_squeeze %dma_wait3A_286 : memref<1x1x1x8x128xf32, #tpu.memory_space<hbm>> -> memref<8x128xf32, #tpu.memory_space<hbm>>
    %dma_wait3A_288 = arith.constant 0 : i32
    %dma_wait3A_289 = arith.constant 0 : i32
    %dma_wait3A_290 = tpu.memref_slice %arg7[%dma_wait3A_271, %dma_wait3A_272, %dma_wait3A_273, %dma_wait3A_288, %dma_wait3A_289] : memref<2x4x5x8x129xf32, #tpu.memory_space<vmem>> -> memref<1x1x1x8x128xf32, #tpu.memory_space<vmem>>
    %dma_wait3A_291 = tpu.memref_squeeze %dma_wait3A_290 : memref<1x1x1x8x128xf32, #tpu.memory_space<vmem>> -> memref<8x128xf32, #tpu.memory_space<vmem>>
    tpu.wait_dma2 semaphore(%arg10 : memref<!tpu.dma_semaphore, #tpu.memory_space<semaphore_mem>>) src(%dma_wait3A_291 : memref<8x128xf32, #tpu.memory_space<vmem>>) dst(%dma_wait3A_287 : memref<8x128xf32, #tpu.memory_space<hbm>>)
    %mul3A_292 = arith.constant 4 : i32
    %mul3A_293 = arith.muli %add3A, %mul3A_292 : i32
    %add3A_294 = arith.constant 3 : i32
    %add3A_295 = arith.addi %mul3A_293, %add3A_294 : i32
    %dma_wait3A_296 = arith.constant 0 : i32
    %dma_wait3A_297 = arith.constant 1 : i32
    %dma_wait3A_298 = arith.constant 3 : i32
    %dma_wait3A_299 = arith.constant 48 : i32
    %dma_wait3A_300 = arith.constant 1 : i32
    %dma_wait3A_301 = arith.constant 0 : i32
    %dma_wait3A_302 = arith.constant 0 : i32
    %dma_wait3A_303 = tpu.memref_slice %arg7[%dma_wait3A_296, %dma_wait3A_297, %dma_wait3A_298, %dma_wait3A_301, %dma_wait3A_302] : memref<2x4x5x8x129xf32, #tpu.memory_space<vmem>> -> memref<1x1x1x8x128xf32, #tpu.memory_space<vmem>>
    %dma_wait3A_304 = tpu.memref_squeeze %dma_wait3A_303 : memref<1x1x1x8x128xf32, #tpu.memory_space<vmem>> -> memref<8x128xf32, #tpu.memory_space<vmem>>
    %dma_wait3A_305 = arith.constant 0 : i32
    %dma_wait3A_306 = arith.constant 0 : i32
    %dma_wait3A_307 = tpu.memref_slice %arg4[%dma_wait3A_299, %dma_wait3A_300, %add3A_295, %dma_wait3A_305, %dma_wait3A_306] : memref<50x4x128x8x128xf32, #tpu.memory_space<hbm>> -> memref<1x1x1x8x128xf32, #tpu.memory_space<hbm>>
    %dma_wait3A_308 = tpu.memref_squeeze %dma_wait3A_307 : memref<1x1x1x8x128xf32, #tpu.memory_space<hbm>> -> memref<8x128xf32, #tpu.memory_space<hbm>>
    %dma_wait3A_309 = arith.constant 0 : i32
    %dma_wait3A_310 = arith.constant 0 : i32
    %dma_wait3A_311 = tpu.memref_slice %arg4[%dma_wait3A_299, %dma_wait3A_300, %add3A_295, %dma_wait3A_309, %dma_wait3A_310] : memref<50x4x128x8x128xf32, #tpu.memory_space<hbm>> -> memref<1x1x1x8x128xf32, #tpu.memory_space<hbm>>
    %dma_wait3A_312 = tpu.memref_squeeze %dma_wait3A_311 : memref<1x1x1x8x128xf32, #tpu.memory_space<hbm>> -> memref<8x128xf32, #tpu.memory_space<hbm>>
    %dma_wait3A_313 = arith.constant 0 : i32
    %dma_wait3A_314 = arith.constant 0 : i32
    %dma_wait3A_315 = tpu.memref_slice %arg7[%dma_wait3A_296, %dma_wait3A_297, %dma_wait3A_298, %dma_wait3A_313, %dma_wait3A_314] : memref<2x4x5x8x129xf32, #tpu.memory_space<vmem>> -> memref<1x1x1x8x128xf32, #tpu.memory_space<vmem>>
    %dma_wait3A_316 = tpu.memref_squeeze %dma_wait3A_315 : memref<1x1x1x8x128xf32, #tpu.memory_space<vmem>> -> memref<8x128xf32, #tpu.memory_space<vmem>>
    tpu.wait_dma2 semaphore(%arg10 : memref<!tpu.dma_semaphore, #tpu.memory_space<semaphore_mem>>) src(%dma_wait3A_316 : memref<8x128xf32, #tpu.memory_space<vmem>>) dst(%dma_wait3A_312 : memref<8x128xf32, #tpu.memory_space<hbm>>)
    %mul3A_317 = arith.constant 4 : i32
    %mul3A_318 = arith.muli %add3A, %mul3A_317 : i32
    %add3A_319 = arith.constant 0 : i32
    %add3A_320 = arith.addi %mul3A_318, %add3A_319 : i32
    %dma_wait3A_321 = arith.constant 0 : i32
    %dma_wait3A_322 = arith.constant 2 : i32
    %dma_wait3A_323 = arith.constant 0 : i32
    %dma_wait3A_324 = arith.constant 48 : i32
    %dma_wait3A_325 = arith.constant 2 : i32
    %dma_wait3A_326 = arith.constant 0 : i32
    %dma_wait3A_327 = arith.constant 0 : i32
    %dma_wait3A_328 = tpu.memref_slice %arg7[%dma_wait3A_321, %dma_wait3A_322, %dma_wait3A_323, %dma_wait3A_326, %dma_wait3A_327] : memref<2x4x5x8x129xf32, #tpu.memory_space<vmem>> -> memref<1x1x1x8x128xf32, #tpu.memory_space<vmem>>
    %dma_wait3A_329 = tpu.memref_squeeze %dma_wait3A_328 : memref<1x1x1x8x128xf32, #tpu.memory_space<vmem>> -> memref<8x128xf32, #tpu.memory_space<vmem>>
    %dma_wait3A_330 = arith.constant 0 : i32
    %dma_wait3A_331 = arith.constant 0 : i32
    %dma_wait3A_332 = tpu.memref_slice %arg4[%dma_wait3A_324, %dma_wait3A_325, %add3A_320, %dma_wait3A_330, %dma_wait3A_331] : memref<50x4x128x8x128xf32, #tpu.memory_space<hbm>> -> memref<1x1x1x8x128xf32, #tpu.memory_space<hbm>>
    %dma_wait3A_333 = tpu.memref_squeeze %dma_wait3A_332 : memref<1x1x1x8x128xf32, #tpu.memory_space<hbm>> -> memref<8x128xf32, #tpu.memory_space<hbm>>
    %dma_wait3A_334 = arith.constant 0 : i32
    %dma_wait3A_335 = arith.constant 0 : i32
    %dma_wait3A_336 = tpu.memref_slice %arg4[%dma_wait3A_324, %dma_wait3A_325, %add3A_320, %dma_wait3A_334, %dma_wait3A_335] : memref<50x4x128x8x128xf32, #tpu.memory_space<hbm>> -> memref<1x1x1x8x128xf32, #tpu.memory_space<hbm>>
    %dma_wait3A_337 = tpu.memref_squeeze %dma_wait3A_336 : memref<1x1x1x8x128xf32, #tpu.memory_space<hbm>> -> memref<8x128xf32, #tpu.memory_space<hbm>>
    %dma_wait3A_338 = arith.constant 0 : i32
    %dma_wait3A_339 = arith.constant 0 : i32
    %dma_wait3A_340 = tpu.memref_slice %arg7[%dma_wait3A_321, %dma_wait3A_322, %dma_wait3A_323, %dma_wait3A_338, %dma_wait3A_339] : memref<2x4x5x8x129xf32, #tpu.memory_space<vmem>> -> memref<1x1x1x8x128xf32, #tpu.memory_space<vmem>>
    %dma_wait3A_341 = tpu.memref_squeeze %dma_wait3A_340 : memref<1x1x1x8x128xf32, #tpu.memory_space<vmem>> -> memref<8x128xf32, #tpu.memory_space<vmem>>
    tpu.wait_dma2 semaphore(%arg10 : memref<!tpu.dma_semaphore, #tpu.memory_space<semaphore_mem>>) src(%dma_wait3A_341 : memref<8x128xf32, #tpu.memory_space<vmem>>) dst(%dma_wait3A_337 : memref<8x128xf32, #tpu.memory_space<hbm>>)
    %mul3A_342 = arith.constant 4 : i32
    %mul3A_343 = arith.muli %add3A, %mul3A_342 : i32
    %add3A_344 = arith.constant 1 : i32
    %add3A_345 = arith.addi %mul3A_343, %add3A_344 : i32
    %dma_wait3A_346 = arith.constant 0 : i32
    %dma_wait3A_347 = arith.constant 2 : i32
    %dma_wait3A_348 = arith.constant 1 : i32
    %dma_wait3A_349 = arith.constant 48 : i32
    %dma_wait3A_350 = arith.constant 2 : i32
    %dma_wait3A_351 = arith.constant 0 : i32
    %dma_wait3A_352 = arith.constant 0 : i32
    %dma_wait3A_353 = tpu.memref_slice %arg7[%dma_wait3A_346, %dma_wait3A_347, %dma_wait3A_348, %dma_wait3A_351, %dma_wait3A_352] : memref<2x4x5x8x129xf32, #tpu.memory_space<vmem>> -> memref<1x1x1x8x128xf32, #tpu.memory_space<vmem>>
    %dma_wait3A_354 = tpu.memref_squeeze %dma_wait3A_353 : memref<1x1x1x8x128xf32, #tpu.memory_space<vmem>> -> memref<8x128xf32, #tpu.memory_space<vmem>>
    %dma_wait3A_355 = arith.constant 0 : i32
    %dma_wait3A_356 = arith.constant 0 : i32
    %dma_wait3A_357 = tpu.memref_slice %arg4[%dma_wait3A_349, %dma_wait3A_350, %add3A_345, %dma_wait3A_355, %dma_wait3A_356] : memref<50x4x128x8x128xf32, #tpu.memory_space<hbm>> -> memref<1x1x1x8x128xf32, #tpu.memory_space<hbm>>
    %dma_wait3A_358 = tpu.memref_squeeze %dma_wait3A_357 : memref<1x1x1x8x128xf32, #tpu.memory_space<hbm>> -> memref<8x128xf32, #tpu.memory_space<hbm>>
    %dma_wait3A_359 = arith.constant 0 : i32
    %dma_wait3A_360 = arith.constant 0 : i32
    %dma_wait3A_361 = tpu.memref_slice %arg4[%dma_wait3A_349, %dma_wait3A_350, %add3A_345, %dma_wait3A_359, %dma_wait3A_360] : memref<50x4x128x8x128xf32, #tpu.memory_space<hbm>> -> memref<1x1x1x8x128xf32, #tpu.memory_space<hbm>>
    %dma_wait3A_362 = tpu.memref_squeeze %dma_wait3A_361 : memref<1x1x1x8x128xf32, #tpu.memory_space<hbm>> -> memref<8x128xf32, #tpu.memory_space<hbm>>
    %dma_wait3A_363 = arith.constant 0 : i32
    %dma_wait3A_364 = arith.constant 0 : i32
    %dma_wait3A_365 = tpu.memref_slice %arg7[%dma_wait3A_346, %dma_wait3A_347, %dma_wait3A_348, %dma_wait3A_363, %dma_wait3A_364] : memref<2x4x5x8x129xf32, #tpu.memory_space<vmem>> -> memref<1x1x1x8x128xf32, #tpu.memory_space<vmem>>
    %dma_wait3A_366 = tpu.memref_squeeze %dma_wait3A_365 : memref<1x1x1x8x128xf32, #tpu.memory_space<vmem>> -> memref<8x128xf32, #tpu.memory_space<vmem>>
    tpu.wait_dma2 semaphore(%arg10 : memref<!tpu.dma_semaphore, #tpu.memory_space<semaphore_mem>>) src(%dma_wait3A_366 : memref<8x128xf32, #tpu.memory_space<vmem>>) dst(%dma_wait3A_362 : memref<8x128xf32, #tpu.memory_space<hbm>>)
    %mul3A_367 = arith.constant 4 : i32
    %mul3A_368 = arith.muli %add3A, %mul3A_367 : i32
    %add3A_369 = arith.constant 2 : i32
    %add3A_370 = arith.addi %mul3A_368, %add3A_369 : i32
    %dma_wait3A_371 = arith.constant 0 : i32
    %dma_wait3A_372 = arith.constant 2 : i32
    %dma_wait3A_373 = arith.constant 2 : i32
    %dma_wait3A_374 = arith.constant 48 : i32
    %dma_wait3A_375 = arith.constant 2 : i32
    %dma_wait3A_376 = arith.constant 0 : i32
    %dma_wait3A_377 = arith.constant 0 : i32
    %dma_wait3A_378 = tpu.memref_slice %arg7[%dma_wait3A_371, %dma_wait3A_372, %dma_wait3A_373, %dma_wait3A_376, %dma_wait3A_377] : memref<2x4x5x8x129xf32, #tpu.memory_space<vmem>> -> memref<1x1x1x8x128xf32, #tpu.memory_space<vmem>>
    %dma_wait3A_379 = tpu.memref_squeeze %dma_wait3A_378 : memref<1x1x1x8x128xf32, #tpu.memory_space<vmem>> -> memref<8x128xf32, #tpu.memory_space<vmem>>
    %dma_wait3A_380 = arith.constant 0 : i32
    %dma_wait3A_381 = arith.constant 0 : i32
    %dma_wait3A_382 = tpu.memref_slice %arg4[%dma_wait3A_374, %dma_wait3A_375, %add3A_370, %dma_wait3A_380, %dma_wait3A_381] : memref<50x4x128x8x128xf32, #tpu.memory_space<hbm>> -> memref<1x1x1x8x128xf32, #tpu.memory_space<hbm>>
    %dma_wait3A_383 = tpu.memref_squeeze %dma_wait3A_382 : memref<1x1x1x8x128xf32, #tpu.memory_space<hbm>> -> memref<8x128xf32, #tpu.memory_space<hbm>>
    %dma_wait3A_384 = arith.constant 0 : i32
    %dma_wait3A_385 = arith.constant 0 : i32
    %dma_wait3A_386 = tpu.memref_slice %arg4[%dma_wait3A_374, %dma_wait3A_375, %add3A_370, %dma_wait3A_384, %dma_wait3A_385] : memref<50x4x128x8x128xf32, #tpu.memory_space<hbm>> -> memref<1x1x1x8x128xf32, #tpu.memory_space<hbm>>
    %dma_wait3A_387 = tpu.memref_squeeze %dma_wait3A_386 : memref<1x1x1x8x128xf32, #tpu.memory_space<hbm>> -> memref<8x128xf32, #tpu.memory_space<hbm>>
    %dma_wait3A_388 = arith.constant 0 : i32
    %dma_wait3A_389 = arith.constant 0 : i32
    %dma_wait3A_390 = tpu.memref_slice %arg7[%dma_wait3A_371, %dma_wait3A_372, %dma_wait3A_373, %dma_wait3A_388, %dma_wait3A_389] : memref<2x4x5x8x129xf32, #tpu.memory_space<vmem>> -> memref<1x1x1x8x128xf32, #tpu.memory_space<vmem>>
    %dma_wait3A_391 = tpu.memref_squeeze %dma_wait3A_390 : memref<1x1x1x8x128xf32, #tpu.memory_space<vmem>> -> memref<8x128xf32, #tpu.memory_space<vmem>>
    tpu.wait_dma2 semaphore(%arg10 : memref<!tpu.dma_semaphore, #tpu.memory_space<semaphore_mem>>) src(%dma_wait3A_391 : memref<8x128xf32, #tpu.memory_space<vmem>>) dst(%dma_wait3A_387 : memref<8x128xf32, #tpu.memory_space<hbm>>)
    %mul3A_392 = arith.constant 4 : i32
    %mul3A_393 = arith.muli %add3A, %mul3A_392 : i32
    %add3A_394 = arith.constant 3 : i32
    %add3A_395 = arith.addi %mul3A_393, %add3A_394 : i32
    %dma_wait3A_396 = arith.constant 0 : i32
    %dma_wait3A_397 = arith.constant 2 : i32
    %dma_wait3A_398 = arith.constant 3 : i32
    %dma_wait3A_399 = arith.constant 48 : i32
    %dma_wait3A_400 = arith.constant 2 : i32
    %dma_wait3A_401 = arith.constant 0 : i32
    %dma_wait3A_402 = arith.constant 0 : i32
    %dma_wait3A_403 = tpu.memref_slice %arg7[%dma_wait3A_396, %dma_wait3A_397, %dma_wait3A_398, %dma_wait3A_401, %dma_wait3A_402] : memref<2x4x5x8x129xf32, #tpu.memory_space<vmem>> -> memref<1x1x1x8x128xf32, #tpu.memory_space<vmem>>
    %dma_wait3A_404 = tpu.memref_squeeze %dma_wait3A_403 : memref<1x1x1x8x128xf32, #tpu.memory_space<vmem>> -> memref<8x128xf32, #tpu.memory_space<vmem>>
    %dma_wait3A_405 = arith.constant 0 : i32
    %dma_wait3A_406 = arith.constant 0 : i32
    %dma_wait3A_407 = tpu.memref_slice %arg4[%dma_wait3A_399, %dma_wait3A_400, %add3A_395, %dma_wait3A_405, %dma_wait3A_406] : memref<50x4x128x8x128xf32, #tpu.memory_space<hbm>> -> memref<1x1x1x8x128xf32, #tpu.memory_space<hbm>>
    %dma_wait3A_408 = tpu.memref_squeeze %dma_wait3A_407 : memref<1x1x1x8x128xf32, #tpu.memory_space<hbm>> -> memref<8x128xf32, #tpu.memory_space<hbm>>
    %dma_wait3A_409 = arith.constant 0 : i32
    %dma_wait3A_410 = arith.constant 0 : i32
    %dma_wait3A_411 = tpu.memref_slice %arg4[%dma_wait3A_399, %dma_wait3A_400, %add3A_395, %dma_wait3A_409, %dma_wait3A_410] : memref<50x4x128x8x128xf32, #tpu.memory_space<hbm>> -> memref<1x1x1x8x128xf32, #tpu.memory_space<hbm>>
    %dma_wait3A_412 = tpu.memref_squeeze %dma_wait3A_411 : memref<1x1x1x8x128xf32, #tpu.memory_space<hbm>> -> memref<8x128xf32, #tpu.memory_space<hbm>>
    %dma_wait3A_413 = arith.constant 0 : i32
    %dma_wait3A_414 = arith.constant 0 : i32
    %dma_wait3A_415 = tpu.memref_slice %arg7[%dma_wait3A_396, %dma_wait3A_397, %dma_wait3A_398, %dma_wait3A_413, %dma_wait3A_414] : memref<2x4x5x8x129xf32, #tpu.memory_space<vmem>> -> memref<1x1x1x8x128xf32, #tpu.memory_space<vmem>>
    %dma_wait3A_416 = tpu.memref_squeeze %dma_wait3A_415 : memref<1x1x1x8x128xf32, #tpu.memory_space<vmem>> -> memref<8x128xf32, #tpu.memory_space<vmem>>
    tpu.wait_dma2 semaphore(%arg10 : memref<!tpu.dma_semaphore, #tpu.memory_space<semaphore_mem>>) src(%dma_wait3A_416 : memref<8x128xf32, #tpu.memory_space<vmem>>) dst(%dma_wait3A_412 : memref<8x128xf32, #tpu.memory_space<hbm>>)
    %mul3A_417 = arith.constant 4 : i32
    %mul3A_418 = arith.muli %add3A, %mul3A_417 : i32
    %add3A_419 = arith.constant 0 : i32
    %add3A_420 = arith.addi %mul3A_418, %add3A_419 : i32
    %dma_wait3A_421 = arith.constant 0 : i32
    %dma_wait3A_422 = arith.constant 3 : i32
    %dma_wait3A_423 = arith.constant 0 : i32
    %dma_wait3A_424 = arith.constant 48 : i32
    %dma_wait3A_425 = arith.constant 3 : i32
    %dma_wait3A_426 = arith.constant 0 : i32
    %dma_wait3A_427 = arith.constant 0 : i32
    %dma_wait3A_428 = tpu.memref_slice %arg7[%dma_wait3A_421, %dma_wait3A_422, %dma_wait3A_423, %dma_wait3A_426, %dma_wait3A_427] : memref<2x4x5x8x129xf32, #tpu.memory_space<vmem>> -> memref<1x1x1x8x128xf32, #tpu.memory_space<vmem>>
    %dma_wait3A_429 = tpu.memref_squeeze %dma_wait3A_428 : memref<1x1x1x8x128xf32, #tpu.memory_space<vmem>> -> memref<8x128xf32, #tpu.memory_space<vmem>>
    %dma_wait3A_430 = arith.constant 0 : i32
    %dma_wait3A_431 = arith.constant 0 : i32
    %dma_wait3A_432 = tpu.memref_slice %arg4[%dma_wait3A_424, %dma_wait3A_425, %add3A_420, %dma_wait3A_430, %dma_wait3A_431] : memref<50x4x128x8x128xf32, #tpu.memory_space<hbm>> -> memref<1x1x1x8x128xf32, #tpu.memory_space<hbm>>
    %dma_wait3A_433 = tpu.memref_squeeze %dma_wait3A_432 : memref<1x1x1x8x128xf32, #tpu.memory_space<hbm>> -> memref<8x128xf32, #tpu.memory_space<hbm>>
    %dma_wait3A_434 = arith.constant 0 : i32
    %dma_wait3A_435 = arith.constant 0 : i32
    %dma_wait3A_436 = tpu.memref_slice %arg4[%dma_wait3A_424, %dma_wait3A_425, %add3A_420, %dma_wait3A_434, %dma_wait3A_435] : memref<50x4x128x8x128xf32, #tpu.memory_space<hbm>> -> memref<1x1x1x8x128xf32, #tpu.memory_space<hbm>>
    %dma_wait3A_437 = tpu.memref_squeeze %dma_wait3A_436 : memref<1x1x1x8x128xf32, #tpu.memory_space<hbm>> -> memref<8x128xf32, #tpu.memory_space<hbm>>
    %dma_wait3A_438 = arith.constant 0 : i32
    %dma_wait3A_439 = arith.constant 0 : i32
    %dma_wait3A_440 = tpu.memref_slice %arg7[%dma_wait3A_421, %dma_wait3A_422, %dma_wait3A_423, %dma_wait3A_438, %dma_wait3A_439] : memref<2x4x5x8x129xf32, #tpu.memory_space<vmem>> -> memref<1x1x1x8x128xf32, #tpu.memory_space<vmem>>
    %dma_wait3A_441 = tpu.memref_squeeze %dma_wait3A_440 : memref<1x1x1x8x128xf32, #tpu.memory_space<vmem>> -> memref<8x128xf32, #tpu.memory_space<vmem>>
    tpu.wait_dma2 semaphore(%arg10 : memref<!tpu.dma_semaphore, #tpu.memory_space<semaphore_mem>>) src(%dma_wait3A_441 : memref<8x128xf32, #tpu.memory_space<vmem>>) dst(%dma_wait3A_437 : memref<8x128xf32, #tpu.memory_space<hbm>>)
    %mul3A_442 = arith.constant 4 : i32
    %mul3A_443 = arith.muli %add3A, %mul3A_442 : i32
    %add3A_444 = arith.constant 1 : i32
    %add3A_445 = arith.addi %mul3A_443, %add3A_444 : i32
    %dma_wait3A_446 = arith.constant 0 : i32
    %dma_wait3A_447 = arith.constant 3 : i32
    %dma_wait3A_448 = arith.constant 1 : i32
    %dma_wait3A_449 = arith.constant 48 : i32
    %dma_wait3A_450 = arith.constant 3 : i32
    %dma_wait3A_451 = arith.constant 0 : i32
    %dma_wait3A_452 = arith.constant 0 : i32
    %dma_wait3A_453 = tpu.memref_slice %arg7[%dma_wait3A_446, %dma_wait3A_447, %dma_wait3A_448, %dma_wait3A_451, %dma_wait3A_452] : memref<2x4x5x8x129xf32, #tpu.memory_space<vmem>> -> memref<1x1x1x8x128xf32, #tpu.memory_space<vmem>>
    %dma_wait3A_454 = tpu.memref_squeeze %dma_wait3A_453 : memref<1x1x1x8x128xf32, #tpu.memory_space<vmem>> -> memref<8x128xf32, #tpu.memory_space<vmem>>
    %dma_wait3A_455 = arith.constant 0 : i32
    %dma_wait3A_456 = arith.constant 0 : i32
    %dma_wait3A_457 = tpu.memref_slice %arg4[%dma_wait3A_449, %dma_wait3A_450, %add3A_445, %dma_wait3A_455, %dma_wait3A_456] : memref<50x4x128x8x128xf32, #tpu.memory_space<hbm>> -> memref<1x1x1x8x128xf32, #tpu.memory_space<hbm>>
    %dma_wait3A_458 = tpu.memref_squeeze %dma_wait3A_457 : memref<1x1x1x8x128xf32, #tpu.memory_space<hbm>> -> memref<8x128xf32, #tpu.memory_space<hbm>>
    %dma_wait3A_459 = arith.constant 0 : i32
    %dma_wait3A_460 = arith.constant 0 : i32
    %dma_wait3A_461 = tpu.memref_slice %arg4[%dma_wait3A_449, %dma_wait3A_450, %add3A_445, %dma_wait3A_459, %dma_wait3A_460] : memref<50x4x128x8x128xf32, #tpu.memory_space<hbm>> -> memref<1x1x1x8x128xf32, #tpu.memory_space<hbm>>
    %dma_wait3A_462 = tpu.memref_squeeze %dma_wait3A_461 : memref<1x1x1x8x128xf32, #tpu.memory_space<hbm>> -> memref<8x128xf32, #tpu.memory_space<hbm>>
    %dma_wait3A_463 = arith.constant 0 : i32
    %dma_wait3A_464 = arith.constant 0 : i32
    %dma_wait3A_465 = tpu.memref_slice %arg7[%dma_wait3A_446, %dma_wait3A_447, %dma_wait3A_448, %dma_wait3A_463, %dma_wait3A_464] : memref<2x4x5x8x129xf32, #tpu.memory_space<vmem>> -> memref<1x1x1x8x128xf32, #tpu.memory_space<vmem>>
    %dma_wait3A_466 = tpu.memref_squeeze %dma_wait3A_465 : memref<1x1x1x8x128xf32, #tpu.memory_space<vmem>> -> memref<8x128xf32, #tpu.memory_space<vmem>>
    tpu.wait_dma2 semaphore(%arg10 : memref<!tpu.dma_semaphore, #tpu.memory_space<semaphore_mem>>) src(%dma_wait3A_466 : memref<8x128xf32, #tpu.memory_space<vmem>>) dst(%dma_wait3A_462 : memref<8x128xf32, #tpu.memory_space<hbm>>)
    %mul3A_467 = arith.constant 4 : i32
    %mul3A_468 = arith.muli %add3A, %mul3A_467 : i32
    %add3A_469 = arith.constant 2 : i32
    %add3A_470 = arith.addi %mul3A_468, %add3A_469 : i32
    %dma_wait3A_471 = arith.constant 0 : i32
    %dma_wait3A_472 = arith.constant 3 : i32
    %dma_wait3A_473 = arith.constant 2 : i32
    %dma_wait3A_474 = arith.constant 48 : i32
    %dma_wait3A_475 = arith.constant 3 : i32
    %dma_wait3A_476 = arith.constant 0 : i32
    %dma_wait3A_477 = arith.constant 0 : i32
    %dma_wait3A_478 = tpu.memref_slice %arg7[%dma_wait3A_471, %dma_wait3A_472, %dma_wait3A_473, %dma_wait3A_476, %dma_wait3A_477] : memref<2x4x5x8x129xf32, #tpu.memory_space<vmem>> -> memref<1x1x1x8x128xf32, #tpu.memory_space<vmem>>
    %dma_wait3A_479 = tpu.memref_squeeze %dma_wait3A_478 : memref<1x1x1x8x128xf32, #tpu.memory_space<vmem>> -> memref<8x128xf32, #tpu.memory_space<vmem>>
    %dma_wait3A_480 = arith.constant 0 : i32
    %dma_wait3A_481 = arith.constant 0 : i32
    %dma_wait3A_482 = tpu.memref_slice %arg4[%dma_wait3A_474, %dma_wait3A_475, %add3A_470, %dma_wait3A_480, %dma_wait3A_481] : memref<50x4x128x8x128xf32, #tpu.memory_space<hbm>> -> memref<1x1x1x8x128xf32, #tpu.memory_space<hbm>>
    %dma_wait3A_483 = tpu.memref_squeeze %dma_wait3A_482 : memref<1x1x1x8x128xf32, #tpu.memory_space<hbm>> -> memref<8x128xf32, #tpu.memory_space<hbm>>
    %dma_wait3A_484 = arith.constant 0 : i32
    %dma_wait3A_485 = arith.constant 0 : i32
    %dma_wait3A_486 = tpu.memref_slice %arg4[%dma_wait3A_474, %dma_wait3A_475, %add3A_470, %dma_wait3A_484, %dma_wait3A_485] : memref<50x4x128x8x128xf32, #tpu.memory_space<hbm>> -> memref<1x1x1x8x128xf32, #tpu.memory_space<hbm>>
    %dma_wait3A_487 = tpu.memref_squeeze %dma_wait3A_486 : memref<1x1x1x8x128xf32, #tpu.memory_space<hbm>> -> memref<8x128xf32, #tpu.memory_space<hbm>>
    %dma_wait3A_488 = arith.constant 0 : i32
    %dma_wait3A_489 = arith.constant 0 : i32
    %dma_wait3A_490 = tpu.memref_slice %arg7[%dma_wait3A_471, %dma_wait3A_472, %dma_wait3A_473, %dma_wait3A_488, %dma_wait3A_489] : memref<2x4x5x8x129xf32, #tpu.memory_space<vmem>> -> memref<1x1x1x8x128xf32, #tpu.memory_space<vmem>>
    %dma_wait3A_491 = tpu.memref_squeeze %dma_wait3A_490 : memref<1x1x1x8x128xf32, #tpu.memory_space<vmem>> -> memref<8x128xf32, #tpu.memory_space<vmem>>
    tpu.wait_dma2 semaphore(%arg10 : memref<!tpu.dma_semaphore, #tpu.memory_space<semaphore_mem>>) src(%dma_wait3A_491 : memref<8x128xf32, #tpu.memory_space<vmem>>) dst(%dma_wait3A_487 : memref<8x128xf32, #tpu.memory_space<hbm>>)
    %mul3A_492 = arith.constant 4 : i32
    %mul3A_493 = arith.muli %add3A, %mul3A_492 : i32
    %add3A_494 = arith.constant 3 : i32
    %add3A_495 = arith.addi %mul3A_493, %add3A_494 : i32
    %dma_wait3A_496 = arith.constant 0 : i32
    %dma_wait3A_497 = arith.constant 3 : i32
    %dma_wait3A_498 = arith.constant 3 : i32
    %dma_wait3A_499 = arith.constant 48 : i32
    %dma_wait3A_500 = arith.constant 3 : i32
    %dma_wait3A_501 = arith.constant 0 : i32
    %dma_wait3A_502 = arith.constant 0 : i32
    %dma_wait3A_503 = tpu.memref_slice %arg7[%dma_wait3A_496, %dma_wait3A_497, %dma_wait3A_498, %dma_wait3A_501, %dma_wait3A_502] : memref<2x4x5x8x129xf32, #tpu.memory_space<vmem>> -> memref<1x1x1x8x128xf32, #tpu.memory_space<vmem>>
    %dma_wait3A_504 = tpu.memref_squeeze %dma_wait3A_503 : memref<1x1x1x8x128xf32, #tpu.memory_space<vmem>> -> memref<8x128xf32, #tpu.memory_space<vmem>>
    %dma_wait3A_505 = arith.constant 0 : i32
    %dma_wait3A_506 = arith.constant 0 : i32
    %dma_wait3A_507 = tpu.memref_slice %arg4[%dma_wait3A_499, %dma_wait3A_500, %add3A_495, %dma_wait3A_505, %dma_wait3A_506] : memref<50x4x128x8x128xf32, #tpu.memory_space<hbm>> -> memref<1x1x1x8x128xf32, #tpu.memory_space<hbm>>
    %dma_wait3A_508 = tpu.memref_squeeze %dma_wait3A_507 : memref<1x1x1x8x128xf32, #tpu.memory_space<hbm>> -> memref<8x128xf32, #tpu.memory_space<hbm>>
    %dma_wait3A_509 = arith.constant 0 : i32
    %dma_wait3A_510 = arith.constant 0 : i32
    %dma_wait3A_511 = tpu.memref_slice %arg4[%dma_wait3A_499, %dma_wait3A_500, %add3A_495, %dma_wait3A_509, %dma_wait3A_510] : memref<50x4x128x8x128xf32, #tpu.memory_space<hbm>> -> memref<1x1x1x8x128xf32, #tpu.memory_space<hbm>>
    %dma_wait3A_512 = tpu.memref_squeeze %dma_wait3A_511 : memref<1x1x1x8x128xf32, #tpu.memory_space<hbm>> -> memref<8x128xf32, #tpu.memory_space<hbm>>
    %dma_wait3A_513 = arith.constant 0 : i32
    %dma_wait3A_514 = arith.constant 0 : i32
    %dma_wait3A_515 = tpu.memref_slice %arg7[%dma_wait3A_496, %dma_wait3A_497, %dma_wait3A_498, %dma_wait3A_513, %dma_wait3A_514] : memref<2x4x5x8x129xf32, #tpu.memory_space<vmem>> -> memref<1x1x1x8x128xf32, #tpu.memory_space<vmem>>
    %dma_wait3A_516 = tpu.memref_squeeze %dma_wait3A_515 : memref<1x1x1x8x128xf32, #tpu.memory_space<vmem>> -> memref<8x128xf32, #tpu.memory_space<vmem>>
    tpu.wait_dma2 semaphore(%arg10 : memref<!tpu.dma_semaphore, #tpu.memory_space<semaphore_mem>>) src(%dma_wait3A_516 : memref<8x128xf32, #tpu.memory_space<vmem>>) dst(%dma_wait3A_512 : memref<8x128xf32, #tpu.memory_space<hbm>>)
    %mul3A_517 = arith.constant 4 : i32
    %mul3A_518 = arith.muli %add3A, %mul3A_517 : i32
    %add3A_519 = arith.constant 0 : i32
    %add3A_520 = arith.addi %mul3A_518, %add3A_519 : i32
    %dma_wait3A_521 = arith.constant 1 : i32
    %dma_wait3A_522 = arith.constant 0 : i32
    %dma_wait3A_523 = arith.constant 0 : i32
    %dma_wait3A_524 = arith.constant 49 : i32
    %dma_wait3A_525 = arith.constant 0 : i32
    %dma_wait3A_526 = arith.constant 0 : i32
    %dma_wait3A_527 = arith.constant 0 : i32
    %dma_wait3A_528 = tpu.memref_slice %arg7[%dma_wait3A_521, %dma_wait3A_522, %dma_wait3A_523, %dma_wait3A_526, %dma_wait3A_527] : memref<2x4x5x8x129xf32, #tpu.memory_space<vmem>> -> memref<1x1x1x8x128xf32, #tpu.memory_space<vmem>>
    %dma_wait3A_529 = tpu.memref_squeeze %dma_wait3A_528 : memref<1x1x1x8x128xf32, #tpu.memory_space<vmem>> -> memref<8x128xf32, #tpu.memory_space<vmem>>
    %dma_wait3A_530 = arith.constant 0 : i32
    %dma_wait3A_531 = arith.constant 0 : i32
    %dma_wait3A_532 = tpu.memref_slice %arg4[%dma_wait3A_524, %dma_wait3A_525, %add3A_520, %dma_wait3A_530, %dma_wait3A_531] : memref<50x4x128x8x128xf32, #tpu.memory_space<hbm>> -> memref<1x1x1x8x128xf32, #tpu.memory_space<hbm>>
    %dma_wait3A_533 = tpu.memref_squeeze %dma_wait3A_532 : memref<1x1x1x8x128xf32, #tpu.memory_space<hbm>> -> memref<8x128xf32, #tpu.memory_space<hbm>>
    %dma_wait3A_534 = arith.constant 0 : i32
    %dma_wait3A_535 = arith.constant 0 : i32
    %dma_wait3A_536 = tpu.memref_slice %arg4[%dma_wait3A_524, %dma_wait3A_525, %add3A_520, %dma_wait3A_534, %dma_wait3A_535] : memref<50x4x128x8x128xf32, #tpu.memory_space<hbm>> -> memref<1x1x1x8x128xf32, #tpu.memory_space<hbm>>
    %dma_wait3A_537 = tpu.memref_squeeze %dma_wait3A_536 : memref<1x1x1x8x128xf32, #tpu.memory_space<hbm>> -> memref<8x128xf32, #tpu.memory_space<hbm>>
    %dma_wait3A_538 = arith.constant 0 : i32
    %dma_wait3A_539 = arith.constant 0 : i32
    %dma_wait3A_540 = tpu.memref_slice %arg7[%dma_wait3A_521, %dma_wait3A_522, %dma_wait3A_523, %dma_wait3A_538, %dma_wait3A_539] : memref<2x4x5x8x129xf32, #tpu.memory_space<vmem>> -> memref<1x1x1x8x128xf32, #tpu.memory_space<vmem>>
    %dma_wait3A_541 = tpu.memref_squeeze %dma_wait3A_540 : memref<1x1x1x8x128xf32, #tpu.memory_space<vmem>> -> memref<8x128xf32, #tpu.memory_space<vmem>>
    tpu.wait_dma2 semaphore(%arg11 : memref<!tpu.dma_semaphore, #tpu.memory_space<semaphore_mem>>) src(%dma_wait3A_541 : memref<8x128xf32, #tpu.memory_space<vmem>>) dst(%dma_wait3A_537 : memref<8x128xf32, #tpu.memory_space<hbm>>)
    %mul3A_542 = arith.constant 4 : i32
    %mul3A_543 = arith.muli %add3A, %mul3A_542 : i32
    %add3A_544 = arith.constant 1 : i32
    %add3A_545 = arith.addi %mul3A_543, %add3A_544 : i32
    %dma_wait3A_546 = arith.constant 1 : i32
    %dma_wait3A_547 = arith.constant 0 : i32
    %dma_wait3A_548 = arith.constant 1 : i32
    %dma_wait3A_549 = arith.constant 49 : i32
    %dma_wait3A_550 = arith.constant 0 : i32
    %dma_wait3A_551 = arith.constant 0 : i32
    %dma_wait3A_552 = arith.constant 0 : i32
    %dma_wait3A_553 = tpu.memref_slice %arg7[%dma_wait3A_546, %dma_wait3A_547, %dma_wait3A_548, %dma_wait3A_551, %dma_wait3A_552] : memref<2x4x5x8x129xf32, #tpu.memory_space<vmem>> -> memref<1x1x1x8x128xf32, #tpu.memory_space<vmem>>
    %dma_wait3A_554 = tpu.memref_squeeze %dma_wait3A_553 : memref<1x1x1x8x128xf32, #tpu.memory_space<vmem>> -> memref<8x128xf32, #tpu.memory_space<vmem>>
    %dma_wait3A_555 = arith.constant 0 : i32
    %dma_wait3A_556 = arith.constant 0 : i32
    %dma_wait3A_557 = tpu.memref_slice %arg4[%dma_wait3A_549, %dma_wait3A_550, %add3A_545, %dma_wait3A_555, %dma_wait3A_556] : memref<50x4x128x8x128xf32, #tpu.memory_space<hbm>> -> memref<1x1x1x8x128xf32, #tpu.memory_space<hbm>>
    %dma_wait3A_558 = tpu.memref_squeeze %dma_wait3A_557 : memref<1x1x1x8x128xf32, #tpu.memory_space<hbm>> -> memref<8x128xf32, #tpu.memory_space<hbm>>
    %dma_wait3A_559 = arith.constant 0 : i32
    %dma_wait3A_560 = arith.constant 0 : i32
    %dma_wait3A_561 = tpu.memref_slice %arg4[%dma_wait3A_549, %dma_wait3A_550, %add3A_545, %dma_wait3A_559, %dma_wait3A_560] : memref<50x4x128x8x128xf32, #tpu.memory_space<hbm>> -> memref<1x1x1x8x128xf32, #tpu.memory_space<hbm>>
    %dma_wait3A_562 = tpu.memref_squeeze %dma_wait3A_561 : memref<1x1x1x8x128xf32, #tpu.memory_space<hbm>> -> memref<8x128xf32, #tpu.memory_space<hbm>>
    %dma_wait3A_563 = arith.constant 0 : i32
    %dma_wait3A_564 = arith.constant 0 : i32
    %dma_wait3A_565 = tpu.memref_slice %arg7[%dma_wait3A_546, %dma_wait3A_547, %dma_wait3A_548, %dma_wait3A_563, %dma_wait3A_564] : memref<2x4x5x8x129xf32, #tpu.memory_space<vmem>> -> memref<1x1x1x8x128xf32, #tpu.memory_space<vmem>>
    %dma_wait3A_566 = tpu.memref_squeeze %dma_wait3A_565 : memref<1x1x1x8x128xf32, #tpu.memory_space<vmem>> -> memref<8x128xf32, #tpu.memory_space<vmem>>
    tpu.wait_dma2 semaphore(%arg11 : memref<!tpu.dma_semaphore, #tpu.memory_space<semaphore_mem>>) src(%dma_wait3A_566 : memref<8x128xf32, #tpu.memory_space<vmem>>) dst(%dma_wait3A_562 : memref<8x128xf32, #tpu.memory_space<hbm>>)
    %mul3A_567 = arith.constant 4 : i32
    %mul3A_568 = arith.muli %add3A, %mul3A_567 : i32
    %add3A_569 = arith.constant 2 : i32
    %add3A_570 = arith.addi %mul3A_568, %add3A_569 : i32
    %dma_wait3A_571 = arith.constant 1 : i32
    %dma_wait3A_572 = arith.constant 0 : i32
    %dma_wait3A_573 = arith.constant 2 : i32
    %dma_wait3A_574 = arith.constant 49 : i32
    %dma_wait3A_575 = arith.constant 0 : i32
    %dma_wait3A_576 = arith.constant 0 : i32
    %dma_wait3A_577 = arith.constant 0 : i32
    %dma_wait3A_578 = tpu.memref_slice %arg7[%dma_wait3A_571, %dma_wait3A_572, %dma_wait3A_573, %dma_wait3A_576, %dma_wait3A_577] : memref<2x4x5x8x129xf32, #tpu.memory_space<vmem>> -> memref<1x1x1x8x128xf32, #tpu.memory_space<vmem>>
    %dma_wait3A_579 = tpu.memref_squeeze %dma_wait3A_578 : memref<1x1x1x8x128xf32, #tpu.memory_space<vmem>> -> memref<8x128xf32, #tpu.memory_space<vmem>>
    %dma_wait3A_580 = arith.constant 0 : i32
    %dma_wait3A_581 = arith.constant 0 : i32
    %dma_wait3A_582 = tpu.memref_slice %arg4[%dma_wait3A_574, %dma_wait3A_575, %add3A_570, %dma_wait3A_580, %dma_wait3A_581] : memref<50x4x128x8x128xf32, #tpu.memory_space<hbm>> -> memref<1x1x1x8x128xf32, #tpu.memory_space<hbm>>
    %dma_wait3A_583 = tpu.memref_squeeze %dma_wait3A_582 : memref<1x1x1x8x128xf32, #tpu.memory_space<hbm>> -> memref<8x128xf32, #tpu.memory_space<hbm>>
    %dma_wait3A_584 = arith.constant 0 : i32
    %dma_wait3A_585 = arith.constant 0 : i32
    %dma_wait3A_586 = tpu.memref_slice %arg4[%dma_wait3A_574, %dma_wait3A_575, %add3A_570, %dma_wait3A_584, %dma_wait3A_585] : memref<50x4x128x8x128xf32, #tpu.memory_space<hbm>> -> memref<1x1x1x8x128xf32, #tpu.memory_space<hbm>>
    %dma_wait3A_587 = tpu.memref_squeeze %dma_wait3A_586 : memref<1x1x1x8x128xf32, #tpu.memory_space<hbm>> -> memref<8x128xf32, #tpu.memory_space<hbm>>
    %dma_wait3A_588 = arith.constant 0 : i32
    %dma_wait3A_589 = arith.constant 0 : i32
    %dma_wait3A_590 = tpu.memref_slice %arg7[%dma_wait3A_571, %dma_wait3A_572, %dma_wait3A_573, %dma_wait3A_588, %dma_wait3A_589] : memref<2x4x5x8x129xf32, #tpu.memory_space<vmem>> -> memref<1x1x1x8x128xf32, #tpu.memory_space<vmem>>
    %dma_wait3A_591 = tpu.memref_squeeze %dma_wait3A_590 : memref<1x1x1x8x128xf32, #tpu.memory_space<vmem>> -> memref<8x128xf32, #tpu.memory_space<vmem>>
    tpu.wait_dma2 semaphore(%arg11 : memref<!tpu.dma_semaphore, #tpu.memory_space<semaphore_mem>>) src(%dma_wait3A_591 : memref<8x128xf32, #tpu.memory_space<vmem>>) dst(%dma_wait3A_587 : memref<8x128xf32, #tpu.memory_space<hbm>>)
    %mul3A_592 = arith.constant 4 : i32
    %mul3A_593 = arith.muli %add3A, %mul3A_592 : i32
    %add3A_594 = arith.constant 3 : i32
    %add3A_595 = arith.addi %mul3A_593, %add3A_594 : i32
    %dma_wait3A_596 = arith.constant 1 : i32
    %dma_wait3A_597 = arith.constant 0 : i32
    %dma_wait3A_598 = arith.constant 3 : i32
    %dma_wait3A_599 = arith.constant 49 : i32
    %dma_wait3A_600 = arith.constant 0 : i32
    %dma_wait3A_601 = arith.constant 0 : i32
    %dma_wait3A_602 = arith.constant 0 : i32
    %dma_wait3A_603 = tpu.memref_slice %arg7[%dma_wait3A_596, %dma_wait3A_597, %dma_wait3A_598, %dma_wait3A_601, %dma_wait3A_602] : memref<2x4x5x8x129xf32, #tpu.memory_space<vmem>> -> memref<1x1x1x8x128xf32, #tpu.memory_space<vmem>>
    %dma_wait3A_604 = tpu.memref_squeeze %dma_wait3A_603 : memref<1x1x1x8x128xf32, #tpu.memory_space<vmem>> -> memref<8x128xf32, #tpu.memory_space<vmem>>
    %dma_wait3A_605 = arith.constant 0 : i32
    %dma_wait3A_606 = arith.constant 0 : i32
    %dma_wait3A_607 = tpu.memref_slice %arg4[%dma_wait3A_599, %dma_wait3A_600, %add3A_595, %dma_wait3A_605, %dma_wait3A_606] : memref<50x4x128x8x128xf32, #tpu.memory_space<hbm>> -> memref<1x1x1x8x128xf32, #tpu.memory_space<hbm>>
    %dma_wait3A_608 = tpu.memref_squeeze %dma_wait3A_607 : memref<1x1x1x8x128xf32, #tpu.memory_space<hbm>> -> memref<8x128xf32, #tpu.memory_space<hbm>>
    %dma_wait3A_609 = arith.constant 0 : i32
    %dma_wait3A_610 = arith.constant 0 : i32
    %dma_wait3A_611 = tpu.memref_slice %arg4[%dma_wait3A_599, %dma_wait3A_600, %add3A_595, %dma_wait3A_609, %dma_wait3A_610] : memref<50x4x128x8x128xf32, #tpu.memory_space<hbm>> -> memref<1x1x1x8x128xf32, #tpu.memory_space<hbm>>
    %dma_wait3A_612 = tpu.memref_squeeze %dma_wait3A_611 : memref<1x1x1x8x128xf32, #tpu.memory_space<hbm>> -> memref<8x128xf32, #tpu.memory_space<hbm>>
    %dma_wait3A_613 = arith.constant 0 : i32
    %dma_wait3A_614 = arith.constant 0 : i32
    %dma_wait3A_615 = tpu.memref_slice %arg7[%dma_wait3A_596, %dma_wait3A_597, %dma_wait3A_598, %dma_wait3A_613, %dma_wait3A_614] : memref<2x4x5x8x129xf32, #tpu.memory_space<vmem>> -> memref<1x1x1x8x128xf32, #tpu.memory_space<vmem>>
    %dma_wait3A_616 = tpu.memref_squeeze %dma_wait3A_615 : memref<1x1x1x8x128xf32, #tpu.memory_space<vmem>> -> memref<8x128xf32, #tpu.memory_space<vmem>>
    tpu.wait_dma2 semaphore(%arg11 : memref<!tpu.dma_semaphore, #tpu.memory_space<semaphore_mem>>) src(%dma_wait3A_616 : memref<8x128xf32, #tpu.memory_space<vmem>>) dst(%dma_wait3A_612 : memref<8x128xf32, #tpu.memory_space<hbm>>)
    %mul3A_617 = arith.constant 4 : i32
    %mul3A_618 = arith.muli %add3A, %mul3A_617 : i32
    %add3A_619 = arith.constant 0 : i32
    %add3A_620 = arith.addi %mul3A_618, %add3A_619 : i32
    %dma_wait3A_621 = arith.constant 1 : i32
    %dma_wait3A_622 = arith.constant 1 : i32
    %dma_wait3A_623 = arith.constant 0 : i32
    %dma_wait3A_624 = arith.constant 49 : i32
    %dma_wait3A_625 = arith.constant 1 : i32
    %dma_wait3A_626 = arith.constant 0 : i32
    %dma_wait3A_627 = arith.constant 0 : i32
    %dma_wait3A_628 = tpu.memref_slice %arg7[%dma_wait3A_621, %dma_wait3A_622, %dma_wait3A_623, %dma_wait3A_626, %dma_wait3A_627] : memref<2x4x5x8x129xf32, #tpu.memory_space<vmem>> -> memref<1x1x1x8x128xf32, #tpu.memory_space<vmem>>
    %dma_wait3A_629 = tpu.memref_squeeze %dma_wait3A_628 : memref<1x1x1x8x128xf32, #tpu.memory_space<vmem>> -> memref<8x128xf32, #tpu.memory_space<vmem>>
    %dma_wait3A_630 = arith.constant 0 : i32
    %dma_wait3A_631 = arith.constant 0 : i32
    %dma_wait3A_632 = tpu.memref_slice %arg4[%dma_wait3A_624, %dma_wait3A_625, %add3A_620, %dma_wait3A_630, %dma_wait3A_631] : memref<50x4x128x8x128xf32, #tpu.memory_space<hbm>> -> memref<1x1x1x8x128xf32, #tpu.memory_space<hbm>>
    %dma_wait3A_633 = tpu.memref_squeeze %dma_wait3A_632 : memref<1x1x1x8x128xf32, #tpu.memory_space<hbm>> -> memref<8x128xf32, #tpu.memory_space<hbm>>
    %dma_wait3A_634 = arith.constant 0 : i32
    %dma_wait3A_635 = arith.constant 0 : i32
    %dma_wait3A_636 = tpu.memref_slice %arg4[%dma_wait3A_624, %dma_wait3A_625, %add3A_620, %dma_wait3A_634, %dma_wait3A_635] : memref<50x4x128x8x128xf32, #tpu.memory_space<hbm>> -> memref<1x1x1x8x128xf32, #tpu.memory_space<hbm>>
    %dma_wait3A_637 = tpu.memref_squeeze %dma_wait3A_636 : memref<1x1x1x8x128xf32, #tpu.memory_space<hbm>> -> memref<8x128xf32, #tpu.memory_space<hbm>>
    %dma_wait3A_638 = arith.constant 0 : i32
    %dma_wait3A_639 = arith.constant 0 : i32
    %dma_wait3A_640 = tpu.memref_slice %arg7[%dma_wait3A_621, %dma_wait3A_622, %dma_wait3A_623, %dma_wait3A_638, %dma_wait3A_639] : memref<2x4x5x8x129xf32, #tpu.memory_space<vmem>> -> memref<1x1x1x8x128xf32, #tpu.memory_space<vmem>>
    %dma_wait3A_641 = tpu.memref_squeeze %dma_wait3A_640 : memref<1x1x1x8x128xf32, #tpu.memory_space<vmem>> -> memref<8x128xf32, #tpu.memory_space<vmem>>
    tpu.wait_dma2 semaphore(%arg11 : memref<!tpu.dma_semaphore, #tpu.memory_space<semaphore_mem>>) src(%dma_wait3A_641 : memref<8x128xf32, #tpu.memory_space<vmem>>) dst(%dma_wait3A_637 : memref<8x128xf32, #tpu.memory_space<hbm>>)
    %mul3A_642 = arith.constant 4 : i32
    %mul3A_643 = arith.muli %add3A, %mul3A_642 : i32
    %add3A_644 = arith.constant 1 : i32
    %add3A_645 = arith.addi %mul3A_643, %add3A_644 : i32
    %dma_wait3A_646 = arith.constant 1 : i32
    %dma_wait3A_647 = arith.constant 1 : i32
    %dma_wait3A_648 = arith.constant 1 : i32
    %dma_wait3A_649 = arith.constant 49 : i32
    %dma_wait3A_650 = arith.constant 1 : i32
    %dma_wait3A_651 = arith.constant 0 : i32
    %dma_wait3A_652 = arith.constant 0 : i32
    %dma_wait3A_653 = tpu.memref_slice %arg7[%dma_wait3A_646, %dma_wait3A_647, %dma_wait3A_648, %dma_wait3A_651, %dma_wait3A_652] : memref<2x4x5x8x129xf32, #tpu.memory_space<vmem>> -> memref<1x1x1x8x128xf32, #tpu.memory_space<vmem>>
    %dma_wait3A_654 = tpu.memref_squeeze %dma_wait3A_653 : memref<1x1x1x8x128xf32, #tpu.memory_space<vmem>> -> memref<8x128xf32, #tpu.memory_space<vmem>>
    %dma_wait3A_655 = arith.constant 0 : i32
    %dma_wait3A_656 = arith.constant 0 : i32
    %dma_wait3A_657 = tpu.memref_slice %arg4[%dma_wait3A_649, %dma_wait3A_650, %add3A_645, %dma_wait3A_655, %dma_wait3A_656] : memref<50x4x128x8x128xf32, #tpu.memory_space<hbm>> -> memref<1x1x1x8x128xf32, #tpu.memory_space<hbm>>
    %dma_wait3A_658 = tpu.memref_squeeze %dma_wait3A_657 : memref<1x1x1x8x128xf32, #tpu.memory_space<hbm>> -> memref<8x128xf32, #tpu.memory_space<hbm>>
    %dma_wait3A_659 = arith.constant 0 : i32
    %dma_wait3A_660 = arith.constant 0 : i32
    %dma_wait3A_661 = tpu.memref_slice %arg4[%dma_wait3A_649, %dma_wait3A_650, %add3A_645, %dma_wait3A_659, %dma_wait3A_660] : memref<50x4x128x8x128xf32, #tpu.memory_space<hbm>> -> memref<1x1x1x8x128xf32, #tpu.memory_space<hbm>>
    %dma_wait3A_662 = tpu.memref_squeeze %dma_wait3A_661 : memref<1x1x1x8x128xf32, #tpu.memory_space<hbm>> -> memref<8x128xf32, #tpu.memory_space<hbm>>
    %dma_wait3A_663 = arith.constant 0 : i32
    %dma_wait3A_664 = arith.constant 0 : i32
    %dma_wait3A_665 = tpu.memref_slice %arg7[%dma_wait3A_646, %dma_wait3A_647, %dma_wait3A_648, %dma_wait3A_663, %dma_wait3A_664] : memref<2x4x5x8x129xf32, #tpu.memory_space<vmem>> -> memref<1x1x1x8x128xf32, #tpu.memory_space<vmem>>
    %dma_wait3A_666 = tpu.memref_squeeze %dma_wait3A_665 : memref<1x1x1x8x128xf32, #tpu.memory_space<vmem>> -> memref<8x128xf32, #tpu.memory_space<vmem>>
    tpu.wait_dma2 semaphore(%arg11 : memref<!tpu.dma_semaphore, #tpu.memory_space<semaphore_mem>>) src(%dma_wait3A_666 : memref<8x128xf32, #tpu.memory_space<vmem>>) dst(%dma_wait3A_662 : memref<8x128xf32, #tpu.memory_space<hbm>>)
    %mul3A_667 = arith.constant 4 : i32
    %mul3A_668 = arith.muli %add3A, %mul3A_667 : i32
    %add3A_669 = arith.constant 2 : i32
    %add3A_670 = arith.addi %mul3A_668, %add3A_669 : i32
    %dma_wait3A_671 = arith.constant 1 : i32
    %dma_wait3A_672 = arith.constant 1 : i32
    %dma_wait3A_673 = arith.constant 2 : i32
    %dma_wait3A_674 = arith.constant 49 : i32
    %dma_wait3A_675 = arith.constant 1 : i32
    %dma_wait3A_676 = arith.constant 0 : i32
    %dma_wait3A_677 = arith.constant 0 : i32
    %dma_wait3A_678 = tpu.memref_slice %arg7[%dma_wait3A_671, %dma_wait3A_672, %dma_wait3A_673, %dma_wait3A_676, %dma_wait3A_677] : memref<2x4x5x8x129xf32, #tpu.memory_space<vmem>> -> memref<1x1x1x8x128xf32, #tpu.memory_space<vmem>>
    %dma_wait3A_679 = tpu.memref_squeeze %dma_wait3A_678 : memref<1x1x1x8x128xf32, #tpu.memory_space<vmem>> -> memref<8x128xf32, #tpu.memory_space<vmem>>
    %dma_wait3A_680 = arith.constant 0 : i32
    %dma_wait3A_681 = arith.constant 0 : i32
    %dma_wait3A_682 = tpu.memref_slice %arg4[%dma_wait3A_674, %dma_wait3A_675, %add3A_670, %dma_wait3A_680, %dma_wait3A_681] : memref<50x4x128x8x128xf32, #tpu.memory_space<hbm>> -> memref<1x1x1x8x128xf32, #tpu.memory_space<hbm>>
    %dma_wait3A_683 = tpu.memref_squeeze %dma_wait3A_682 : memref<1x1x1x8x128xf32, #tpu.memory_space<hbm>> -> memref<8x128xf32, #tpu.memory_space<hbm>>
    %dma_wait3A_684 = arith.constant 0 : i32
    %dma_wait3A_685 = arith.constant 0 : i32
    %dma_wait3A_686 = tpu.memref_slice %arg4[%dma_wait3A_674, %dma_wait3A_675, %add3A_670, %dma_wait3A_684, %dma_wait3A_685] : memref<50x4x128x8x128xf32, #tpu.memory_space<hbm>> -> memref<1x1x1x8x128xf32, #tpu.memory_space<hbm>>
    %dma_wait3A_687 = tpu.memref_squeeze %dma_wait3A_686 : memref<1x1x1x8x128xf32, #tpu.memory_space<hbm>> -> memref<8x128xf32, #tpu.memory_space<hbm>>
    %dma_wait3A_688 = arith.constant 0 : i32
    %dma_wait3A_689 = arith.constant 0 : i32
    %dma_wait3A_690 = tpu.memref_slice %arg7[%dma_wait3A_671, %dma_wait3A_672, %dma_wait3A_673, %dma_wait3A_688, %dma_wait3A_689] : memref<2x4x5x8x129xf32, #tpu.memory_space<vmem>> -> memref<1x1x1x8x128xf32, #tpu.memory_space<vmem>>
    %dma_wait3A_691 = tpu.memref_squeeze %dma_wait3A_690 : memref<1x1x1x8x128xf32, #tpu.memory_space<vmem>> -> memref<8x128xf32, #tpu.memory_space<vmem>>
    tpu.wait_dma2 semaphore(%arg11 : memref<!tpu.dma_semaphore, #tpu.memory_space<semaphore_mem>>) src(%dma_wait3A_691 : memref<8x128xf32, #tpu.memory_space<vmem>>) dst(%dma_wait3A_687 : memref<8x128xf32, #tpu.memory_space<hbm>>)
    %mul3A_692 = arith.constant 4 : i32
    %mul3A_693 = arith.muli %add3A, %mul3A_692 : i32
    %add3A_694 = arith.constant 3 : i32
    %add3A_695 = arith.addi %mul3A_693, %add3A_694 : i32
    %dma_wait3A_696 = arith.constant 1 : i32
    %dma_wait3A_697 = arith.constant 1 : i32
    %dma_wait3A_698 = arith.constant 3 : i32
    %dma_wait3A_699 = arith.constant 49 : i32
    %dma_wait3A_700 = arith.constant 1 : i32
    %dma_wait3A_701 = arith.constant 0 : i32
    %dma_wait3A_702 = arith.constant 0 : i32
    %dma_wait3A_703 = tpu.memref_slice %arg7[%dma_wait3A_696, %dma_wait3A_697, %dma_wait3A_698, %dma_wait3A_701, %dma_wait3A_702] : memref<2x4x5x8x129xf32, #tpu.memory_space<vmem>> -> memref<1x1x1x8x128xf32, #tpu.memory_space<vmem>>
    %dma_wait3A_704 = tpu.memref_squeeze %dma_wait3A_703 : memref<1x1x1x8x128xf32, #tpu.memory_space<vmem>> -> memref<8x128xf32, #tpu.memory_space<vmem>>
    %dma_wait3A_705 = arith.constant 0 : i32
    %dma_wait3A_706 = arith.constant 0 : i32
    %dma_wait3A_707 = tpu.memref_slice %arg4[%dma_wait3A_699, %dma_wait3A_700, %add3A_695, %dma_wait3A_705, %dma_wait3A_706] : memref<50x4x128x8x128xf32, #tpu.memory_space<hbm>> -> memref<1x1x1x8x128xf32, #tpu.memory_space<hbm>>
    %dma_wait3A_708 = tpu.memref_squeeze %dma_wait3A_707 : memref<1x1x1x8x128xf32, #tpu.memory_space<hbm>> -> memref<8x128xf32, #tpu.memory_space<hbm>>
    %dma_wait3A_709 = arith.constant 0 : i32
    %dma_wait3A_710 = arith.constant 0 : i32
    %dma_wait3A_711 = tpu.memref_slice %arg4[%dma_wait3A_699, %dma_wait3A_700, %add3A_695, %dma_wait3A_709, %dma_wait3A_710] : memref<50x4x128x8x128xf32, #tpu.memory_space<hbm>> -> memref<1x1x1x8x128xf32, #tpu.memory_space<hbm>>
    %dma_wait3A_712 = tpu.memref_squeeze %dma_wait3A_711 : memref<1x1x1x8x128xf32, #tpu.memory_space<hbm>> -> memref<8x128xf32, #tpu.memory_space<hbm>>
    %dma_wait3A_713 = arith.constant 0 : i32
    %dma_wait3A_714 = arith.constant 0 : i32
    %dma_wait3A_715 = tpu.memref_slice %arg7[%dma_wait3A_696, %dma_wait3A_697, %dma_wait3A_698, %dma_wait3A_713, %dma_wait3A_714] : memref<2x4x5x8x129xf32, #tpu.memory_space<vmem>> -> memref<1x1x1x8x128xf32, #tpu.memory_space<vmem>>
    %dma_wait3A_716 = tpu.memref_squeeze %dma_wait3A_715 : memref<1x1x1x8x128xf32, #tpu.memory_space<vmem>> -> memref<8x128xf32, #tpu.memory_space<vmem>>
    tpu.wait_dma2 semaphore(%arg11 : memref<!tpu.dma_semaphore, #tpu.memory_space<semaphore_mem>>) src(%dma_wait3A_716 : memref<8x128xf32, #tpu.memory_space<vmem>>) dst(%dma_wait3A_712 : memref<8x128xf32, #tpu.memory_space<hbm>>)
    %mul3A_717 = arith.constant 4 : i32
    %mul3A_718 = arith.muli %add3A, %mul3A_717 : i32
    %add3A_719 = arith.constant 0 : i32
    %add3A_720 = arith.addi %mul3A_718, %add3A_719 : i32
    %dma_wait3A_721 = arith.constant 1 : i32
    %dma_wait3A_722 = arith.constant 2 : i32
    %dma_wait3A_723 = arith.constant 0 : i32
    %dma_wait3A_724 = arith.constant 49 : i32
    %dma_wait3A_725 = arith.constant 2 : i32
    %dma_wait3A_726 = arith.constant 0 : i32
    %dma_wait3A_727 = arith.constant 0 : i32
    %dma_wait3A_728 = tpu.memref_slice %arg7[%dma_wait3A_721, %dma_wait3A_722, %dma_wait3A_723, %dma_wait3A_726, %dma_wait3A_727] : memref<2x4x5x8x129xf32, #tpu.memory_space<vmem>> -> memref<1x1x1x8x128xf32, #tpu.memory_space<vmem>>
    %dma_wait3A_729 = tpu.memref_squeeze %dma_wait3A_728 : memref<1x1x1x8x128xf32, #tpu.memory_space<vmem>> -> memref<8x128xf32, #tpu.memory_space<vmem>>
    %dma_wait3A_730 = arith.constant 0 : i32
    %dma_wait3A_731 = arith.constant 0 : i32
    %dma_wait3A_732 = tpu.memref_slice %arg4[%dma_wait3A_724, %dma_wait3A_725, %add3A_720, %dma_wait3A_730, %dma_wait3A_731] : memref<50x4x128x8x128xf32, #tpu.memory_space<hbm>> -> memref<1x1x1x8x128xf32, #tpu.memory_space<hbm>>
    %dma_wait3A_733 = tpu.memref_squeeze %dma_wait3A_732 : memref<1x1x1x8x128xf32, #tpu.memory_space<hbm>> -> memref<8x128xf32, #tpu.memory_space<hbm>>
    %dma_wait3A_734 = arith.constant 0 : i32
    %dma_wait3A_735 = arith.constant 0 : i32
    %dma_wait3A_736 = tpu.memref_slice %arg4[%dma_wait3A_724, %dma_wait3A_725, %add3A_720, %dma_wait3A_734, %dma_wait3A_735] : memref<50x4x128x8x128xf32, #tpu.memory_space<hbm>> -> memref<1x1x1x8x128xf32, #tpu.memory_space<hbm>>
    %dma_wait3A_737 = tpu.memref_squeeze %dma_wait3A_736 : memref<1x1x1x8x128xf32, #tpu.memory_space<hbm>> -> memref<8x128xf32, #tpu.memory_space<hbm>>
    %dma_wait3A_738 = arith.constant 0 : i32
    %dma_wait3A_739 = arith.constant 0 : i32
    %dma_wait3A_740 = tpu.memref_slice %arg7[%dma_wait3A_721, %dma_wait3A_722, %dma_wait3A_723, %dma_wait3A_738, %dma_wait3A_739] : memref<2x4x5x8x129xf32, #tpu.memory_space<vmem>> -> memref<1x1x1x8x128xf32, #tpu.memory_space<vmem>>
    %dma_wait3A_741 = tpu.memref_squeeze %dma_wait3A_740 : memref<1x1x1x8x128xf32, #tpu.memory_space<vmem>> -> memref<8x128xf32, #tpu.memory_space<vmem>>
    tpu.wait_dma2 semaphore(%arg11 : memref<!tpu.dma_semaphore, #tpu.memory_space<semaphore_mem>>) src(%dma_wait3A_741 : memref<8x128xf32, #tpu.memory_space<vmem>>) dst(%dma_wait3A_737 : memref<8x128xf32, #tpu.memory_space<hbm>>)
    %mul3A_742 = arith.constant 4 : i32
    %mul3A_743 = arith.muli %add3A, %mul3A_742 : i32
    %add3A_744 = arith.constant 1 : i32
    %add3A_745 = arith.addi %mul3A_743, %add3A_744 : i32
    %dma_wait3A_746 = arith.constant 1 : i32
    %dma_wait3A_747 = arith.constant 2 : i32
    %dma_wait3A_748 = arith.constant 1 : i32
    %dma_wait3A_749 = arith.constant 49 : i32
    %dma_wait3A_750 = arith.constant 2 : i32
    %dma_wait3A_751 = arith.constant 0 : i32
    %dma_wait3A_752 = arith.constant 0 : i32
    %dma_wait3A_753 = tpu.memref_slice %arg7[%dma_wait3A_746, %dma_wait3A_747, %dma_wait3A_748, %dma_wait3A_751, %dma_wait3A_752] : memref<2x4x5x8x129xf32, #tpu.memory_space<vmem>> -> memref<1x1x1x8x128xf32, #tpu.memory_space<vmem>>
    %dma_wait3A_754 = tpu.memref_squeeze %dma_wait3A_753 : memref<1x1x1x8x128xf32, #tpu.memory_space<vmem>> -> memref<8x128xf32, #tpu.memory_space<vmem>>
    %dma_wait3A_755 = arith.constant 0 : i32
    %dma_wait3A_756 = arith.constant 0 : i32
    %dma_wait3A_757 = tpu.memref_slice %arg4[%dma_wait3A_749, %dma_wait3A_750, %add3A_745, %dma_wait3A_755, %dma_wait3A_756] : memref<50x4x128x8x128xf32, #tpu.memory_space<hbm>> -> memref<1x1x1x8x128xf32, #tpu.memory_space<hbm>>
    %dma_wait3A_758 = tpu.memref_squeeze %dma_wait3A_757 : memref<1x1x1x8x128xf32, #tpu.memory_space<hbm>> -> memref<8x128xf32, #tpu.memory_space<hbm>>
    %dma_wait3A_759 = arith.constant 0 : i32
    %dma_wait3A_760 = arith.constant 0 : i32
    %dma_wait3A_761 = tpu.memref_slice %arg4[%dma_wait3A_749, %dma_wait3A_750, %add3A_745, %dma_wait3A_759, %dma_wait3A_760] : memref<50x4x128x8x128xf32, #tpu.memory_space<hbm>> -> memref<1x1x1x8x128xf32, #tpu.memory_space<hbm>>
    %dma_wait3A_762 = tpu.memref_squeeze %dma_wait3A_761 : memref<1x1x1x8x128xf32, #tpu.memory_space<hbm>> -> memref<8x128xf32, #tpu.memory_space<hbm>>
    %dma_wait3A_763 = arith.constant 0 : i32
    %dma_wait3A_764 = arith.constant 0 : i32
    %dma_wait3A_765 = tpu.memref_slice %arg7[%dma_wait3A_746, %dma_wait3A_747, %dma_wait3A_748, %dma_wait3A_763, %dma_wait3A_764] : memref<2x4x5x8x129xf32, #tpu.memory_space<vmem>> -> memref<1x1x1x8x128xf32, #tpu.memory_space<vmem>>
    %dma_wait3A_766 = tpu.memref_squeeze %dma_wait3A_765 : memref<1x1x1x8x128xf32, #tpu.memory_space<vmem>> -> memref<8x128xf32, #tpu.memory_space<vmem>>
    tpu.wait_dma2 semaphore(%arg11 : memref<!tpu.dma_semaphore, #tpu.memory_space<semaphore_mem>>) src(%dma_wait3A_766 : memref<8x128xf32, #tpu.memory_space<vmem>>) dst(%dma_wait3A_762 : memref<8x128xf32, #tpu.memory_space<hbm>>)
    %mul3A_767 = arith.constant 4 : i32
    %mul3A_768 = arith.muli %add3A, %mul3A_767 : i32
    %add3A_769 = arith.constant 2 : i32
    %add3A_770 = arith.addi %mul3A_768, %add3A_769 : i32
    %dma_wait3A_771 = arith.constant 1 : i32
    %dma_wait3A_772 = arith.constant 2 : i32
    %dma_wait3A_773 = arith.constant 2 : i32
    %dma_wait3A_774 = arith.constant 49 : i32
    %dma_wait3A_775 = arith.constant 2 : i32
    %dma_wait3A_776 = arith.constant 0 : i32
    %dma_wait3A_777 = arith.constant 0 : i32
    %dma_wait3A_778 = tpu.memref_slice %arg7[%dma_wait3A_771, %dma_wait3A_772, %dma_wait3A_773, %dma_wait3A_776, %dma_wait3A_777] : memref<2x4x5x8x129xf32, #tpu.memory_space<vmem>> -> memref<1x1x1x8x128xf32, #tpu.memory_space<vmem>>
    %dma_wait3A_779 = tpu.memref_squeeze %dma_wait3A_778 : memref<1x1x1x8x128xf32, #tpu.memory_space<vmem>> -> memref<8x128xf32, #tpu.memory_space<vmem>>
    %dma_wait3A_780 = arith.constant 0 : i32
    %dma_wait3A_781 = arith.constant 0 : i32
    %dma_wait3A_782 = tpu.memref_slice %arg4[%dma_wait3A_774, %dma_wait3A_775, %add3A_770, %dma_wait3A_780, %dma_wait3A_781] : memref<50x4x128x8x128xf32, #tpu.memory_space<hbm>> -> memref<1x1x1x8x128xf32, #tpu.memory_space<hbm>>
    %dma_wait3A_783 = tpu.memref_squeeze %dma_wait3A_782 : memref<1x1x1x8x128xf32, #tpu.memory_space<hbm>> -> memref<8x128xf32, #tpu.memory_space<hbm>>
    %dma_wait3A_784 = arith.constant 0 : i32
    %dma_wait3A_785 = arith.constant 0 : i32
    %dma_wait3A_786 = tpu.memref_slice %arg4[%dma_wait3A_774, %dma_wait3A_775, %add3A_770, %dma_wait3A_784, %dma_wait3A_785] : memref<50x4x128x8x128xf32, #tpu.memory_space<hbm>> -> memref<1x1x1x8x128xf32, #tpu.memory_space<hbm>>
    %dma_wait3A_787 = tpu.memref_squeeze %dma_wait3A_786 : memref<1x1x1x8x128xf32, #tpu.memory_space<hbm>> -> memref<8x128xf32, #tpu.memory_space<hbm>>
    %dma_wait3A_788 = arith.constant 0 : i32
    %dma_wait3A_789 = arith.constant 0 : i32
    %dma_wait3A_790 = tpu.memref_slice %arg7[%dma_wait3A_771, %dma_wait3A_772, %dma_wait3A_773, %dma_wait3A_788, %dma_wait3A_789] : memref<2x4x5x8x129xf32, #tpu.memory_space<vmem>> -> memref<1x1x1x8x128xf32, #tpu.memory_space<vmem>>
    %dma_wait3A_791 = tpu.memref_squeeze %dma_wait3A_790 : memref<1x1x1x8x128xf32, #tpu.memory_space<vmem>> -> memref<8x128xf32, #tpu.memory_space<vmem>>
    tpu.wait_dma2 semaphore(%arg11 : memref<!tpu.dma_semaphore, #tpu.memory_space<semaphore_mem>>) src(%dma_wait3A_791 : memref<8x128xf32, #tpu.memory_space<vmem>>) dst(%dma_wait3A_787 : memref<8x128xf32, #tpu.memory_space<hbm>>)
    %mul3A_792 = arith.constant 4 : i32
    %mul3A_793 = arith.muli %add3A, %mul3A_792 : i32
    %add3A_794 = arith.constant 3 : i32
    %add3A_795 = arith.addi %mul3A_793, %add3A_794 : i32
    %dma_wait3A_796 = arith.constant 1 : i32
    %dma_wait3A_797 = arith.constant 2 : i32
    %dma_wait3A_798 = arith.constant 3 : i32
    %dma_wait3A_799 = arith.constant 49 : i32
    %dma_wait3A_800 = arith.constant 2 : i32
    %dma_wait3A_801 = arith.constant 0 : i32
    %dma_wait3A_802 = arith.constant 0 : i32
    %dma_wait3A_803 = tpu.memref_slice %arg7[%dma_wait3A_796, %dma_wait3A_797, %dma_wait3A_798, %dma_wait3A_801, %dma_wait3A_802] : memref<2x4x5x8x129xf32, #tpu.memory_space<vmem>> -> memref<1x1x1x8x128xf32, #tpu.memory_space<vmem>>
    %dma_wait3A_804 = tpu.memref_squeeze %dma_wait3A_803 : memref<1x1x1x8x128xf32, #tpu.memory_space<vmem>> -> memref<8x128xf32, #tpu.memory_space<vmem>>
    %dma_wait3A_805 = arith.constant 0 : i32
    %dma_wait3A_806 = arith.constant 0 : i32
    %dma_wait3A_807 = tpu.memref_slice %arg4[%dma_wait3A_799, %dma_wait3A_800, %add3A_795, %dma_wait3A_805, %dma_wait3A_806] : memref<50x4x128x8x128xf32, #tpu.memory_space<hbm>> -> memref<1x1x1x8x128xf32, #tpu.memory_space<hbm>>
    %dma_wait3A_808 = tpu.memref_squeeze %dma_wait3A_807 : memref<1x1x1x8x128xf32, #tpu.memory_space<hbm>> -> memref<8x128xf32, #tpu.memory_space<hbm>>
    %dma_wait3A_809 = arith.constant 0 : i32
    %dma_wait3A_810 = arith.constant 0 : i32
    %dma_wait3A_811 = tpu.memref_slice %arg4[%dma_wait3A_799, %dma_wait3A_800, %add3A_795, %dma_wait3A_809, %dma_wait3A_810] : memref<50x4x128x8x128xf32, #tpu.memory_space<hbm>> -> memref<1x1x1x8x128xf32, #tpu.memory_space<hbm>>
    %dma_wait3A_812 = tpu.memref_squeeze %dma_wait3A_811 : memref<1x1x1x8x128xf32, #tpu.memory_space<hbm>> -> memref<8x128xf32, #tpu.memory_space<hbm>>
    %dma_wait3A_813 = arith.constant 0 : i32
    %dma_wait3A_814 = arith.constant 0 : i32
    %dma_wait3A_815 = tpu.memref_slice %arg7[%dma_wait3A_796, %dma_wait3A_797, %dma_wait3A_798, %dma_wait3A_813, %dma_wait3A_814] : memref<2x4x5x8x129xf32, #tpu.memory_space<vmem>> -> memref<1x1x1x8x128xf32, #tpu.memory_space<vmem>>
    %dma_wait3A_816 = tpu.memref_squeeze %dma_wait3A_815 : memref<1x1x1x8x128xf32, #tpu.memory_space<vmem>> -> memref<8x128xf32, #tpu.memory_space<vmem>>
    tpu.wait_dma2 semaphore(%arg11 : memref<!tpu.dma_semaphore, #tpu.memory_space<semaphore_mem>>) src(%dma_wait3A_816 : memref<8x128xf32, #tpu.memory_space<vmem>>) dst(%dma_wait3A_812 : memref<8x128xf32, #tpu.memory_space<hbm>>)
    %mul3A_817 = arith.constant 4 : i32
    %mul3A_818 = arith.muli %add3A, %mul3A_817 : i32
    %add3A_819 = arith.constant 0 : i32
    %add3A_820 = arith.addi %mul3A_818, %add3A_819 : i32
    %dma_wait3A_821 = arith.constant 1 : i32
    %dma_wait3A_822 = arith.constant 3 : i32
    %dma_wait3A_823 = arith.constant 0 : i32
    %dma_wait3A_824 = arith.constant 49 : i32
    %dma_wait3A_825 = arith.constant 3 : i32
    %dma_wait3A_826 = arith.constant 0 : i32
    %dma_wait3A_827 = arith.constant 0 : i32
    %dma_wait3A_828 = tpu.memref_slice %arg7[%dma_wait3A_821, %dma_wait3A_822, %dma_wait3A_823, %dma_wait3A_826, %dma_wait3A_827] : memref<2x4x5x8x129xf32, #tpu.memory_space<vmem>> -> memref<1x1x1x8x128xf32, #tpu.memory_space<vmem>>
    %dma_wait3A_829 = tpu.memref_squeeze %dma_wait3A_828 : memref<1x1x1x8x128xf32, #tpu.memory_space<vmem>> -> memref<8x128xf32, #tpu.memory_space<vmem>>
    %dma_wait3A_830 = arith.constant 0 : i32
    %dma_wait3A_831 = arith.constant 0 : i32
    %dma_wait3A_832 = tpu.memref_slice %arg4[%dma_wait3A_824, %dma_wait3A_825, %add3A_820, %dma_wait3A_830, %dma_wait3A_831] : memref<50x4x128x8x128xf32, #tpu.memory_space<hbm>> -> memref<1x1x1x8x128xf32, #tpu.memory_space<hbm>>
    %dma_wait3A_833 = tpu.memref_squeeze %dma_wait3A_832 : memref<1x1x1x8x128xf32, #tpu.memory_space<hbm>> -> memref<8x128xf32, #tpu.memory_space<hbm>>
    %dma_wait3A_834 = arith.constant 0 : i32
    %dma_wait3A_835 = arith.constant 0 : i32
    %dma_wait3A_836 = tpu.memref_slice %arg4[%dma_wait3A_824, %dma_wait3A_825, %add3A_820, %dma_wait3A_834, %dma_wait3A_835] : memref<50x4x128x8x128xf32, #tpu.memory_space<hbm>> -> memref<1x1x1x8x128xf32, #tpu.memory_space<hbm>>
    %dma_wait3A_837 = tpu.memref_squeeze %dma_wait3A_836 : memref<1x1x1x8x128xf32, #tpu.memory_space<hbm>> -> memref<8x128xf32, #tpu.memory_space<hbm>>
    %dma_wait3A_838 = arith.constant 0 : i32
    %dma_wait3A_839 = arith.constant 0 : i32
    %dma_wait3A_840 = tpu.memref_slice %arg7[%dma_wait3A_821, %dma_wait3A_822, %dma_wait3A_823, %dma_wait3A_838, %dma_wait3A_839] : memref<2x4x5x8x129xf32, #tpu.memory_space<vmem>> -> memref<1x1x1x8x128xf32, #tpu.memory_space<vmem>>
    %dma_wait3A_841 = tpu.memref_squeeze %dma_wait3A_840 : memref<1x1x1x8x128xf32, #tpu.memory_space<vmem>> -> memref<8x128xf32, #tpu.memory_space<vmem>>
    tpu.wait_dma2 semaphore(%arg11 : memref<!tpu.dma_semaphore, #tpu.memory_space<semaphore_mem>>) src(%dma_wait3A_841 : memref<8x128xf32, #tpu.memory_space<vmem>>) dst(%dma_wait3A_837 : memref<8x128xf32, #tpu.memory_space<hbm>>)
    %mul3A_842 = arith.constant 4 : i32
    %mul3A_843 = arith.muli %add3A, %mul3A_842 : i32
    %add3A_844 = arith.constant 1 : i32
    %add3A_845 = arith.addi %mul3A_843, %add3A_844 : i32
    %dma_wait3A_846 = arith.constant 1 : i32
    %dma_wait3A_847 = arith.constant 3 : i32
    %dma_wait3A_848 = arith.constant 1 : i32
    %dma_wait3A_849 = arith.constant 49 : i32
    %dma_wait3A_850 = arith.constant 3 : i32
    %dma_wait3A_851 = arith.constant 0 : i32
    %dma_wait3A_852 = arith.constant 0 : i32
    %dma_wait3A_853 = tpu.memref_slice %arg7[%dma_wait3A_846, %dma_wait3A_847, %dma_wait3A_848, %dma_wait3A_851, %dma_wait3A_852] : memref<2x4x5x8x129xf32, #tpu.memory_space<vmem>> -> memref<1x1x1x8x128xf32, #tpu.memory_space<vmem>>
    %dma_wait3A_854 = tpu.memref_squeeze %dma_wait3A_853 : memref<1x1x1x8x128xf32, #tpu.memory_space<vmem>> -> memref<8x128xf32, #tpu.memory_space<vmem>>
    %dma_wait3A_855 = arith.constant 0 : i32
    %dma_wait3A_856 = arith.constant 0 : i32
    %dma_wait3A_857 = tpu.memref_slice %arg4[%dma_wait3A_849, %dma_wait3A_850, %add3A_845, %dma_wait3A_855, %dma_wait3A_856] : memref<50x4x128x8x128xf32, #tpu.memory_space<hbm>> -> memref<1x1x1x8x128xf32, #tpu.memory_space<hbm>>
    %dma_wait3A_858 = tpu.memref_squeeze %dma_wait3A_857 : memref<1x1x1x8x128xf32, #tpu.memory_space<hbm>> -> memref<8x128xf32, #tpu.memory_space<hbm>>
    %dma_wait3A_859 = arith.constant 0 : i32
    %dma_wait3A_860 = arith.constant 0 : i32
    %dma_wait3A_861 = tpu.memref_slice %arg4[%dma_wait3A_849, %dma_wait3A_850, %add3A_845, %dma_wait3A_859, %dma_wait3A_860] : memref<50x4x128x8x128xf32, #tpu.memory_space<hbm>> -> memref<1x1x1x8x128xf32, #tpu.memory_space<hbm>>
    %dma_wait3A_862 = tpu.memref_squeeze %dma_wait3A_861 : memref<1x1x1x8x128xf32, #tpu.memory_space<hbm>> -> memref<8x128xf32, #tpu.memory_space<hbm>>
    %dma_wait3A_863 = arith.constant 0 : i32
    %dma_wait3A_864 = arith.constant 0 : i32
    %dma_wait3A_865 = tpu.memref_slice %arg7[%dma_wait3A_846, %dma_wait3A_847, %dma_wait3A_848, %dma_wait3A_863, %dma_wait3A_864] : memref<2x4x5x8x129xf32, #tpu.memory_space<vmem>> -> memref<1x1x1x8x128xf32, #tpu.memory_space<vmem>>
    %dma_wait3A_866 = tpu.memref_squeeze %dma_wait3A_865 : memref<1x1x1x8x128xf32, #tpu.memory_space<vmem>> -> memref<8x128xf32, #tpu.memory_space<vmem>>
    tpu.wait_dma2 semaphore(%arg11 : memref<!tpu.dma_semaphore, #tpu.memory_space<semaphore_mem>>) src(%dma_wait3A_866 : memref<8x128xf32, #tpu.memory_space<vmem>>) dst(%dma_wait3A_862 : memref<8x128xf32, #tpu.memory_space<hbm>>)
    %mul3A_867 = arith.constant 4 : i32
    %mul3A_868 = arith.muli %add3A, %mul3A_867 : i32
    %add3A_869 = arith.constant 2 : i32
    %add3A_870 = arith.addi %mul3A_868, %add3A_869 : i32
    %dma_wait3A_871 = arith.constant 1 : i32
    %dma_wait3A_872 = arith.constant 3 : i32
    %dma_wait3A_873 = arith.constant 2 : i32
    %dma_wait3A_874 = arith.constant 49 : i32
    %dma_wait3A_875 = arith.constant 3 : i32
    %dma_wait3A_876 = arith.constant 0 : i32
    %dma_wait3A_877 = arith.constant 0 : i32
    %dma_wait3A_878 = tpu.memref_slice %arg7[%dma_wait3A_871, %dma_wait3A_872, %dma_wait3A_873, %dma_wait3A_876, %dma_wait3A_877] : memref<2x4x5x8x129xf32, #tpu.memory_space<vmem>> -> memref<1x1x1x8x128xf32, #tpu.memory_space<vmem>>
    %dma_wait3A_879 = tpu.memref_squeeze %dma_wait3A_878 : memref<1x1x1x8x128xf32, #tpu.memory_space<vmem>> -> memref<8x128xf32, #tpu.memory_space<vmem>>
    %dma_wait3A_880 = arith.constant 0 : i32
    %dma_wait3A_881 = arith.constant 0 : i32
    %dma_wait3A_882 = tpu.memref_slice %arg4[%dma_wait3A_874, %dma_wait3A_875, %add3A_870, %dma_wait3A_880, %dma_wait3A_881] : memref<50x4x128x8x128xf32, #tpu.memory_space<hbm>> -> memref<1x1x1x8x128xf32, #tpu.memory_space<hbm>>
    %dma_wait3A_883 = tpu.memref_squeeze %dma_wait3A_882 : memref<1x1x1x8x128xf32, #tpu.memory_space<hbm>> -> memref<8x128xf32, #tpu.memory_space<hbm>>
    %dma_wait3A_884 = arith.constant 0 : i32
    %dma_wait3A_885 = arith.constant 0 : i32
    %dma_wait3A_886 = tpu.memref_slice %arg4[%dma_wait3A_874, %dma_wait3A_875, %add3A_870, %dma_wait3A_884, %dma_wait3A_885] : memref<50x4x128x8x128xf32, #tpu.memory_space<hbm>> -> memref<1x1x1x8x128xf32, #tpu.memory_space<hbm>>
    %dma_wait3A_887 = tpu.memref_squeeze %dma_wait3A_886 : memref<1x1x1x8x128xf32, #tpu.memory_space<hbm>> -> memref<8x128xf32, #tpu.memory_space<hbm>>
    %dma_wait3A_888 = arith.constant 0 : i32
    %dma_wait3A_889 = arith.constant 0 : i32
    %dma_wait3A_890 = tpu.memref_slice %arg7[%dma_wait3A_871, %dma_wait3A_872, %dma_wait3A_873, %dma_wait3A_888, %dma_wait3A_889] : memref<2x4x5x8x129xf32, #tpu.memory_space<vmem>> -> memref<1x1x1x8x128xf32, #tpu.memory_space<vmem>>
    %dma_wait3A_891 = tpu.memref_squeeze %dma_wait3A_890 : memref<1x1x1x8x128xf32, #tpu.memory_space<vmem>> -> memref<8x128xf32, #tpu.memory_space<vmem>>
    tpu.wait_dma2 semaphore(%arg11 : memref<!tpu.dma_semaphore, #tpu.memory_space<semaphore_mem>>) src(%dma_wait3A_891 : memref<8x128xf32, #tpu.memory_space<vmem>>) dst(%dma_wait3A_887 : memref<8x128xf32, #tpu.memory_space<hbm>>)
    %mul3A_892 = arith.constant 4 : i32
    %mul3A_893 = arith.muli %add3A, %mul3A_892 : i32
    %add3A_894 = arith.constant 3 : i32
    %add3A_895 = arith.addi %mul3A_893, %add3A_894 : i32
    %dma_wait3A_896 = arith.constant 1 : i32
    %dma_wait3A_897 = arith.constant 3 : i32
    %dma_wait3A_898 = arith.constant 3 : i32
    %dma_wait3A_899 = arith.constant 49 : i32
    %dma_wait3A_900 = arith.constant 3 : i32
    %dma_wait3A_901 = arith.constant 0 : i32
    %dma_wait3A_902 = arith.constant 0 : i32
    %dma_wait3A_903 = tpu.memref_slice %arg7[%dma_wait3A_896, %dma_wait3A_897, %dma_wait3A_898, %dma_wait3A_901, %dma_wait3A_902] : memref<2x4x5x8x129xf32, #tpu.memory_space<vmem>> -> memref<1x1x1x8x128xf32, #tpu.memory_space<vmem>>
    %dma_wait3A_904 = tpu.memref_squeeze %dma_wait3A_903 : memref<1x1x1x8x128xf32, #tpu.memory_space<vmem>> -> memref<8x128xf32, #tpu.memory_space<vmem>>
    %dma_wait3A_905 = arith.constant 0 : i32
    %dma_wait3A_906 = arith.constant 0 : i32
    %dma_wait3A_907 = tpu.memref_slice %arg4[%dma_wait3A_899, %dma_wait3A_900, %add3A_895, %dma_wait3A_905, %dma_wait3A_906] : memref<50x4x128x8x128xf32, #tpu.memory_space<hbm>> -> memref<1x1x1x8x128xf32, #tpu.memory_space<hbm>>
    %dma_wait3A_908 = tpu.memref_squeeze %dma_wait3A_907 : memref<1x1x1x8x128xf32, #tpu.memory_space<hbm>> -> memref<8x128xf32, #tpu.memory_space<hbm>>
    %dma_wait3A_909 = arith.constant 0 : i32
    %dma_wait3A_910 = arith.constant 0 : i32
    %dma_wait3A_911 = tpu.memref_slice %arg4[%dma_wait3A_899, %dma_wait3A_900, %add3A_895, %dma_wait3A_909, %dma_wait3A_910] : memref<50x4x128x8x128xf32, #tpu.memory_space<hbm>> -> memref<1x1x1x8x128xf32, #tpu.memory_space<hbm>>
    %dma_wait3A_912 = tpu.memref_squeeze %dma_wait3A_911 : memref<1x1x1x8x128xf32, #tpu.memory_space<hbm>> -> memref<8x128xf32, #tpu.memory_space<hbm>>
    %dma_wait3A_913 = arith.constant 0 : i32
    %dma_wait3A_914 = arith.constant 0 : i32
    %dma_wait3A_915 = tpu.memref_slice %arg7[%dma_wait3A_896, %dma_wait3A_897, %dma_wait3A_898, %dma_wait3A_913, %dma_wait3A_914] : memref<2x4x5x8x129xf32, #tpu.memory_space<vmem>> -> memref<1x1x1x8x128xf32, #tpu.memory_space<vmem>>
    %dma_wait3A_916 = tpu.memref_squeeze %dma_wait3A_915 : memref<1x1x1x8x128xf32, #tpu.memory_space<vmem>> -> memref<8x128xf32, #tpu.memory_space<vmem>>
    tpu.wait_dma2 semaphore(%arg11 : memref<!tpu.dma_semaphore, #tpu.memory_space<semaphore_mem>>) src(%dma_wait3A_916 : memref<8x128xf32, #tpu.memory_space<vmem>>) dst(%dma_wait3A_912 : memref<8x128xf32, #tpu.memory_space<hbm>>)
    return
  }
}

</mosaic_0001>

<sc_bundles>
// kernel: kernel.3.cloned.1.call-start
scs
__scs_entry_jumppad:
0x0: {  	(pc) =	sbr.rel $0x88, $3  }
0x1: {  	(tag) =	ssettag $0x0;
	lr =	simm.s32 $0x1  }
0x2: {  	[smem:$0x3F9F] =	sst lr;
	_ =	strace $0xD0000000  }
0x3: {  	_ = 	snop  }
0x4: {  	_ = 	snop  }
0x5: {  	_ = 	snop  }
0x6: {  	_ = 	snop  }
0x7: {  	_ = 	snop  }
__scs_overlays_trampoline_lowered:
0x8: {  	[smem:$0x3FAE] =	sst s0  }
0x9: {  	[smem:$0x3FAF] =	sst s1  }
0xa: {  	[smem:$0x3FB0] =	sst s2  }
0xb: {  	[smem:$0x3FB1] =	sst s3  }
0xc: {  	[smem:$0x3FB2] =	sst s4  }
0xd: {  	[smem:$0x3FB3] =	sst s5  }
0xe: {  	[smem:$0x3FB4] =	sst s6  }
0xf: {  	[smem:$0x3FB5] =	sst s7  }
0x10: {  	[smem:$0x3FB6] =	sst s8  }
0x11: {  	[smem:$0x3FB7] =	sst s9;
	s0 =	simm.s32 @!p0 $0x0  }
0x12: {  	s1 =	sld [smem:$0x3F9D];
	s0 =	simm.s32 @p0 $0x1  }
0x13: {  	[smem:$0x3FB8] =	sst s0;
	s0 =	simm.s32 @!p1 $0x0  }
0x14: {  	s2 =	sld [smem:$0x3F9C];
	s0 =	simm.s32 @p1 $0x1  }
0x15: {  	[smem:$0x3FB9] =	sst s0;
	s0 =	simm.s32 @!p2 $0x0  }
0x16: {  	s3 =	sld [smem:$0x3FDB];
	s0 =	simm.s32 @p2 $0x1  }
0x17: {  	s4 =	simm.s32 $0x1BF5;
	[smem:$0x3FBB] =	sst s0  }
0x18: {  	s0 =	sld [smem:$0x3F9E];
	_ =	swait.ge [sflag:s4], $0x0  }
0x19: {  	s7 =	sld [smem:$0x3F9F]  }
0x1a: {  	s8 =	sadd.s32 $0xFFFFE003, lr  }
0x1b: {  	s9 =	sadd.s32 $0xFFFFFEF7, lr;
	s5 =	simm.s32 $0xFFFFFFFF;
	p2 =	slt.u32 s8, $0xFFFFF086  }
0x1c: {  	p1 =	slt.u32 s9, $0xF7A;
	s5 =	simm.s32 @!p2 $0x0  }
0x1d: {  	s5 =	simm.s32 @p1 $0x1;
	p0 =	seq.s32 s7, s2  }
0x1e: {  	s7 =	smul.u32 @!p0 $0xF7A, s2;
	p2 =	seq.s32 @!p0 s5, $0x0  }
0x1f: {  	s9 =	smul.u32 $0xF7A, s1;
	s8 =	simm.s32 @!p0 $0x1BF5;
	p2 =	por !p2, p0  }
0x20: {  	[sflag:s8] =	ssyncset.s32 @!p0 $0xFFFFF086;
	s6 =	sadd.s32 @!p0 s3, s7;
	s7 =	simm.s32 @!p0 $0x108  }
0x21: {  	s3 =	sadd.s32 s3, s9;
	s6 =	sadd.s32 @!p0 $0x88, s6;
	s7 =	simm.s32 @p2 $0x1082  }
0x22: {  	[simem:s7], [sflag:s8] =	dma.local @!p0 [hbm:s6], $0xF7A  }
0x23: {  	s9 =	sor.u32 $0xD0000000, s2;
	s6 =	simm.s32 $0x108;
	_ =	swait.ge @!p0 [sflag:s8], $0x0  }
0x24: {  	s3 =	sadd.s32 $0x88, s3;
	s6 =	simm.s32 @!p1 $0x1082;
	[sflag:s4] =	ssyncset.s32 $0xFFFFF086  }
0x25: {  	[simem:s6], [sflag:s4] =	dma.local [hbm:s3], $0xF7A  }
0x26: {  	[smem:$0x3F9F] =	sst s1;
	(tag) =	ssettag s2;
	_ =	strace s9  }
0x27: {  	s1 =	sld [smem:$0x3FAF]  }
0x28: {  	s2 =	sld [smem:$0x3FB0]  }
0x29: {  	s4 =	sld [smem:$0x3FB2]  }
0x2a: {  	p0 =	seq.s32 s5, $0x0;
	s5 =	sld [smem:$0x3FB3]  }
0x2b: {  	s6 =	sld [smem:$0x3FB4]  }
0x2c: {  	s7 =	sld [smem:$0x3FB5]  }
0x2d: {  	s3 =	simm.s32 $0x108;
	s8 =	sld [smem:$0x3FB6]  }
0x2e: {  	s3 =	simm.s32 @!p0 $0x1082;
	s9 =	sld [smem:$0x3FB7]  }
0x2f: {  	lr =	sadd.s32 s0, s3;
	s0 =	sld [smem:$0x3FAE]  }
0x30: {  	s3 =	sld [smem:$0x3FB1]  }
0x31: {  	[smem:$0x3FBA] =	sst s10  }
0x32: {  	s10 =	sld [smem:$0x3FB8];
	_ =	sdelay $0x3  }
0x33: {  	p0 =	seq.s32 s10, $0x1;
	s10 =	sld [smem:$0x3FBA];
	_ =	sdelay $0x3  }
0x34: {  	[smem:$0x3FBA] =	sst s10  }
0x35: {  	s10 =	sld [smem:$0x3FB9];
	_ =	sdelay $0x3  }
0x36: {  	p1 =	seq.s32 s10, $0x1;
	s10 =	sld [smem:$0x3FBA];
	_ =	sdelay $0x3  }
0x37: {  	[smem:$0x3FBA] =	sst s10  }
0x38: {  	s10 =	sld [smem:$0x3FBB]  }
0x39: {  	_ = 	snop;
	(pc) =	sbr.ind lr, $3  }
0x3a: {  	_ = 	snop  }
0x3b: {  	_ = 	snop  }
0x3c: {  	p2 =	seq.s32 s10, $0x1;
	s10 =	sld [smem:$0x3FBA]  }
0x3d: {  	_ =	shalt  }
0x3e: {  	_ =	shalt  }
0x3f: {  	_ =	shalt  }
0x40: {  	_ =	shalt  }
0x41: {  	_ =	shalt  }
0x42: {  	_ =	shalt  }
0x43: {  	_ =	shalt  }
0x44: {  	_ =	shalt  }
0x45: {  	_ =	shalt  }
0x46: {  	_ =	shalt  }
0x47: {  	_ =	shalt  }
0x48: {  	_ =	shalt  }
0x49: {  	_ =	shalt  }
0x4a: {  	_ =	shalt  }
0x4b: {  	_ =	shalt  }
0x4c: {  	_ =	shalt  }
0x4d: {  	_ =	shalt  }
0x4e: {  	_ =	shalt  }
0x4f: {  	_ =	shalt  }
0x50: {  	_ =	shalt  }
0x51: {  	_ =	shalt  }
0x52: {  	_ =	shalt  }
0x53: {  	_ =	shalt  }
0x54: {  	_ =	shalt  }
0x55: {  	_ =	shalt  }
0x56: {  	_ =	shalt  }
0x57: {  	_ =	shalt  }
0x58: {  	_ =	shalt  }
0x59: {  	_ =	shalt  }
0x5a: {  	_ =	shalt  }
0x5b: {  	_ =	shalt  }
0x5c: {  	_ =	shalt  }
0x5d: {  	_ =	shalt  }
0x5e: {  	_ =	shalt  }
0x5f: {  	_ =	shalt  }
0x60: {  	_ =	shalt  }
0x61: {  	_ =	shalt  }
0x62: {  	_ =	shalt  }
0x63: {  	_ =	shalt  }
0x64: {  	_ =	shalt  }
0x65: {  	_ =	shalt  }
0x66: {  	_ =	shalt  }
0x67: {  	_ =	shalt  }
0x68: {  	_ =	shalt  }
0x69: {  	_ =	shalt  }
0x6a: {  	_ =	shalt  }
0x6b: {  	_ =	shalt  }
0x6c: {  	_ =	shalt  }
0x6d: {  	_ =	shalt  }
0x6e: {  	_ =	shalt  }
0x6f: {  	_ =	shalt  }
0x70: {  	_ =	shalt  }
0x71: {  	_ =	shalt  }
0x72: {  	_ =	shalt  }
0x73: {  	_ =	shalt  }
0x74: {  	_ =	shalt  }
0x75: {  	_ =	shalt  }
0x76: {  	_ =	shalt  }
0x77: {  	_ =	shalt  }
0x78: {  	_ =	shalt  }
0x79: {  	_ =	shalt  }
0x7a: {  	_ =	shalt  }
0x7b: {  	_ =	shalt  }
0x7c: {  	_ =	shalt  }
0x7d: {  	_ =	shalt  }
0x7e: {  	_ =	shalt  }
0x7f: {  	_ =	shalt  }
0x80: {  	_ =	shalt  }
0x81: {  	_ =	shalt  }
0x82: {  	_ =	shalt  }
0x83: {  	_ =	shalt  }
0x84: {  	_ =	shalt  }
0x85: {  	_ =	shalt  }
0x86: {  	_ =	shalt  }
0x87: {  	_ =	shalt  }
.Lfunc_end0:
.L_simem_size_0:
called_computation_lowered:
.L_overlay_start_0:
0x88: {  	s2 =	sld [smem:$0x3FD9]  }
0x89: {  	s3 =	sld [smem:$0x3FFE];
	_ =	sdelay $0x1  }
0x8a: {  	s1 =	srdreg.scid  }
0x8b: {  	s0 =	sand.u32 $0x1, s1  }
0x8c: {  	s17 =	sshll.u32 s0, $0xA;
	s2 =	sadd.s32 s3, s2  }
0x8d: {  	s2 =	sadd.s32 s2, s17  }
0x8e: {  	[smem:$0x3FC6] =	sst s2  }
0x8f: {  	_ = 	snop  }
0x90: {  	s2 =	sld [smem:$0x3FD0];
	(tm) =	ssettm $0x1  }
0x91: {  	s18 =	sld [smem:$0x3FFB];
	_ =	sdelay $0x3  }
0x92: {  	_ =	strace s18  }
0x93: {  	s3 =	sld [smem:$0x3FFC];
	_ =	sdelay $0x3  }
0x94: {  	_ =	strace s3  }
0x95: {  	s3 =	sld [smem:$0x3FFD];
	_ =	sdelay $0x3  }
0x96: {  	_ =	strace s3  }
0x97: {  	_ =	strace $0x8FFFFFFF  }
0x98: {  	s19 =	sld [smem:$0x3FDB];
	_ =	sdelay $0x1  }
0x99: {  	s4 =	simm.s32 $_scs_section_size  }
0x9a: {  	s5 =	simm.s32 $_size__tile_overlayer_lowered;
	s6 =	simm.s32 $_tile_overlayer_lowered  }
0x9b: {  	s22 =	simm.s32 $0x1BFF;
	s21 =	sshll.u32 s6, $0x1;
	s3 =	sadd.s32 s4, s19  }
0x9c: {  	s7 =	simm.s32 $0x0;
	s20 =	sshll.u32 s5, $0x1;
	s5 =	sadd.s32 s21, s3  }
0x9d: {  	[timem:s7], [sflag:s22] =	dma.local [hbm:s5], s20  }
0x9e: {  	_ =	swait.ge [sflag:s22], s20  }
0x9f: {  	s4 =	ssub.s32 $0x0, s20;
	[sflag:s22] =	ssyncset.done $0x0  }
0xa0: {  	[sflag:s22] =	ssyncadd.s32 s4;
	_ =	sdelay $0x1  }
0xa1: {  	s23 =	simm.s32 $0x1B8B  }
0xa2: {  	_ =	swait.ge [sflag:s23], $0x1  }
0xa3: {  	[sflag:s23] =	ssyncset.done $0x0  }
0xa4: {  	s25 =	simm.s32 $0x1B8E;
	s24 =	sld [smem:$0x3FFE];
	[sflag:s23] =	ssyncadd.s32 $0xFFFFFFFF  }
0xa5: {  	s26 =	simm.s32 $execute0_lowered;
	[smem:$0x3FD2] =	sst s25  }
0xa6: {  	s5 =	sshll.u32 s26, $0x1;
	_ =	strace $0x80000046;
	[dreg:$0x1] =	wrdreg $0xFFFFFFFF  }
0xa7: {  	s28 =	simm.s32 $_size_execute0_lowered;
	s3 =	sadd.s32 s3, s5;
	[dreg:$0x0] =	wrdreg $0x0  }
0xa8: {  	s5 =	sshll.u32 s28, $0x1;
	[dreg:$0x2] =	wrdreg s3  }
0xa9: {  	[dreg:$0x3] =	wrdreg s5  }
0xaa: {  	[dreg:$0x4] =	wrdreg $0xC0  }
0xab: {  	_ =	task [dreg:s7], $0x5FFFF  }
0xac: {  	[dreg:$0x1] =	wrdreg $0xFFFFFFFF  }
0xad: {  	[dreg:$0x0] =	wrdreg $0x60  }
0xae: {  	[dreg:$0x2] =	wrdreg s24  }
0xaf: {  	[dreg:$0x3] =	wrdreg s2  }
0xb0: {  	[dreg:$0x4] =	wrdreg $0x9  }
0xb1: {  	_ =	task.clear_ibuf [dreg:s7], $0x5FFFF;
	_ =	strace $0x90000046  }
0xb2: {  	s29 =	simm.s32 $0x9;
	_ =	strace $0x80000048  }
0xb3: {  	_ =	swait.ge [sflag:s29], $0x1  }
0xb4: {  	[sflag:s29] =	ssyncadd.s32 $0xFFFFFFFF  }
0xb5: {  	_ =	strace $0x90000048  }
0xb6: {  	_ =	sfence  }
0xb7: {  	s30 =	sld [smem:$0x0];
	_ =	sdelay $0x2  }
0xb8: {  	s31 =	sshll.u32 s1, $0xD;
	s1 =	sshrl.u32 s1, $0x2  }
0xb9: {  	s3 =	sand.u32 $0x4000, s31;
	s1 =	sadd.s32 s1, s30  }
0xba: {  	s0 =	sor.u32 s3, s0;
	s1 =	sshll.u32 s1, $0x11  }
0xbb: {  	s0 =	sor.u32 s1, s0  }
0xbc: {  	s0 =	sadd.s32 $0x8F2B, s0  }
0xbd: {  	[sflag:s0] =	ssyncadd.remote.s32 $0x1  }
0xbe: {  	_ =	sfence.sel $0xFFFF  }
0xbf: {  	[dreg:$0x0] =	wrdreg $0xFFFFFFFF;
	(pc) =	sbr.abs _section_cstart, $3  }
0xc0: {  	[dreg:$0x1] =	wrdreg $0xFFFFFFFF  }
0xc1: {  	_ =	task.clear_ibuf [dreg:s7], $0x2FFFF;
	_ =	strace $0x9FFFFFFF  }
0xc2: {  	(tm) =	ssettm $0x7FFFFFFF  }
0xc3: {  	_ =	shalt  }
tec
execute0_lowered:
.L_overlay_start_1:
0x0: {  	(tag) =	ssettag $0x1  }
0x1: {  	v0 =	vimm.s32 $0x18F8  }
0x2: {  	vm14 =	vcmask $0x300;
	vm13 =	vcmask $0x704;
	vm12 =	vcmask $0xB08  }
0x3: {  	vm11 =	vcmask $0xF0C;
	vm10 =	vcmask $0x1310;
	vm9 =	vcmask $0x1714  }
0x4: {  	vm8 =	vcmask $0x1B18;
	vm7 =	vcmask $0x1F1C;
	vm6 =	vcmask $0x2320  }
0x5: {  	vm5 =	vcmask $0x2724;
	vm4 =	vcmask $0x2B28;
	vm3 =	vcmask $0x2F2C  }
0x6: {  	vm2 =	vcmask $0x3330;
	vm1 =	vcmask $0x3734;
	vm0 =	vcmask $0x3B38  }
0x7: {  	v1 =	vimm.s32 $0x4378;
	v2 =	vimm.s32 $0x18F9;
	v3 =	vimm.s32 $0x4379  }
0x8: {  	v4 =	vimm.s32 $0x18FA;
	v5 =	vimm.s32 $0x437A;
	v6 =	vimm.s32 $0x18FB  }
0x9: {  	v7 =	vimm.s32 $0x437B;
	v8 =	vimm.s32 $0x18FC;
	v9 =	vimm.s32 $0x437C  }
0xa: {  	v10 =	vimm.s32 $0x18FD;
	v11 =	vimm.s32 $0x437D;
	v12 =	vimm.s32 $0x18FE  }
0xb: {  	v13 =	vimm.s32 $0x437E;
	v14 =	vimm.s32 $0x18FF;
	v15 =	vimm.s32 $0x437F  }
0xc: {  	v0 =	vsel vm14, $0x0, v0;
	v1 =	vsel vm14, $0x2A80, v1;
	v2 =	vsel vm14, $0x1, v2  }
0xd: {  	v3 =	vsel vm14, $0x2A81, v3;
	v4 =	vsel vm14, $0x2, v4;
	v5 =	vsel vm14, $0x2A82, v5  }
0xe: {  	v6 =	vsel vm14, $0x3, v6;
	v7 =	vsel vm14, $0x2A83, v7;
	v8 =	vsel vm14, $0x4, v8  }
0xf: {  	v9 =	vsel vm14, $0x2A84, v9;
	v10 =	vsel vm14, $0x5, v10;
	v11 =	vsel vm14, $0x2A85, v11  }
0x10: {  	v12 =	vsel vm14, $0x6, v12;
	v13 =	vsel vm14, $0x2A86, v13;
	v14 =	vsel vm14, $0x7, v14  }
0x11: {  	v15 =	vsel vm14, $0x2A87, v15;
	v0 =	vsel vm13, $0x88, v0;
	v1 =	vsel vm13, $0x2B08, v1  }
0x12: {  	v2 =	vsel vm13, $0x89, v2;
	v3 =	vsel vm13, $0x2B09, v3;
	v4 =	vsel vm13, $0x8A, v4  }
0x13: {  	v5 =	vsel vm13, $0x2B0A, v5;
	v6 =	vsel vm13, $0x8B, v6;
	v7 =	vsel vm13, $0x2B0B, v7  }
0x14: {  	v8 =	vsel vm13, $0x8C, v8;
	v9 =	vsel vm13, $0x2B0C, v9;
	v10 =	vsel vm13, $0x8D, v10  }
0x15: {  	v11 =	vsel vm13, $0x2B0D, v11;
	v12 =	vsel vm13, $0x8E, v12;
	v13 =	vsel vm13, $0x2B0E, v13  }
0x16: {  	v14 =	vsel vm13, $0x8F, v14;
	v15 =	vsel vm13, $0x2B0F, v15;
	v0 =	vsel vm12, $0x110, v0  }
0x17: {  	v1 =	vsel vm12, $0x2B90, v1;
	v2 =	vsel vm12, $0x111, v2;
	v3 =	vsel vm12, $0x2B91, v3  }
0x18: {  	v4 =	vsel vm12, $0x112, v4;
	v5 =	vsel vm12, $0x2B92, v5;
	v6 =	vsel vm12, $0x113, v6  }
0x19: {  	v7 =	vsel vm12, $0x2B93, v7;
	v8 =	vsel vm12, $0x114, v8;
	v9 =	vsel vm12, $0x2B94, v9  }
0x1a: {  	v10 =	vsel vm12, $0x115, v10;
	v11 =	vsel vm12, $0x2B95, v11;
	v12 =	vsel vm12, $0x116, v12  }
0x1b: {  	v13 =	vsel vm12, $0x2B96, v13;
	v14 =	vsel vm12, $0x117, v14;
	v15 =	vsel vm12, $0x2B97, v15  }
0x1c: {  	v0 =	vsel vm11, $0x198, v0;
	v1 =	vsel vm11, $0x2C18, v1;
	v2 =	vsel vm11, $0x199, v2  }
0x1d: {  	v3 =	vsel vm11, $0x2C19, v3;
	v4 =	vsel vm11, $0x19A, v4;
	v5 =	vsel vm11, $0x2C1A, v5  }
0x1e: {  	v6 =	vsel vm11, $0x19B, v6;
	v7 =	vsel vm11, $0x2C1B, v7;
	v8 =	vsel vm11, $0x19C, v8  }
0x1f: {  	v9 =	vsel vm11, $0x2C1C, v9;
	v10 =	vsel vm11, $0x19D, v10;
	v11 =	vsel vm11, $0x2C1D, v11  }
0x20: {  	v12 =	vsel vm11, $0x19E, v12;
	v13 =	vsel vm11, $0x2C1E, v13;
	v14 =	vsel vm11, $0x19F, v14  }
0x21: {  	v15 =	vsel vm11, $0x2C1F, v15;
	v0 =	vsel vm10, $0x220, v0;
	v1 =	vsel vm10, $0x2CA0, v1  }
0x22: {  	v2 =	vsel vm10, $0x221, v2;
	v3 =	vsel vm10, $0x2CA1, v3;
	v4 =	vsel vm10, $0x222, v4  }
0x23: {  	v5 =	vsel vm10, $0x2CA2, v5;
	v6 =	vsel vm10, $0x223, v6;
	v7 =	vsel vm10, $0x2CA3, v7  }
0x24: {  	v8 =	vsel vm10, $0x224, v8;
	v9 =	vsel vm10, $0x2CA4, v9;
	v10 =	vsel vm10, $0x225, v10  }
0x25: {  	v11 =	vsel vm10, $0x2CA5, v11;
	v12 =	vsel vm10, $0x226, v12;
	v13 =	vsel vm10, $0x2CA6, v13  }
0x26: {  	v14 =	vsel vm10, $0x227, v14;
	v15 =	vsel vm10, $0x2CA7, v15;
	v0 =	vsel vm9, $0x2A8, v0  }
0x27: {  	v1 =	vsel vm9, $0x2D28, v1;
	v2 =	vsel vm9, $0x2A9, v2;
	v3 =	vsel vm9, $0x2D29, v3  }
0x28: {  	v4 =	vsel vm9, $0x2AA, v4;
	v5 =	vsel vm9, $0x2D2A, v5;
	v6 =	vsel vm9, $0x2AB, v6  }
0x29: {  	v7 =	vsel vm9, $0x2D2B, v7;
	v8 =	vsel vm9, $0x2AC, v8;
	v9 =	vsel vm9, $0x2D2C, v9  }
0x2a: {  	v10 =	vsel vm9, $0x2AD, v10;
	v11 =	vsel vm9, $0x2D2D, v11;
	v12 =	vsel vm9, $0x2AE, v12  }
0x2b: {  	v13 =	vsel vm9, $0x2D2E, v13;
	v14 =	vsel vm9, $0x2AF, v14;
	v15 =	vsel vm9, $0x2D2F, v15  }
0x2c: {  	v0 =	vsel vm8, $0x330, v0;
	v1 =	vsel vm8, $0x2DB0, v1;
	v2 =	vsel vm8, $0x331, v2  }
0x2d: {  	v3 =	vsel vm8, $0x2DB1, v3;
	v4 =	vsel vm8, $0x332, v4;
	v5 =	vsel vm8, $0x2DB2, v5  }
0x2e: {  	v6 =	vsel vm8, $0x333, v6;
	v7 =	vsel vm8, $0x2DB3, v7;
	v8 =	vsel vm8, $0x334, v8  }
0x2f: {  	v9 =	vsel vm8, $0x2DB4, v9;
	v10 =	vsel vm8, $0x335, v10;
	v11 =	vsel vm8, $0x2DB5, v11  }
0x30: {  	v12 =	vsel vm8, $0x336, v12;
	v13 =	vsel vm8, $0x2DB6, v13;
	v14 =	vsel vm8, $0x337, v14  }
0x31: {  	v15 =	vsel vm8, $0x2DB7, v15;
	v0 =	vsel vm7, $0x3B8, v0;
	v1 =	vsel vm7, $0x2E38, v1  }
0x32: {  	v2 =	vsel vm7, $0x3B9, v2;
	v3 =	vsel vm7, $0x2E39, v3;
	v4 =	vsel vm7, $0x3BA, v4  }
0x33: {  	v5 =	vsel vm7, $0x2E3A, v5;
	v6 =	vsel vm7, $0x3BB, v6;
	v7 =	vsel vm7, $0x2E3B, v7  }
0x34: {  	v8 =	vsel vm7, $0x3BC, v8;
	v9 =	vsel vm7, $0x2E3C, v9;
	v10 =	vsel vm7, $0x3BD, v10  }
0x35: {  	v11 =	vsel vm7, $0x2E3D, v11;
	v12 =	vsel vm7, $0x3BE, v12;
	v13 =	vsel vm7, $0x2E3E, v13  }
0x36: {  	v14 =	vsel vm7, $0x3BF, v14;
	v15 =	vsel vm7, $0x2E3F, v15;
	v0 =	vsel vm6, $0x1540, v0  }
0x37: {  	v1 =	vsel vm6, $0x3FC0, v1;
	v2 =	vsel vm6, $0x1541, v2;
	v3 =	vsel vm6, $0x3FC1, v3  }
0x38: {  	v4 =	vsel vm6, $0x1542, v4;
	v5 =	vsel vm6, $0x3FC2, v5;
	v6 =	vsel vm6, $0x1543, v6  }
0x39: {  	v7 =	vsel vm6, $0x3FC3, v7;
	v8 =	vsel vm6, $0x1544, v8;
	v9 =	vsel vm6, $0x3FC4, v9  }
0x3a: {  	v10 =	vsel vm6, $0x1545, v10;
	v11 =	vsel vm6, $0x3FC5, v11;
	v12 =	vsel vm6, $0x1546, v12  }
0x3b: {  	v13 =	vsel vm6, $0x3FC6, v13;
	v14 =	vsel vm6, $0x1547, v14;
	v15 =	vsel vm6, $0x3FC7, v15  }
0x3c: {  	v0 =	vsel vm5, $0x15C8, v0;
	v1 =	vsel vm5, $0x4048, v1;
	v2 =	vsel vm5, $0x15C9, v2  }
0x3d: {  	v3 =	vsel vm5, $0x4049, v3;
	v4 =	vsel vm5, $0x15CA, v4;
	v5 =	vsel vm5, $0x404A, v5  }
0x3e: {  	v6 =	vsel vm5, $0x15CB, v6;
	v7 =	vsel vm5, $0x404B, v7;
	v8 =	vsel vm5, $0x15CC, v8  }
0x3f: {  	v9 =	vsel vm5, $0x404C, v9;
	v10 =	vsel vm5, $0x15CD, v10;
	v11 =	vsel vm5, $0x404D, v11  }
0x40: {  	v12 =	vsel vm5, $0x15CE, v12;
	v13 =	vsel vm5, $0x404E, v13;
	v14 =	vsel vm5, $0x15CF, v14  }
0x41: {  	v15 =	vsel vm5, $0x404F, v15;
	v0 =	vsel vm4, $0x1650, v0;
	v1 =	vsel vm4, $0x40D0, v1  }
0x42: {  	v2 =	vsel vm4, $0x1651, v2;
	v3 =	vsel vm4, $0x40D1, v3;
	v4 =	vsel vm4, $0x1652, v4  }
0x43: {  	v5 =	vsel vm4, $0x40D2, v5;
	v6 =	vsel vm4, $0x1653, v6;
	v7 =	vsel vm4, $0x40D3, v7  }
0x44: {  	v8 =	vsel vm4, $0x1654, v8;
	v9 =	vsel vm4, $0x40D4, v9;
	v10 =	vsel vm4, $0x1655, v10  }
0x45: {  	v11 =	vsel vm4, $0x40D5, v11;
	v12 =	vsel vm4, $0x1656, v12;
	v13 =	vsel vm4, $0x40D6, v13  }
0x46: {  	v14 =	vsel vm4, $0x1657, v14;
	v15 =	vsel vm4, $0x40D7, v15;
	v0 =	vsel vm3, $0x16D8, v0  }
0x47: {  	v1 =	vsel vm3, $0x4158, v1;
	v2 =	vsel vm3, $0x16D9, v2;
	v3 =	vsel vm3, $0x4159, v3  }
0x48: {  	v4 =	vsel vm3, $0x16DA, v4;
	v5 =	vsel vm3, $0x415A, v5;
	v6 =	vsel vm3, $0x16DB, v6  }
0x49: {  	v7 =	vsel vm3, $0x415B, v7;
	v8 =	vsel vm3, $0x16DC, v8;
	v9 =	vsel vm3, $0x415C, v9  }
0x4a: {  	v10 =	vsel vm3, $0x16DD, v10;
	v11 =	vsel vm3, $0x415D, v11;
	v12 =	vsel vm3, $0x16DE, v12  }
0x4b: {  	v13 =	vsel vm3, $0x415E, v13;
	v14 =	vsel vm3, $0x16DF, v14;
	v15 =	vsel vm3, $0x415F, v15  }
0x4c: {  	v0 =	vsel vm2, $0x1760, v0;
	v1 =	vsel vm2, $0x41E0, v1;
	v2 =	vsel vm2, $0x1761, v2  }
0x4d: {  	s0 =	rddreg [dreg:$0x0];
	v3 =	vsel vm2, $0x41E1, v3;
	v4 =	vsel vm2, $0x1762, v4;
	v5 =	vsel vm2, $0x41E2, v5  }
0x4e: {  	s2 =	rddreg [dreg:$0x1];
	s1 =	srdreg.scid;
	v6 =	vsel vm2, $0x1763, v6;
	v7 =	vsel vm2, $0x41E3, v7;
	v8 =	vsel vm2, $0x1764, v8  }
0x4f: {  	s3 =	simm.s32 $0x0;
	s4 =	stileid.u32;
	s19 =	simm.s32 $0x80;
	v9 =	vsel vm2, $0x41E4, v9;
	v10 =	vsel vm2, $0x1765, v10;
	v11 =	vsel vm2, $0x41E5, v11  }
0x50: {  	s28 =	simm.s32 $0x1;
	s29 =	simm.s32 $0x6;
	s23 =	simm.s32 $0x8400;
	v12 =	vsel vm2, $0x1766, v12;
	v13 =	vsel vm2, $0x41E6, v13;
	v14 =	vsel vm2, $0x1767, v14  }
0x51: {  	s17 =	simm.s32 $0x2;
	s26 =	simm.s32 $0x3;
	s22 =	simm.s32 $0x4;
	v15 =	vsel vm2, $0x41E7, v15;
	v0 =	vsel vm1, $0x17E8, v0;
	v1 =	vsel vm1, $0x4268, v1  }
0x52: {  	s1 =	sand.u32 $0x1, s1;
	[smem:$0x7FF] =	sst s3;
	s4 =	sshll.u32 s4, $0x3;
	v2 =	vsel vm1, $0x17E9, v2;
	v3 =	vsel vm1, $0x4269, v3;
	v4 =	vsel vm1, $0x17EA, v4  }
0x53: {  	s14 =	sadd.s32 $0x4000, s2;
	s15 =	sadd.s32 $0x8000, s2;
	s16 =	sadd.s32 $0xC000, s2;
	v5 =	vsel vm1, $0x426A, v5;
	v6 =	vsel vm1, $0x17EB, v6;
	v7 =	vsel vm1, $0x426B, v7  }
0x54: {  	s5 =	sshll.u32 s1, $0x2;
	_ =	strace $0x80000047;
	s1 =	ssub.s32 $0x2, s1;
	v8 =	vsel vm1, $0x17EC, v8;
	v9 =	vsel vm1, $0x426C, v9;
	v10 =	vsel vm1, $0x17ED, v10  }
0x55: {  	s6 =	sor.u32 s5, s4;
	s4 =	sadd.s32 $0x600, s0;
	s30 =	sshrl.u32 s1, $0x1;
	v11 =	vsel vm1, $0x426D, v11;
	v12 =	vsel vm1, $0x17EE, v12;
	v13 =	vsel vm1, $0x426E, v13  }
0x56: {  	s5 =	sadd.s32 $0xF42A00, s0;
	s7 =	sshll.u32 s6, $0x4;
	s0 =	ssub.s32 s1, s30;
	v14 =	vsel vm1, $0x17EF, v14;
	v15 =	vsel vm1, $0x426F, v15;
	v0 =	vsel vm0, $0x1870, v0  }
0x57: {  	s31 =	sshll.u32 s6, $0x7;
	s10 =	sshll.u32 s6, $0xA;
	s6 =	simm.s32 $0xD900;
	v1 =	vsel vm0, $0x42F0, v1;
	v2 =	vsel vm0, $0x1871, v2;
	v3 =	vsel vm0, $0x42F1, v3  }
0x58: {  	s1 =	simm.s32 $0x0;
	s7 =	sadd.s32 s4, s7;
	s8 =	sor.u32 $0x8000, s31;
	v4 =	vsel vm0, $0x1872, v4;
	v5 =	vsel vm0, $0x42F2, v5;
	v6 =	vsel vm0, $0x1873, v6  }
0x59: {  	s9 =	sor.u32 $0xC000, s31;
	s0 =	smax.u32 s0, $0x1;
	[dreg:$0x3] =	wrdreg s7;
	v7 =	vsel vm0, $0x42F3, v7;
	v8 =	vsel vm0, $0x1874, v8;
	v9 =	vsel vm0, $0x42F4, v9  }
0x5a: {  	s11 =	sor.u32 $0x400, s10;
	s7 =	sadd.s32 $0x800, s7;
	[dreg:$0x5] =	wrdreg s0;
	v10 =	vsel vm0, $0x1875, v10;
	v11 =	vsel vm0, $0x42F5, v11;
	v12 =	vsel vm0, $0x1876, v12  }
0x5b: {  	s12 =	sor.u32 $0x800, s10;
	s13 =	sor.u32 $0xC00, s10;
	[dreg:$0x4] =	wrdreg s7;
	v13 =	vsel vm0, $0x42F6, v13;
	v14 =	vsel vm0, $0x1877, v14;
	v15 =	vsel vm0, $0x42F7, v15  }
.LBB2_1:
0x5c: {  	[dreg:$0x6] =	wrdreg s1  }
0x5d: {  	s0 =	rddreg [dreg:$0x3];
	s1 =	simm.s32 $0x5  }
0x5e: {  	[tilespmem:s3], [sflag:$0x5] =	stream.linear.gather [hbm4b:s0+s3], $0x200, $0x38;
	[tilespmem:$0x12E00] =	vst v63  }
0x5f: {  	_ =	swait.ge [sflag:s1], $0x200  }
0x60: {  	[sflag:s1] =	ssyncset.done $0x0  }
0x61: {  	s7 =	simm.s32 $0x400;
	[sflag:s1] =	ssyncadd.s32 $0xFFFFFE00  }
0x62: {  	[tilespmem:s7], [sflag:$0x1] =	stream.indirect.gather [hbm4b:s5+s19], $0x20, s3, s19, $0xb8;
	[tilespmem:$0x12E00] =	vst v63  }
0x63: {  	s18 =	simm.s32 $0x1400  }
0x64: {  	[tilespmem:s18], [sflag:$0x1] =	stream.indirect.gather [hbm4b:s5+s19], $0x20, s19, s19, $0xb8;
	[tilespmem:$0x12E00] =	vst v63  }
0x65: {  	s20 =	simm.s32 $0x100;
	s21 =	simm.s32 $0x2400  }
0x66: {  	[tilespmem:s21], [sflag:$0x1] =	stream.indirect.gather [hbm4b:s5+s19], $0x20, s20, s19, $0xb8;
	[tilespmem:$0x12E00] =	vst v63  }
0x67: {  	s24 =	simm.s32 $0x180;
	s25 =	simm.s32 $0x3400  }
0x68: {  	[tilespmem:s25], [sflag:$0x1] =	stream.indirect.gather [hbm4b:s5+s19], $0x20, s24, s19, $0xb8;
	[tilespmem:$0x12E00] =	vst v63  }
0x69: {  	s31 =	simm.s32 $0x200;
	s30 =	rddreg [dreg:$0x4];
	s24 =	simm.s32 $0x0  }
0x6a: {  	[tilespmem:s31], [sflag:$0x6] =	stream.linear.gather [hbm4b:s30+s3], $0x200, $0x38;
	[tilespmem:$0x12E00] =	vst v63  }
.LBB2_2:
0x6b: {  	_ =	swait.ge [sflag:s28], $0x1000  }
0x6c: {  	[sflag:s28] =	ssyncset.done $0x0  }
0x6d: {  	[sflag:s28] =	ssyncadd.s32 $0xFFFFF000  }
0x6e: {  	_ =	swait.ge [sflag:s28], $0x1000  }
0x6f: {  	[sflag:s28] =	ssyncset.done $0x0  }
0x70: {  	[sflag:s28] =	ssyncadd.s32 $0xFFFFF000  }
0x71: {  	_ =	swait.ge [sflag:s28], $0x1000  }
0x72: {  	[sflag:s28] =	ssyncset.done $0x0  }
0x73: {  	[sflag:s28] =	ssyncadd.s32 $0xFFFFF000  }
0x74: {  	_ =	swait.ge [sflag:s28], $0x1000  }
0x75: {  	[sflag:s28] =	ssyncset.done $0x0  }
0x76: {  	[sflag:s28] =	ssyncadd.s32 $0xFFFFF000  }
0x77: {  	_ =	swait.ge [sflag:s29], $0x200  }
0x78: {  	s0 =	simm.s32 $0x200;
	s1 =	simm.s32 $0x4400;
	[sflag:s29] =	ssyncset.done $0x0  }
0x79: {  	s18 =	simm.s32 $0x280;
	p0 =	seq.s32 s24, $0x18;
	[sflag:s29] =	ssyncadd.s32 $0xFFFFFE00  }
0x7a: {  	[tilespmem:s1], [sflag:$0x2] =	stream.indirect.gather [hbm4b:s5+s19], $0x20, s0, s19, $0xb8;
	[tilespmem:$0x12E00] =	vst v63  }
0x7b: {  	s20 =	simm.s32 $0x5400;
	s21 =	simm.s32 $0x300;
	p1 =	seq.s32 @!p0 s24, $0x0  }
0x7c: {  	[tilespmem:s20], [sflag:$0x2] =	stream.indirect.gather [hbm4b:s5+s19], $0x20, s18, s19, $0xb8;
	[tilespmem:$0x12E00] =	vst v63  }
0x7d: {  	s25 =	simm.s32 $0x6400;
	s7 =	sshll.u32 @!p0 s24, $0xF;
	p1 =	por p0, !p1  }
0x7e: {  	[tilespmem:s25], [sflag:$0x2] =	stream.indirect.gather [hbm4b:s5+s19], $0x20, s21, s19, $0xb8;
	[tilespmem:$0x12E00] =	vst v63  }
.Ltmp0:
0x7f: {  	s0 =	sadd.s32 @!p0 s8, s7;
	(pc) =	sbr.rel @!p1 .LBB2_3-.Ltmp0, $4  }
0x80: {  	s30 =	simm.s32 $0x380;
	s31 =	simm.s32 $0x7400;
	s0 =	sshrl.u32 @!p0 s0, $0x3  }
0x81: {  	[tilespmem:s31], [sflag:$0x2] =	stream.indirect.gather [hbm4b:s5+s19], $0x20, s30, s19, $0xb8;
	[tilespmem:$0x12E00] =	vst v63  }
0x82: {  	s1 =	simm.s32 @!p0 $0x0;
	s0 =	sadd.s32 @!p0 s4, s0  }
0x83: {  	[tilespmem:s1], [sflag:$0x5] =	stream.linear.gather @!p0 [hbm4b:s0+s1], $0x200, $0x38;
	[tilespmem:$0x12E00] =	vst v63  }
0x84: {  	_ =	swait.ge [sflag:s26], $0x400  }
0x85: {  	[sflag:s26] =	ssyncset.done $0x0  }
0x86: {  	[sflag:s26] =	ssyncadd.s32 $0xFFFFFC00  }
0x87: {  	_ =	swait.ge [sflag:s26], $0x400  }
0x88: {  	[sflag:s26] =	ssyncset.done $0x0  }
0x89: {  	[sflag:s26] =	ssyncadd.s32 $0xFFFFFC00  }
0x8a: {  	_ =	swait.ge [sflag:s26], $0x400  }
0x8b: {  	[sflag:s26] =	ssyncset.done $0x0  }
0x8c: {  	[sflag:s26] =	ssyncadd.s32 $0xFFFFFC00  }
0x8d: {  	_ =	swait.ge [sflag:s26], $0x400  }
0x8e: {  	[sflag:s26] =	ssyncset.done $0x0  }
0x8f: {  	[sflag:s26] =	ssyncadd.s32 $0xFFFFFC00  }
0x90: {  	_ =	swait.ge [sflag:s26], $0x400  }
0x91: {  	[sflag:s26] =	ssyncset.done $0x0  }
0x92: {  	[sflag:s26] =	ssyncadd.s32 $0xFFFFFC00  }
0x93: {  	_ =	swait.ge [sflag:s26], $0x400  }
0x94: {  	[sflag:s26] =	ssyncset.done $0x0  }
0x95: {  	[sflag:s26] =	ssyncadd.s32 $0xFFFFFC00  }
0x96: {  	_ =	swait.ge [sflag:s26], $0x400  }
0x97: {  	[sflag:s26] =	ssyncset.done $0x0  }
0x98: {  	[sflag:s26] =	ssyncadd.s32 $0xFFFFFC00  }
0x99: {  	_ =	swait.ge [sflag:s26], $0x400  }
0x9a: {  	[sflag:s26] =	ssyncset.done $0x0  }
0x9b: {  	[sflag:s26] =	ssyncadd.s32 $0xFFFFFC00  }
0x9c: {  	_ =	swait.ge [sflag:s26], $0x400  }
0x9d: {  	[sflag:s26] =	ssyncset.done $0x0  }
0x9e: {  	[sflag:s26] =	ssyncadd.s32 $0xFFFFFC00  }
0x9f: {  	_ =	swait.ge [sflag:s26], $0x400  }
0xa0: {  	[sflag:s26] =	ssyncset.done $0x0  }
0xa1: {  	[sflag:s26] =	ssyncadd.s32 $0xFFFFFC00  }
0xa2: {  	_ =	swait.ge [sflag:s26], $0x400  }
0xa3: {  	[sflag:s26] =	ssyncset.done $0x0  }
0xa4: {  	[sflag:s26] =	ssyncadd.s32 $0xFFFFFC00  }
0xa5: {  	_ =	swait.ge [sflag:s26], $0x400  }
0xa6: {  	[sflag:s26] =	ssyncset.done $0x0  }
0xa7: {  	[sflag:s26] =	ssyncadd.s32 $0xFFFFFC00  }
0xa8: {  	_ =	swait.ge [sflag:s26], $0x400  }
0xa9: {  	[sflag:s26] =	ssyncset.done $0x0  }
0xaa: {  	[sflag:s26] =	ssyncadd.s32 $0xFFFFFC00  }
0xab: {  	_ =	swait.ge [sflag:s26], $0x400  }
0xac: {  	[sflag:s26] =	ssyncset.done $0x0  }
0xad: {  	[sflag:s26] =	ssyncadd.s32 $0xFFFFFC00  }
0xae: {  	_ =	swait.ge [sflag:s26], $0x400  }
.Ltmp1:
0xaf: {  	[sflag:s26] =	ssyncset.done $0x0;
	(pc) =	sbr.rel .LBB2_5-.Ltmp1, $4  }
0xb0: {  	[sflag:s26] =	ssyncadd.s32 $0xFFFFFC00  }
0xb1: {  	_ =	swait.ge [sflag:s26], $0x400  }
0xb2: {  	[sflag:s26] =	ssyncset.done $0x0  }
0xb3: {  	p1 =	por $0x0, $0x0;
	[sflag:s26] =	ssyncadd.s32 $0xFFFFFC00  }
.LBB2_3:
0xb4: {  	p1 =	por @!p0 $0x1, $0x1  }
.LBB2_5:
0xb5: {  	s0 =	simm.s32 $0x0  }
0xb6: {  	v16 =	vmov s0  }
0xb7: {  	s21 =	simm.s32 $0x0;
	v16 =	vmul.u32 $0x440, v16  }
0xb8: {  	s0 =	sand.u32 $0x78, s21  }
0xb9: {  	s30 =	simm.s32 $0x480;
	v16 =	vadd.s32 s0, v16  }
0xba: {  	v17 =	vld [tilespmem:s30+$0xFFFFFF80];
	v16 =	vbroadcast v16, $0x0  }
0xbb: {  	v18 =	vld [tilespmem:s30+$0xFFFFFF90]  }
0xbc: {  	v19 =	vadd.s32 v0, v16  }
0xbd: {  	v20 =	vadd.s32 v1, v16;
	_ =	sdelay $0x1  }
0xbe: {  	v17 =	vmul.f32 $5.656854150e+00, v17  }
0xbf: {  	v18 =	vmul.f32 $5.656854150e+00, v18  }
0xc0: {  	[tilespmem:v19+s23+$0x0] =	vst.idx.msk $0xffff, v17  }
0xc1: {  	[tilespmem:v20+s23+$0x0] =	vst.idx.msk $0xffff, v18  }
0xc2: {  	v17 =	vld [tilespmem:s30+$0xFFFFFFA0]  }
0xc3: {  	v18 =	vld [tilespmem:s30+$0xFFFFFFB0]  }
0xc4: {  	v19 =	vadd.s32 v2, v16  }
0xc5: {  	v20 =	vadd.s32 v3, v16;
	_ =	sdelay $0x1  }
0xc6: {  	v17 =	vmul.f32 $5.656854150e+00, v17  }
0xc7: {  	v18 =	vmul.f32 $5.656854150e+00, v18  }
0xc8: {  	[tilespmem:v19+s23+$0x0] =	vst.idx.msk $0xffff, v17  }
0xc9: {  	[tilespmem:v20+s23+$0x0] =	vst.idx.msk $0xffff, v18  }
0xca: {  	v17 =	vld [tilespmem:s30+$0xFFFFFFC0]  }
0xcb: {  	v18 =	vld [tilespmem:s30+$0xFFFFFFD0]  }
0xcc: {  	v19 =	vadd.s32 v4, v16  }
0xcd: {  	v20 =	vadd.s32 v5, v16;
	_ =	sdelay $0x1  }
0xce: {  	v17 =	vmul.f32 $5.656854150e+00, v17  }
0xcf: {  	v18 =	vmul.f32 $5.656854150e+00, v18  }
0xd0: {  	[tilespmem:v19+s23+$0x0] =	vst.idx.msk $0xffff, v17  }
0xd1: {  	[tilespmem:v20+s23+$0x0] =	vst.idx.msk $0xffff, v18  }
0xd2: {  	v17 =	vld [tilespmem:s30+$0xFFFFFFE0]  }
0xd3: {  	v18 =	vld [tilespmem:s30+$0xFFFFFFF0]  }
0xd4: {  	v19 =	vadd.s32 v6, v16  }
0xd5: {  	v20 =	vadd.s32 v7, v16;
	_ =	sdelay $0x1  }
0xd6: {  	v17 =	vmul.f32 $5.656854150e+00, v17  }
0xd7: {  	v18 =	vmul.f32 $5.656854150e+00, v18  }
0xd8: {  	[tilespmem:v19+s23+$0x0] =	vst.idx.msk $0xffff, v17  }
0xd9: {  	[tilespmem:v20+s23+$0x0] =	vst.idx.msk $0xffff, v18  }
0xda: {  	v17 =	vld [tilespmem:s30+$0x0]  }
0xdb: {  	v18 =	vld [tilespmem:s30+$0x10]  }
0xdc: {  	v19 =	vadd.s32 v8, v16  }
0xdd: {  	v20 =	vadd.s32 v9, v16;
	_ =	sdelay $0x1  }
0xde: {  	v17 =	vmul.f32 $5.656854150e+00, v17  }
0xdf: {  	v18 =	vmul.f32 $5.656854150e+00, v18  }
0xe0: {  	[tilespmem:v19+s23+$0x0] =	vst.idx.msk $0xffff, v17  }
0xe1: {  	[tilespmem:v20+s23+$0x0] =	vst.idx.msk $0xffff, v18  }
0xe2: {  	v17 =	vld [tilespmem:s30+$0x20]  }
0xe3: {  	v18 =	vld [tilespmem:s30+$0x30]  }
0xe4: {  	v19 =	vadd.s32 v10, v16  }
0xe5: {  	v20 =	vadd.s32 v11, v16;
	_ =	sdelay $0x1  }
0xe6: {  	v17 =	vmul.f32 $5.656854150e+00, v17  }
0xe7: {  	v18 =	vmul.f32 $5.656854150e+00, v18  }
0xe8: {  	[tilespmem:v19+s23+$0x0] =	vst.idx.msk $0xffff, v17  }
0xe9: {  	[tilespmem:v20+s23+$0x0] =	vst.idx.msk $0xffff, v18  }
0xea: {  	v17 =	vld [tilespmem:s30+$0x40]  }
0xeb: {  	v18 =	vld [tilespmem:s30+$0x50]  }
0xec: {  	v19 =	vadd.s32 v12, v16  }
0xed: {  	v20 =	vadd.s32 v13, v16;
	_ =	sdelay $0x1  }
0xee: {  	v17 =	vmul.f32 $5.656854150e+00, v17  }
0xef: {  	v18 =	vmul.f32 $5.656854150e+00, v18  }
0xf0: {  	[tilespmem:v19+s23+$0x0] =	vst.idx.msk $0xffff, v17  }
0xf1: {  	[tilespmem:v20+s23+$0x0] =	vst.idx.msk $0xffff, v18  }
0xf2: {  	v17 =	vld [tilespmem:s30+$0x60];
	_ =	sdelay $0x1  }
0xf3: {  	v19 =	vadd.s32 v14, v16;
	v18 =	vld [tilespmem:s30+$0x70];
	_ =	sdelay $0x1  }
0xf4: {  	v16 =	vadd.s32 v15, v16  }
0xf5: {  	s25 =	simm.s32 $0x0;
	v20 =	vmul.f32 $5.656854150e+00, v17  }
0xf6: {  	s18 =	sshll.u32 s24, $0x14;
	s0 =	simm.s32 $0x8;
	v17 =	vmov s25  }
0xf7: {  	s31 =	simm.s32 $0x2;
	s1 =	sand.u32 $0x78, s0;
	s25 =	sor.u32 $0x80000, s18;
	v18 =	vmul.f32 $5.656854150e+00, v18;
	v17 =	vmul.u32 $0x440, v17;
	[tilespmem:v19+s23+$0x0] =	vst.idx.msk $0xffff, v20  }
.LBB2_6:
0xf8: {  	p2 =	sne.s32 s31, $0x3F  }
0xf9: {  	v17 =	vadd.s32 s1, v17;
	[tilespmem:v16+s23+$0x0] =	vst.idx.msk $0xffff, v18;
	s30 =	sadd.s32 $0x100, s30;
	s1 =	smov.u32 s31;
	s31 =	sadd.s32 $0x1, s31  }
0xfa: {  	v16 =	vld [tilespmem:s30+$0xFFFFFF80];
	v17 =	vbroadcast v17, $0x0  }
0xfb: {  	v18 =	vld [tilespmem:s30+$0xFFFFFF90]  }
0xfc: {  	v19 =	vadd.s32 v0, v17  }
0xfd: {  	v20 =	vadd.s32 v1, v17;
	_ =	sdelay $0x1  }
0xfe: {  	v16 =	vmul.f32 $5.656854150e+00, v16  }
0xff: {  	v18 =	vmul.f32 $5.656854150e+00, v18  }
0x100: {  	[tilespmem:v19+s23+$0x0] =	vst.idx.msk $0xffff, v16  }
0x101: {  	[tilespmem:v20+s23+$0x0] =	vst.idx.msk $0xffff, v18  }
0x102: {  	v16 =	vld [tilespmem:s30+$0xFFFFFFA0]  }
0x103: {  	v18 =	vld [tilespmem:s30+$0xFFFFFFB0]  }
0x104: {  	v19 =	vadd.s32 v2, v17  }
0x105: {  	v20 =	vadd.s32 v3, v17;
	_ =	sdelay $0x1  }
0x106: {  	v16 =	vmul.f32 $5.656854150e+00, v16  }
0x107: {  	v18 =	vmul.f32 $5.656854150e+00, v18  }
0x108: {  	[tilespmem:v19+s23+$0x0] =	vst.idx.msk $0xffff, v16  }
0x109: {  	[tilespmem:v20+s23+$0x0] =	vst.idx.msk $0xffff, v18  }
0x10a: {  	v16 =	vld [tilespmem:s30+$0xFFFFFFC0]  }
0x10b: {  	v18 =	vld [tilespmem:s30+$0xFFFFFFD0]  }
0x10c: {  	v19 =	vadd.s32 v4, v17  }
0x10d: {  	v20 =	vadd.s32 v5, v17;
	_ =	sdelay $0x1  }
0x10e: {  	v16 =	vmul.f32 $5.656854150e+00, v16  }
0x10f: {  	v18 =	vmul.f32 $5.656854150e+00, v18  }
0x110: {  	[tilespmem:v19+s23+$0x0] =	vst.idx.msk $0xffff, v16  }
0x111: {  	[tilespmem:v20+s23+$0x0] =	vst.idx.msk $0xffff, v18  }
0x112: {  	v16 =	vld [tilespmem:s30+$0xFFFFFFE0]  }
0x113: {  	v18 =	vld [tilespmem:s30+$0xFFFFFFF0]  }
0x114: {  	v19 =	vadd.s32 v6, v17  }
0x115: {  	v20 =	vadd.s32 v7, v17;
	_ =	sdelay $0x1  }
0x116: {  	v16 =	vmul.f32 $5.656854150e+00, v16  }
0x117: {  	v18 =	vmul.f32 $5.656854150e+00, v18  }
0x118: {  	[tilespmem:v19+s23+$0x0] =	vst.idx.msk $0xffff, v16  }
0x119: {  	[tilespmem:v20+s23+$0x0] =	vst.idx.msk $0xffff, v18  }
0x11a: {  	v16 =	vld [tilespmem:s30+$0x0]  }
0x11b: {  	v18 =	vld [tilespmem:s30+$0x10]  }
0x11c: {  	v19 =	vadd.s32 v8, v17  }
0x11d: {  	v20 =	vadd.s32 v9, v17;
	_ =	sdelay $0x1  }
0x11e: {  	v16 =	vmul.f32 $5.656854150e+00, v16  }
0x11f: {  	v18 =	vmul.f32 $5.656854150e+00, v18  }
0x120: {  	[tilespmem:v19+s23+$0x0] =	vst.idx.msk $0xffff, v16  }
0x121: {  	[tilespmem:v20+s23+$0x0] =	vst.idx.msk $0xffff, v18  }
0x122: {  	v16 =	vld [tilespmem:s30+$0x20]  }
0x123: {  	v18 =	vld [tilespmem:s30+$0x30]  }
0x124: {  	v19 =	vadd.s32 v10, v17  }
0x125: {  	v20 =	vadd.s32 v11, v17;
	_ =	sdelay $0x1  }
0x126: {  	v16 =	vmul.f32 $5.656854150e+00, v16  }
0x127: {  	v18 =	vmul.f32 $5.656854150e+00, v18  }
0x128: {  	[tilespmem:v19+s23+$0x0] =	vst.idx.msk $0xffff, v16  }
0x129: {  	[tilespmem:v20+s23+$0x0] =	vst.idx.msk $0xffff, v18  }
0x12a: {  	v16 =	vld [tilespmem:s30+$0x40]  }
0x12b: {  	v18 =	vld [tilespmem:s30+$0x50]  }
0x12c: {  	v19 =	vadd.s32 v12, v17  }
0x12d: {  	v20 =	vadd.s32 v13, v17;
	_ =	sdelay $0x1  }
0x12e: {  	v16 =	vmul.f32 $5.656854150e+00, v16  }
0x12f: {  	v18 =	vmul.f32 $5.656854150e+00, v18  }
0x130: {  	[tilespmem:v19+s23+$0x0] =	vst.idx.msk $0xffff, v16  }
0x131: {  	[tilespmem:v20+s23+$0x0] =	vst.idx.msk $0xffff, v18  }
0x132: {  	v18 =	vld [tilespmem:s30+$0x60]  }
0x133: {  	v19 =	vld [tilespmem:s30+$0x70]  }
0x134: {  	v20 =	vadd.s32 v14, v17  }
.Ltmp2:
0x135: {  	v16 =	vadd.s32 v15, v17;
	(pc) =	sbr.rel @p2 .LBB2_6-.Ltmp2, $4  }
0x136: {  	s1 =	sshrl.u32 s1, $0x4  }
0x137: {  	v17 =	vmov s1;
	v21 =	vmul.f32 $5.656854150e+00, v18  }
0x138: {  	s0 =	sadd.s32 $0x8, s0;
	v17 =	vmul.u32 $0x440, v17;
	v18 =	vmul.f32 $5.656854150e+00, v19  }
0x139: {  	s1 =	sand.u32 $0x78, s0;
	[tilespmem:v20+s23+$0x0] =	vst.idx.msk $0xffff, v21  }
0x13a: {  	_ =	sdelay $0x3  }
0x13b: {  	v17 =	vadd.s32 s1, v17;
	[tilespmem:v16+s23+$0x0] =	vst.idx.msk $0xffff, v18;
	s0 =	sadd.s32 $0x100, s30  }
0x13c: {  	v16 =	vld [tilespmem:s0+$0xFFFFFF80];
	v17 =	vbroadcast v17, $0x0  }
0x13d: {  	v18 =	vld [tilespmem:s0+$0xFFFFFF90]  }
0x13e: {  	v19 =	vadd.s32 v0, v17  }
0x13f: {  	v20 =	vadd.s32 v1, v17;
	_ =	sdelay $0x1  }
0x140: {  	v16 =	vmul.f32 $5.656854150e+00, v16  }
0x141: {  	v18 =	vmul.f32 $5.656854150e+00, v18  }
0x142: {  	[tilespmem:v19+s23+$0x0] =	vst.idx.msk $0xffff, v16  }
0x143: {  	[tilespmem:v20+s23+$0x0] =	vst.idx.msk $0xffff, v18  }
0x144: {  	v16 =	vld [tilespmem:s0+$0xFFFFFFA0]  }
0x145: {  	v18 =	vld [tilespmem:s0+$0xFFFFFFB0]  }
0x146: {  	v19 =	vadd.s32 v2, v17  }
0x147: {  	v20 =	vadd.s32 v3, v17;
	_ =	sdelay $0x1  }
0x148: {  	v16 =	vmul.f32 $5.656854150e+00, v16  }
0x149: {  	v18 =	vmul.f32 $5.656854150e+00, v18  }
0x14a: {  	[tilespmem:v19+s23+$0x0] =	vst.idx.msk $0xffff, v16  }
0x14b: {  	[tilespmem:v20+s23+$0x0] =	vst.idx.msk $0xffff, v18  }
0x14c: {  	v16 =	vld [tilespmem:s0+$0xFFFFFFC0]  }
0x14d: {  	v18 =	vld [tilespmem:s0+$0xFFFFFFD0]  }
0x14e: {  	v19 =	vadd.s32 v4, v17  }
0x14f: {  	v20 =	vadd.s32 v5, v17;
	_ =	sdelay $0x1  }
0x150: {  	v16 =	vmul.f32 $5.656854150e+00, v16  }
0x151: {  	v18 =	vmul.f32 $5.656854150e+00, v18  }
0x152: {  	[tilespmem:v19+s23+$0x0] =	vst.idx.msk $0xffff, v16  }
0x153: {  	[tilespmem:v20+s23+$0x0] =	vst.idx.msk $0xffff, v18  }
0x154: {  	v16 =	vld [tilespmem:s0+$0xFFFFFFE0]  }
0x155: {  	v18 =	vld [tilespmem:s0+$0xFFFFFFF0]  }
0x156: {  	v19 =	vadd.s32 v6, v17  }
0x157: {  	v20 =	vadd.s32 v7, v17;
	_ =	sdelay $0x1  }
0x158: {  	v16 =	vmul.f32 $5.656854150e+00, v16  }
0x159: {  	v18 =	vmul.f32 $5.656854150e+00, v18  }
0x15a: {  	[tilespmem:v19+s23+$0x0] =	vst.idx.msk $0xffff, v16  }
0x15b: {  	[tilespmem:v20+s23+$0x0] =	vst.idx.msk $0xffff, v18  }
0x15c: {  	v16 =	vld [tilespmem:s0+$0x0]  }
0x15d: {  	v18 =	vld [tilespmem:s0+$0x10]  }
0x15e: {  	v19 =	vadd.s32 v8, v17  }
0x15f: {  	v20 =	vadd.s32 v9, v17;
	_ =	sdelay $0x1  }
0x160: {  	v16 =	vmul.f32 $5.656854150e+00, v16  }
0x161: {  	v18 =	vmul.f32 $5.656854150e+00, v18  }
0x162: {  	[tilespmem:v19+s23+$0x0] =	vst.idx.msk $0xffff, v16  }
0x163: {  	[tilespmem:v20+s23+$0x0] =	vst.idx.msk $0xffff, v18  }
0x164: {  	v16 =	vld [tilespmem:s0+$0x20]  }
0x165: {  	v18 =	vld [tilespmem:s0+$0x30]  }
0x166: {  	v19 =	vadd.s32 v10, v17  }
0x167: {  	v20 =	vadd.s32 v11, v17;
	_ =	sdelay $0x1  }
0x168: {  	v16 =	vmul.f32 $5.656854150e+00, v16  }
0x169: {  	v18 =	vmul.f32 $5.656854150e+00, v18  }
0x16a: {  	[tilespmem:v19+s23+$0x0] =	vst.idx.msk $0xffff, v16  }
0x16b: {  	[tilespmem:v20+s23+$0x0] =	vst.idx.msk $0xffff, v18  }
0x16c: {  	v16 =	vld [tilespmem:s0+$0x40]  }
0x16d: {  	v18 =	vld [tilespmem:s0+$0x50]  }
0x16e: {  	v19 =	vadd.s32 v12, v17  }
0x16f: {  	v20 =	vadd.s32 v13, v17;
	_ =	sdelay $0x1  }
0x170: {  	v16 =	vmul.f32 $5.656854150e+00, v16  }
0x171: {  	v18 =	vmul.f32 $5.656854150e+00, v18  }
0x172: {  	[tilespmem:v19+s23+$0x0] =	vst.idx.msk $0xffff, v16  }
0x173: {  	[tilespmem:v20+s23+$0x0] =	vst.idx.msk $0xffff, v18  }
0x174: {  	v16 =	vld [tilespmem:s0+$0x60]  }
0x175: {  	v18 =	vld [tilespmem:s0+$0x70]  }
0x176: {  	v19 =	vadd.s32 v14, v17  }
0x177: {  	v17 =	vadd.s32 v15, v17;
	_ =	sdelay $0x1  }
0x178: {  	v16 =	vmul.f32 $5.656854150e+00, v16  }
0x179: {  	s20 =	sor.u32 s10, s18;
	v18 =	vmul.f32 $5.656854150e+00, v18  }
0x17a: {  	s30 =	sshrl.u32 s20, $0x3;
	[tilespmem:v19+s23+$0x0] =	vst.idx.msk $0xffff, v16  }
0x17b: {  	s0 =	sadd.s32 s2, s30;
	[tilespmem:v17+s23+$0x0] =	vst.idx.msk $0xffff, v18  }
0x17c: {  	[hbm4b:s0+s3] =	stream.linear.scatter [tilespmem:s23], [sflag:$0x3], $0x80, $0x38;
	[tilespmem:$0x12E00] =	vst v63  }
0x17d: {  	s20 =	simm.s32 $0x8488;
	s21 =	sadd.s32 $0x10, s0  }
0x17e: {  	[hbm4b:s21+s3] =	stream.linear.scatter [tilespmem:s20], [sflag:$0x3], $0x80, $0x38;
	[tilespmem:$0x12E00] =	vst v63  }
0x17f: {  	s20 =	sadd.s32 $0x20, s0;
	s21 =	simm.s32 $0x8510  }
0x180: {  	[hbm4b:s20+s3] =	stream.linear.scatter [tilespmem:s21], [sflag:$0x3], $0x80, $0x38;
	[tilespmem:$0x12E00] =	vst v63  }
0x181: {  	s20 =	sadd.s32 $0x30, s0;
	s21 =	simm.s32 $0x8598  }
0x182: {  	[hbm4b:s20+s3] =	stream.linear.scatter [tilespmem:s21], [sflag:$0x3], $0x80, $0x38;
	[tilespmem:$0x12E00] =	vst v63  }
0x183: {  	s20 =	sadd.s32 $0x40, s0;
	s21 =	simm.s32 $0x8620  }
0x184: {  	[hbm4b:s20+s3] =	stream.linear.scatter [tilespmem:s21], [sflag:$0x3], $0x80, $0x38;
	[tilespmem:$0x12E00] =	vst v63  }
0x185: {  	s20 =	sadd.s32 $0x50, s0;
	s21 =	simm.s32 $0x86A8  }
0x186: {  	[hbm4b:s20+s3] =	stream.linear.scatter [tilespmem:s21], [sflag:$0x3], $0x80, $0x38;
	[tilespmem:$0x12E00] =	vst v63  }
0x187: {  	s20 =	sadd.s32 $0x60, s0;
	s21 =	simm.s32 $0x8730  }
0x188: {  	[hbm4b:s20+s3] =	stream.linear.scatter [tilespmem:s21], [sflag:$0x3], $0x80, $0x38;
	[tilespmem:$0x12E00] =	vst v63  }
0x189: {  	s20 =	sor.u32 s11, s18  }
0x18a: {  	s0 =	sadd.s32 $0x70, s0;
	s21 =	simm.s32 $0x87B8;
	s31 =	sshrl.u32 s20, $0x3  }
0x18b: {  	[hbm4b:s0+s3] =	stream.linear.scatter [tilespmem:s21], [sflag:$0x3], $0x80, $0x38;
	[tilespmem:$0x12E00] =	vst v63  }
0x18c: {  	s0 =	sadd.s32 s2, s31;
	s21 =	simm.s32 $0x8840  }
0x18d: {  	[hbm4b:s0+s3] =	stream.linear.scatter [tilespmem:s21], [sflag:$0x3], $0x80, $0x38;
	[tilespmem:$0x12E00] =	vst v63  }
0x18e: {  	s20 =	sadd.s32 $0x10, s0;
	s21 =	simm.s32 $0x88C8  }
0x18f: {  	[hbm4b:s20+s3] =	stream.linear.scatter [tilespmem:s21], [sflag:$0x3], $0x80, $0x38;
	[tilespmem:$0x12E00] =	vst v63  }
0x190: {  	s20 =	sadd.s32 $0x20, s0;
	s21 =	simm.s32 $0x8950  }
0x191: {  	[hbm4b:s20+s3] =	stream.linear.scatter [tilespmem:s21], [sflag:$0x3], $0x80, $0x38;
	[tilespmem:$0x12E00] =	vst v63  }
0x192: {  	s20 =	sadd.s32 $0x30, s0;
	s21 =	simm.s32 $0x89D8  }
0x193: {  	[hbm4b:s20+s3] =	stream.linear.scatter [tilespmem:s21], [sflag:$0x3], $0x80, $0x38;
	[tilespmem:$0x12E00] =	vst v63  }
0x194: {  	s20 =	sadd.s32 $0x40, s0;
	s21 =	simm.s32 $0x8A60  }
0x195: {  	[hbm4b:s20+s3] =	stream.linear.scatter [tilespmem:s21], [sflag:$0x3], $0x80, $0x38;
	[tilespmem:$0x12E00] =	vst v63  }
0x196: {  	s20 =	sadd.s32 $0x50, s0;
	s21 =	simm.s32 $0x8AE8  }
0x197: {  	[hbm4b:s20+s3] =	stream.linear.scatter [tilespmem:s21], [sflag:$0x3], $0x80, $0x38;
	[tilespmem:$0x12E00] =	vst v63  }
0x198: {  	s20 =	sadd.s32 $0x60, s0;
	s21 =	simm.s32 $0x8B70  }
0x199: {  	[hbm4b:s20+s3] =	stream.linear.scatter [tilespmem:s21], [sflag:$0x3], $0x80, $0x38;
	[tilespmem:$0x12E00] =	vst v63  }
0x19a: {  	s0 =	sadd.s32 $0x70, s0;
	s21 =	simm.s32 $0x8BF8;
	s20 =	sor.u32 s12, s18  }
0x19b: {  	[hbm4b:s0+s3] =	stream.linear.scatter [tilespmem:s21], [sflag:$0x3], $0x80, $0x38;
	[tilespmem:$0x12E00] =	vst v63  }
0x19c: {  	s0 =	sshrl.u32 s20, $0x3  }
0x19d: {  	s21 =	simm.s32 $0x8C80;
	s1 =	sadd.s32 s2, s0  }
0x19e: {  	[hbm4b:s1+s3] =	stream.linear.scatter [tilespmem:s21], [sflag:$0x3], $0x80, $0x38;
	[tilespmem:$0x12E00] =	vst v63  }
0x19f: {  	s20 =	sadd.s32 $0x10, s1;
	s21 =	simm.s32 $0x8D08  }
0x1a0: {  	[hbm4b:s20+s3] =	stream.linear.scatter [tilespmem:s21], [sflag:$0x3], $0x80, $0x38;
	[tilespmem:$0x12E00] =	vst v63  }
0x1a1: {  	s20 =	sadd.s32 $0x20, s1;
	s21 =	simm.s32 $0x8D90  }
0x1a2: {  	[hbm4b:s20+s3] =	stream.linear.scatter [tilespmem:s21], [sflag:$0x3], $0x80, $0x38;
	[tilespmem:$0x12E00] =	vst v63  }
0x1a3: {  	s20 =	sadd.s32 $0x30, s1;
	s21 =	simm.s32 $0x8E18  }
0x1a4: {  	[hbm4b:s20+s3] =	stream.linear.scatter [tilespmem:s21], [sflag:$0x3], $0x80, $0x38;
	[tilespmem:$0x12E00] =	vst v63  }
0x1a5: {  	s20 =	sadd.s32 $0x40, s1;
	s21 =	simm.s32 $0x8EA0  }
0x1a6: {  	[hbm4b:s20+s3] =	stream.linear.scatter [tilespmem:s21], [sflag:$0x3], $0x80, $0x38;
	[tilespmem:$0x12E00] =	vst v63  }
0x1a7: {  	s20 =	sadd.s32 $0x50, s1;
	s21 =	simm.s32 $0x8F28  }
0x1a8: {  	[hbm4b:s20+s3] =	stream.linear.scatter [tilespmem:s21], [sflag:$0x3], $0x80, $0x38;
	[tilespmem:$0x12E00] =	vst v63  }
0x1a9: {  	s20 =	sadd.s32 $0x60, s1;
	s21 =	simm.s32 $0x8FB0  }
0x1aa: {  	[hbm4b:s20+s3] =	stream.linear.scatter [tilespmem:s21], [sflag:$0x3], $0x80, $0x38;
	[tilespmem:$0x12E00] =	vst v63  }
0x1ab: {  	s20 =	sor.u32 s13, s18  }
0x1ac: {  	s1 =	sadd.s32 $0x70, s1;
	s21 =	simm.s32 $0x9038;
	s18 =	sshrl.u32 s20, $0x3  }
0x1ad: {  	[hbm4b:s1+s3] =	stream.linear.scatter [tilespmem:s21], [sflag:$0x3], $0x80, $0x38;
	[tilespmem:$0x12E00] =	vst v63  }
0x1ae: {  	s1 =	sadd.s32 s2, s18;
	s21 =	simm.s32 $0x90C0  }
0x1af: {  	[hbm4b:s1+s3] =	stream.linear.scatter [tilespmem:s21], [sflag:$0x3], $0x80, $0x38;
	[tilespmem:$0x12E00] =	vst v63  }
0x1b0: {  	s20 =	sadd.s32 $0x10, s1;
	s21 =	simm.s32 $0x9148  }
0x1b1: {  	[hbm4b:s20+s3] =	stream.linear.scatter [tilespmem:s21], [sflag:$0x3], $0x80, $0x38;
	[tilespmem:$0x12E00] =	vst v63  }
0x1b2: {  	s20 =	sadd.s32 $0x20, s1;
	s21 =	simm.s32 $0x91D0  }
0x1b3: {  	[hbm4b:s20+s3] =	stream.linear.scatter [tilespmem:s21], [sflag:$0x3], $0x80, $0x38;
	[tilespmem:$0x12E00] =	vst v63  }
0x1b4: {  	s20 =	sadd.s32 $0x30, s1;
	s21 =	simm.s32 $0x9258  }
0x1b5: {  	[hbm4b:s20+s3] =	stream.linear.scatter [tilespmem:s21], [sflag:$0x3], $0x80, $0x38;
	[tilespmem:$0x12E00] =	vst v63  }
0x1b6: {  	s20 =	sadd.s32 $0x40, s1;
	s21 =	simm.s32 $0x92E0  }
0x1b7: {  	[hbm4b:s20+s3] =	stream.linear.scatter [tilespmem:s21], [sflag:$0x3], $0x80, $0x38;
	[tilespmem:$0x12E00] =	vst v63  }
0x1b8: {  	s20 =	sadd.s32 $0x50, s1;
	s21 =	simm.s32 $0x9368  }
0x1b9: {  	[hbm4b:s20+s3] =	stream.linear.scatter [tilespmem:s21], [sflag:$0x3], $0x80, $0x38;
	[tilespmem:$0x12E00] =	vst v63  }
0x1ba: {  	s20 =	sadd.s32 $0x60, s1;
	s21 =	simm.s32 $0x93F0  }
0x1bb: {  	[hbm4b:s20+s3] =	stream.linear.scatter [tilespmem:s21], [sflag:$0x3], $0x80, $0x38;
	[tilespmem:$0x12E00] =	vst v63  }
0x1bc: {  	s1 =	sadd.s32 $0x70, s1;
	s21 =	simm.s32 $0x9478  }
0x1bd: {  	[hbm4b:s1+s3] =	stream.linear.scatter [tilespmem:s21], [sflag:$0x3], $0x80, $0x38;
	[tilespmem:$0x12E00] =	vst v63  }
0x1be: {  	s1 =	sadd.s32 s30, s14;
	s21 =	simm.s32 $0x9940  }
0x1bf: {  	[hbm4b:s1+s3] =	stream.linear.scatter [tilespmem:s21], [sflag:$0x3], $0x80, $0x38;
	[tilespmem:$0x12E00] =	vst v63  }
0x1c0: {  	s20 =	sadd.s32 $0x10, s1;
	s21 =	simm.s32 $0x99C8  }
0x1c1: {  	[hbm4b:s20+s3] =	stream.linear.scatter [tilespmem:s21], [sflag:$0x3], $0x80, $0x38;
	[tilespmem:$0x12E00] =	vst v63  }
0x1c2: {  	s20 =	sadd.s32 $0x20, s1;
	s21 =	simm.s32 $0x9A50  }
0x1c3: {  	[hbm4b:s20+s3] =	stream.linear.scatter [tilespmem:s21], [sflag:$0x3], $0x80, $0x38;
	[tilespmem:$0x12E00] =	vst v63  }
0x1c4: {  	s20 =	sadd.s32 $0x30, s1;
	s21 =	simm.s32 $0x9AD8  }
0x1c5: {  	[hbm4b:s20+s3] =	stream.linear.scatter [tilespmem:s21], [sflag:$0x3], $0x80, $0x38;
	[tilespmem:$0x12E00] =	vst v63  }
0x1c6: {  	s20 =	sadd.s32 $0x40, s1;
	s21 =	simm.s32 $0x9B60  }
0x1c7: {  	[hbm4b:s20+s3] =	stream.linear.scatter [tilespmem:s21], [sflag:$0x3], $0x80, $0x38;
	[tilespmem:$0x12E00] =	vst v63  }
0x1c8: {  	s20 =	sadd.s32 $0x50, s1;
	s21 =	simm.s32 $0x9BE8  }
0x1c9: {  	[hbm4b:s20+s3] =	stream.linear.scatter [tilespmem:s21], [sflag:$0x3], $0x80, $0x38;
	[tilespmem:$0x12E00] =	vst v63  }
0x1ca: {  	s20 =	sadd.s32 $0x60, s1;
	s21 =	simm.s32 $0x9C70  }
0x1cb: {  	[hbm4b:s20+s3] =	stream.linear.scatter [tilespmem:s21], [sflag:$0x3], $0x80, $0x38;
	[tilespmem:$0x12E00] =	vst v63  }
0x1cc: {  	s1 =	sadd.s32 $0x70, s1;
	s21 =	simm.s32 $0x9CF8;
	s20 =	sor.u32 $0x4000, s31  }
0x1cd: {  	[hbm4b:s1+s3] =	stream.linear.scatter [tilespmem:s21], [sflag:$0x3], $0x80, $0x38;
	[tilespmem:$0x12E00] =	vst v63  }
0x1ce: {  	s1 =	sadd.s32 s2, s20;
	s21 =	simm.s32 $0x9D80  }
0x1cf: {  	[hbm4b:s1+s3] =	stream.linear.scatter [tilespmem:s21], [sflag:$0x3], $0x80, $0x38;
	[tilespmem:$0x12E00] =	vst v63  }
0x1d0: {  	s20 =	sadd.s32 $0x10, s1;
	s21 =	simm.s32 $0x9E08  }
0x1d1: {  	[hbm4b:s20+s3] =	stream.linear.scatter [tilespmem:s21], [sflag:$0x3], $0x80, $0x38;
	[tilespmem:$0x12E00] =	vst v63  }
0x1d2: {  	s20 =	sadd.s32 $0x20, s1;
	s21 =	simm.s32 $0x9E90  }
0x1d3: {  	[hbm4b:s20+s3] =	stream.linear.scatter [tilespmem:s21], [sflag:$0x3], $0x80, $0x38;
	[tilespmem:$0x12E00] =	vst v63  }
0x1d4: {  	s20 =	sadd.s32 $0x30, s1;
	s21 =	simm.s32 $0x9F18  }
0x1d5: {  	[hbm4b:s20+s3] =	stream.linear.scatter [tilespmem:s21], [sflag:$0x3], $0x80, $0x38;
	[tilespmem:$0x12E00] =	vst v63  }
0x1d6: {  	s20 =	sadd.s32 $0x40, s1;
	s21 =	simm.s32 $0x9FA0  }
0x1d7: {  	[hbm4b:s20+s3] =	stream.linear.scatter [tilespmem:s21], [sflag:$0x3], $0x80, $0x38;
	[tilespmem:$0x12E00] =	vst v63  }
0x1d8: {  	s20 =	sadd.s32 $0x50, s1;
	s21 =	simm.s32 $0xA028  }
0x1d9: {  	[hbm4b:s20+s3] =	stream.linear.scatter [tilespmem:s21], [sflag:$0x3], $0x80, $0x38;
	[tilespmem:$0x12E00] =	vst v63  }
0x1da: {  	s20 =	sadd.s32 $0x60, s1;
	s21 =	simm.s32 $0xA0B0  }
0x1db: {  	[hbm4b:s20+s3] =	stream.linear.scatter [tilespmem:s21], [sflag:$0x3], $0x80, $0x38;
	[tilespmem:$0x12E00] =	vst v63  }
0x1dc: {  	s1 =	sadd.s32 $0x70, s1;
	s21 =	simm.s32 $0xA138;
	s20 =	sor.u32 $0x4000, s0  }
0x1dd: {  	[hbm4b:s1+s3] =	stream.linear.scatter [tilespmem:s21], [sflag:$0x3], $0x80, $0x38;
	[tilespmem:$0x12E00] =	vst v63  }
0x1de: {  	s1 =	sadd.s32 s2, s20;
	s21 =	simm.s32 $0xA1C0  }
0x1df: {  	[hbm4b:s1+s3] =	stream.linear.scatter [tilespmem:s21], [sflag:$0x3], $0x80, $0x38;
	[tilespmem:$0x12E00] =	vst v63  }
0x1e0: {  	s20 =	sadd.s32 $0x10, s1;
	s21 =	simm.s32 $0xA248  }
0x1e1: {  	[hbm4b:s20+s3] =	stream.linear.scatter [tilespmem:s21], [sflag:$0x3], $0x80, $0x38;
	[tilespmem:$0x12E00] =	vst v63  }
0x1e2: {  	s20 =	sadd.s32 $0x20, s1;
	s21 =	simm.s32 $0xA2D0  }
0x1e3: {  	[hbm4b:s20+s3] =	stream.linear.scatter [tilespmem:s21], [sflag:$0x3], $0x80, $0x38;
	[tilespmem:$0x12E00] =	vst v63  }
0x1e4: {  	s20 =	sadd.s32 $0x30, s1;
	s21 =	simm.s32 $0xA358  }
0x1e5: {  	[hbm4b:s20+s3] =	stream.linear.scatter [tilespmem:s21], [sflag:$0x3], $0x80, $0x38;
	[tilespmem:$0x12E00] =	vst v63  }
0x1e6: {  	s20 =	sadd.s32 $0x40, s1;
	s21 =	simm.s32 $0xA3E0  }
0x1e7: {  	[hbm4b:s20+s3] =	stream.linear.scatter [tilespmem:s21], [sflag:$0x3], $0x80, $0x38;
	[tilespmem:$0x12E00] =	vst v63  }
0x1e8: {  	s20 =	sadd.s32 $0x50, s1;
	s21 =	simm.s32 $0xA468  }
0x1e9: {  	[hbm4b:s20+s3] =	stream.linear.scatter [tilespmem:s21], [sflag:$0x3], $0x80, $0x38;
	[tilespmem:$0x12E00] =	vst v63  }
0x1ea: {  	s20 =	sadd.s32 $0x60, s1;
	s21 =	simm.s32 $0xA4F0  }
0x1eb: {  	[hbm4b:s20+s3] =	stream.linear.scatter [tilespmem:s21], [sflag:$0x3], $0x80, $0x38;
	[tilespmem:$0x12E00] =	vst v63  }
0x1ec: {  	s1 =	sadd.s32 $0x70, s1;
	s21 =	simm.s32 $0xA578;
	s20 =	sor.u32 $0x4000, s18  }
0x1ed: {  	[hbm4b:s1+s3] =	stream.linear.scatter [tilespmem:s21], [sflag:$0x3], $0x80, $0x38;
	[tilespmem:$0x12E00] =	vst v63  }
0x1ee: {  	s1 =	sadd.s32 s2, s20;
	s21 =	simm.s32 $0xA600  }
0x1ef: {  	[hbm4b:s1+s3] =	stream.linear.scatter [tilespmem:s21], [sflag:$0x3], $0x80, $0x38;
	[tilespmem:$0x12E00] =	vst v63  }
0x1f0: {  	s20 =	sadd.s32 $0x10, s1;
	s21 =	simm.s32 $0xA688  }
0x1f1: {  	[hbm4b:s20+s3] =	stream.linear.scatter [tilespmem:s21], [sflag:$0x3], $0x80, $0x38;
	[tilespmem:$0x12E00] =	vst v63  }
0x1f2: {  	s20 =	sadd.s32 $0x20, s1;
	s21 =	simm.s32 $0xA710  }
0x1f3: {  	[hbm4b:s20+s3] =	stream.linear.scatter [tilespmem:s21], [sflag:$0x3], $0x80, $0x38;
	[tilespmem:$0x12E00] =	vst v63  }
0x1f4: {  	s20 =	sadd.s32 $0x30, s1;
	s21 =	simm.s32 $0xA798  }
0x1f5: {  	[hbm4b:s20+s3] =	stream.linear.scatter [tilespmem:s21], [sflag:$0x3], $0x80, $0x38;
	[tilespmem:$0x12E00] =	vst v63  }
0x1f6: {  	s20 =	sadd.s32 $0x40, s1;
	s21 =	simm.s32 $0xA820  }
0x1f7: {  	[hbm4b:s20+s3] =	stream.linear.scatter [tilespmem:s21], [sflag:$0x3], $0x80, $0x38;
	[tilespmem:$0x12E00] =	vst v63  }
0x1f8: {  	s20 =	sadd.s32 $0x50, s1;
	s21 =	simm.s32 $0xA8A8  }
0x1f9: {  	[hbm4b:s20+s3] =	stream.linear.scatter [tilespmem:s21], [sflag:$0x3], $0x80, $0x38;
	[tilespmem:$0x12E00] =	vst v63  }
0x1fa: {  	s20 =	sadd.s32 $0x60, s1;
	s21 =	simm.s32 $0xA930  }
0x1fb: {  	[hbm4b:s20+s3] =	stream.linear.scatter [tilespmem:s21], [sflag:$0x3], $0x80, $0x38;
	[tilespmem:$0x12E00] =	vst v63  }
0x1fc: {  	s1 =	sadd.s32 $0x70, s1;
	s21 =	simm.s32 $0xA9B8  }
0x1fd: {  	[hbm4b:s1+s3] =	stream.linear.scatter [tilespmem:s21], [sflag:$0x3], $0x80, $0x38;
	[tilespmem:$0x12E00] =	vst v63  }
0x1fe: {  	s1 =	sadd.s32 s30, s15;
	s21 =	simm.s32 $0xAE80  }
0x1ff: {  	[hbm4b:s1+s3] =	stream.linear.scatter [tilespmem:s21], [sflag:$0x3], $0x80, $0x38;
	[tilespmem:$0x12E00] =	vst v63  }
0x200: {  	s20 =	sadd.s32 $0x10, s1;
	s21 =	simm.s32 $0xAF08  }
0x201: {  	[hbm4b:s20+s3] =	stream.linear.scatter [tilespmem:s21], [sflag:$0x3], $0x80, $0x38;
	[tilespmem:$0x12E00] =	vst v63  }
0x202: {  	s20 =	sadd.s32 $0x20, s1;
	s21 =	simm.s32 $0xAF90  }
0x203: {  	[hbm4b:s20+s3] =	stream.linear.scatter [tilespmem:s21], [sflag:$0x3], $0x80, $0x38;
	[tilespmem:$0x12E00] =	vst v63  }
0x204: {  	s20 =	sadd.s32 $0x30, s1;
	s21 =	simm.s32 $0xB018  }
0x205: {  	[hbm4b:s20+s3] =	stream.linear.scatter [tilespmem:s21], [sflag:$0x3], $0x80, $0x38;
	[tilespmem:$0x12E00] =	vst v63  }
0x206: {  	s20 =	sadd.s32 $0x40, s1;
	s21 =	simm.s32 $0xB0A0  }
0x207: {  	[hbm4b:s20+s3] =	stream.linear.scatter [tilespmem:s21], [sflag:$0x3], $0x80, $0x38;
	[tilespmem:$0x12E00] =	vst v63  }
0x208: {  	s20 =	sadd.s32 $0x50, s1;
	s21 =	simm.s32 $0xB128  }
0x209: {  	[hbm4b:s20+s3] =	stream.linear.scatter [tilespmem:s21], [sflag:$0x3], $0x80, $0x38;
	[tilespmem:$0x12E00] =	vst v63  }
0x20a: {  	s20 =	sadd.s32 $0x60, s1;
	s21 =	simm.s32 $0xB1B0  }
0x20b: {  	[hbm4b:s20+s3] =	stream.linear.scatter [tilespmem:s21], [sflag:$0x3], $0x80, $0x38;
	[tilespmem:$0x12E00] =	vst v63  }
0x20c: {  	s1 =	sadd.s32 $0x70, s1;
	s21 =	simm.s32 $0xB238;
	s20 =	sor.u32 $0x8000, s31  }
0x20d: {  	[hbm4b:s1+s3] =	stream.linear.scatter [tilespmem:s21], [sflag:$0x3], $0x80, $0x38;
	[tilespmem:$0x12E00] =	vst v63  }
0x20e: {  	s1 =	sadd.s32 s2, s20;
	s21 =	simm.s32 $0xB2C0  }
0x20f: {  	[hbm4b:s1+s3] =	stream.linear.scatter [tilespmem:s21], [sflag:$0x3], $0x80, $0x38;
	[tilespmem:$0x12E00] =	vst v63  }
0x210: {  	s20 =	sadd.s32 $0x10, s1;
	s21 =	simm.s32 $0xB348  }
0x211: {  	[hbm4b:s20+s3] =	stream.linear.scatter [tilespmem:s21], [sflag:$0x3], $0x80, $0x38;
	[tilespmem:$0x12E00] =	vst v63  }
0x212: {  	s20 =	sadd.s32 $0x20, s1;
	s21 =	simm.s32 $0xB3D0  }
0x213: {  	[hbm4b:s20+s3] =	stream.linear.scatter [tilespmem:s21], [sflag:$0x3], $0x80, $0x38;
	[tilespmem:$0x12E00] =	vst v63  }
0x214: {  	s20 =	sadd.s32 $0x30, s1;
	s21 =	simm.s32 $0xB458  }
0x215: {  	[hbm4b:s20+s3] =	stream.linear.scatter [tilespmem:s21], [sflag:$0x3], $0x80, $0x38;
	[tilespmem:$0x12E00] =	vst v63  }
0x216: {  	s20 =	sadd.s32 $0x40, s1;
	s21 =	simm.s32 $0xB4E0  }
0x217: {  	[hbm4b:s20+s3] =	stream.linear.scatter [tilespmem:s21], [sflag:$0x3], $0x80, $0x38;
	[tilespmem:$0x12E00] =	vst v63  }
0x218: {  	s20 =	sadd.s32 $0x50, s1;
	s21 =	simm.s32 $0xB568  }
0x219: {  	[hbm4b:s20+s3] =	stream.linear.scatter [tilespmem:s21], [sflag:$0x3], $0x80, $0x38;
	[tilespmem:$0x12E00] =	vst v63  }
0x21a: {  	s20 =	sadd.s32 $0x60, s1;
	s21 =	simm.s32 $0xB5F0  }
0x21b: {  	[hbm4b:s20+s3] =	stream.linear.scatter [tilespmem:s21], [sflag:$0x3], $0x80, $0x38;
	[tilespmem:$0x12E00] =	vst v63  }
0x21c: {  	s1 =	sadd.s32 $0x70, s1;
	s21 =	simm.s32 $0xB678;
	s20 =	sor.u32 $0x8000, s0  }
0x21d: {  	[hbm4b:s1+s3] =	stream.linear.scatter [tilespmem:s21], [sflag:$0x3], $0x80, $0x38;
	[tilespmem:$0x12E00] =	vst v63  }
0x21e: {  	s1 =	sadd.s32 s2, s20;
	s21 =	simm.s32 $0xB700  }
0x21f: {  	[hbm4b:s1+s3] =	stream.linear.scatter [tilespmem:s21], [sflag:$0x3], $0x80, $0x38;
	[tilespmem:$0x12E00] =	vst v63  }
0x220: {  	s20 =	sadd.s32 $0x10, s1;
	s21 =	simm.s32 $0xB788  }
0x221: {  	[hbm4b:s20+s3] =	stream.linear.scatter [tilespmem:s21], [sflag:$0x3], $0x80, $0x38;
	[tilespmem:$0x12E00] =	vst v63  }
0x222: {  	s20 =	sadd.s32 $0x20, s1;
	s21 =	simm.s32 $0xB810  }
0x223: {  	[hbm4b:s20+s3] =	stream.linear.scatter [tilespmem:s21], [sflag:$0x3], $0x80, $0x38;
	[tilespmem:$0x12E00] =	vst v63  }
0x224: {  	s20 =	sadd.s32 $0x30, s1;
	s21 =	simm.s32 $0xB898  }
0x225: {  	[hbm4b:s20+s3] =	stream.linear.scatter [tilespmem:s21], [sflag:$0x3], $0x80, $0x38;
	[tilespmem:$0x12E00] =	vst v63  }
0x226: {  	s20 =	sadd.s32 $0x40, s1;
	s21 =	simm.s32 $0xB920  }
0x227: {  	[hbm4b:s20+s3] =	stream.linear.scatter [tilespmem:s21], [sflag:$0x3], $0x80, $0x38;
	[tilespmem:$0x12E00] =	vst v63  }
0x228: {  	s20 =	sadd.s32 $0x50, s1;
	s21 =	simm.s32 $0xB9A8  }
0x229: {  	[hbm4b:s20+s3] =	stream.linear.scatter [tilespmem:s21], [sflag:$0x3], $0x80, $0x38;
	[tilespmem:$0x12E00] =	vst v63  }
0x22a: {  	s20 =	sadd.s32 $0x60, s1;
	s21 =	simm.s32 $0xBA30  }
0x22b: {  	[hbm4b:s20+s3] =	stream.linear.scatter [tilespmem:s21], [sflag:$0x3], $0x80, $0x38;
	[tilespmem:$0x12E00] =	vst v63  }
0x22c: {  	s1 =	sadd.s32 $0x70, s1;
	s21 =	simm.s32 $0xBAB8;
	s20 =	sor.u32 $0x8000, s18  }
0x22d: {  	[hbm4b:s1+s3] =	stream.linear.scatter [tilespmem:s21], [sflag:$0x3], $0x80, $0x38;
	[tilespmem:$0x12E00] =	vst v63  }
0x22e: {  	s1 =	sadd.s32 s2, s20;
	s21 =	simm.s32 $0xBB40  }
0x22f: {  	[hbm4b:s1+s3] =	stream.linear.scatter [tilespmem:s21], [sflag:$0x3], $0x80, $0x38;
	[tilespmem:$0x12E00] =	vst v63  }
0x230: {  	s20 =	sadd.s32 $0x10, s1;
	s21 =	simm.s32 $0xBBC8  }
0x231: {  	[hbm4b:s20+s3] =	stream.linear.scatter [tilespmem:s21], [sflag:$0x3], $0x80, $0x38;
	[tilespmem:$0x12E00] =	vst v63  }
0x232: {  	s20 =	sadd.s32 $0x20, s1;
	s21 =	simm.s32 $0xBC50  }
0x233: {  	[hbm4b:s20+s3] =	stream.linear.scatter [tilespmem:s21], [sflag:$0x3], $0x80, $0x38;
	[tilespmem:$0x12E00] =	vst v63  }
0x234: {  	s20 =	sadd.s32 $0x30, s1;
	s21 =	simm.s32 $0xBCD8  }
0x235: {  	[hbm4b:s20+s3] =	stream.linear.scatter [tilespmem:s21], [sflag:$0x3], $0x80, $0x38;
	[tilespmem:$0x12E00] =	vst v63  }
0x236: {  	s20 =	sadd.s32 $0x40, s1;
	s21 =	simm.s32 $0xBD60  }
0x237: {  	[hbm4b:s20+s3] =	stream.linear.scatter [tilespmem:s21], [sflag:$0x3], $0x80, $0x38;
	[tilespmem:$0x12E00] =	vst v63  }
0x238: {  	s20 =	sadd.s32 $0x50, s1;
	s21 =	simm.s32 $0xBDE8  }
0x239: {  	[hbm4b:s20+s3] =	stream.linear.scatter [tilespmem:s21], [sflag:$0x3], $0x80, $0x38;
	[tilespmem:$0x12E00] =	vst v63  }
0x23a: {  	s20 =	sadd.s32 $0x60, s1;
	s21 =	simm.s32 $0xBE70  }
0x23b: {  	[hbm4b:s20+s3] =	stream.linear.scatter [tilespmem:s21], [sflag:$0x3], $0x80, $0x38;
	[tilespmem:$0x12E00] =	vst v63  }
0x23c: {  	s1 =	sadd.s32 $0x70, s1;
	s21 =	simm.s32 $0xBEF8  }
0x23d: {  	[hbm4b:s1+s3] =	stream.linear.scatter [tilespmem:s21], [sflag:$0x3], $0x80, $0x38;
	[tilespmem:$0x12E00] =	vst v63  }
0x23e: {  	s1 =	sadd.s32 s30, s16;
	s21 =	simm.s32 $0xC3C0  }
0x23f: {  	[hbm4b:s1+s3] =	stream.linear.scatter [tilespmem:s21], [sflag:$0x3], $0x80, $0x38;
	[tilespmem:$0x12E00] =	vst v63  }
0x240: {  	s20 =	sadd.s32 $0x10, s1;
	s21 =	simm.s32 $0xC448  }
0x241: {  	[hbm4b:s20+s3] =	stream.linear.scatter [tilespmem:s21], [sflag:$0x3], $0x80, $0x38;
	[tilespmem:$0x12E00] =	vst v63  }
0x242: {  	s20 =	sadd.s32 $0x20, s1;
	s21 =	simm.s32 $0xC4D0  }
0x243: {  	[hbm4b:s20+s3] =	stream.linear.scatter [tilespmem:s21], [sflag:$0x3], $0x80, $0x38;
	[tilespmem:$0x12E00] =	vst v63  }
0x244: {  	s20 =	sadd.s32 $0x30, s1;
	s21 =	simm.s32 $0xC558  }
0x245: {  	[hbm4b:s20+s3] =	stream.linear.scatter [tilespmem:s21], [sflag:$0x3], $0x80, $0x38;
	[tilespmem:$0x12E00] =	vst v63  }
0x246: {  	s20 =	sadd.s32 $0x40, s1;
	s21 =	simm.s32 $0xC5E0  }
0x247: {  	[hbm4b:s20+s3] =	stream.linear.scatter [tilespmem:s21], [sflag:$0x3], $0x80, $0x38;
	[tilespmem:$0x12E00] =	vst v63  }
0x248: {  	s20 =	sadd.s32 $0x50, s1;
	s21 =	simm.s32 $0xC668  }
0x249: {  	[hbm4b:s20+s3] =	stream.linear.scatter [tilespmem:s21], [sflag:$0x3], $0x80, $0x38;
	[tilespmem:$0x12E00] =	vst v63  }
0x24a: {  	s20 =	sadd.s32 $0x60, s1;
	s21 =	simm.s32 $0xC6F0  }
0x24b: {  	[hbm4b:s20+s3] =	stream.linear.scatter [tilespmem:s21], [sflag:$0x3], $0x80, $0x38;
	[tilespmem:$0x12E00] =	vst v63  }
0x24c: {  	s1 =	sadd.s32 $0x70, s1;
	s21 =	simm.s32 $0xC778;
	s20 =	sor.u32 $0xC000, s31  }
0x24d: {  	[hbm4b:s1+s3] =	stream.linear.scatter [tilespmem:s21], [sflag:$0x3], $0x80, $0x38;
	[tilespmem:$0x12E00] =	vst v63  }
0x24e: {  	s1 =	sadd.s32 s2, s20;
	s21 =	simm.s32 $0xC800  }
0x24f: {  	[hbm4b:s1+s3] =	stream.linear.scatter [tilespmem:s21], [sflag:$0x3], $0x80, $0x38;
	[tilespmem:$0x12E00] =	vst v63  }
0x250: {  	s20 =	sadd.s32 $0x10, s1;
	s21 =	simm.s32 $0xC888  }
0x251: {  	[hbm4b:s20+s3] =	stream.linear.scatter [tilespmem:s21], [sflag:$0x3], $0x80, $0x38;
	[tilespmem:$0x12E00] =	vst v63  }
0x252: {  	s20 =	sadd.s32 $0x20, s1;
	s21 =	simm.s32 $0xC910  }
0x253: {  	[hbm4b:s20+s3] =	stream.linear.scatter [tilespmem:s21], [sflag:$0x3], $0x80, $0x38;
	[tilespmem:$0x12E00] =	vst v63  }
0x254: {  	s20 =	sadd.s32 $0x30, s1;
	s21 =	simm.s32 $0xC998  }
0x255: {  	[hbm4b:s20+s3] =	stream.linear.scatter [tilespmem:s21], [sflag:$0x3], $0x80, $0x38;
	[tilespmem:$0x12E00] =	vst v63  }
0x256: {  	s20 =	sadd.s32 $0x40, s1;
	s21 =	simm.s32 $0xCA20  }
0x257: {  	[hbm4b:s20+s3] =	stream.linear.scatter [tilespmem:s21], [sflag:$0x3], $0x80, $0x38;
	[tilespmem:$0x12E00] =	vst v63  }
0x258: {  	s20 =	sadd.s32 $0x50, s1;
	s21 =	simm.s32 $0xCAA8  }
0x259: {  	[hbm4b:s20+s3] =	stream.linear.scatter [tilespmem:s21], [sflag:$0x3], $0x80, $0x38;
	[tilespmem:$0x12E00] =	vst v63  }
0x25a: {  	s20 =	sadd.s32 $0x60, s1;
	s21 =	simm.s32 $0xCB30  }
0x25b: {  	[hbm4b:s20+s3] =	stream.linear.scatter [tilespmem:s21], [sflag:$0x3], $0x80, $0x38;
	[tilespmem:$0x12E00] =	vst v63  }
0x25c: {  	s0 =	sor.u32 $0xC000, s0;
	s1 =	sadd.s32 $0x70, s1;
	s21 =	simm.s32 $0xCBB8  }
0x25d: {  	[hbm4b:s1+s3] =	stream.linear.scatter [tilespmem:s21], [sflag:$0x3], $0x80, $0x38;
	[tilespmem:$0x12E00] =	vst v63  }
0x25e: {  	s0 =	sadd.s32 s2, s0;
	s21 =	simm.s32 $0xCC40  }
0x25f: {  	[hbm4b:s0+s3] =	stream.linear.scatter [tilespmem:s21], [sflag:$0x3], $0x80, $0x38;
	[tilespmem:$0x12E00] =	vst v63  }
0x260: {  	s20 =	sadd.s32 $0x10, s0;
	s21 =	simm.s32 $0xCCC8  }
0x261: {  	[hbm4b:s20+s3] =	stream.linear.scatter [tilespmem:s21], [sflag:$0x3], $0x80, $0x38;
	[tilespmem:$0x12E00] =	vst v63  }
0x262: {  	s20 =	sadd.s32 $0x20, s0;
	s21 =	simm.s32 $0xCD50  }
0x263: {  	[hbm4b:s20+s3] =	stream.linear.scatter [tilespmem:s21], [sflag:$0x3], $0x80, $0x38;
	[tilespmem:$0x12E00] =	vst v63  }
0x264: {  	s20 =	sadd.s32 $0x30, s0;
	s21 =	simm.s32 $0xCDD8  }
0x265: {  	[hbm4b:s20+s3] =	stream.linear.scatter [tilespmem:s21], [sflag:$0x3], $0x80, $0x38;
	[tilespmem:$0x12E00] =	vst v63  }
0x266: {  	s20 =	sadd.s32 $0x40, s0;
	s21 =	simm.s32 $0xCE60  }
0x267: {  	[hbm4b:s20+s3] =	stream.linear.scatter [tilespmem:s21], [sflag:$0x3], $0x80, $0x38;
	[tilespmem:$0x12E00] =	vst v63  }
0x268: {  	s20 =	sadd.s32 $0x50, s0;
	s21 =	simm.s32 $0xCEE8  }
0x269: {  	[hbm4b:s20+s3] =	stream.linear.scatter [tilespmem:s21], [sflag:$0x3], $0x80, $0x38;
	[tilespmem:$0x12E00] =	vst v63  }
0x26a: {  	s20 =	sadd.s32 $0x60, s0;
	s21 =	simm.s32 $0xCF70  }
0x26b: {  	[hbm4b:s20+s3] =	stream.linear.scatter [tilespmem:s21], [sflag:$0x3], $0x80, $0x38;
	[tilespmem:$0x12E00] =	vst v63  }
0x26c: {  	s1 =	sor.u32 $0xC000, s18;
	s0 =	sadd.s32 $0x70, s0;
	s21 =	simm.s32 $0xCFF8  }
0x26d: {  	[hbm4b:s0+s3] =	stream.linear.scatter [tilespmem:s21], [sflag:$0x3], $0x80, $0x38;
	[tilespmem:$0x12E00] =	vst v63  }
0x26e: {  	s18 =	simm.s32 $0xD080;
	s0 =	sadd.s32 s2, s1  }
0x26f: {  	[hbm4b:s0+s3] =	stream.linear.scatter [tilespmem:s18], [sflag:$0x3], $0x80, $0x38;
	[tilespmem:$0x12E00] =	vst v63  }
0x270: {  	s21 =	simm.s32 $0xD108;
	s20 =	sadd.s32 $0x10, s0  }
0x271: {  	[hbm4b:s20+s3] =	stream.linear.scatter [tilespmem:s21], [sflag:$0x3], $0x80, $0x38;
	[tilespmem:$0x12E00] =	vst v63  }
0x272: {  	s20 =	sadd.s32 $0x20, s0;
	s21 =	simm.s32 $0xD190  }
0x273: {  	[hbm4b:s20+s3] =	stream.linear.scatter [tilespmem:s21], [sflag:$0x3], $0x80, $0x38;
	[tilespmem:$0x12E00] =	vst v63  }
0x274: {  	s20 =	sadd.s32 $0x30, s0;
	s21 =	simm.s32 $0xD218  }
0x275: {  	[hbm4b:s20+s3] =	stream.linear.scatter [tilespmem:s21], [sflag:$0x3], $0x80, $0x38;
	[tilespmem:$0x12E00] =	vst v63  }
0x276: {  	s20 =	sadd.s32 $0x40, s0;
	s21 =	simm.s32 $0xD2A0  }
0x277: {  	[hbm4b:s20+s3] =	stream.linear.scatter [tilespmem:s21], [sflag:$0x3], $0x80, $0x38;
	[tilespmem:$0x12E00] =	vst v63  }
0x278: {  	s20 =	sadd.s32 $0x50, s0;
	s21 =	simm.s32 $0xD328  }
0x279: {  	[hbm4b:s20+s3] =	stream.linear.scatter [tilespmem:s21], [sflag:$0x3], $0x80, $0x38;
	[tilespmem:$0x12E00] =	vst v63  }
0x27a: {  	s18 =	sadd.s32 $0x60, s0;
	s20 =	simm.s32 $0xD3B0  }
0x27b: {  	[hbm4b:s18+s3] =	stream.linear.scatter [tilespmem:s20], [sflag:$0x3], $0x80, $0x38;
	[tilespmem:$0x12E00] =	vst v63  }
0x27c: {  	s0 =	sadd.s32 $0x70, s0;
	s21 =	simm.s32 $0xD438  }
0x27d: {  	[hbm4b:s0+s3] =	stream.linear.scatter [tilespmem:s21], [sflag:$0x3], $0x80, $0x38;
	[tilespmem:$0x12E00] =	vst v63  }
0x27e: {  	_ =	swait.ge [sflag:s17], $0x1000  }
0x27f: {  	[sflag:s17] =	ssyncset.done $0x0  }
0x280: {  	[sflag:s17] =	ssyncadd.s32 $0xFFFFF000  }
0x281: {  	_ =	swait.ge [sflag:s17], $0x1000  }
0x282: {  	[sflag:s17] =	ssyncset.done $0x0  }
0x283: {  	[sflag:s17] =	ssyncadd.s32 $0xFFFFF000  }
0x284: {  	_ =	swait.ge [sflag:s17], $0x1000  }
0x285: {  	[sflag:s17] =	ssyncset.done $0x0  }
0x286: {  	[sflag:s17] =	ssyncadd.s32 $0xFFFFF000  }
0x287: {  	_ =	swait.ge [sflag:s17], $0x1000  }
0x288: {  	[sflag:s17] =	ssyncset.done $0x0  }
0x289: {  	s0 =	simm.s32 @!p0 $0x5;
	[sflag:s17] =	ssyncadd.s32 $0xFFFFF000  }
0x28a: {  	_ =	swait.ge @!p0 [sflag:s0], $0x200  }
0x28b: {  	s1 =	simm.s32 @!p0 $0x0;
	[sflag:s0] =	ssyncset.done @!p0 $0x0  }
0x28c: {  	s18 =	simm.s32 @!p0 $0x400;
	[sflag:s0] =	ssyncadd.s32 @!p0 $0xFFFFFE00;
	s0 =	simm.s32 @!p0 $0x80  }
0x28d: {  	[tilespmem:s18], [sflag:$0x1] =	stream.indirect.gather @!p0 [hbm4b:s5+s0], $0x20, s1, s0, $0xb8;
	[tilespmem:$0x12E00] =	vst v63  }
0x28e: {  	s18 =	simm.s32 @!p0 $0x1400  }
0x28f: {  	[tilespmem:s18], [sflag:$0x1] =	stream.indirect.gather @!p0 [hbm4b:s5+s0], $0x20, s0, s0, $0xb8;
	[tilespmem:$0x12E00] =	vst v63  }
0x290: {  	s20 =	simm.s32 @!p0 $0x2400;
	s18 =	simm.s32 @!p0 $0x100  }
0x291: {  	[tilespmem:s20], [sflag:$0x1] =	stream.indirect.gather @!p0 [hbm4b:s5+s0], $0x20, s18, s0, $0xb8;
	[tilespmem:$0x12E00] =	vst v63  }
0x292: {  	s18 =	simm.s32 @!p0 $0x180;
	s20 =	simm.s32 @!p0 $0x3400  }
0x293: {  	[tilespmem:s20], [sflag:$0x1] =	stream.indirect.gather @!p0 [hbm4b:s5+s0], $0x20, s18, s0, $0xb8;
	[tilespmem:$0x12E00] =	vst v63  }
0x294: {  	s0 =	sadd.s32 @!p0 s9, s7  }
0x295: {  	s0 =	sshrl.u32 @!p0 s0, $0x3  }
0x296: {  	s7 =	simm.s32 @!p0 $0x200;
	s0 =	sadd.s32 @!p0 s4, s0  }
0x297: {  	[tilespmem:s7], [sflag:$0x6] =	stream.linear.gather @!p0 [hbm4b:s0+s1], $0x200, $0x38;
	[tilespmem:$0x12E00] =	vst v63  }
0x298: {  	s0 =	simm.s32 @!p1 $0x4  }
0x299: {  	_ =	swait.ge @!p1 [sflag:s0], $0x400  }
0x29a: {  	[sflag:s0] =	ssyncset.done @!p1 $0x0  }
0x29b: {  	[sflag:s0] =	ssyncadd.s32 @!p1 $0xFFFFFC00  }
0x29c: {  	_ =	swait.ge @!p1 [sflag:s0], $0x400  }
0x29d: {  	[sflag:s0] =	ssyncset.done @!p1 $0x0  }
0x29e: {  	[sflag:s0] =	ssyncadd.s32 @!p1 $0xFFFFFC00  }
0x29f: {  	_ =	swait.ge @!p1 [sflag:s0], $0x400  }
0x2a0: {  	[sflag:s0] =	ssyncset.done @!p1 $0x0  }
0x2a1: {  	[sflag:s0] =	ssyncadd.s32 @!p1 $0xFFFFFC00  }
0x2a2: {  	_ =	swait.ge @!p1 [sflag:s0], $0x400  }
0x2a3: {  	[sflag:s0] =	ssyncset.done @!p1 $0x0  }
0x2a4: {  	[sflag:s0] =	ssyncadd.s32 @!p1 $0xFFFFFC00  }
0x2a5: {  	_ =	swait.ge @!p1 [sflag:s0], $0x400  }
0x2a6: {  	[sflag:s0] =	ssyncset.done @!p1 $0x0  }
0x2a7: {  	[sflag:s0] =	ssyncadd.s32 @!p1 $0xFFFFFC00  }
0x2a8: {  	_ =	swait.ge @!p1 [sflag:s0], $0x400  }
0x2a9: {  	[sflag:s0] =	ssyncset.done @!p1 $0x0  }
0x2aa: {  	[sflag:s0] =	ssyncadd.s32 @!p1 $0xFFFFFC00  }
0x2ab: {  	_ =	swait.ge @!p1 [sflag:s0], $0x400  }
0x2ac: {  	[sflag:s0] =	ssyncset.done @!p1 $0x0  }
0x2ad: {  	[sflag:s0] =	ssyncadd.s32 @!p1 $0xFFFFFC00  }
0x2ae: {  	_ =	swait.ge @!p1 [sflag:s0], $0x400  }
0x2af: {  	[sflag:s0] =	ssyncset.done @!p1 $0x0  }
0x2b0: {  	[sflag:s0] =	ssyncadd.s32 @!p1 $0xFFFFFC00  }
0x2b1: {  	_ =	swait.ge @!p1 [sflag:s0], $0x400  }
0x2b2: {  	[sflag:s0] =	ssyncset.done @!p1 $0x0  }
0x2b3: {  	[sflag:s0] =	ssyncadd.s32 @!p1 $0xFFFFFC00  }
0x2b4: {  	_ =	swait.ge @!p1 [sflag:s0], $0x400  }
0x2b5: {  	[sflag:s0] =	ssyncset.done @!p1 $0x0  }
0x2b6: {  	[sflag:s0] =	ssyncadd.s32 @!p1 $0xFFFFFC00  }
0x2b7: {  	_ =	swait.ge @!p1 [sflag:s0], $0x400  }
0x2b8: {  	[sflag:s0] =	ssyncset.done @!p1 $0x0  }
0x2b9: {  	[sflag:s0] =	ssyncadd.s32 @!p1 $0xFFFFFC00  }
0x2ba: {  	_ =	swait.ge @!p1 [sflag:s0], $0x400  }
0x2bb: {  	[sflag:s0] =	ssyncset.done @!p1 $0x0  }
0x2bc: {  	[sflag:s0] =	ssyncadd.s32 @!p1 $0xFFFFFC00  }
0x2bd: {  	_ =	swait.ge @!p1 [sflag:s0], $0x400  }
0x2be: {  	[sflag:s0] =	ssyncset.done @!p1 $0x0  }
0x2bf: {  	[sflag:s0] =	ssyncadd.s32 @!p1 $0xFFFFFC00  }
0x2c0: {  	_ =	swait.ge @!p1 [sflag:s0], $0x400  }
0x2c1: {  	[sflag:s0] =	ssyncset.done @!p1 $0x0  }
0x2c2: {  	[sflag:s0] =	ssyncadd.s32 @!p1 $0xFFFFFC00  }
0x2c3: {  	_ =	swait.ge @!p1 [sflag:s0], $0x400  }
0x2c4: {  	s7 =	simm.s32 $0x0;
	[sflag:s0] =	ssyncset.done @!p1 $0x0  }
0x2c5: {  	v16 =	vmov s7;
	[sflag:s0] =	ssyncadd.s32 @!p1 $0xFFFFFC00  }
0x2c6: {  	s18 =	simm.s32 $0x0;
	v16 =	vmul.u32 $0x440, v16;
	_ =	swait.ge @!p1 [sflag:s0], $0x400  }
0x2c7: {  	s1 =	sand.u32 $0x78, s18;
	[sflag:s0] =	ssyncset.done @!p1 $0x0  }
0x2c8: {  	s20 =	simm.s32 $0x0;
	v16 =	vadd.s32 s1, v16;
	[sflag:s0] =	ssyncadd.s32 @!p1 $0xFFFFFC00  }
0x2c9: {  	v16 =	vbroadcast v16, $0x0;
	v17 =	vld [tilespmem:s20+$0x4400]  }
0x2ca: {  	v18 =	vld [tilespmem:s20+$0x4410]  }
0x2cb: {  	v19 =	vadd.s32 v0, v16  }
0x2cc: {  	v20 =	vadd.s32 v1, v16;
	_ =	sdelay $0x1  }
0x2cd: {  	v17 =	vmul.f32 $5.656854150e+00, v17  }
0x2ce: {  	v18 =	vmul.f32 $5.656854150e+00, v18  }
0x2cf: {  	[tilespmem:v19+s6+$0x0] =	vst.idx.msk $0xffff, v17  }
0x2d0: {  	[tilespmem:v20+s6+$0x0] =	vst.idx.msk $0xffff, v18  }
0x2d1: {  	v17 =	vld [tilespmem:s20+$0x4420]  }
0x2d2: {  	v18 =	vld [tilespmem:s20+$0x4430]  }
0x2d3: {  	v19 =	vadd.s32 v2, v16  }
0x2d4: {  	v20 =	vadd.s32 v3, v16;
	_ =	sdelay $0x1  }
0x2d5: {  	v17 =	vmul.f32 $5.656854150e+00, v17  }
0x2d6: {  	v18 =	vmul.f32 $5.656854150e+00, v18  }
0x2d7: {  	[tilespmem:v19+s6+$0x0] =	vst.idx.msk $0xffff, v17  }
0x2d8: {  	[tilespmem:v20+s6+$0x0] =	vst.idx.msk $0xffff, v18  }
0x2d9: {  	v17 =	vld [tilespmem:s20+$0x4440]  }
0x2da: {  	v18 =	vld [tilespmem:s20+$0x4450]  }
0x2db: {  	v19 =	vadd.s32 v4, v16  }
0x2dc: {  	v20 =	vadd.s32 v5, v16;
	_ =	sdelay $0x1  }
0x2dd: {  	v17 =	vmul.f32 $5.656854150e+00, v17  }
0x2de: {  	v18 =	vmul.f32 $5.656854150e+00, v18  }
0x2df: {  	[tilespmem:v19+s6+$0x0] =	vst.idx.msk $0xffff, v17  }
0x2e0: {  	[tilespmem:v20+s6+$0x0] =	vst.idx.msk $0xffff, v18  }
0x2e1: {  	v17 =	vld [tilespmem:s20+$0x4460]  }
0x2e2: {  	v18 =	vld [tilespmem:s20+$0x4470]  }
0x2e3: {  	v19 =	vadd.s32 v6, v16  }
0x2e4: {  	v20 =	vadd.s32 v7, v16;
	_ =	sdelay $0x1  }
0x2e5: {  	v17 =	vmul.f32 $5.656854150e+00, v17  }
0x2e6: {  	v18 =	vmul.f32 $5.656854150e+00, v18  }
0x2e7: {  	[tilespmem:v19+s6+$0x0] =	vst.idx.msk $0xffff, v17  }
0x2e8: {  	[tilespmem:v20+s6+$0x0] =	vst.idx.msk $0xffff, v18  }
0x2e9: {  	v17 =	vld [tilespmem:s20+$0x4480]  }
0x2ea: {  	v18 =	vld [tilespmem:s20+$0x4490]  }
0x2eb: {  	v19 =	vadd.s32 v8, v16  }
0x2ec: {  	v20 =	vadd.s32 v9, v16;
	_ =	sdelay $0x1  }
0x2ed: {  	v17 =	vmul.f32 $5.656854150e+00, v17  }
0x2ee: {  	v18 =	vmul.f32 $5.656854150e+00, v18  }
0x2ef: {  	[tilespmem:v19+s6+$0x0] =	vst.idx.msk $0xffff, v17  }
0x2f0: {  	[tilespmem:v20+s6+$0x0] =	vst.idx.msk $0xffff, v18  }
0x2f1: {  	v17 =	vld [tilespmem:s20+$0x44A0]  }
0x2f2: {  	v18 =	vld [tilespmem:s20+$0x44B0]  }
0x2f3: {  	v19 =	vadd.s32 v10, v16  }
0x2f4: {  	v20 =	vadd.s32 v11, v16;
	_ =	sdelay $0x1  }
0x2f5: {  	v17 =	vmul.f32 $5.656854150e+00, v17  }
0x2f6: {  	v18 =	vmul.f32 $5.656854150e+00, v18  }
0x2f7: {  	[tilespmem:v19+s6+$0x0] =	vst.idx.msk $0xffff, v17  }
0x2f8: {  	[tilespmem:v20+s6+$0x0] =	vst.idx.msk $0xffff, v18  }
0x2f9: {  	v17 =	vld [tilespmem:s20+$0x44C0]  }
0x2fa: {  	v18 =	vld [tilespmem:s20+$0x44D0]  }
0x2fb: {  	v19 =	vadd.s32 v12, v16  }
0x2fc: {  	v20 =	vadd.s32 v13, v16;
	_ =	sdelay $0x1  }
0x2fd: {  	v17 =	vmul.f32 $5.656854150e+00, v17  }
0x2fe: {  	v18 =	vmul.f32 $5.656854150e+00, v18  }
0x2ff: {  	[tilespmem:v19+s6+$0x0] =	vst.idx.msk $0xffff, v17  }
0x300: {  	[tilespmem:v20+s6+$0x0] =	vst.idx.msk $0xffff, v18  }
0x301: {  	v17 =	vld [tilespmem:s20+$0x44E0]  }
0x302: {  	v18 =	vld [tilespmem:s20+$0x44F0]  }
0x303: {  	v19 =	vadd.s32 v14, v16  }
0x304: {  	v16 =	vadd.s32 v15, v16  }
0x305: {  	s21 =	simm.s32 $0x0  }
0x306: {  	v20 =	vmul.f32 $5.656854150e+00, v17;
	v17 =	vmov s21  }
0x307: {  	s30 =	simm.s32 $0x1;
	s0 =	simm.s32 $0x8;
	v18 =	vmul.f32 $5.656854150e+00, v18;
	v17 =	vmul.u32 $0x440, v17  }
0x308: {  	s18 =	simm.s32 $0x800;
	s7 =	simm.s32 $0x100;
	s31 =	sand.u32 $0x78, s0;
	[tilespmem:v19+s6+$0x0] =	vst.idx.msk $0xffff, v20  }
.LBB2_8:
0x309: {  	s1 =	sshra.s32 s18, $0x2;
	p0 =	sne.s32 s18, $0xFC00;
	s18 =	sadd.s32 $0x400, s18;
	v17 =	vadd.s32 s31, v17;
	[tilespmem:v16+s6+$0x0] =	vst.idx.msk $0xffff, v18  }
0x30a: {  	v16 =	vld [tilespmem:s7+$0x4400];
	v17 =	vbroadcast v17, $0x0  }
0x30b: {  	v18 =	vld [tilespmem:s7+$0x4410]  }
0x30c: {  	v19 =	vadd.s32 v0, v17  }
0x30d: {  	v20 =	vadd.s32 v1, v17;
	_ =	sdelay $0x1  }
0x30e: {  	v16 =	vmul.f32 $5.656854150e+00, v16  }
0x30f: {  	v18 =	vmul.f32 $5.656854150e+00, v18  }
0x310: {  	[tilespmem:v19+s6+$0x0] =	vst.idx.msk $0xffff, v16  }
0x311: {  	[tilespmem:v20+s6+$0x0] =	vst.idx.msk $0xffff, v18  }
0x312: {  	v16 =	vld [tilespmem:s7+$0x4420]  }
0x313: {  	v18 =	vld [tilespmem:s7+$0x4430]  }
0x314: {  	v19 =	vadd.s32 v2, v17  }
0x315: {  	v20 =	vadd.s32 v3, v17;
	_ =	sdelay $0x1  }
0x316: {  	v16 =	vmul.f32 $5.656854150e+00, v16  }
0x317: {  	v18 =	vmul.f32 $5.656854150e+00, v18  }
0x318: {  	[tilespmem:v19+s6+$0x0] =	vst.idx.msk $0xffff, v16  }
0x319: {  	[tilespmem:v20+s6+$0x0] =	vst.idx.msk $0xffff, v18  }
0x31a: {  	v16 =	vld [tilespmem:s7+$0x4440]  }
0x31b: {  	v18 =	vld [tilespmem:s7+$0x4450]  }
0x31c: {  	v19 =	vadd.s32 v4, v17  }
0x31d: {  	v20 =	vadd.s32 v5, v17;
	_ =	sdelay $0x1  }
0x31e: {  	v16 =	vmul.f32 $5.656854150e+00, v16  }
0x31f: {  	v18 =	vmul.f32 $5.656854150e+00, v18  }
0x320: {  	[tilespmem:v19+s6+$0x0] =	vst.idx.msk $0xffff, v16  }
0x321: {  	[tilespmem:v20+s6+$0x0] =	vst.idx.msk $0xffff, v18  }
0x322: {  	v16 =	vld [tilespmem:s7+$0x4460]  }
0x323: {  	v18 =	vld [tilespmem:s7+$0x4470]  }
0x324: {  	v19 =	vadd.s32 v6, v17  }
0x325: {  	v20 =	vadd.s32 v7, v17;
	_ =	sdelay $0x1  }
0x326: {  	v16 =	vmul.f32 $5.656854150e+00, v16  }
0x327: {  	v18 =	vmul.f32 $5.656854150e+00, v18  }
0x328: {  	[tilespmem:v19+s6+$0x0] =	vst.idx.msk $0xffff, v16  }
0x329: {  	[tilespmem:v20+s6+$0x0] =	vst.idx.msk $0xffff, v18  }
0x32a: {  	v16 =	vld [tilespmem:s7+$0x4480]  }
0x32b: {  	v18 =	vld [tilespmem:s7+$0x4490]  }
0x32c: {  	v19 =	vadd.s32 v8, v17  }
0x32d: {  	v20 =	vadd.s32 v9, v17;
	_ =	sdelay $0x1  }
0x32e: {  	v16 =	vmul.f32 $5.656854150e+00, v16  }
0x32f: {  	v18 =	vmul.f32 $5.656854150e+00, v18  }
0x330: {  	[tilespmem:v19+s6+$0x0] =	vst.idx.msk $0xffff, v16  }
0x331: {  	[tilespmem:v20+s6+$0x0] =	vst.idx.msk $0xffff, v18  }
0x332: {  	v16 =	vld [tilespmem:s7+$0x44A0]  }
0x333: {  	v18 =	vld [tilespmem:s7+$0x44B0]  }
0x334: {  	v19 =	vadd.s32 v10, v17  }
0x335: {  	v20 =	vadd.s32 v11, v17;
	_ =	sdelay $0x1  }
0x336: {  	v16 =	vmul.f32 $5.656854150e+00, v16  }
0x337: {  	v18 =	vmul.f32 $5.656854150e+00, v18  }
0x338: {  	[tilespmem:v19+s6+$0x0] =	vst.idx.msk $0xffff, v16  }
0x339: {  	[tilespmem:v20+s6+$0x0] =	vst.idx.msk $0xffff, v18  }
0x33a: {  	v16 =	vld [tilespmem:s7+$0x44C0]  }
0x33b: {  	v18 =	vld [tilespmem:s7+$0x44D0]  }
0x33c: {  	v19 =	vadd.s32 v12, v17  }
0x33d: {  	v20 =	vadd.s32 v13, v17;
	_ =	sdelay $0x1  }
0x33e: {  	v16 =	vmul.f32 $5.656854150e+00, v16  }
0x33f: {  	v18 =	vmul.f32 $5.656854150e+00, v18  }
0x340: {  	[tilespmem:v19+s6+$0x0] =	vst.idx.msk $0xffff, v16  }
0x341: {  	[tilespmem:v20+s6+$0x0] =	vst.idx.msk $0xffff, v18  }
0x342: {  	v18 =	vld [tilespmem:s7+$0x44E0]  }
0x343: {  	v19 =	vld [tilespmem:s7+$0x44F0];
	s7 =	smov.u32 s1  }
0x344: {  	v20 =	vadd.s32 v14, v17  }
.Ltmp3:
0x345: {  	s30 =	sadd.s32 $0x1, s30;
	v16 =	vadd.s32 v15, v17;
	(pc) =	sbr.rel @p0 .LBB2_8-.Ltmp3, $4  }
0x346: {  	s1 =	sshrl.u32 s30, $0x4  }
0x347: {  	v17 =	vmov s1;
	v21 =	vmul.f32 $5.656854150e+00, v18  }
0x348: {  	s0 =	sadd.s32 $0x8, s0;
	v17 =	vmul.u32 $0x440, v17;
	v18 =	vmul.f32 $5.656854150e+00, v19  }
0x349: {  	s31 =	sand.u32 $0x78, s0;
	[tilespmem:v20+s6+$0x0] =	vst.idx.msk $0xffff, v21  }
0x34a: {  	_ =	sdelay $0x3  }
0x34b: {  	v17 =	vadd.s32 s31, v17;
	[tilespmem:v16+s6+$0x0] =	vst.idx.msk $0xffff, v18  }
0x34c: {  	v16 =	vld [tilespmem:s7+$0x4400];
	v17 =	vbroadcast v17, $0x0  }
0x34d: {  	v18 =	vld [tilespmem:s7+$0x4410]  }
0x34e: {  	v19 =	vadd.s32 v0, v17  }
0x34f: {  	v20 =	vadd.s32 v1, v17;
	_ =	sdelay $0x1  }
0x350: {  	v16 =	vmul.f32 $5.656854150e+00, v16  }
0x351: {  	v18 =	vmul.f32 $5.656854150e+00, v18  }
0x352: {  	[tilespmem:v19+s6+$0x0] =	vst.idx.msk $0xffff, v16  }
0x353: {  	[tilespmem:v20+s6+$0x0] =	vst.idx.msk $0xffff, v18  }
0x354: {  	v16 =	vld [tilespmem:s7+$0x4420]  }
0x355: {  	v18 =	vld [tilespmem:s7+$0x4430]  }
0x356: {  	v51 =	vadd.s32 v2, v17  }
0x357: {  	v52 =	vadd.s32 v3, v17;
	_ =	sdelay $0x1  }
0x358: {  	v16 =	vmul.f32 $5.656854150e+00, v16  }
0x359: {  	v18 =	vmul.f32 $5.656854150e+00, v18  }
0x35a: {  	[tilespmem:v51+s6+$0x0] =	vst.idx.msk $0xffff, v16  }
0x35b: {  	[tilespmem:v52+s6+$0x0] =	vst.idx.msk $0xffff, v18  }
0x35c: {  	v16 =	vld [tilespmem:s7+$0x4440]  }
0x35d: {  	v18 =	vld [tilespmem:s7+$0x4450]  }
0x35e: {  	v53 =	vadd.s32 v4, v17  }
0x35f: {  	v54 =	vadd.s32 v5, v17;
	_ =	sdelay $0x1  }
0x360: {  	v16 =	vmul.f32 $5.656854150e+00, v16  }
0x361: {  	v18 =	vmul.f32 $5.656854150e+00, v18  }
0x362: {  	[tilespmem:v53+s6+$0x0] =	vst.idx.msk $0xffff, v16  }
0x363: {  	[tilespmem:v54+s6+$0x0] =	vst.idx.msk $0xffff, v18  }
0x364: {  	v16 =	vld [tilespmem:s7+$0x4460]  }
0x365: {  	v18 =	vld [tilespmem:s7+$0x4470]  }
0x366: {  	v55 =	vadd.s32 v6, v17  }
0x367: {  	v56 =	vadd.s32 v7, v17;
	_ =	sdelay $0x1  }
0x368: {  	v16 =	vmul.f32 $5.656854150e+00, v16  }
0x369: {  	v18 =	vmul.f32 $5.656854150e+00, v18  }
0x36a: {  	[tilespmem:v55+s6+$0x0] =	vst.idx.msk $0xffff, v16  }
0x36b: {  	[tilespmem:v56+s6+$0x0] =	vst.idx.msk $0xffff, v18  }
0x36c: {  	v16 =	vld [tilespmem:s7+$0x4480]  }
0x36d: {  	v18 =	vld [tilespmem:s7+$0x4490]  }
0x36e: {  	v57 =	vadd.s32 v8, v17  }
0x36f: {  	v58 =	vadd.s32 v9, v17;
	_ =	sdelay $0x1  }
0x370: {  	v16 =	vmul.f32 $5.656854150e+00, v16  }
0x371: {  	v18 =	vmul.f32 $5.656854150e+00, v18  }
0x372: {  	[tilespmem:v57+s6+$0x0] =	vst.idx.msk $0xffff, v16  }
0x373: {  	[tilespmem:v58+s6+$0x0] =	vst.idx.msk $0xffff, v18  }
0x374: {  	v16 =	vld [tilespmem:s7+$0x44A0]  }
0x375: {  	v18 =	vld [tilespmem:s7+$0x44B0]  }
0x376: {  	v59 =	vadd.s32 v10, v17  }
0x377: {  	v60 =	vadd.s32 v11, v17;
	_ =	sdelay $0x1  }
0x378: {  	v16 =	vmul.f32 $5.656854150e+00, v16  }
0x379: {  	v18 =	vmul.f32 $5.656854150e+00, v18  }
0x37a: {  	[tilespmem:v59+s6+$0x0] =	vst.idx.msk $0xffff, v16  }
0x37b: {  	[tilespmem:v60+s6+$0x0] =	vst.idx.msk $0xffff, v18  }
0x37c: {  	v16 =	vld [tilespmem:s7+$0x44C0]  }
0x37d: {  	v18 =	vld [tilespmem:s7+$0x44D0]  }
0x37e: {  	v61 =	vadd.s32 v12, v17  }
0x37f: {  	v62 =	vadd.s32 v13, v17;
	_ =	sdelay $0x1  }
0x380: {  	v16 =	vmul.f32 $5.656854150e+00, v16  }
0x381: {  	v18 =	vmul.f32 $5.656854150e+00, v18  }
0x382: {  	[tilespmem:v61+s6+$0x0] =	vst.idx.msk $0xffff, v16  }
0x383: {  	[tilespmem:v62+s6+$0x0] =	vst.idx.msk $0xffff, v18  }
0x384: {  	v16 =	vld [tilespmem:s7+$0x44E0]  }
0x385: {  	v18 =	vld [tilespmem:s7+$0x44F0]  }
0x386: {  	v63 =	vadd.s32 v14, v17  }
0x387: {  	v17 =	vadd.s32 v15, v17;
	_ =	sdelay $0x1  }
0x388: {  	v16 =	vmul.f32 $5.656854150e+00, v16  }
0x389: {  	s0 =	sor.u32 s10, s25;
	v18 =	vmul.f32 $5.656854150e+00, v18  }
0x38a: {  	s7 =	sshrl.u32 s0, $0x3;
	[tilespmem:v63+s6+$0x0] =	vst.idx.msk $0xffff, v16  }
0x38b: {  	s0 =	sadd.s32 s2, s7;
	[tilespmem:v17+s6+$0x0] =	vst.idx.msk $0xffff, v18  }
0x38c: {  	[hbm4b:s0+s3] =	stream.linear.scatter [tilespmem:s6], [sflag:$0x4], $0x80, $0x38;
	[tilespmem:$0x12E00] =	vst v63  }
0x38d: {  	s18 =	simm.s32 $0xD988;
	s1 =	sadd.s32 $0x10, s0  }
0x38e: {  	[hbm4b:s1+s3] =	stream.linear.scatter [tilespmem:s18], [sflag:$0x4], $0x80, $0x38;
	[tilespmem:$0x12E00] =	vst v63  }
0x38f: {  	s31 =	simm.s32 $0xDA10;
	s30 =	sadd.s32 $0x20, s0  }
0x390: {  	[hbm4b:s30+s3] =	stream.linear.scatter [tilespmem:s31], [sflag:$0x4], $0x80, $0x38;
	[tilespmem:$0x12E00] =	vst v63  }
0x391: {  	s21 =	simm.s32 $0xDA98;
	s20 =	sadd.s32 $0x30, s0  }
0x392: {  	[hbm4b:s20+s3] =	stream.linear.scatter [tilespmem:s21], [sflag:$0x4], $0x80, $0x38;
	[tilespmem:$0x12E00] =	vst v63  }
0x393: {  	s30 =	sadd.s32 $0x40, s0;
	s31 =	simm.s32 $0xDB20  }
0x394: {  	[hbm4b:s30+s3] =	stream.linear.scatter [tilespmem:s31], [sflag:$0x4], $0x80, $0x38;
	[tilespmem:$0x12E00] =	vst v63  }
0x395: {  	s18 =	sadd.s32 $0x50, s0;
	s20 =	simm.s32 $0xDBA8  }
0x396: {  	[hbm4b:s18+s3] =	stream.linear.scatter [tilespmem:s20], [sflag:$0x4], $0x80, $0x38;
	[tilespmem:$0x12E00] =	vst v63  }
0x397: {  	s21 =	sadd.s32 $0x60, s0;
	s30 =	simm.s32 $0xDC30;
	s18 =	sor.u32 s11, s25  }
0x398: {  	[hbm4b:s21+s3] =	stream.linear.scatter [tilespmem:s30], [sflag:$0x4], $0x80, $0x38;
	[tilespmem:$0x12E00] =	vst v63  }
0x399: {  	s0 =	sadd.s32 $0x70, s0;
	s31 =	simm.s32 $0xDCB8;
	s18 =	sshrl.u32 s18, $0x3  }
0x39a: {  	[hbm4b:s0+s3] =	stream.linear.scatter [tilespmem:s31], [sflag:$0x4], $0x80, $0x38;
	[tilespmem:$0x12E00] =	vst v63  }
0x39b: {  	s20 =	simm.s32 $0xDD40;
	s0 =	sadd.s32 s2, s18  }
0x39c: {  	[hbm4b:s0+s3] =	stream.linear.scatter [tilespmem:s20], [sflag:$0x4], $0x80, $0x38;
	[tilespmem:$0x12E00] =	vst v63  }
0x39d: {  	s21 =	sadd.s32 $0x10, s0;
	s20 =	simm.s32 $0xDDC8  }
0x39e: {  	[hbm4b:s21+s3] =	stream.linear.scatter [tilespmem:s20], [sflag:$0x4], $0x80, $0x38;
	[tilespmem:$0x12E00] =	vst v63  }
0x39f: {  	s31 =	simm.s32 $0xDE50;
	s30 =	sadd.s32 $0x20, s0  }
0x3a0: {  	[hbm4b:s30+s3] =	stream.linear.scatter [tilespmem:s31], [sflag:$0x4], $0x80, $0x38;
	[tilespmem:$0x12E00] =	vst v63  }
0x3a1: {  	s20 =	sadd.s32 $0x30, s0;
	s21 =	simm.s32 $0xDED8  }
0x3a2: {  	[hbm4b:s20+s3] =	stream.linear.scatter [tilespmem:s21], [sflag:$0x4], $0x80, $0x38;
	[tilespmem:$0x12E00] =	vst v63  }
0x3a3: {  	s30 =	sadd.s32 $0x40, s0;
	s31 =	simm.s32 $0xDF60  }
0x3a4: {  	[hbm4b:s30+s3] =	stream.linear.scatter [tilespmem:s31], [sflag:$0x4], $0x80, $0x38;
	[tilespmem:$0x12E00] =	vst v63  }
0x3a5: {  	s20 =	sadd.s32 $0x50, s0;
	s21 =	simm.s32 $0xDFE8  }
0x3a6: {  	[hbm4b:s20+s3] =	stream.linear.scatter [tilespmem:s21], [sflag:$0x4], $0x80, $0x38;
	[tilespmem:$0x12E00] =	vst v63  }
0x3a7: {  	s30 =	sadd.s32 $0x60, s0;
	s31 =	simm.s32 $0xE070  }
0x3a8: {  	[hbm4b:s30+s3] =	stream.linear.scatter [tilespmem:s31], [sflag:$0x4], $0x80, $0x38;
	[tilespmem:$0x12E00] =	vst v63  }
0x3a9: {  	s0 =	sadd.s32 $0x70, s0;
	s20 =	simm.s32 $0xE0F8;
	s21 =	sor.u32 s12, s25  }
0x3aa: {  	[hbm4b:s0+s3] =	stream.linear.scatter [tilespmem:s20], [sflag:$0x4], $0x80, $0x38;
	[tilespmem:$0x12E00] =	vst v63  }
0x3ab: {  	s0 =	sshrl.u32 s21, $0x3  }
0x3ac: {  	s30 =	simm.s32 $0xE180;
	s1 =	sadd.s32 s2, s0  }
0x3ad: {  	[hbm4b:s1+s3] =	stream.linear.scatter [tilespmem:s30], [sflag:$0x4], $0x80, $0x38;
	[tilespmem:$0x12E00] =	vst v63  }
0x3ae: {  	s21 =	simm.s32 $0xE208;
	s31 =	sadd.s32 $0x10, s1  }
0x3af: {  	[hbm4b:s31+s3] =	stream.linear.scatter [tilespmem:s21], [sflag:$0x4], $0x80, $0x38;
	[tilespmem:$0x12E00] =	vst v63  }
0x3b0: {  	s30 =	sadd.s32 $0x20, s1;
	s31 =	simm.s32 $0xE290  }
0x3b1: {  	[hbm4b:s30+s3] =	stream.linear.scatter [tilespmem:s31], [sflag:$0x4], $0x80, $0x38;
	[tilespmem:$0x12E00] =	vst v63  }
0x3b2: {  	s30 =	sadd.s32 $0x30, s1;
	s31 =	simm.s32 $0xE318  }
0x3b3: {  	[hbm4b:s30+s3] =	stream.linear.scatter [tilespmem:s31], [sflag:$0x4], $0x80, $0x38;
	[tilespmem:$0x12E00] =	vst v63  }
0x3b4: {  	s30 =	sadd.s32 $0x40, s1;
	s31 =	simm.s32 $0xE3A0  }
0x3b5: {  	[hbm4b:s30+s3] =	stream.linear.scatter [tilespmem:s31], [sflag:$0x4], $0x80, $0x38;
	[tilespmem:$0x12E00] =	vst v63  }
0x3b6: {  	s30 =	sadd.s32 $0x50, s1;
	s31 =	simm.s32 $0xE428  }
0x3b7: {  	[hbm4b:s30+s3] =	stream.linear.scatter [tilespmem:s31], [sflag:$0x4], $0x80, $0x38;
	[tilespmem:$0x12E00] =	vst v63  }
0x3b8: {  	s20 =	sor.u32 s13, s25;
	s21 =	sadd.s32 $0x60, s1;
	s30 =	simm.s32 $0xE4B0  }
0x3b9: {  	[hbm4b:s21+s3] =	stream.linear.scatter [tilespmem:s30], [sflag:$0x4], $0x80, $0x38;
	[tilespmem:$0x12E00] =	vst v63  }
0x3ba: {  	s25 =	sshrl.u32 s20, $0x3;
	s1 =	sadd.s32 $0x70, s1;
	s31 =	simm.s32 $0xE538  }
0x3bb: {  	[hbm4b:s1+s3] =	stream.linear.scatter [tilespmem:s31], [sflag:$0x4], $0x80, $0x38;
	[tilespmem:$0x12E00] =	vst v63  }
0x3bc: {  	s21 =	simm.s32 $0xE5C0;
	s1 =	sadd.s32 s2, s25  }
0x3bd: {  	[hbm4b:s1+s3] =	stream.linear.scatter [tilespmem:s21], [sflag:$0x4], $0x80, $0x38;
	[tilespmem:$0x12E00] =	vst v63  }
0x3be: {  	s31 =	simm.s32 $0xE648;
	s30 =	sadd.s32 $0x10, s1  }
0x3bf: {  	[hbm4b:s30+s3] =	stream.linear.scatter [tilespmem:s31], [sflag:$0x4], $0x80, $0x38;
	[tilespmem:$0x12E00] =	vst v63  }
0x3c0: {  	s30 =	sadd.s32 $0x20, s1;
	s31 =	simm.s32 $0xE6D0  }
0x3c1: {  	[hbm4b:s30+s3] =	stream.linear.scatter [tilespmem:s31], [sflag:$0x4], $0x80, $0x38;
	[tilespmem:$0x12E00] =	vst v63  }
0x3c2: {  	s30 =	sadd.s32 $0x30, s1;
	s31 =	simm.s32 $0xE758  }
0x3c3: {  	[hbm4b:s30+s3] =	stream.linear.scatter [tilespmem:s31], [sflag:$0x4], $0x80, $0x38;
	[tilespmem:$0x12E00] =	vst v63  }
0x3c4: {  	s30 =	sadd.s32 $0x40, s1;
	s31 =	simm.s32 $0xE7E0  }
0x3c5: {  	[hbm4b:s30+s3] =	stream.linear.scatter [tilespmem:s31], [sflag:$0x4], $0x80, $0x38;
	[tilespmem:$0x12E00] =	vst v63  }
0x3c6: {  	s30 =	sadd.s32 $0x50, s1;
	s31 =	simm.s32 $0xE868  }
0x3c7: {  	[hbm4b:s30+s3] =	stream.linear.scatter [tilespmem:s31], [sflag:$0x4], $0x80, $0x38;
	[tilespmem:$0x12E00] =	vst v63  }
0x3c8: {  	s21 =	sadd.s32 $0x60, s1;
	s30 =	simm.s32 $0xE8F0  }
0x3c9: {  	[hbm4b:s21+s3] =	stream.linear.scatter [tilespmem:s30], [sflag:$0x4], $0x80, $0x38;
	[tilespmem:$0x12E00] =	vst v63  }
0x3ca: {  	s1 =	sadd.s32 $0x70, s1;
	s31 =	simm.s32 $0xE978  }
0x3cb: {  	[hbm4b:s1+s3] =	stream.linear.scatter [tilespmem:s31], [sflag:$0x4], $0x80, $0x38;
	[tilespmem:$0x12E00] =	vst v63  }
0x3cc: {  	s21 =	simm.s32 $0xEE40;
	s1 =	sadd.s32 s7, s14  }
0x3cd: {  	[hbm4b:s1+s3] =	stream.linear.scatter [tilespmem:s21], [sflag:$0x4], $0x80, $0x38;
	[tilespmem:$0x12E00] =	vst v63  }
0x3ce: {  	s31 =	simm.s32 $0xEEC8;
	s30 =	sadd.s32 $0x10, s1  }
0x3cf: {  	[hbm4b:s30+s3] =	stream.linear.scatter [tilespmem:s31], [sflag:$0x4], $0x80, $0x38;
	[tilespmem:$0x12E00] =	vst v63  }
0x3d0: {  	s30 =	sadd.s32 $0x20, s1;
	s31 =	simm.s32 $0xEF50  }
0x3d1: {  	[hbm4b:s30+s3] =	stream.linear.scatter [tilespmem:s31], [sflag:$0x4], $0x80, $0x38;
	[tilespmem:$0x12E00] =	vst v63  }
0x3d2: {  	s30 =	sadd.s32 $0x30, s1;
	s31 =	simm.s32 $0xEFD8  }
0x3d3: {  	[hbm4b:s30+s3] =	stream.linear.scatter [tilespmem:s31], [sflag:$0x4], $0x80, $0x38;
	[tilespmem:$0x12E00] =	vst v63  }
0x3d4: {  	s30 =	sadd.s32 $0x40, s1;
	s31 =	simm.s32 $0xF060  }
0x3d5: {  	[hbm4b:s30+s3] =	stream.linear.scatter [tilespmem:s31], [sflag:$0x4], $0x80, $0x38;
	[tilespmem:$0x12E00] =	vst v63  }
0x3d6: {  	s30 =	sadd.s32 $0x50, s1;
	s31 =	simm.s32 $0xF0E8  }
0x3d7: {  	[hbm4b:s30+s3] =	stream.linear.scatter [tilespmem:s31], [sflag:$0x4], $0x80, $0x38;
	[tilespmem:$0x12E00] =	vst v63  }
0x3d8: {  	s21 =	sadd.s32 $0x60, s1;
	s30 =	simm.s32 $0xF170  }
0x3d9: {  	[hbm4b:s21+s3] =	stream.linear.scatter [tilespmem:s30], [sflag:$0x4], $0x80, $0x38;
	[tilespmem:$0x12E00] =	vst v63  }
0x3da: {  	s20 =	sor.u32 $0x4000, s18;
	s1 =	sadd.s32 $0x70, s1;
	s31 =	simm.s32 $0xF1F8  }
0x3db: {  	[hbm4b:s1+s3] =	stream.linear.scatter [tilespmem:s31], [sflag:$0x4], $0x80, $0x38;
	[tilespmem:$0x12E00] =	vst v63  }
0x3dc: {  	s21 =	simm.s32 $0xF280;
	s1 =	sadd.s32 s2, s20  }
0x3dd: {  	[hbm4b:s1+s3] =	stream.linear.scatter [tilespmem:s21], [sflag:$0x4], $0x80, $0x38;
	[tilespmem:$0x12E00] =	vst v63  }
0x3de: {  	s31 =	simm.s32 $0xF308;
	s30 =	sadd.s32 $0x10, s1  }
0x3df: {  	[hbm4b:s30+s3] =	stream.linear.scatter [tilespmem:s31], [sflag:$0x4], $0x80, $0x38;
	[tilespmem:$0x12E00] =	vst v63  }
0x3e0: {  	s30 =	sadd.s32 $0x20, s1;
	s31 =	simm.s32 $0xF390  }
0x3e1: {  	[hbm4b:s30+s3] =	stream.linear.scatter [tilespmem:s31], [sflag:$0x4], $0x80, $0x38;
	[tilespmem:$0x12E00] =	vst v63  }
0x3e2: {  	s30 =	sadd.s32 $0x30, s1;
	s31 =	simm.s32 $0xF418  }
0x3e3: {  	[hbm4b:s30+s3] =	stream.linear.scatter [tilespmem:s31], [sflag:$0x4], $0x80, $0x38;
	[tilespmem:$0x12E00] =	vst v63  }
0x3e4: {  	s30 =	sadd.s32 $0x40, s1;
	s31 =	simm.s32 $0xF4A0  }
0x3e5: {  	[hbm4b:s30+s3] =	stream.linear.scatter [tilespmem:s31], [sflag:$0x4], $0x80, $0x38;
	[tilespmem:$0x12E00] =	vst v63  }
0x3e6: {  	s30 =	sadd.s32 $0x50, s1;
	s31 =	simm.s32 $0xF528  }
0x3e7: {  	[hbm4b:s30+s3] =	stream.linear.scatter [tilespmem:s31], [sflag:$0x4], $0x80, $0x38;
	[tilespmem:$0x12E00] =	vst v63  }
0x3e8: {  	s21 =	sadd.s32 $0x60, s1;
	s30 =	simm.s32 $0xF5B0  }
0x3e9: {  	[hbm4b:s21+s3] =	stream.linear.scatter [tilespmem:s30], [sflag:$0x4], $0x80, $0x38;
	[tilespmem:$0x12E00] =	vst v63  }
0x3ea: {  	s20 =	sor.u32 $0x4000, s0;
	s1 =	sadd.s32 $0x70, s1;
	s31 =	simm.s32 $0xF638  }
0x3eb: {  	[hbm4b:s1+s3] =	stream.linear.scatter [tilespmem:s31], [sflag:$0x4], $0x80, $0x38;
	[tilespmem:$0x12E00] =	vst v63  }
0x3ec: {  	s21 =	simm.s32 $0xF6C0;
	s1 =	sadd.s32 s2, s20  }
0x3ed: {  	[hbm4b:s1+s3] =	stream.linear.scatter [tilespmem:s21], [sflag:$0x4], $0x80, $0x38;
	[tilespmem:$0x12E00] =	vst v63  }
0x3ee: {  	s31 =	simm.s32 $0xF748;
	s30 =	sadd.s32 $0x10, s1  }
0x3ef: {  	[hbm4b:s30+s3] =	stream.linear.scatter [tilespmem:s31], [sflag:$0x4], $0x80, $0x38;
	[tilespmem:$0x12E00] =	vst v63  }
0x3f0: {  	s30 =	sadd.s32 $0x20, s1;
	s31 =	simm.s32 $0xF7D0  }
0x3f1: {  	[hbm4b:s30+s3] =	stream.linear.scatter [tilespmem:s31], [sflag:$0x4], $0x80, $0x38;
	[tilespmem:$0x12E00] =	vst v63  }
0x3f2: {  	s30 =	sadd.s32 $0x30, s1;
	s31 =	simm.s32 $0xF858  }
0x3f3: {  	[hbm4b:s30+s3] =	stream.linear.scatter [tilespmem:s31], [sflag:$0x4], $0x80, $0x38;
	[tilespmem:$0x12E00] =	vst v63  }
0x3f4: {  	s30 =	sadd.s32 $0x40, s1;
	s31 =	simm.s32 $0xF8E0  }
0x3f5: {  	[hbm4b:s30+s3] =	stream.linear.scatter [tilespmem:s31], [sflag:$0x4], $0x80, $0x38;
	[tilespmem:$0x12E00] =	vst v63  }
0x3f6: {  	s30 =	sadd.s32 $0x50, s1;
	s31 =	simm.s32 $0xF968  }
0x3f7: {  	[hbm4b:s30+s3] =	stream.linear.scatter [tilespmem:s31], [sflag:$0x4], $0x80, $0x38;
	[tilespmem:$0x12E00] =	vst v63  }
0x3f8: {  	s21 =	sadd.s32 $0x60, s1;
	s30 =	simm.s32 $0xF9F0  }
0x3f9: {  	[hbm4b:s21+s3] =	stream.linear.scatter [tilespmem:s30], [sflag:$0x4], $0x80, $0x38;
	[tilespmem:$0x12E00] =	vst v63  }
0x3fa: {  	s20 =	sor.u32 $0x4000, s25;
	s1 =	sadd.s32 $0x70, s1;
	s31 =	simm.s32 $0xFA78  }
0x3fb: {  	[hbm4b:s1+s3] =	stream.linear.scatter [tilespmem:s31], [sflag:$0x4], $0x80, $0x38;
	[tilespmem:$0x12E00] =	vst v63  }
0x3fc: {  	s21 =	simm.s32 $0xFB00;
	s1 =	sadd.s32 s2, s20  }
0x3fd: {  	[hbm4b:s1+s3] =	stream.linear.scatter [tilespmem:s21], [sflag:$0x4], $0x80, $0x38;
	[tilespmem:$0x12E00] =	vst v63  }
0x3fe: {  	s31 =	simm.s32 $0xFB88;
	s30 =	sadd.s32 $0x10, s1  }
0x3ff: {  	[hbm4b:s30+s3] =	stream.linear.scatter [tilespmem:s31], [sflag:$0x4], $0x80, $0x38;
	[tilespmem:$0x12E00] =	vst v63  }
0x400: {  	s30 =	sadd.s32 $0x20, s1;
	s31 =	simm.s32 $0xFC10  }
0x401: {  	[hbm4b:s30+s3] =	stream.linear.scatter [tilespmem:s31], [sflag:$0x4], $0x80, $0x38;
	[tilespmem:$0x12E00] =	vst v63  }
0x402: {  	s30 =	sadd.s32 $0x30, s1;
	s31 =	simm.s32 $0xFC98  }
0x403: {  	[hbm4b:s30+s3] =	stream.linear.scatter [tilespmem:s31], [sflag:$0x4], $0x80, $0x38;
	[tilespmem:$0x12E00] =	vst v63  }
0x404: {  	s30 =	sadd.s32 $0x40, s1;
	s31 =	simm.s32 $0xFD20  }
0x405: {  	[hbm4b:s30+s3] =	stream.linear.scatter [tilespmem:s31], [sflag:$0x4], $0x80, $0x38;
	[tilespmem:$0x12E00] =	vst v63  }
0x406: {  	s30 =	sadd.s32 $0x50, s1;
	s31 =	simm.s32 $0xFDA8  }
0x407: {  	[hbm4b:s30+s3] =	stream.linear.scatter [tilespmem:s31], [sflag:$0x4], $0x80, $0x38;
	[tilespmem:$0x12E00] =	vst v63  }
0x408: {  	s21 =	sadd.s32 $0x60, s1;
	s30 =	simm.s32 $0xFE30  }
0x409: {  	[hbm4b:s21+s3] =	stream.linear.scatter [tilespmem:s30], [sflag:$0x4], $0x80, $0x38;
	[tilespmem:$0x12E00] =	vst v63  }
0x40a: {  	s1 =	sadd.s32 $0x70, s1;
	s31 =	simm.s32 $0xFEB8  }
0x40b: {  	[hbm4b:s1+s3] =	stream.linear.scatter [tilespmem:s31], [sflag:$0x4], $0x80, $0x38;
	[tilespmem:$0x12E00] =	vst v63  }
0x40c: {  	s21 =	simm.s32 $0x10380;
	s1 =	sadd.s32 s7, s15  }
0x40d: {  	[hbm4b:s1+s3] =	stream.linear.scatter [tilespmem:s21], [sflag:$0x4], $0x80, $0x38;
	[tilespmem:$0x12E00] =	vst v63  }
0x40e: {  	s31 =	simm.s32 $0x10408;
	s30 =	sadd.s32 $0x10, s1  }
0x40f: {  	[hbm4b:s30+s3] =	stream.linear.scatter [tilespmem:s31], [sflag:$0x4], $0x80, $0x38;
	[tilespmem:$0x12E00] =	vst v63  }
0x410: {  	s30 =	sadd.s32 $0x20, s1;
	s31 =	simm.s32 $0x10490  }
0x411: {  	[hbm4b:s30+s3] =	stream.linear.scatter [tilespmem:s31], [sflag:$0x4], $0x80, $0x38;
	[tilespmem:$0x12E00] =	vst v63  }
0x412: {  	s30 =	sadd.s32 $0x30, s1;
	s31 =	simm.s32 $0x10518  }
0x413: {  	[hbm4b:s30+s3] =	stream.linear.scatter [tilespmem:s31], [sflag:$0x4], $0x80, $0x38;
	[tilespmem:$0x12E00] =	vst v63  }
0x414: {  	s30 =	sadd.s32 $0x40, s1;
	s31 =	simm.s32 $0x105A0  }
0x415: {  	[hbm4b:s30+s3] =	stream.linear.scatter [tilespmem:s31], [sflag:$0x4], $0x80, $0x38;
	[tilespmem:$0x12E00] =	vst v63  }
0x416: {  	s30 =	sadd.s32 $0x50, s1;
	s31 =	simm.s32 $0x10628  }
0x417: {  	[hbm4b:s30+s3] =	stream.linear.scatter [tilespmem:s31], [sflag:$0x4], $0x80, $0x38;
	[tilespmem:$0x12E00] =	vst v63  }
0x418: {  	s21 =	sadd.s32 $0x60, s1;
	s30 =	simm.s32 $0x106B0  }
0x419: {  	[hbm4b:s21+s3] =	stream.linear.scatter [tilespmem:s30], [sflag:$0x4], $0x80, $0x38;
	[tilespmem:$0x12E00] =	vst v63  }
0x41a: {  	s20 =	sor.u32 $0x8000, s18;
	s1 =	sadd.s32 $0x70, s1;
	s31 =	simm.s32 $0x10738  }
0x41b: {  	[hbm4b:s1+s3] =	stream.linear.scatter [tilespmem:s31], [sflag:$0x4], $0x80, $0x38;
	[tilespmem:$0x12E00] =	vst v63  }
0x41c: {  	s21 =	simm.s32 $0x107C0;
	s1 =	sadd.s32 s2, s20  }
0x41d: {  	[hbm4b:s1+s3] =	stream.linear.scatter [tilespmem:s21], [sflag:$0x4], $0x80, $0x38;
	[tilespmem:$0x12E00] =	vst v63  }
0x41e: {  	s31 =	simm.s32 $0x10848;
	s30 =	sadd.s32 $0x10, s1  }
0x41f: {  	[hbm4b:s30+s3] =	stream.linear.scatter [tilespmem:s31], [sflag:$0x4], $0x80, $0x38;
	[tilespmem:$0x12E00] =	vst v63  }
0x420: {  	s30 =	sadd.s32 $0x20, s1;
	s31 =	simm.s32 $0x108D0  }
0x421: {  	[hbm4b:s30+s3] =	stream.linear.scatter [tilespmem:s31], [sflag:$0x4], $0x80, $0x38;
	[tilespmem:$0x12E00] =	vst v63  }
0x422: {  	s30 =	sadd.s32 $0x30, s1;
	s31 =	simm.s32 $0x10958  }
0x423: {  	[hbm4b:s30+s3] =	stream.linear.scatter [tilespmem:s31], [sflag:$0x4], $0x80, $0x38;
	[tilespmem:$0x12E00] =	vst v63  }
0x424: {  	s30 =	sadd.s32 $0x40, s1;
	s31 =	simm.s32 $0x109E0  }
0x425: {  	[hbm4b:s30+s3] =	stream.linear.scatter [tilespmem:s31], [sflag:$0x4], $0x80, $0x38;
	[tilespmem:$0x12E00] =	vst v63  }
0x426: {  	s30 =	sadd.s32 $0x50, s1;
	s31 =	simm.s32 $0x10A68  }
0x427: {  	[hbm4b:s30+s3] =	stream.linear.scatter [tilespmem:s31], [sflag:$0x4], $0x80, $0x38;
	[tilespmem:$0x12E00] =	vst v63  }
0x428: {  	s21 =	sadd.s32 $0x60, s1;
	s30 =	simm.s32 $0x10AF0  }
0x429: {  	[hbm4b:s21+s3] =	stream.linear.scatter [tilespmem:s30], [sflag:$0x4], $0x80, $0x38;
	[tilespmem:$0x12E00] =	vst v63  }
0x42a: {  	s20 =	sor.u32 $0x8000, s0;
	s1 =	sadd.s32 $0x70, s1;
	s31 =	simm.s32 $0x10B78  }
0x42b: {  	[hbm4b:s1+s3] =	stream.linear.scatter [tilespmem:s31], [sflag:$0x4], $0x80, $0x38;
	[tilespmem:$0x12E00] =	vst v63  }
0x42c: {  	s21 =	simm.s32 $0x10C00;
	s1 =	sadd.s32 s2, s20  }
0x42d: {  	[hbm4b:s1+s3] =	stream.linear.scatter [tilespmem:s21], [sflag:$0x4], $0x80, $0x38;
	[tilespmem:$0x12E00] =	vst v63  }
0x42e: {  	s31 =	simm.s32 $0x10C88;
	s30 =	sadd.s32 $0x10, s1  }
0x42f: {  	[hbm4b:s30+s3] =	stream.linear.scatter [tilespmem:s31], [sflag:$0x4], $0x80, $0x38;
	[tilespmem:$0x12E00] =	vst v63  }
0x430: {  	s30 =	sadd.s32 $0x20, s1;
	s31 =	simm.s32 $0x10D10  }
0x431: {  	[hbm4b:s30+s3] =	stream.linear.scatter [tilespmem:s31], [sflag:$0x4], $0x80, $0x38;
	[tilespmem:$0x12E00] =	vst v63  }
0x432: {  	s30 =	sadd.s32 $0x30, s1;
	s31 =	simm.s32 $0x10D98  }
0x433: {  	[hbm4b:s30+s3] =	stream.linear.scatter [tilespmem:s31], [sflag:$0x4], $0x80, $0x38;
	[tilespmem:$0x12E00] =	vst v63  }
0x434: {  	s30 =	sadd.s32 $0x40, s1;
	s31 =	simm.s32 $0x10E20  }
0x435: {  	[hbm4b:s30+s3] =	stream.linear.scatter [tilespmem:s31], [sflag:$0x4], $0x80, $0x38;
	[tilespmem:$0x12E00] =	vst v63  }
0x436: {  	s30 =	sadd.s32 $0x50, s1;
	s31 =	simm.s32 $0x10EA8  }
0x437: {  	[hbm4b:s30+s3] =	stream.linear.scatter [tilespmem:s31], [sflag:$0x4], $0x80, $0x38;
	[tilespmem:$0x12E00] =	vst v63  }
0x438: {  	s21 =	sadd.s32 $0x60, s1;
	s30 =	simm.s32 $0x10F30  }
0x439: {  	[hbm4b:s21+s3] =	stream.linear.scatter [tilespmem:s30], [sflag:$0x4], $0x80, $0x38;
	[tilespmem:$0x12E00] =	vst v63  }
0x43a: {  	s20 =	sor.u32 $0x8000, s25;
	s1 =	sadd.s32 $0x70, s1;
	s31 =	simm.s32 $0x10FB8  }
0x43b: {  	[hbm4b:s1+s3] =	stream.linear.scatter [tilespmem:s31], [sflag:$0x4], $0x80, $0x38;
	[tilespmem:$0x12E00] =	vst v63  }
0x43c: {  	s21 =	simm.s32 $0x11040;
	s1 =	sadd.s32 s2, s20  }
0x43d: {  	[hbm4b:s1+s3] =	stream.linear.scatter [tilespmem:s21], [sflag:$0x4], $0x80, $0x38;
	[tilespmem:$0x12E00] =	vst v63  }
0x43e: {  	s31 =	simm.s32 $0x110C8;
	s30 =	sadd.s32 $0x10, s1  }
0x43f: {  	[hbm4b:s30+s3] =	stream.linear.scatter [tilespmem:s31], [sflag:$0x4], $0x80, $0x38;
	[tilespmem:$0x12E00] =	vst v63  }
0x440: {  	s30 =	sadd.s32 $0x20, s1;
	s31 =	simm.s32 $0x11150  }
0x441: {  	[hbm4b:s30+s3] =	stream.linear.scatter [tilespmem:s31], [sflag:$0x4], $0x80, $0x38;
	[tilespmem:$0x12E00] =	vst v63  }
0x442: {  	s30 =	sadd.s32 $0x30, s1;
	s31 =	simm.s32 $0x111D8  }
0x443: {  	[hbm4b:s30+s3] =	stream.linear.scatter [tilespmem:s31], [sflag:$0x4], $0x80, $0x38;
	[tilespmem:$0x12E00] =	vst v63  }
0x444: {  	s30 =	sadd.s32 $0x40, s1;
	s31 =	simm.s32 $0x11260  }
0x445: {  	[hbm4b:s30+s3] =	stream.linear.scatter [tilespmem:s31], [sflag:$0x4], $0x80, $0x38;
	[tilespmem:$0x12E00] =	vst v63  }
0x446: {  	s30 =	sadd.s32 $0x50, s1;
	s31 =	simm.s32 $0x112E8  }
0x447: {  	[hbm4b:s30+s3] =	stream.linear.scatter [tilespmem:s31], [sflag:$0x4], $0x80, $0x38;
	[tilespmem:$0x12E00] =	vst v63  }
0x448: {  	s21 =	sadd.s32 $0x60, s1;
	s30 =	simm.s32 $0x11370  }
0x449: {  	[hbm4b:s21+s3] =	stream.linear.scatter [tilespmem:s30], [sflag:$0x4], $0x80, $0x38;
	[tilespmem:$0x12E00] =	vst v63  }
0x44a: {  	s1 =	sadd.s32 $0x70, s1;
	s31 =	simm.s32 $0x113F8  }
0x44b: {  	[hbm4b:s1+s3] =	stream.linear.scatter [tilespmem:s31], [sflag:$0x4], $0x80, $0x38;
	[tilespmem:$0x12E00] =	vst v63  }
0x44c: {  	s21 =	simm.s32 $0x118C0;
	s1 =	sadd.s32 s7, s16  }
0x44d: {  	[hbm4b:s1+s3] =	stream.linear.scatter [tilespmem:s21], [sflag:$0x4], $0x80, $0x38;
	[tilespmem:$0x12E00] =	vst v63  }
0x44e: {  	s31 =	simm.s32 $0x11948;
	s30 =	sadd.s32 $0x10, s1  }
0x44f: {  	[hbm4b:s30+s3] =	stream.linear.scatter [tilespmem:s31], [sflag:$0x4], $0x80, $0x38;
	[tilespmem:$0x12E00] =	vst v63  }
0x450: {  	s20 =	sadd.s32 $0x20, s1;
	s21 =	simm.s32 $0x119D0  }
0x451: {  	[hbm4b:s20+s3] =	stream.linear.scatter [tilespmem:s21], [sflag:$0x4], $0x80, $0x38;
	[tilespmem:$0x12E00] =	vst v63  }
0x452: {  	s30 =	sadd.s32 $0x30, s1;
	s31 =	simm.s32 $0x11A58  }
0x453: {  	[hbm4b:s30+s3] =	stream.linear.scatter [tilespmem:s31], [sflag:$0x4], $0x80, $0x38;
	[tilespmem:$0x12E00] =	vst v63  }
0x454: {  	s20 =	sadd.s32 $0x40, s1;
	s21 =	simm.s32 $0x11AE0  }
0x455: {  	[hbm4b:s20+s3] =	stream.linear.scatter [tilespmem:s21], [sflag:$0x4], $0x80, $0x38;
	[tilespmem:$0x12E00] =	vst v63  }
0x456: {  	s30 =	sadd.s32 $0x50, s1;
	s31 =	simm.s32 $0x11B68  }
0x457: {  	[hbm4b:s30+s3] =	stream.linear.scatter [tilespmem:s31], [sflag:$0x4], $0x80, $0x38;
	[tilespmem:$0x12E00] =	vst v63  }
0x458: {  	s21 =	sadd.s32 $0x60, s1;
	s30 =	simm.s32 $0x11BF0  }
0x459: {  	[hbm4b:s21+s3] =	stream.linear.scatter [tilespmem:s30], [sflag:$0x4], $0x80, $0x38;
	[tilespmem:$0x12E00] =	vst v63  }
0x45a: {  	s7 =	sor.u32 $0xC000, s18;
	s1 =	sadd.s32 $0x70, s1;
	s31 =	simm.s32 $0x11C78  }
0x45b: {  	[hbm4b:s1+s3] =	stream.linear.scatter [tilespmem:s31], [sflag:$0x4], $0x80, $0x38;
	[tilespmem:$0x12E00] =	vst v63  }
0x45c: {  	s18 =	simm.s32 $0x11D00;
	s1 =	sadd.s32 s2, s7  }
0x45d: {  	[hbm4b:s1+s3] =	stream.linear.scatter [tilespmem:s18], [sflag:$0x4], $0x80, $0x38;
	[tilespmem:$0x12E00] =	vst v63  }
0x45e: {  	s21 =	simm.s32 $0x11D88;
	s20 =	sadd.s32 $0x10, s1  }
0x45f: {  	[hbm4b:s20+s3] =	stream.linear.scatter [tilespmem:s21], [sflag:$0x4], $0x80, $0x38;
	[tilespmem:$0x12E00] =	vst v63  }
0x460: {  	s31 =	simm.s32 $0x11E10;
	s30 =	sadd.s32 $0x20, s1  }
0x461: {  	[hbm4b:s30+s3] =	stream.linear.scatter [tilespmem:s31], [sflag:$0x4], $0x80, $0x38;
	[tilespmem:$0x12E00] =	vst v63  }
0x462: {  	s20 =	sadd.s32 $0x30, s1;
	s21 =	simm.s32 $0x11E98  }
0x463: {  	[hbm4b:s20+s3] =	stream.linear.scatter [tilespmem:s21], [sflag:$0x4], $0x80, $0x38;
	[tilespmem:$0x12E00] =	vst v63  }
0x464: {  	s30 =	sadd.s32 $0x40, s1;
	s31 =	simm.s32 $0x11F20  }
0x465: {  	[hbm4b:s30+s3] =	stream.linear.scatter [tilespmem:s31], [sflag:$0x4], $0x80, $0x38;
	[tilespmem:$0x12E00] =	vst v63  }
0x466: {  	s20 =	sadd.s32 $0x50, s1;
	s21 =	simm.s32 $0x11FA8  }
0x467: {  	[hbm4b:s20+s3] =	stream.linear.scatter [tilespmem:s21], [sflag:$0x4], $0x80, $0x38;
	[tilespmem:$0x12E00] =	vst v63  }
0x468: {  	s30 =	sadd.s32 $0x60, s1;
	s31 =	simm.s32 $0x12030  }
0x469: {  	[hbm4b:s30+s3] =	stream.linear.scatter [tilespmem:s31], [sflag:$0x4], $0x80, $0x38;
	[tilespmem:$0x12E00] =	vst v63  }
0x46a: {  	s0 =	sor.u32 $0xC000, s0;
	s1 =	sadd.s32 $0x70, s1;
	s20 =	simm.s32 $0x120B8  }
0x46b: {  	[hbm4b:s1+s3] =	stream.linear.scatter [tilespmem:s20], [sflag:$0x4], $0x80, $0x38;
	[tilespmem:$0x12E00] =	vst v63  }
0x46c: {  	s0 =	sadd.s32 s2, s0;
	s21 =	simm.s32 $0x12140  }
0x46d: {  	[hbm4b:s0+s3] =	stream.linear.scatter [tilespmem:s21], [sflag:$0x4], $0x80, $0x38;
	[tilespmem:$0x12E00] =	vst v63  }
0x46e: {  	s30 =	sadd.s32 $0x10, s0;
	s31 =	simm.s32 $0x121C8  }
0x46f: {  	[hbm4b:s30+s3] =	stream.linear.scatter [tilespmem:s31], [sflag:$0x4], $0x80, $0x38;
	[tilespmem:$0x12E00] =	vst v63  }
0x470: {  	s7 =	sadd.s32 $0x20, s0;
	s18 =	simm.s32 $0x12250  }
0x471: {  	[hbm4b:s7+s3] =	stream.linear.scatter [tilespmem:s18], [sflag:$0x4], $0x80, $0x38;
	[tilespmem:$0x12E00] =	vst v63  }
0x472: {  	s20 =	sadd.s32 $0x30, s0;
	s21 =	simm.s32 $0x122D8  }
0x473: {  	[hbm4b:s20+s3] =	stream.linear.scatter [tilespmem:s21], [sflag:$0x4], $0x80, $0x38;
	[tilespmem:$0x12E00] =	vst v63  }
0x474: {  	s30 =	sadd.s32 $0x40, s0;
	s31 =	simm.s32 $0x12360  }
0x475: {  	[hbm4b:s30+s3] =	stream.linear.scatter [tilespmem:s31], [sflag:$0x4], $0x80, $0x38;
	[tilespmem:$0x12E00] =	vst v63  }
0x476: {  	s18 =	sadd.s32 $0x50, s0;
	s20 =	simm.s32 $0x123E8  }
0x477: {  	[hbm4b:s18+s3] =	stream.linear.scatter [tilespmem:s20], [sflag:$0x4], $0x80, $0x38;
	[tilespmem:$0x12E00] =	vst v63  }
0x478: {  	s21 =	sadd.s32 $0x60, s0;
	s30 =	simm.s32 $0x12470  }
0x479: {  	[hbm4b:s21+s3] =	stream.linear.scatter [tilespmem:s30], [sflag:$0x4], $0x80, $0x38;
	[tilespmem:$0x12E00] =	vst v63  }
0x47a: {  	s1 =	sor.u32 $0xC000, s25;
	s0 =	sadd.s32 $0x70, s0;
	s31 =	simm.s32 $0x124F8  }
0x47b: {  	[hbm4b:s0+s3] =	stream.linear.scatter [tilespmem:s31], [sflag:$0x4], $0x80, $0x38;
	[tilespmem:$0x12E00] =	vst v63  }
0x47c: {  	s7 =	simm.s32 $0x12580;
	s0 =	sadd.s32 s2, s1  }
0x47d: {  	[hbm4b:s0+s3] =	stream.linear.scatter [tilespmem:s7], [sflag:$0x4], $0x80, $0x38;
	[tilespmem:$0x12E00] =	vst v63  }
0x47e: {  	s20 =	simm.s32 $0x12608;
	s18 =	sadd.s32 $0x10, s0  }
0x47f: {  	[hbm4b:s18+s3] =	stream.linear.scatter [tilespmem:s20], [sflag:$0x4], $0x80, $0x38;
	[tilespmem:$0x12E00] =	vst v63  }
0x480: {  	s25 =	simm.s32 $0x12690;
	s21 =	sadd.s32 $0x20, s0  }
0x481: {  	[hbm4b:s21+s3] =	stream.linear.scatter [tilespmem:s25], [sflag:$0x4], $0x80, $0x38;
	[tilespmem:$0x12E00] =	vst v63  }
0x482: {  	s31 =	simm.s32 $0x12718;
	s30 =	sadd.s32 $0x30, s0  }
0x483: {  	[hbm4b:s30+s3] =	stream.linear.scatter [tilespmem:s31], [sflag:$0x4], $0x80, $0x38;
	[tilespmem:$0x12E00] =	vst v63  }
0x484: {  	s24 =	sadd.s32 $0x1, s24;
	s7 =	sadd.s32 $0x40, s0;
	s18 =	simm.s32 $0x127A0  }
0x485: {  	[hbm4b:s7+s3] =	stream.linear.scatter [tilespmem:s18], [sflag:$0x4], $0x80, $0x38;
	[tilespmem:$0x12E00] =	vst v63  }
0x486: {  	p0 =	sne.s32 s24, $0x19;
	s20 =	sadd.s32 $0x50, s0;
	s21 =	simm.s32 $0x12828  }
0x487: {  	[hbm4b:s20+s3] =	stream.linear.scatter [tilespmem:s21], [sflag:$0x4], $0x80, $0x38;
	[tilespmem:$0x12E00] =	vst v63  }
.Ltmp4:
0x488: {  	_ = 	snop;
	(pc) =	sbr.rel @p0 .LBB2_2-.Ltmp4, $4  }
0x489: {  	s25 =	sadd.s32 $0x60, s0;
	s30 =	simm.s32 $0x128B0  }
0x48a: {  	[hbm4b:s25+s3] =	stream.linear.scatter [tilespmem:s30], [sflag:$0x4], $0x80, $0x38;
	[tilespmem:$0x12E00] =	vst v63  }
0x48b: {  	s0 =	sadd.s32 $0x70, s0;
	s31 =	simm.s32 $0x12938  }
0x48c: {  	[hbm4b:s0+s3] =	stream.linear.scatter [tilespmem:s31], [sflag:$0x4], $0x80, $0x38;
	[tilespmem:$0x12E00] =	vst v63  }
0x48d: {  	_ =	swait.ge [sflag:s26], $0x400  }
0x48e: {  	[sflag:s26] =	ssyncset.done $0x0  }
0x48f: {  	[sflag:s26] =	ssyncadd.s32 $0xFFFFFC00  }
0x490: {  	_ =	swait.ge [sflag:s26], $0x400  }
0x491: {  	[sflag:s26] =	ssyncset.done $0x0  }
0x492: {  	[sflag:s26] =	ssyncadd.s32 $0xFFFFFC00  }
0x493: {  	_ =	swait.ge [sflag:s26], $0x400  }
0x494: {  	[sflag:s26] =	ssyncset.done $0x0  }
0x495: {  	[sflag:s26] =	ssyncadd.s32 $0xFFFFFC00  }
0x496: {  	_ =	swait.ge [sflag:s26], $0x400  }
0x497: {  	[sflag:s26] =	ssyncset.done $0x0  }
0x498: {  	[sflag:s26] =	ssyncadd.s32 $0xFFFFFC00  }
0x499: {  	_ =	swait.ge [sflag:s26], $0x400  }
0x49a: {  	[sflag:s26] =	ssyncset.done $0x0  }
0x49b: {  	[sflag:s26] =	ssyncadd.s32 $0xFFFFFC00  }
0x49c: {  	_ =	swait.ge [sflag:s26], $0x400  }
0x49d: {  	[sflag:s26] =	ssyncset.done $0x0  }
0x49e: {  	[sflag:s26] =	ssyncadd.s32 $0xFFFFFC00  }
0x49f: {  	_ =	swait.ge [sflag:s26], $0x400  }
0x4a0: {  	[sflag:s26] =	ssyncset.done $0x0  }
0x4a1: {  	[sflag:s26] =	ssyncadd.s32 $0xFFFFFC00  }
0x4a2: {  	_ =	swait.ge [sflag:s26], $0x400  }
0x4a3: {  	[sflag:s26] =	ssyncset.done $0x0  }
0x4a4: {  	[sflag:s26] =	ssyncadd.s32 $0xFFFFFC00  }
0x4a5: {  	_ =	swait.ge [sflag:s26], $0x400  }
0x4a6: {  	[sflag:s26] =	ssyncset.done $0x0  }
0x4a7: {  	[sflag:s26] =	ssyncadd.s32 $0xFFFFFC00  }
0x4a8: {  	_ =	swait.ge [sflag:s26], $0x400  }
0x4a9: {  	[sflag:s26] =	ssyncset.done $0x0  }
0x4aa: {  	[sflag:s26] =	ssyncadd.s32 $0xFFFFFC00  }
0x4ab: {  	_ =	swait.ge [sflag:s26], $0x400  }
0x4ac: {  	[sflag:s26] =	ssyncset.done $0x0  }
0x4ad: {  	[sflag:s26] =	ssyncadd.s32 $0xFFFFFC00  }
0x4ae: {  	_ =	swait.ge [sflag:s26], $0x400  }
0x4af: {  	[sflag:s26] =	ssyncset.done $0x0  }
0x4b0: {  	[sflag:s26] =	ssyncadd.s32 $0xFFFFFC00  }
0x4b1: {  	_ =	swait.ge [sflag:s26], $0x400  }
0x4b2: {  	[sflag:s26] =	ssyncset.done $0x0  }
0x4b3: {  	[sflag:s26] =	ssyncadd.s32 $0xFFFFFC00  }
0x4b4: {  	_ =	swait.ge [sflag:s26], $0x400  }
0x4b5: {  	[sflag:s26] =	ssyncset.done $0x0  }
0x4b6: {  	[sflag:s26] =	ssyncadd.s32 $0xFFFFFC00  }
0x4b7: {  	_ =	swait.ge [sflag:s26], $0x400  }
0x4b8: {  	[sflag:s26] =	ssyncset.done $0x0  }
0x4b9: {  	[sflag:s26] =	ssyncadd.s32 $0xFFFFFC00  }
0x4ba: {  	_ =	swait.ge [sflag:s26], $0x400  }
0x4bb: {  	[sflag:s26] =	ssyncset.done $0x0  }
0x4bc: {  	[sflag:s26] =	ssyncadd.s32 $0xFFFFFC00  }
0x4bd: {  	_ =	swait.ge [sflag:s22], $0x400  }
0x4be: {  	[sflag:s22] =	ssyncset.done $0x0  }
0x4bf: {  	[sflag:s22] =	ssyncadd.s32 $0xFFFFFC00  }
0x4c0: {  	_ =	swait.ge [sflag:s22], $0x400  }
0x4c1: {  	[sflag:s22] =	ssyncset.done $0x0  }
0x4c2: {  	[sflag:s22] =	ssyncadd.s32 $0xFFFFFC00  }
0x4c3: {  	_ =	swait.ge [sflag:s22], $0x400  }
0x4c4: {  	[sflag:s22] =	ssyncset.done $0x0  }
0x4c5: {  	[sflag:s22] =	ssyncadd.s32 $0xFFFFFC00  }
0x4c6: {  	_ =	swait.ge [sflag:s22], $0x400  }
0x4c7: {  	[sflag:s22] =	ssyncset.done $0x0  }
0x4c8: {  	[sflag:s22] =	ssyncadd.s32 $0xFFFFFC00  }
0x4c9: {  	_ =	swait.ge [sflag:s22], $0x400  }
0x4ca: {  	[sflag:s22] =	ssyncset.done $0x0  }
0x4cb: {  	[sflag:s22] =	ssyncadd.s32 $0xFFFFFC00  }
0x4cc: {  	_ =	swait.ge [sflag:s22], $0x400  }
0x4cd: {  	[sflag:s22] =	ssyncset.done $0x0  }
0x4ce: {  	[sflag:s22] =	ssyncadd.s32 $0xFFFFFC00  }
0x4cf: {  	_ =	swait.ge [sflag:s22], $0x400  }
0x4d0: {  	[sflag:s22] =	ssyncset.done $0x0  }
0x4d1: {  	[sflag:s22] =	ssyncadd.s32 $0xFFFFFC00  }
0x4d2: {  	_ =	swait.ge [sflag:s22], $0x400  }
0x4d3: {  	[sflag:s22] =	ssyncset.done $0x0  }
0x4d4: {  	[sflag:s22] =	ssyncadd.s32 $0xFFFFFC00  }
0x4d5: {  	_ =	swait.ge [sflag:s22], $0x400  }
0x4d6: {  	[sflag:s22] =	ssyncset.done $0x0  }
0x4d7: {  	[sflag:s22] =	ssyncadd.s32 $0xFFFFFC00  }
0x4d8: {  	_ =	swait.ge [sflag:s22], $0x400  }
0x4d9: {  	[sflag:s22] =	ssyncset.done $0x0  }
0x4da: {  	[sflag:s22] =	ssyncadd.s32 $0xFFFFFC00  }
0x4db: {  	_ =	swait.ge [sflag:s22], $0x400  }
0x4dc: {  	[sflag:s22] =	ssyncset.done $0x0  }
0x4dd: {  	[sflag:s22] =	ssyncadd.s32 $0xFFFFFC00  }
0x4de: {  	_ =	swait.ge [sflag:s22], $0x400  }
0x4df: {  	[sflag:s22] =	ssyncset.done $0x0  }
0x4e0: {  	[sflag:s22] =	ssyncadd.s32 $0xFFFFFC00  }
0x4e1: {  	_ =	swait.ge [sflag:s22], $0x400  }
0x4e2: {  	[sflag:s22] =	ssyncset.done $0x0  }
0x4e3: {  	[sflag:s22] =	ssyncadd.s32 $0xFFFFFC00  }
0x4e4: {  	_ =	swait.ge [sflag:s22], $0x400  }
0x4e5: {  	[sflag:s22] =	ssyncset.done $0x0  }
0x4e6: {  	[sflag:s22] =	ssyncadd.s32 $0xFFFFFC00  }
0x4e7: {  	_ =	swait.ge [sflag:s22], $0x400  }
0x4e8: {  	[sflag:s22] =	ssyncset.done $0x0  }
0x4e9: {  	[sflag:s22] =	ssyncadd.s32 $0xFFFFFC00  }
0x4ea: {  	_ =	swait.ge [sflag:s22], $0x400  }
0x4eb: {  	s1 =	rddreg [dreg:$0x6]  }
0x4ec: {  	s0 =	rddreg [dreg:$0x5];
	s1 =	sadd.s32 $0x1, s1  }
0x4ed: {  	p0 =	sne.s32 s1, s0  }
.Ltmp5:
0x4ee: {  	_ = 	snop;
	(pc) =	sbr.rel @p0 .LBB2_1-.Ltmp5, $3  }
0x4ef: {  	_ =	sdelay $0x1  }
0x4f0: {  	[sflag:s22] =	ssyncset.done $0x0  }
0x4f1: {  	[sflag:s22] =	ssyncadd.s32 $0xFFFFFC00  }
0x4f2: {  	_ =	sfence.sel $0x180000  }
0x4f3: {  	[bflag:$0x0] =	sbarrier.arrive $0xFFFF  }
0x4f4: {  	_ =	strace $0x90000047  }
0x4f5: {  	s0 =	stileid.u32;
	[bflag:$0x2] =	sbarrier.arrive $0xFFFF  }
0x4f6: {  	p0 =	sne.s32 s0, $0x0;
	s0 =	rddreg [dreg:$0x2]  }
0x4f7: {  	s0 =	sadd.s32 @!p0 $0x100000, s0  }
0x4f8: {  	[sflag:s0] =	ssyncadd.tile.s32 @!p0 $0x1;
	_ =	shalt  }
.Lfunc_end2:
_tile_overlayer_lowered:
.L_overlay_start_2:
0x4f9: {  	(tag) =	ssettag $0x2  }
0x4fa: {  	s0 =	rddreg [dreg:$0x0];
	s2 =	stileid.u32  }
0x4fb: {  	s1 =	rddreg [dreg:$0x1];
	p0 =	sne.s32 s2, $0x0  }
0x4fc: {  	s3 =	rddreg [dreg:$0x2];
	[bflag:$0x3] =	sbarrier.arrive $0xFFFF;
	s2 =	simm.s32 @!p0 $0x1C07  }
0x4fd: {  	[timem:s3], [sflag:s2] =	dma.local @!p0 [hbm:s0], s1  }
0x4fe: {  	s0 =	simm.s32 @!p0 $0x7  }
0x4ff: {  	_ =	swait.ge @!p0 [sflag:s0], s1  }
0x500: {  	s1 =	ssub.s32 @!p0 $0x0, s1;
	[sflag:s0] =	ssyncset.done @!p0 $0x0  }
0x501: {  	[sflag:s0] =	ssyncadd.s32 @!p0 s1  }
0x502: {  	[bflag:$0x3] =	sbarrier.arrive $0xFFFF  }
0x503: {  	_ =	shalt  }

</sc_bundles>
